<compile_context>
chip_gen: v7x
topology: tpu7x:2x2x1
jax: 0.10.2.dev20260603
libtpu: 0.0.44.dev20260713+nightly
codegen_flags: <defaults>
</compile_context>

<pallas_src>
import jax
import jax.numpy as jnp
from jax import lax
from jax.experimental import pallas as pl
from jax.experimental.pallas import tpu as pltpu
from jax.experimental.pallas import tpu_sc as plsc

N_NODES_C = 10000
E_INC = 320000
D_C = 128

NC = 2
NS = 16
NW = NC * NS
LANES = 16
DG = D_C // LANES

CHUNK = E_INC // NW
BATCH = 400
SUB = 80
NSUB = BATCH // SUB
NBATCH = CHUNK // BATCH
NEG_INF = float("-inf")


RING = 8


def _sc_body(table_hbm, he_hbm, seg_hbm, out_hbm, srows_hbm, ssegs_hbm,
             seg_v, he_v, rows_v, rowring, rowbuf, segbuf, accbuf, state,
             gsem, fsem, isem):
    wid = lax.axis_index("c") * NS + lax.axis_index("s")
    start = wid * CHUNK

    cp_seg = pltpu.make_async_copy(seg_hbm.at[pl.ds(start, CHUNK)],
                                   seg_v.at[pl.ds(0, CHUNK)], isem)
    cp_he = pltpu.make_async_copy(he_hbm.at[pl.ds(start, CHUNK)], he_v, isem)
    cp_seg.start()
    cp_he.start()
    cp_seg.wait()
    cp_he.wait()

    first_seg = seg_v[pl.ds(0, LANES)][0]
    neg = jnp.full((LANES,), NEG_INF, dtype=jnp.float32)

    def emit_side(cur, accs, side_slot):
        for c in range(DG):
            rowbuf[pl.ds(c * LANES, LANES)] = accs[c]
        segbuf[...] = jnp.full((LANES,), cur, dtype=jnp.int32)
        pltpu.sync_copy(rowbuf, srows_hbm.at[2 * wid + side_slot])
        pltpu.sync_copy(segbuf, ssegs_hbm.at[2 * wid + side_slot])

    def flush_direct(cur, nflush, accs):
        slot = lax.rem(nflush, RING)

        @pl.when(nflush >= RING)
        def _():
            pltpu.make_async_copy(rowring.at[pl.ds(slot * D_C, D_C)],
                                  out_hbm.at[cur], fsem.at[slot]).wait()

        for c in range(DG):
            rowring[pl.ds(slot * D_C + c * LANES, LANES)] = accs[c]
        pltpu.make_async_copy(rowring.at[pl.ds(slot * D_C, D_C)],
                              out_hbm.at[cur], fsem.at[slot]).start()

    def fire(k, buf):
        for t in range(NSUB):
            pltpu.make_async_copy(
                table_hbm.at[he_v.at[pl.ds(k * BATCH + t * SUB, SUB)]],
                rows_v.at[pl.ds(buf * BATCH + t * SUB, SUB)],
                gsem.at[buf]).start()

    def drain(buf):
        for t in range(NSUB):
            pltpu.make_async_copy(
                table_hbm.at[he_v.at[pl.ds(t * SUB, SUB)]],
                rows_v.at[pl.ds(buf * BATCH + t * SUB, SUB)],
                gsem.at[buf]).wait()

    fire(0, 0)

    def batch_body(k, carry):
        buf = lax.rem(k, 2)
        drain(buf)

        @pl.when(k + 1 < NBATCH)
        def _():
            fire(k + 1, 1 - buf)

        def entry(jj, i0, ecarry):
            j = i0 + jj
            cur, nflush = ecarry[0], ecarry[1]
            accs = list(ecarry[2:])
            seg_j = seg_v[pl.ds(j, LANES)][0]
            new_seg = seg_j != cur
            direct = jnp.logical_and(new_seg, cur != first_seg)

            @pl.when(jnp.logical_and(new_seg, cur == first_seg))
            def _():
                emit_side(cur, accs, 0)

            @pl.when(direct)
            def _():
                flush_direct(cur, nflush, accs)

            nflush = nflush + direct.astype(jnp.int32)
            new_accs = []
            for c in range(DG):
                row_c = rows_v[buf * BATCH + j - k * BATCH,
                               pl.ds(c * LANES, LANES)]
                base = jnp.where(new_seg, neg, accs[c])
                new_accs.append(jnp.maximum(base, row_c))
            cur = jnp.where(new_seg, seg_j, cur)
            return (cur, nflush, *new_accs)

        def group(g, lo):
            i = k * BATCH + g * LANES
            sv = seg_v[pl.ds(i, LANES)]
            hi = sv[LANES - 1]
            uniform = jnp.logical_and(lo == hi, i > 0)
            svt = [sv[t] for t in range(LANES)]
            all_two = jnp.logical_or(svt[0] == lo, svt[0] == hi)
            for t in range(1, LANES):
                all_two = jnp.logical_and(
                    all_two, jnp.logical_or(svt[t] == lo, svt[t] == hi))
            one_b = jnp.logical_and(
                jnp.logical_and(jnp.logical_not(uniform), all_two), i > 0)

            @pl.when(uniform)
            def _():
                row0 = buf * BATCH + g * LANES
                for c in range(DG):
                    r = [rows_v[row0 + t, pl.ds(c * LANES, LANES)]
                         for t in range(LANES)]
                    while len(r) > 1:
                        r = [jnp.maximum(r[2 * q], r[2 * q + 1])
                             for q in range(len(r) // 2)]
                    accbuf[pl.ds(c * LANES, LANES)] = jnp.maximum(
                        accbuf[pl.ds(c * LANES, LANES)], r[0])

            @pl.when(one_b)
            def _():
                p = svt[0].astype(jnp.int32) * 0
                for t in range(LANES):
                    p = p + (svt[t] == lo).astype(jnp.int32)
                cur0, nflush0 = state[0], state[1]
                row0 = buf * BATCH + g * LANES
                tlt = [t < p for t in range(LANES)]
                acc_a = []
                acc_b = []
                for c in range(DG):
                    r = [rows_v[row0 + t, pl.ds(c * LANES, LANES)]
                         for t in range(LANES)]
                    ra = [jnp.where(tlt[t], r[t], neg) for t in range(LANES)]
                    rb = [jnp.where(tlt[t], neg, r[t]) for t in range(LANES)]
                    while len(ra) > 1:
                        ra = [jnp.maximum(ra[2 * q], ra[2 * q + 1])
                              for q in range(len(ra) // 2)]
                        rb = [jnp.maximum(rb[2 * q], rb[2 * q + 1])
                              for q in range(len(rb) // 2)]
                    acc_a.append(jnp.maximum(
                        accbuf[pl.ds(c * LANES, LANES)], ra[0]))
                    acc_b.append(rb[0])

                @pl.when(cur0 == first_seg)
                def _():
                    emit_side(cur0, acc_a, 0)

                direct = cur0 != first_seg

                @pl.when(direct)
                def _():
                    flush_direct(cur0, nflush0, acc_a)

                state[0] = hi
                state[1] = nflush0 + direct.astype(jnp.int32)
                for c in range(DG):
                    accbuf[pl.ds(c * LANES, LANES)] = acc_b[c]

            serial_pred = jnp.logical_not(jnp.logical_or(uniform, one_b))

            @pl.when(serial_pred)
            def _():
                cur0, nflush0 = state[0], state[1]
                accs0 = [accbuf[pl.ds(c * LANES, LANES)] for c in range(DG)]
                cur1, nflush1, *accs1 = lax.fori_loop(
                    0, LANES, lambda jj, ec: entry(jj, i, ec),
                    (cur0, nflush0, *accs0))
                state[0] = cur1
                state[1] = nflush1
                for c in range(DG):
                    accbuf[pl.ds(c * LANES, LANES)] = accs1[c]

            return hi

        return lax.fori_loop(0, BATCH // LANES, group, carry)

    state[0] = first_seg
    state[1] = jnp.int32(0)
    for c in range(DG):
        accbuf[pl.ds(c * LANES, LANES)] = neg
    lax.fori_loop(0, NBATCH, batch_body, first_seg)
    cur = state[0]
    nflush = state[1]
    accs = [accbuf[pl.ds(c * LANES, LANES)] for c in range(DG)]

    @pl.when(cur == first_seg)
    def _():
        emit_side(cur, accs, 0)

    emit_side(cur, accs, 1)

    for s in range(RING):
        @pl.when(s < nflush)
        def _():
            pltpu.make_async_copy(rowring.at[pl.ds(s * D_C, D_C)],
                                  out_hbm.at[0], fsem.at[s]).wait()


def _tc_fixup_body(ssegs_smem, draft_any, srows_vmem, ssegs_vmem, out_any,
                   merged_vmem, sem):
    del draft_any
    segs = ssegs_vmem[:, 0:1]

    def merge(j, acc):
        seg_col = ssegs_vmem[pl.ds(j, 1), 0:1]
        mask = segs == seg_col
        row_j = srows_vmem[pl.ds(j, 1), :]
        return jnp.maximum(acc, jnp.where(mask, row_j, NEG_INF))

    merged_vmem[...] = lax.fori_loop(
        0, 2 * NW, merge,
        jnp.full((2 * NW, D_C), NEG_INF, dtype=jnp.float32))

    def scatter(i, _):
        seg_i = ssegs_smem[i, 0]
        pltpu.make_async_copy(merged_vmem.at[i], out_any.at[seg_i],
                              sem.at[i]).start()
        return 0

    lax.fori_loop(0, 2 * NW, scatter, 0)

    def drain(i, _):
        seg_i = ssegs_smem[i, 0]
        pltpu.make_async_copy(merged_vmem.at[i], out_any.at[seg_i],
                              sem.at[i]).wait()
        return 0

    lax.fori_loop(0, 2 * NW, drain, 0)


@jax.jit
def _run(table, hyperedge_ids, segment_ids):
    mesh = plsc.VectorSubcoreMesh(core_axis_name="c", subcore_axis_name="s",
                                  num_cores=NC, num_subcores=NS)
    sc = pl.kernel(
        _sc_body,
        out_type=(
            jax.ShapeDtypeStruct((N_NODES_C, D_C), jnp.float32),
            jax.ShapeDtypeStruct((2 * NW, D_C), jnp.float32),
            jax.ShapeDtypeStruct((2 * NW, LANES), jnp.int32),
        ),
        mesh=mesh,
        scratch_types=[
            pltpu.VMEM((CHUNK + LANES,), jnp.int32),
            pltpu.VMEM((CHUNK,), jnp.int32),
            pltpu.VMEM((2 * BATCH, D_C), jnp.float32),
            pltpu.VMEM((RING * D_C,), jnp.float32),
            pltpu.VMEM((D_C,), jnp.float32),
            pltpu.VMEM((LANES,), jnp.int32),
            pltpu.VMEM((D_C,), jnp.float32),
            pltpu.SMEM((2,), jnp.int32),
            pltpu.SemaphoreType.DMA((2,)),
            pltpu.SemaphoreType.DMA((RING,)),
            pltpu.SemaphoreType.DMA,
        ],
    )
    draft, srows, ssegs = sc(table, hyperedge_ids, segment_ids)

    fix = pl.pallas_call(
        _tc_fixup_body,
        out_shape=jax.ShapeDtypeStruct((N_NODES_C, D_C), jnp.float32),
        in_specs=[
            pl.BlockSpec(memory_space=pltpu.SMEM),
            pl.BlockSpec(memory_space=pl.ANY),
            pl.BlockSpec(memory_space=pltpu.VMEM),
            pl.BlockSpec(memory_space=pltpu.VMEM),
        ],
        out_specs=pl.BlockSpec(memory_space=pl.ANY),
        scratch_shapes=[
            pltpu.VMEM((2 * NW, D_C), jnp.float32),
            pltpu.SemaphoreType.DMA((2 * NW,)),
        ],
        input_output_aliases={1: 0},
    )
    return fix(ssegs, draft, srows, ssegs)


def kernel(table, hyperedge_ids, segment_ids):
    return _run(table, hyperedge_ids, segment_ids)

# --- scband reference (transcript-rebuilt; emitter-appended) ---
"""Pipeline reference for scband-max-aggregator-42442866819640 (READ-ONLY COPY).

The authoritative reference and input builder live on the scoring server;
editing this copy changes nothing except your own understanding.
"""

import jax, jax.numpy as jnp
import numpy as np

N_NODES = 10000
N_INCIDENCE = 320000
NUM_HYPEREDGES = 10000
D = 128


def setup_inputs(seed: int = 0) -> dict:
    key = jax.random.key(seed)
    k1, k2, k3 = jax.random.split(key, 3)
    # segment_ids: sorted node id per (node, hyperedge) incidence pair.
    # Guarantee every node appears at least once so no segment is empty
    # (in the original module every node has a non-empty hyperedge list).
    seg = jnp.concatenate([
        jnp.arange(N_NODES, dtype=jnp.int32),
        jax.random.randint(k1, (N_INCIDENCE - N_NODES,), 0, N_NODES, dtype=jnp.int32),
    ])
    segment_ids = jnp.sort(seg)
    hyperedge_ids = jax.random.randint(k2, (N_INCIDENCE,), 0, NUM_HYPEREDGES, dtype=jnp.int32)
    # learned parameter: the hyperedge embedding table (nn.Embedding weight)
    table = jax.random.normal(k3, (NUM_HYPEREDGES, D), dtype=jnp.float32)
    return {"table": table, "hyperedge_ids": hyperedge_ids, "segment_ids": segment_ids}


def reference(table, hyperedge_ids, segment_ids):
    # MaxAggregator.compute: for each node, gather the embeddings of its
    # incident hyperedges and take an elementwise max over them.
    # Flattened incidence-list formulation: gather then segment_max.
    feat = jnp.take(table, hyperedge_ids, axis=0)                  # [E_inc, D] gather
    out = jax.ops.segment_max(feat, segment_ids, num_segments=N_NODES)  # [N, D]
    # guard against any (impossible-by-construction) empty segment -inf
    out = jnp.where(jnp.isfinite(out), out, 0.0)
    return out

if __name__ == "__main__":
    import jax
    _d = setup_inputs()
    print(jax.jit(kernel)(*tuple(_d.values())))

</pallas_src>

<mosaic_0001>
#map = affine_map<(d0, d1) -> (0, 0)>
#map1 = affine_map<(d0, d1) -> (0)>
module attributes {stable_mosaic.version = 14 : i64} {
  func.func @_sc_body(%arg0: i32, %arg1: i32, %arg2: memref<10000x128xf32, #tpu.memory_space<hbm>>, %arg3: memref<320000xi32, #tpu.memory_space<hbm>>, %arg4: memref<320000xi32, #tpu.memory_space<hbm>>, %arg5: memref<10000x128xf32, #tpu.memory_space<hbm>>, %arg6: memref<64x128xf32, #tpu.memory_space<hbm>>, %arg7: memref<64x16xi32, #tpu.memory_space<hbm>>, %arg8: memref<10016xi32, #tpu.memory_space<vmem>>, %arg9: memref<10000xi32, #tpu.memory_space<vmem>>, %arg10: memref<800x128xf32, #tpu.memory_space<vmem>>, %arg11: memref<1024xf32, #tpu.memory_space<vmem>>, %arg12: memref<128xf32, #tpu.memory_space<vmem>>, %arg13: memref<16xi32, #tpu.memory_space<vmem>>, %arg14: memref<128xf32, #tpu.memory_space<vmem>>, %arg15: memref<2xi32, #tpu.memory_space<smem>>, %arg16: memref<2x!tpu.dma_semaphore, #tpu.memory_space<semaphore_mem>>, %arg17: memref<8x!tpu.dma_semaphore, #tpu.memory_space<semaphore_mem>>, %arg18: memref<!tpu.dma_semaphore, #tpu.memory_space<semaphore_mem>>) attributes {dimension_semantics = [#tpu.dimension_semantics<core_parallel>, #tpu.dimension_semantics<subcore_parallel>], iteration_bounds = array<i64: 2, 16>, scalar_prefetch = 0 : i64, scratch_operands = 11 : i64, tpu.core_type = #tpu.core_type<sc_vector_subcore>, window_params = [{transform_indices = #map}, {transform_indices = #map1}, {transform_indices = #map1}, {transform_indices = #map}, {transform_indices = #map}, {transform_indices = #map}]} {
    %mul3A = arith.constant 16 : i32
    %mul3A_0 = arith.muli %arg0, %mul3A : i32
    %add3A = arith.addi %mul3A_0, %arg1 : i32
    %mul3A_1 = arith.constant 10000 : i32
    %mul3A_2 = arith.muli %add3A, %mul3A_1 : i32
    %dma_start3A = arith.constant 0 : i32
    %dma_start3A_3 = tpu.memref_slice %arg8[%dma_start3A] : memref<10016xi32, #tpu.memory_space<vmem>> -> memref<10000xi32, #tpu.memory_space<vmem>>
    %dma_start3A_4 = tpu.memref_slice %arg4[%mul3A_2] : memref<320000xi32, #tpu.memory_space<hbm>> -> memref<10000xi32, #tpu.memory_space<hbm>>
    %dma_start3A_5 = arith.constant 0 : i32
    %dma_start3A_6 = tpu.memref_slice %arg8[%dma_start3A_5] : memref<10016xi32, #tpu.memory_space<vmem>> -> memref<10000xi32, #tpu.memory_space<vmem>>
    %dma_start3A_7 = tpu.memref_slice %arg4[%mul3A_2] : memref<320000xi32, #tpu.memory_space<hbm>> -> memref<10000xi32, #tpu.memory_space<hbm>>
    tpu.enqueue_dma source(%dma_start3A_7 : memref<10000xi32, #tpu.memory_space<hbm>>) target(%dma_start3A_6 : memref<10000xi32, #tpu.memory_space<vmem>>) target_semaphore(%arg18 : memref<!tpu.dma_semaphore, #tpu.memory_space<semaphore_mem>>)
    %dma_start3A_8 = tpu.memref_slice %arg3[%mul3A_2] : memref<320000xi32, #tpu.memory_space<hbm>> -> memref<10000xi32, #tpu.memory_space<hbm>>
    %dma_start3A_9 = tpu.memref_slice %arg3[%mul3A_2] : memref<320000xi32, #tpu.memory_space<hbm>> -> memref<10000xi32, #tpu.memory_space<hbm>>
    tpu.enqueue_dma source(%dma_start3A_9 : memref<10000xi32, #tpu.memory_space<hbm>>) target(%arg9 : memref<10000xi32, #tpu.memory_space<vmem>>) target_semaphore(%arg18 : memref<!tpu.dma_semaphore, #tpu.memory_space<semaphore_mem>>)
    %dma_wait3A = arith.constant 0 : i32
    %dma_wait3A_10 = tpu.memref_slice %arg8[%dma_wait3A] : memref<10016xi32, #tpu.memory_space<vmem>> -> memref<10000xi32, #tpu.memory_space<vmem>>
    %dma_wait3A_11 = tpu.memref_slice %arg4[%mul3A_2] : memref<320000xi32, #tpu.memory_space<hbm>> -> memref<10000xi32, #tpu.memory_space<hbm>>
    %dma_wait3A_12 = arith.constant 0 : i32
    %dma_wait3A_13 = tpu.memref_slice %arg8[%dma_wait3A_12] : memref<10016xi32, #tpu.memory_space<vmem>> -> memref<10000xi32, #tpu.memory_space<vmem>>
    %dma_wait3A_14 = tpu.memref_slice %arg4[%mul3A_2] : memref<320000xi32, #tpu.memory_space<hbm>> -> memref<10000xi32, #tpu.memory_space<hbm>>
    tpu.wait_dma2 semaphore(%arg18 : memref<!tpu.dma_semaphore, #tpu.memory_space<semaphore_mem>>) src(%dma_wait3A_14 : memref<10000xi32, #tpu.memory_space<hbm>>) dst(%dma_wait3A_13 : memref<10000xi32, #tpu.memory_space<vmem>>)
    %dma_wait3A_15 = tpu.memref_slice %arg3[%mul3A_2] : memref<320000xi32, #tpu.memory_space<hbm>> -> memref<10000xi32, #tpu.memory_space<hbm>>
    %dma_wait3A_16 = tpu.memref_slice %arg3[%mul3A_2] : memref<320000xi32, #tpu.memory_space<hbm>> -> memref<10000xi32, #tpu.memory_space<hbm>>
    tpu.wait_dma2 semaphore(%arg18 : memref<!tpu.dma_semaphore, #tpu.memory_space<semaphore_mem>>) src(%dma_wait3A_16 : memref<10000xi32, #tpu.memory_space<hbm>>) dst(%arg9 : memref<10000xi32, #tpu.memory_space<vmem>>)
    %get3A = arith.constant 0 : index
    %get3A_17 = tpu.vector_load %arg8[%get3A] {strides = array<i32>} : memref<10016xi32, #tpu.memory_space<vmem>>, vector<16xi32>,
    %get3A_18 = vector.shape_cast %get3A_17 : vector<16xi32> to vector<16xi32>
    %slice3A = vector.extract_strided_slice %get3A_18 {offsets = [0], sizes = [1], strides = [1]} : vector<16xi32> to vector<1xi32>
    %squeeze3A = vector.extract %slice3A[0] : i32 from vector<1xi32>
    %broadcast_in_dim3A = arith.constant 0xFF800000 : f32
    %broadcast_in_dim3A_19 = vector.broadcast %broadcast_in_dim3A : f32 to vector<16xf32>
    %dma_start3A_20 = arith.constant 0 : i32
    %dma_start3A_21 = arith.constant 0 : i32
    %dma_start3A_22 = arith.constant 0 : i32
    %dma_start3A_23 = tpu.memref_slice %arg10[%dma_start3A_21, %dma_start3A_22] : memref<800x128xf32, #tpu.memory_space<vmem>> -> memref<80x128xf32, #tpu.memory_space<vmem>>
    %dma_start3A_24 = arith.constant 0 : i32
    %dma_start3A_25 = tpu.memref_slice %arg9[%dma_start3A_24] : memref<10000xi32, #tpu.memory_space<vmem>> -> memref<80xi32, #tpu.memory_space<vmem>>
    %dma_start3A_26 = arith.constant 0 : i32
    %dma_start3A_27 = arith.constant 0 : i32
    %dma_start3A_28 = tpu.memref_slice %arg2[%dma_start3A_26, %dma_start3A_27] : memref<10000x128xf32, #tpu.memory_space<hbm>> -> memref<10000x128xf32, #tpu.memory_space<hbm>>
    %dma_start3A_29 = tpu.memref_slice %arg16[%dma_start3A_20] : memref<2x!tpu.dma_semaphore, #tpu.memory_space<semaphore_mem>> -> memref<1x!tpu.dma_semaphore, #tpu.memory_space<semaphore_mem>>
    %dma_start3A_30 = tpu.memref_squeeze %dma_start3A_29 : memref<1x!tpu.dma_semaphore, #tpu.memory_space<semaphore_mem>> -> memref<!tpu.dma_semaphore, #tpu.memory_space<semaphore_mem>>
    tpu.enqueue_indirect_dma source(%dma_start3A_28 : memref<10000x128xf32, #tpu.memory_space<hbm>>) target(%dma_start3A_23 : memref<80x128xf32, #tpu.memory_space<vmem>>) offsets(%dma_start3A_25 : memref<80xi32, #tpu.memory_space<vmem>>) semaphore(%dma_start3A_30 : memref<!tpu.dma_semaphore, #tpu.memory_space<semaphore_mem>>)
    %dma_start3A_31 = arith.constant 0 : i32
    %dma_start3A_32 = arith.constant 80 : i32
    %dma_start3A_33 = arith.constant 0 : i32
    %dma_start3A_34 = tpu.memref_slice %arg10[%dma_start3A_32, %dma_start3A_33] : memref<800x128xf32, #tpu.memory_space<vmem>> -> memref<80x128xf32, #tpu.memory_space<vmem>>
    %dma_start3A_35 = arith.constant 80 : i32
    %dma_start3A_36 = tpu.memref_slice %arg9[%dma_start3A_35] : memref<10000xi32, #tpu.memory_space<vmem>> -> memref<80xi32, #tpu.memory_space<vmem>>
    %dma_start3A_37 = arith.constant 0 : i32
    %dma_start3A_38 = arith.constant 0 : i32
    %dma_start3A_39 = tpu.memref_slice %arg2[%dma_start3A_37, %dma_start3A_38] : memref<10000x128xf32, #tpu.memory_space<hbm>> -> memref<10000x128xf32, #tpu.memory_space<hbm>>
    %dma_start3A_40 = tpu.memref_slice %arg16[%dma_start3A_31] : memref<2x!tpu.dma_semaphore, #tpu.memory_space<semaphore_mem>> -> memref<1x!tpu.dma_semaphore, #tpu.memory_space<semaphore_mem>>
    %dma_start3A_41 = tpu.memref_squeeze %dma_start3A_40 : memref<1x!tpu.dma_semaphore, #tpu.memory_space<semaphore_mem>> -> memref<!tpu.dma_semaphore, #tpu.memory_space<semaphore_mem>>
    tpu.enqueue_indirect_dma source(%dma_start3A_39 : memref<10000x128xf32, #tpu.memory_space<hbm>>) target(%dma_start3A_34 : memref<80x128xf32, #tpu.memory_space<vmem>>) offsets(%dma_start3A_36 : memref<80xi32, #tpu.memory_space<vmem>>) semaphore(%dma_start3A_41 : memref<!tpu.dma_semaphore, #tpu.memory_space<semaphore_mem>>)
    %dma_start3A_42 = arith.constant 0 : i32
    %dma_start3A_43 = arith.constant 160 : i32
    %dma_start3A_44 = arith.constant 0 : i32
    %dma_start3A_45 = tpu.memref_slice %arg10[%dma_start3A_43, %dma_start3A_44] : memref<800x128xf32, #tpu.memory_space<vmem>> -> memref<80x128xf32, #tpu.memory_space<vmem>>
    %dma_start3A_46 = arith.constant 160 : i32
    %dma_start3A_47 = tpu.memref_slice %arg9[%dma_start3A_46] : memref<10000xi32, #tpu.memory_space<vmem>> -> memref<80xi32, #tpu.memory_space<vmem>>
    %dma_start3A_48 = arith.constant 0 : i32
    %dma_start3A_49 = arith.constant 0 : i32
    %dma_start3A_50 = tpu.memref_slice %arg2[%dma_start3A_48, %dma_start3A_49] : memref<10000x128xf32, #tpu.memory_space<hbm>> -> memref<10000x128xf32, #tpu.memory_space<hbm>>
    %dma_start3A_51 = tpu.memref_slice %arg16[%dma_start3A_42] : memref<2x!tpu.dma_semaphore, #tpu.memory_space<semaphore_mem>> -> memref<1x!tpu.dma_semaphore, #tpu.memory_space<semaphore_mem>>
    %dma_start3A_52 = tpu.memref_squeeze %dma_start3A_51 : memref<1x!tpu.dma_semaphore, #tpu.memory_space<semaphore_mem>> -> memref<!tpu.dma_semaphore, #tpu.memory_space<semaphore_mem>>
    tpu.enqueue_indirect_dma source(%dma_start3A_50 : memref<10000x128xf32, #tpu.memory_space<hbm>>) target(%dma_start3A_45 : memref<80x128xf32, #tpu.memory_space<vmem>>) offsets(%dma_start3A_47 : memref<80xi32, #tpu.memory_space<vmem>>) semaphore(%dma_start3A_52 : memref<!tpu.dma_semaphore, #tpu.memory_space<semaphore_mem>>)
    %dma_start3A_53 = arith.constant 0 : i32
    %dma_start3A_54 = arith.constant 240 : i32
    %dma_start3A_55 = arith.constant 0 : i32
    %dma_start3A_56 = tpu.memref_slice %arg10[%dma_start3A_54, %dma_start3A_55] : memref<800x128xf32, #tpu.memory_space<vmem>> -> memref<80x128xf32, #tpu.memory_space<vmem>>
    %dma_start3A_57 = arith.constant 240 : i32
    %dma_start3A_58 = tpu.memref_slice %arg9[%dma_start3A_57] : memref<10000xi32, #tpu.memory_space<vmem>> -> memref<80xi32, #tpu.memory_space<vmem>>
    %dma_start3A_59 = arith.constant 0 : i32
    %dma_start3A_60 = arith.constant 0 : i32
    %dma_start3A_61 = tpu.memref_slice %arg2[%dma_start3A_59, %dma_start3A_60] : memref<10000x128xf32, #tpu.memory_space<hbm>> -> memref<10000x128xf32, #tpu.memory_space<hbm>>
    %dma_start3A_62 = tpu.memref_slice %arg16[%dma_start3A_53] : memref<2x!tpu.dma_semaphore, #tpu.memory_space<semaphore_mem>> -> memref<1x!tpu.dma_semaphore, #tpu.memory_space<semaphore_mem>>
    %dma_start3A_63 = tpu.memref_squeeze %dma_start3A_62 : memref<1x!tpu.dma_semaphore, #tpu.memory_space<semaphore_mem>> -> memref<!tpu.dma_semaphore, #tpu.memory_space<semaphore_mem>>
    tpu.enqueue_indirect_dma source(%dma_start3A_61 : memref<10000x128xf32, #tpu.memory_space<hbm>>) target(%dma_start3A_56 : memref<80x128xf32, #tpu.memory_space<vmem>>) offsets(%dma_start3A_58 : memref<80xi32, #tpu.memory_space<vmem>>) semaphore(%dma_start3A_63 : memref<!tpu.dma_semaphore, #tpu.memory_space<semaphore_mem>>)
    %dma_start3A_64 = arith.constant 0 : i32
    %dma_start3A_65 = arith.constant 320 : i32
    %dma_start3A_66 = arith.constant 0 : i32
    %dma_start3A_67 = tpu.memref_slice %arg10[%dma_start3A_65, %dma_start3A_66] : memref<800x128xf32, #tpu.memory_space<vmem>> -> memref<80x128xf32, #tpu.memory_space<vmem>>
    %dma_start3A_68 = arith.constant 320 : i32
    %dma_start3A_69 = tpu.memref_slice %arg9[%dma_start3A_68] : memref<10000xi32, #tpu.memory_space<vmem>> -> memref<80xi32, #tpu.memory_space<vmem>>
    %dma_start3A_70 = arith.constant 0 : i32
    %dma_start3A_71 = arith.constant 0 : i32
    %dma_start3A_72 = tpu.memref_slice %arg2[%dma_start3A_70, %dma_start3A_71] : memref<10000x128xf32, #tpu.memory_space<hbm>> -> memref<10000x128xf32, #tpu.memory_space<hbm>>
    %dma_start3A_73 = tpu.memref_slice %arg16[%dma_start3A_64] : memref<2x!tpu.dma_semaphore, #tpu.memory_space<semaphore_mem>> -> memref<1x!tpu.dma_semaphore, #tpu.memory_space<semaphore_mem>>
    %dma_start3A_74 = tpu.memref_squeeze %dma_start3A_73 : memref<1x!tpu.dma_semaphore, #tpu.memory_space<semaphore_mem>> -> memref<!tpu.dma_semaphore, #tpu.memory_space<semaphore_mem>>
    tpu.enqueue_indirect_dma source(%dma_start3A_72 : memref<10000x128xf32, #tpu.memory_space<hbm>>) target(%dma_start3A_67 : memref<80x128xf32, #tpu.memory_space<vmem>>) offsets(%dma_start3A_69 : memref<80xi32, #tpu.memory_space<vmem>>) semaphore(%dma_start3A_74 : memref<!tpu.dma_semaphore, #tpu.memory_space<semaphore_mem>>)
    %swap3A = arith.constant 0 : i32
    %swap3A_75 = arith.index_cast %swap3A : i32 to index
    %swap3A_76 = memref.load %arg15[%swap3A_75] : memref<2xi32, #tpu.memory_space<smem>>
    memref.store %squeeze3A, %arg15[%swap3A_75] : memref<2xi32, #tpu.memory_space<smem>>
    %swap3A_77 = arith.constant 0 : i32
    %swap3A_78 = arith.constant 1 : i32
    %swap3A_79 = arith.index_cast %swap3A_78 : i32 to index
    %swap3A_80 = memref.load %arg15[%swap3A_79] : memref<2xi32, #tpu.memory_space<smem>>
    memref.store %swap3A_77, %arg15[%swap3A_79] : memref<2xi32, #tpu.memory_space<smem>>
    %swap3A_81 = arith.constant 0 : index
    %swap3A_82 = tpu.vector_load %arg14[%swap3A_81] {strides = array<i32>} : memref<128xf32, #tpu.memory_space<vmem>>, vector<16xf32>,
    %swap3A_83 = vector.shape_cast %swap3A_82 : vector<16xf32> to vector<16xf32>
    %swap3A_84 = vector.shape_cast %broadcast_in_dim3A_19 : vector<16xf32> to vector<16xf32>
    tpu.vector_store %arg14[%swap3A_81], %swap3A_84 {strides = array<i32>} : memref<128xf32, #tpu.memory_space<vmem>>, vector<16xf32>,
    %swap3A_85 = arith.constant 16 : index
    %swap3A_86 = tpu.vector_load %arg14[%swap3A_85] {strides = array<i32>} : memref<128xf32, #tpu.memory_space<vmem>>, vector<16xf32>,
    %swap3A_87 = vector.shape_cast %swap3A_86 : vector<16xf32> to vector<16xf32>
    %swap3A_88 = vector.shape_cast %broadcast_in_dim3A_19 : vector<16xf32> to vector<16xf32>
    tpu.vector_store %arg14[%swap3A_85], %swap3A_88 {strides = array<i32>} : memref<128xf32, #tpu.memory_space<vmem>>, vector<16xf32>,
    %swap3A_89 = arith.constant 32 : index
    %swap3A_90 = tpu.vector_load %arg14[%swap3A_89] {strides = array<i32>} : memref<128xf32, #tpu.memory_space<vmem>>, vector<16xf32>,
    %swap3A_91 = vector.shape_cast %swap3A_90 : vector<16xf32> to vector<16xf32>
    %swap3A_92 = vector.shape_cast %broadcast_in_dim3A_19 : vector<16xf32> to vector<16xf32>
    tpu.vector_store %arg14[%swap3A_89], %swap3A_92 {strides = array<i32>} : memref<128xf32, #tpu.memory_space<vmem>>, vector<16xf32>,
    %swap3A_93 = arith.constant 48 : index
    %swap3A_94 = tpu.vector_load %arg14[%swap3A_93] {strides = array<i32>} : memref<128xf32, #tpu.memory_space<vmem>>, vector<16xf32>,
    %swap3A_95 = vector.shape_cast %swap3A_94 : vector<16xf32> to vector<16xf32>
    %swap3A_96 = vector.shape_cast %broadcast_in_dim3A_19 : vector<16xf32> to vector<16xf32>
    tpu.vector_store %arg14[%swap3A_93], %swap3A_96 {strides = array<i32>} : memref<128xf32, #tpu.memory_space<vmem>>, vector<16xf32>,
    %swap3A_97 = arith.constant 64 : index
    %swap3A_98 = tpu.vector_load %arg14[%swap3A_97] {strides = array<i32>} : memref<128xf32, #tpu.memory_space<vmem>>, vector<16xf32>,
    %swap3A_99 = vector.shape_cast %swap3A_98 : vector<16xf32> to vector<16xf32>
    %swap3A_100 = vector.shape_cast %broadcast_in_dim3A_19 : vector<16xf32> to vector<16xf32>
    tpu.vector_store %arg14[%swap3A_97], %swap3A_100 {strides = array<i32>} : memref<128xf32, #tpu.memory_space<vmem>>, vector<16xf32>,
    %swap3A_101 = arith.constant 80 : index
    %swap3A_102 = tpu.vector_load %arg14[%swap3A_101] {strides = array<i32>} : memref<128xf32, #tpu.memory_space<vmem>>, vector<16xf32>,
    %swap3A_103 = vector.shape_cast %swap3A_102 : vector<16xf32> to vector<16xf32>
    %swap3A_104 = vector.shape_cast %broadcast_in_dim3A_19 : vector<16xf32> to vector<16xf32>
    tpu.vector_store %arg14[%swap3A_101], %swap3A_104 {strides = array<i32>} : memref<128xf32, #tpu.memory_space<vmem>>, vector<16xf32>,
    %swap3A_105 = arith.constant 96 : index
    %swap3A_106 = tpu.vector_load %arg14[%swap3A_105] {strides = array<i32>} : memref<128xf32, #tpu.memory_space<vmem>>, vector<16xf32>,
    %swap3A_107 = vector.shape_cast %swap3A_106 : vector<16xf32> to vector<16xf32>
    %swap3A_108 = vector.shape_cast %broadcast_in_dim3A_19 : vector<16xf32> to vector<16xf32>
    tpu.vector_store %arg14[%swap3A_105], %swap3A_108 {strides = array<i32>} : memref<128xf32, #tpu.memory_space<vmem>>, vector<16xf32>,
    %swap3A_109 = arith.constant 112 : index
    %swap3A_110 = tpu.vector_load %arg14[%swap3A_109] {strides = array<i32>} : memref<128xf32, #tpu.memory_space<vmem>>, vector<16xf32>,
    %swap3A_111 = vector.shape_cast %swap3A_110 : vector<16xf32> to vector<16xf32>
    %swap3A_112 = vector.shape_cast %broadcast_in_dim3A_19 : vector<16xf32> to vector<16xf32>
    tpu.vector_store %arg14[%swap3A_109], %swap3A_112 {strides = array<i32>} : memref<128xf32, #tpu.memory_space<vmem>>, vector<16xf32>,
    %scan3A = arith.constant 0 : i32
    %scan3A_113 = arith.constant 25 : i32
    %scan3A_114 = arith.addi %scan3A, %scan3A_113 : i32
    %scan3A_115 = arith.constant 1 : i32
    %scan3A_116 = scf.for %scan3A_233 = %scan3A to %scan3A_114 step %scan3A_115 iter_args(%scan3A_234 = %squeeze3A) -> (i32)  : i32 {
      %rem3A = arith.constant 2 : i32
      %rem3A_235 = arith.remsi %scan3A_233, %rem3A : i32
      %mul3A_236 = arith.constant 400 : i32
      %mul3A_237 = arith.muli %rem3A_235, %mul3A_236 : i32
      %add3A_238 = arith.constant 0 : i32
      %add3A_239 = arith.addi %mul3A_237, %add3A_238 : i32
      %dma_wait3A_240 = arith.constant 0 : i32
      %dma_wait3A_241 = tpu.memref_slice %arg10[%add3A_239, %dma_wait3A_240] : memref<800x128xf32, #tpu.memory_space<vmem>> -> memref<80x128xf32, #tpu.memory_space<vmem>>
      %dma_wait3A_242 = arith.constant 0 : i32
      %dma_wait3A_243 = tpu.memref_slice %arg9[%dma_wait3A_242] : memref<10000xi32, #tpu.memory_space<vmem>> -> memref<80xi32, #tpu.memory_space<vmem>>
      %dma_wait3A_244 = arith.constant 0 : i32
      %dma_wait3A_245 = arith.constant 0 : i32
      %dma_wait3A_246 = tpu.memref_slice %arg2[%dma_wait3A_244, %dma_wait3A_245] : memref<10000x128xf32, #tpu.memory_space<hbm>> -> memref<10000x128xf32, #tpu.memory_space<hbm>>
      %dma_wait3A_247 = tpu.memref_slice %arg16[%rem3A_235] : memref<2x!tpu.dma_semaphore, #tpu.memory_space<semaphore_mem>> -> memref<1x!tpu.dma_semaphore, #tpu.memory_space<semaphore_mem>>
      %dma_wait3A_248 = tpu.memref_squeeze %dma_wait3A_247 : memref<1x!tpu.dma_semaphore, #tpu.memory_space<semaphore_mem>> -> memref<!tpu.dma_semaphore, #tpu.memory_space<semaphore_mem>>
      tpu.wait_indirect_dma semaphore(%dma_wait3A_248 : memref<!tpu.dma_semaphore, #tpu.memory_space<semaphore_mem>>) src(%dma_wait3A_246 : memref<10000x128xf32, #tpu.memory_space<hbm>>) dst(%dma_wait3A_241 : memref<80x128xf32, #tpu.memory_space<vmem>>)
      %mul3A_249 = arith.constant 400 : i32
      %mul3A_250 = arith.muli %rem3A_235, %mul3A_249 : i32
      %add3A_251 = arith.constant 80 : i32
      %add3A_252 = arith.addi %mul3A_250, %add3A_251 : i32
      %dma_wait3A_253 = arith.constant 0 : i32
      %dma_wait3A_254 = tpu.memref_slice %arg10[%add3A_252, %dma_wait3A_253] : memref<800x128xf32, #tpu.memory_space<vmem>> -> memref<80x128xf32, #tpu.memory_space<vmem>>
      %dma_wait3A_255 = arith.constant 80 : i32
      %dma_wait3A_256 = tpu.memref_slice %arg9[%dma_wait3A_255] : memref<10000xi32, #tpu.memory_space<vmem>> -> memref<80xi32, #tpu.memory_space<vmem>>
      %dma_wait3A_257 = arith.constant 0 : i32
      %dma_wait3A_258 = arith.constant 0 : i32
      %dma_wait3A_259 = tpu.memref_slice %arg2[%dma_wait3A_257, %dma_wait3A_258] : memref<10000x128xf32, #tpu.memory_space<hbm>> -> memref<10000x128xf32, #tpu.memory_space<hbm>>
      %dma_wait3A_260 = tpu.memref_slice %arg16[%rem3A_235] : memref<2x!tpu.dma_semaphore, #tpu.memory_space<semaphore_mem>> -> memref<1x!tpu.dma_semaphore, #tpu.memory_space<semaphore_mem>>
      %dma_wait3A_261 = tpu.memref_squeeze %dma_wait3A_260 : memref<1x!tpu.dma_semaphore, #tpu.memory_space<semaphore_mem>> -> memref<!tpu.dma_semaphore, #tpu.memory_space<semaphore_mem>>
      tpu.wait_indirect_dma semaphore(%dma_wait3A_261 : memref<!tpu.dma_semaphore, #tpu.memory_space<semaphore_mem>>) src(%dma_wait3A_259 : memref<10000x128xf32, #tpu.memory_space<hbm>>) dst(%dma_wait3A_254 : memref<80x128xf32, #tpu.memory_space<vmem>>)
      %mul3A_262 = arith.constant 400 : i32
      %mul3A_263 = arith.muli %rem3A_235, %mul3A_262 : i32
      %add3A_264 = arith.constant 160 : i32
      %add3A_265 = arith.addi %mul3A_263, %add3A_264 : i32
      %dma_wait3A_266 = arith.constant 0 : i32
      %dma_wait3A_267 = tpu.memref_slice %arg10[%add3A_265, %dma_wait3A_266] : memref<800x128xf32, #tpu.memory_space<vmem>> -> memref<80x128xf32, #tpu.memory_space<vmem>>
      %dma_wait3A_268 = arith.constant 160 : i32
      %dma_wait3A_269 = tpu.memref_slice %arg9[%dma_wait3A_268] : memref<10000xi32, #tpu.memory_space<vmem>> -> memref<80xi32, #tpu.memory_space<vmem>>
      %dma_wait3A_270 = arith.constant 0 : i32
      %dma_wait3A_271 = arith.constant 0 : i32
      %dma_wait3A_272 = tpu.memref_slice %arg2[%dma_wait3A_270, %dma_wait3A_271] : memref<10000x128xf32, #tpu.memory_space<hbm>> -> memref<10000x128xf32, #tpu.memory_space<hbm>>
      %dma_wait3A_273 = tpu.memref_slice %arg16[%rem3A_235] : memref<2x!tpu.dma_semaphore, #tpu.memory_space<semaphore_mem>> -> memref<1x!tpu.dma_semaphore, #tpu.memory_space<semaphore_mem>>
      %dma_wait3A_274 = tpu.memref_squeeze %dma_wait3A_273 : memref<1x!tpu.dma_semaphore, #tpu.memory_space<semaphore_mem>> -> memref<!tpu.dma_semaphore, #tpu.memory_space<semaphore_mem>>
      tpu.wait_indirect_dma semaphore(%dma_wait3A_274 : memref<!tpu.dma_semaphore, #tpu.memory_space<semaphore_mem>>) src(%dma_wait3A_272 : memref<10000x128xf32, #tpu.memory_space<hbm>>) dst(%dma_wait3A_267 : memref<80x128xf32, #tpu.memory_space<vmem>>)
      %mul3A_275 = arith.constant 400 : i32
      %mul3A_276 = arith.muli %rem3A_235, %mul3A_275 : i32
      %add3A_277 = arith.constant 240 : i32
      %add3A_278 = arith.addi %mul3A_276, %add3A_277 : i32
      %dma_wait3A_279 = arith.constant 0 : i32
      %dma_wait3A_280 = tpu.memref_slice %arg10[%add3A_278, %dma_wait3A_279] : memref<800x128xf32, #tpu.memory_space<vmem>> -> memref<80x128xf32, #tpu.memory_space<vmem>>
      %dma_wait3A_281 = arith.constant 240 : i32
      %dma_wait3A_282 = tpu.memref_slice %arg9[%dma_wait3A_281] : memref<10000xi32, #tpu.memory_space<vmem>> -> memref<80xi32, #tpu.memory_space<vmem>>
      %dma_wait3A_283 = arith.constant 0 : i32
      %dma_wait3A_284 = arith.constant 0 : i32
      %dma_wait3A_285 = tpu.memref_slice %arg2[%dma_wait3A_283, %dma_wait3A_284] : memref<10000x128xf32, #tpu.memory_space<hbm>> -> memref<10000x128xf32, #tpu.memory_space<hbm>>
      %dma_wait3A_286 = tpu.memref_slice %arg16[%rem3A_235] : memref<2x!tpu.dma_semaphore, #tpu.memory_space<semaphore_mem>> -> memref<1x!tpu.dma_semaphore, #tpu.memory_space<semaphore_mem>>
      %dma_wait3A_287 = tpu.memref_squeeze %dma_wait3A_286 : memref<1x!tpu.dma_semaphore, #tpu.memory_space<semaphore_mem>> -> memref<!tpu.dma_semaphore, #tpu.memory_space<semaphore_mem>>
      tpu.wait_indirect_dma semaphore(%dma_wait3A_287 : memref<!tpu.dma_semaphore, #tpu.memory_space<semaphore_mem>>) src(%dma_wait3A_285 : memref<10000x128xf32, #tpu.memory_space<hbm>>) dst(%dma_wait3A_280 : memref<80x128xf32, #tpu.memory_space<vmem>>)
      %mul3A_288 = arith.constant 400 : i32
      %mul3A_289 = arith.muli %rem3A_235, %mul3A_288 : i32
      %add3A_290 = arith.constant 320 : i32
      %add3A_291 = arith.addi %mul3A_289, %add3A_290 : i32
      %dma_wait3A_292 = arith.constant 0 : i32
      %dma_wait3A_293 = tpu.memref_slice %arg10[%add3A_291, %dma_wait3A_292] : memref<800x128xf32, #tpu.memory_space<vmem>> -> memref<80x128xf32, #tpu.memory_space<vmem>>
      %dma_wait3A_294 = arith.constant 320 : i32
      %dma_wait3A_295 = tpu.memref_slice %arg9[%dma_wait3A_294] : memref<10000xi32, #tpu.memory_space<vmem>> -> memref<80xi32, #tpu.memory_space<vmem>>
      %dma_wait3A_296 = arith.constant 0 : i32
      %dma_wait3A_297 = arith.constant 0 : i32
      %dma_wait3A_298 = tpu.memref_slice %arg2[%dma_wait3A_296, %dma_wait3A_297] : memref<10000x128xf32, #tpu.memory_space<hbm>> -> memref<10000x128xf32, #tpu.memory_space<hbm>>
      %dma_wait3A_299 = tpu.memref_slice %arg16[%rem3A_235] : memref<2x!tpu.dma_semaphore, #tpu.memory_space<semaphore_mem>> -> memref<1x!tpu.dma_semaphore, #tpu.memory_space<semaphore_mem>>
      %dma_wait3A_300 = tpu.memref_squeeze %dma_wait3A_299 : memref<1x!tpu.dma_semaphore, #tpu.memory_space<semaphore_mem>> -> memref<!tpu.dma_semaphore, #tpu.memory_space<semaphore_mem>>
      tpu.wait_indirect_dma semaphore(%dma_wait3A_300 : memref<!tpu.dma_semaphore, #tpu.memory_space<semaphore_mem>>) src(%dma_wait3A_298 : memref<10000x128xf32, #tpu.memory_space<hbm>>) dst(%dma_wait3A_293 : memref<80x128xf32, #tpu.memory_space<vmem>>)
      %add3A_301 = arith.constant 1 : i32
      %add3A_302 = arith.addi %scan3A_233, %add3A_301 : i32
      %lt3A = arith.constant 25 : i32
      %lt3A_303 = arith.cmpi slt, %add3A_302, %lt3A : i32
      %convert_element_type3A_304 = arith.extui %lt3A_303 : i1 to i32
      %cond3A_305 = arith.constant 0 : i32
      %cond3A_306 = arith.cmpi ne, %convert_element_type3A_304, %cond3A_305 : i32
      scf.if %cond3A_306 {
        %add3A_313 = arith.constant 1 : i32
        %add3A_314 = arith.addi %scan3A_233, %add3A_313 : i32
        %sub3A = arith.constant 1 : i32
        %sub3A_315 = arith.subi %sub3A, %rem3A_235 : i32
        %mul3A_316 = arith.constant 400 : i32
        %mul3A_317 = arith.muli %add3A_314, %mul3A_316 : i32
        %add3A_318 = arith.constant 0 : i32
        %add3A_319 = arith.addi %mul3A_317, %add3A_318 : i32
        %mul3A_320 = arith.constant 400 : i32
        %mul3A_321 = arith.muli %sub3A_315, %mul3A_320 : i32
        %add3A_322 = arith.constant 0 : i32
        %add3A_323 = arith.addi %mul3A_321, %add3A_322 : i32
        %dma_start3A_324 = arith.constant 0 : i32
        %dma_start3A_325 = tpu.memref_slice %arg10[%add3A_323, %dma_start3A_324] : memref<800x128xf32, #tpu.memory_space<vmem>> -> memref<80x128xf32, #tpu.memory_space<vmem>>
        %dma_start3A_326 = tpu.memref_slice %arg9[%add3A_319] : memref<10000xi32, #tpu.memory_space<vmem>> -> memref<80xi32, #tpu.memory_space<vmem>>
        %dma_start3A_327 = arith.constant 0 : i32
        %dma_start3A_328 = arith.constant 0 : i32
        %dma_start3A_329 = tpu.memref_slice %arg2[%dma_start3A_327, %dma_start3A_328] : memref<10000x128xf32, #tpu.memory_space<hbm>> -> memref<10000x128xf32, #tpu.memory_space<hbm>>
        %dma_start3A_330 = tpu.memref_slice %arg16[%sub3A_315] : memref<2x!tpu.dma_semaphore, #tpu.memory_space<semaphore_mem>> -> memref<1x!tpu.dma_semaphore, #tpu.memory_space<semaphore_mem>>
        %dma_start3A_331 = tpu.memref_squeeze %dma_start3A_330 : memref<1x!tpu.dma_semaphore, #tpu.memory_space<semaphore_mem>> -> memref<!tpu.dma_semaphore, #tpu.memory_space<semaphore_mem>>
        tpu.enqueue_indirect_dma source(%dma_start3A_329 : memref<10000x128xf32, #tpu.memory_space<hbm>>) target(%dma_start3A_325 : memref<80x128xf32, #tpu.memory_space<vmem>>) offsets(%dma_start3A_326 : memref<80xi32, #tpu.memory_space<vmem>>) semaphore(%dma_start3A_331 : memref<!tpu.dma_semaphore, #tpu.memory_space<semaphore_mem>>)
        %mul3A_332 = arith.constant 400 : i32
        %mul3A_333 = arith.muli %add3A_314, %mul3A_332 : i32
        %add3A_334 = arith.constant 80 : i32
        %add3A_335 = arith.addi %mul3A_333, %add3A_334 : i32
        %mul3A_336 = arith.constant 400 : i32
        %mul3A_337 = arith.muli %sub3A_315, %mul3A_336 : i32
        %add3A_338 = arith.constant 80 : i32
        %add3A_339 = arith.addi %mul3A_337, %add3A_338 : i32
        %dma_start3A_340 = arith.constant 0 : i32
        %dma_start3A_341 = tpu.memref_slice %arg10[%add3A_339, %dma_start3A_340] : memref<800x128xf32, #tpu.memory_space<vmem>> -> memref<80x128xf32, #tpu.memory_space<vmem>>
        %dma_start3A_342 = tpu.memref_slice %arg9[%add3A_335] : memref<10000xi32, #tpu.memory_space<vmem>> -> memref<80xi32, #tpu.memory_space<vmem>>
        %dma_start3A_343 = arith.constant 0 : i32
        %dma_start3A_344 = arith.constant 0 : i32
        %dma_start3A_345 = tpu.memref_slice %arg2[%dma_start3A_343, %dma_start3A_344] : memref<10000x128xf32, #tpu.memory_space<hbm>> -> memref<10000x128xf32, #tpu.memory_space<hbm>>
        %dma_start3A_346 = tpu.memref_slice %arg16[%sub3A_315] : memref<2x!tpu.dma_semaphore, #tpu.memory_space<semaphore_mem>> -> memref<1x!tpu.dma_semaphore, #tpu.memory_space<semaphore_mem>>
        %dma_start3A_347 = tpu.memref_squeeze %dma_start3A_346 : memref<1x!tpu.dma_semaphore, #tpu.memory_space<semaphore_mem>> -> memref<!tpu.dma_semaphore, #tpu.memory_space<semaphore_mem>>
        tpu.enqueue_indirect_dma source(%dma_start3A_345 : memref<10000x128xf32, #tpu.memory_space<hbm>>) target(%dma_start3A_341 : memref<80x128xf32, #tpu.memory_space<vmem>>) offsets(%dma_start3A_342 : memref<80xi32, #tpu.memory_space<vmem>>) semaphore(%dma_start3A_347 : memref<!tpu.dma_semaphore, #tpu.memory_space<semaphore_mem>>)
        %mul3A_348 = arith.constant 400 : i32
        %mul3A_349 = arith.muli %add3A_314, %mul3A_348 : i32
        %add3A_350 = arith.constant 160 : i32
        %add3A_351 = arith.addi %mul3A_349, %add3A_350 : i32
        %mul3A_352 = arith.constant 400 : i32
        %mul3A_353 = arith.muli %sub3A_315, %mul3A_352 : i32
        %add3A_354 = arith.constant 160 : i32
        %add3A_355 = arith.addi %mul3A_353, %add3A_354 : i32
        %dma_start3A_356 = arith.constant 0 : i32
        %dma_start3A_357 = tpu.memref_slice %arg10[%add3A_355, %dma_start3A_356] : memref<800x128xf32, #tpu.memory_space<vmem>> -> memref<80x128xf32, #tpu.memory_space<vmem>>
        %dma_start3A_358 = tpu.memref_slice %arg9[%add3A_351] : memref<10000xi32, #tpu.memory_space<vmem>> -> memref<80xi32, #tpu.memory_space<vmem>>
        %dma_start3A_359 = arith.constant 0 : i32
        %dma_start3A_360 = arith.constant 0 : i32
        %dma_start3A_361 = tpu.memref_slice %arg2[%dma_start3A_359, %dma_start3A_360] : memref<10000x128xf32, #tpu.memory_space<hbm>> -> memref<10000x128xf32, #tpu.memory_space<hbm>>
        %dma_start3A_362 = tpu.memref_slice %arg16[%sub3A_315] : memref<2x!tpu.dma_semaphore, #tpu.memory_space<semaphore_mem>> -> memref<1x!tpu.dma_semaphore, #tpu.memory_space<semaphore_mem>>
        %dma_start3A_363 = tpu.memref_squeeze %dma_start3A_362 : memref<1x!tpu.dma_semaphore, #tpu.memory_space<semaphore_mem>> -> memref<!tpu.dma_semaphore, #tpu.memory_space<semaphore_mem>>
        tpu.enqueue_indirect_dma source(%dma_start3A_361 : memref<10000x128xf32, #tpu.memory_space<hbm>>) target(%dma_start3A_357 : memref<80x128xf32, #tpu.memory_space<vmem>>) offsets(%dma_start3A_358 : memref<80xi32, #tpu.memory_space<vmem>>) semaphore(%dma_start3A_363 : memref<!tpu.dma_semaphore, #tpu.memory_space<semaphore_mem>>)
        %mul3A_364 = arith.constant 400 : i32
        %mul3A_365 = arith.muli %add3A_314, %mul3A_364 : i32
        %add3A_366 = arith.constant 240 : i32
        %add3A_367 = arith.addi %mul3A_365, %add3A_366 : i32
        %mul3A_368 = arith.constant 400 : i32
        %mul3A_369 = arith.muli %sub3A_315, %mul3A_368 : i32
        %add3A_370 = arith.constant 240 : i32
        %add3A_371 = arith.addi %mul3A_369, %add3A_370 : i32
        %dma_start3A_372 = arith.constant 0 : i32
        %dma_start3A_373 = tpu.memref_slice %arg10[%add3A_371, %dma_start3A_372] : memref<800x128xf32, #tpu.memory_space<vmem>> -> memref<80x128xf32, #tpu.memory_space<vmem>>
        %dma_start3A_374 = tpu.memref_slice %arg9[%add3A_367] : memref<10000xi32, #tpu.memory_space<vmem>> -> memref<80xi32, #tpu.memory_space<vmem>>
        %dma_start3A_375 = arith.constant 0 : i32
        %dma_start3A_376 = arith.constant 0 : i32
        %dma_start3A_377 = tpu.memref_slice %arg2[%dma_start3A_375, %dma_start3A_376] : memref<10000x128xf32, #tpu.memory_space<hbm>> -> memref<10000x128xf32, #tpu.memory_space<hbm>>
        %dma_start3A_378 = tpu.memref_slice %arg16[%sub3A_315] : memref<2x!tpu.dma_semaphore, #tpu.memory_space<semaphore_mem>> -> memref<1x!tpu.dma_semaphore, #tpu.memory_space<semaphore_mem>>
        %dma_start3A_379 = tpu.memref_squeeze %dma_start3A_378 : memref<1x!tpu.dma_semaphore, #tpu.memory_space<semaphore_mem>> -> memref<!tpu.dma_semaphore, #tpu.memory_space<semaphore_mem>>
        tpu.enqueue_indirect_dma source(%dma_start3A_377 : memref<10000x128xf32, #tpu.memory_space<hbm>>) target(%dma_start3A_373 : memref<80x128xf32, #tpu.memory_space<vmem>>) offsets(%dma_start3A_374 : memref<80xi32, #tpu.memory_space<vmem>>) semaphore(%dma_start3A_379 : memref<!tpu.dma_semaphore, #tpu.memory_space<semaphore_mem>>)
        %mul3A_380 = arith.constant 400 : i32
        %mul3A_381 = arith.muli %add3A_314, %mul3A_380 : i32
        %add3A_382 = arith.constant 320 : i32
        %add3A_383 = arith.addi %mul3A_381, %add3A_382 : i32
        %mul3A_384 = arith.constant 400 : i32
        %mul3A_385 = arith.muli %sub3A_315, %mul3A_384 : i32
        %add3A_386 = arith.constant 320 : i32
        %add3A_387 = arith.addi %mul3A_385, %add3A_386 : i32
        %dma_start3A_388 = arith.constant 0 : i32
        %dma_start3A_389 = tpu.memref_slice %arg10[%add3A_387, %dma_start3A_388] : memref<800x128xf32, #tpu.memory_space<vmem>> -> memref<80x128xf32, #tpu.memory_space<vmem>>
        %dma_start3A_390 = tpu.memref_slice %arg9[%add3A_383] : memref<10000xi32, #tpu.memory_space<vmem>> -> memref<80xi32, #tpu.memory_space<vmem>>
        %dma_start3A_391 = arith.constant 0 : i32
        %dma_start3A_392 = arith.constant 0 : i32
        %dma_start3A_393 = tpu.memref_slice %arg2[%dma_start3A_391, %dma_start3A_392] : memref<10000x128xf32, #tpu.memory_space<hbm>> -> memref<10000x128xf32, #tpu.memory_space<hbm>>
        %dma_start3A_394 = tpu.memref_slice %arg16[%sub3A_315] : memref<2x!tpu.dma_semaphore, #tpu.memory_space<semaphore_mem>> -> memref<1x!tpu.dma_semaphore, #tpu.memory_space<semaphore_mem>>
        %dma_start3A_395 = tpu.memref_squeeze %dma_start3A_394 : memref<1x!tpu.dma_semaphore, #tpu.memory_space<semaphore_mem>> -> memref<!tpu.dma_semaphore, #tpu.memory_space<semaphore_mem>>
        tpu.enqueue_indirect_dma source(%dma_start3A_393 : memref<10000x128xf32, #tpu.memory_space<hbm>>) target(%dma_start3A_389 : memref<80x128xf32, #tpu.memory_space<vmem>>) offsets(%dma_start3A_390 : memref<80xi32, #tpu.memory_space<vmem>>) semaphore(%dma_start3A_395 : memref<!tpu.dma_semaphore, #tpu.memory_space<semaphore_mem>>)
      } else {
      }
      %scan3A_307 = arith.constant 0 : i32
      %scan3A_308 = arith.constant 25 : i32
      %scan3A_309 = arith.addi %scan3A_307, %scan3A_308 : i32
      %scan3A_310 = arith.constant 1 : i32
      %scan3A_311 = scf.for %scan3A_313 = %scan3A_307 to %scan3A_309 step %scan3A_310 iter_args(%scan3A_314 = %scan3A_234) -> (i32)  : i32 {
        %mul3A_315 = arith.constant 400 : i32
        %mul3A_316 = arith.muli %scan3A_233, %mul3A_315 : i32
        %mul3A_317 = arith.constant 16 : i32
        %mul3A_318 = arith.muli %scan3A_313, %mul3A_317 : i32
        %add3A_319 = arith.addi %mul3A_316, %mul3A_318 : i32
        %get3A_320 = arith.index_cast %add3A_319 : i32 to index
        %get3A_321 = tpu.vector_load %arg8[%get3A_320] {strides = array<i32>} : memref<10016xi32, #tpu.memory_space<vmem>>, vector<16xi32>,
        %get3A_322 = vector.shape_cast %get3A_321 : vector<16xi32> to vector<16xi32>
        %slice3A_323 = vector.extract_strided_slice %get3A_322 {offsets = [15], sizes = [1], strides = [1]} : vector<16xi32> to vector<1xi32>
        %squeeze3A_324 = vector.extract %slice3A_323[0] : i32 from vector<1xi32>
        %eq3A_325 = arith.cmpi eq, %scan3A_314, %squeeze3A_324 : i32
        %gt3A_326 = arith.constant 0 : i32
        %gt3A_327 = arith.cmpi sgt, %add3A_319, %gt3A_326 : i32
        %and3A = arith.andi %eq3A_325, %gt3A_327 : i1
        %slice3A_328 = vector.extract_strided_slice %get3A_322 {offsets = [0], sizes = [1], strides = [1]} : vector<16xi32> to vector<1xi32>
        %squeeze3A_329 = vector.extract %slice3A_328[0] : i32 from vector<1xi32>
        %slice3A_330 = vector.extract_strided_slice %get3A_322 {offsets = [1], sizes = [1], strides = [1]} : vector<16xi32> to vector<1xi32>
        %squeeze3A_331 = vector.extract %slice3A_330[0] : i32 from vector<1xi32>
        %slice3A_332 = vector.extract_strided_slice %get3A_322 {offsets = [2], sizes = [1], strides = [1]} : vector<16xi32> to vector<1xi32>
        %squeeze3A_333 = vector.extract %slice3A_332[0] : i32 from vector<1xi32>
        %slice3A_334 = vector.extract_strided_slice %get3A_322 {offsets = [3], sizes = [1], strides = [1]} : vector<16xi32> to vector<1xi32>
        %squeeze3A_335 = vector.extract %slice3A_334[0] : i32 from vector<1xi32>
        %slice3A_336 = vector.extract_strided_slice %get3A_322 {offsets = [4], sizes = [1], strides = [1]} : vector<16xi32> to vector<1xi32>
        %squeeze3A_337 = vector.extract %slice3A_336[0] : i32 from vector<1xi32>
        %slice3A_338 = vector.extract_strided_slice %get3A_322 {offsets = [5], sizes = [1], strides = [1]} : vector<16xi32> to vector<1xi32>
        %squeeze3A_339 = vector.extract %slice3A_338[0] : i32 from vector<1xi32>
        %slice3A_340 = vector.extract_strided_slice %get3A_322 {offsets = [6], sizes = [1], strides = [1]} : vector<16xi32> to vector<1xi32>
        %squeeze3A_341 = vector.extract %slice3A_340[0] : i32 from vector<1xi32>
        %slice3A_342 = vector.extract_strided_slice %get3A_322 {offsets = [7], sizes = [1], strides = [1]} : vector<16xi32> to vector<1xi32>
        %squeeze3A_343 = vector.extract %slice3A_342[0] : i32 from vector<1xi32>
        %slice3A_344 = vector.extract_strided_slice %get3A_322 {offsets = [8], sizes = [1], strides = [1]} : vector<16xi32> to vector<1xi32>
        %squeeze3A_345 = vector.extract %slice3A_344[0] : i32 from vector<1xi32>
        %slice3A_346 = vector.extract_strided_slice %get3A_322 {offsets = [9], sizes = [1], strides = [1]} : vector<16xi32> to vector<1xi32>
        %squeeze3A_347 = vector.extract %slice3A_346[0] : i32 from vector<1xi32>
        %slice3A_348 = vector.extract_strided_slice %get3A_322 {offsets = [10], sizes = [1], strides = [1]} : vector<16xi32> to vector<1xi32>
        %squeeze3A_349 = vector.extract %slice3A_348[0] : i32 from vector<1xi32>
        %slice3A_350 = vector.extract_strided_slice %get3A_322 {offsets = [11], sizes = [1], strides = [1]} : vector<16xi32> to vector<1xi32>
        %squeeze3A_351 = vector.extract %slice3A_350[0] : i32 from vector<1xi32>
        %slice3A_352 = vector.extract_strided_slice %get3A_322 {offsets = [12], sizes = [1], strides = [1]} : vector<16xi32> to vector<1xi32>
        %squeeze3A_353 = vector.extract %slice3A_352[0] : i32 from vector<1xi32>
        %slice3A_354 = vector.extract_strided_slice %get3A_322 {offsets = [13], sizes = [1], strides = [1]} : vector<16xi32> to vector<1xi32>
        %squeeze3A_355 = vector.extract %slice3A_354[0] : i32 from vector<1xi32>
        %slice3A_356 = vector.extract_strided_slice %get3A_322 {offsets = [14], sizes = [1], strides = [1]} : vector<16xi32> to vector<1xi32>
        %squeeze3A_357 = vector.extract %slice3A_356[0] : i32 from vector<1xi32>
        %slice3A_358 = vector.extract_strided_slice %get3A_322 {offsets = [15], sizes = [1], strides = [1]} : vector<16xi32> to vector<1xi32>
        %squeeze3A_359 = vector.extract %slice3A_358[0] : i32 from vector<1xi32>
        %eq3A_360 = arith.cmpi eq, %squeeze3A_329, %scan3A_314 : i32
        %eq3A_361 = arith.cmpi eq, %squeeze3A_329, %squeeze3A_324 : i32
        %or3A = arith.ori %eq3A_360, %eq3A_361 : i1
        %eq3A_362 = arith.cmpi eq, %squeeze3A_331, %scan3A_314 : i32
        %eq3A_363 = arith.cmpi eq, %squeeze3A_331, %squeeze3A_324 : i32
        %or3A_364 = arith.ori %eq3A_362, %eq3A_363 : i1
        %and3A_365 = arith.andi %or3A, %or3A_364 : i1
        %eq3A_366 = arith.cmpi eq, %squeeze3A_333, %scan3A_314 : i32
        %eq3A_367 = arith.cmpi eq, %squeeze3A_333, %squeeze3A_324 : i32
        %or3A_368 = arith.ori %eq3A_366, %eq3A_367 : i1
        %and3A_369 = arith.andi %and3A_365, %or3A_368 : i1
        %eq3A_370 = arith.cmpi eq, %squeeze3A_335, %scan3A_314 : i32
        %eq3A_371 = arith.cmpi eq, %squeeze3A_335, %squeeze3A_324 : i32
        %or3A_372 = arith.ori %eq3A_370, %eq3A_371 : i1
        %and3A_373 = arith.andi %and3A_369, %or3A_372 : i1
        %eq3A_374 = arith.cmpi eq, %squeeze3A_337, %scan3A_314 : i32
        %eq3A_375 = arith.cmpi eq, %squeeze3A_337, %squeeze3A_324 : i32
        %or3A_376 = arith.ori %eq3A_374, %eq3A_375 : i1
        %and3A_377 = arith.andi %and3A_373, %or3A_376 : i1
        %eq3A_378 = arith.cmpi eq, %squeeze3A_339, %scan3A_314 : i32
        %eq3A_379 = arith.cmpi eq, %squeeze3A_339, %squeeze3A_324 : i32
        %or3A_380 = arith.ori %eq3A_378, %eq3A_379 : i1
        %and3A_381 = arith.andi %and3A_377, %or3A_380 : i1
        %eq3A_382 = arith.cmpi eq, %squeeze3A_341, %scan3A_314 : i32
        %eq3A_383 = arith.cmpi eq, %squeeze3A_341, %squeeze3A_324 : i32
        %or3A_384 = arith.ori %eq3A_382, %eq3A_383 : i1
        %and3A_385 = arith.andi %and3A_381, %or3A_384 : i1
        %eq3A_386 = arith.cmpi eq, %squeeze3A_343, %scan3A_314 : i32
        %eq3A_387 = arith.cmpi eq, %squeeze3A_343, %squeeze3A_324 : i32
        %or3A_388 = arith.ori %eq3A_386, %eq3A_387 : i1
        %and3A_389 = arith.andi %and3A_385, %or3A_388 : i1
        %eq3A_390 = arith.cmpi eq, %squeeze3A_345, %scan3A_314 : i32
        %eq3A_391 = arith.cmpi eq, %squeeze3A_345, %squeeze3A_324 : i32
        %or3A_392 = arith.ori %eq3A_390, %eq3A_391 : i1
        %and3A_393 = arith.andi %and3A_389, %or3A_392 : i1
        %eq3A_394 = arith.cmpi eq, %squeeze3A_347, %scan3A_314 : i32
        %eq3A_395 = arith.cmpi eq, %squeeze3A_347, %squeeze3A_324 : i32
        %or3A_396 = arith.ori %eq3A_394, %eq3A_395 : i1
        %and3A_397 = arith.andi %and3A_393, %or3A_396 : i1
        %eq3A_398 = arith.cmpi eq, %squeeze3A_349, %scan3A_314 : i32
        %eq3A_399 = arith.cmpi eq, %squeeze3A_349, %squeeze3A_324 : i32
        %or3A_400 = arith.ori %eq3A_398, %eq3A_399 : i1
        %and3A_401 = arith.andi %and3A_397, %or3A_400 : i1
        %eq3A_402 = arith.cmpi eq, %squeeze3A_351, %scan3A_314 : i32
        %eq3A_403 = arith.cmpi eq, %squeeze3A_351, %squeeze3A_324 : i32
        %or3A_404 = arith.ori %eq3A_402, %eq3A_403 : i1
        %and3A_405 = arith.andi %and3A_401, %or3A_404 : i1
        %eq3A_406 = arith.cmpi eq, %squeeze3A_353, %scan3A_314 : i32
        %eq3A_407 = arith.cmpi eq, %squeeze3A_353, %squeeze3A_324 : i32
        %or3A_408 = arith.ori %eq3A_406, %eq3A_407 : i1
        %and3A_409 = arith.andi %and3A_405, %or3A_408 : i1
        %eq3A_410 = arith.cmpi eq, %squeeze3A_355, %scan3A_314 : i32
        %eq3A_411 = arith.cmpi eq, %squeeze3A_355, %squeeze3A_324 : i32
        %or3A_412 = arith.ori %eq3A_410, %eq3A_411 : i1
        %and3A_413 = arith.andi %and3A_409, %or3A_412 : i1
        %eq3A_414 = arith.cmpi eq, %squeeze3A_357, %scan3A_314 : i32
        %eq3A_415 = arith.cmpi eq, %squeeze3A_357, %squeeze3A_324 : i32
        %or3A_416 = arith.ori %eq3A_414, %eq3A_415 : i1
        %and3A_417 = arith.andi %and3A_413, %or3A_416 : i1
        %eq3A_418 = arith.cmpi eq, %squeeze3A_359, %scan3A_314 : i32
        %eq3A_419 = arith.cmpi eq, %squeeze3A_359, %squeeze3A_324 : i32
        %or3A_420 = arith.ori %eq3A_418, %eq3A_419 : i1
        %and3A_421 = arith.andi %and3A_417, %or3A_420 : i1
        %not3A = arith.constant true
        %not3A_422 = arith.xori %and3A, %not3A : i1
        %and3A_423 = arith.andi %not3A_422, %and3A_421 : i1
        %gt3A_424 = arith.constant 0 : i32
        %gt3A_425 = arith.cmpi sgt, %add3A_319, %gt3A_424 : i32
        %and3A_426 = arith.andi %and3A_423, %gt3A_425 : i1
        %convert_element_type3A_427 = arith.extui %and3A : i1 to i32
        %cond3A_428 = arith.constant 0 : i32
        %cond3A_429 = arith.cmpi ne, %convert_element_type3A_427, %cond3A_428 : i32
        scf.if %cond3A_429 {
          %mul3A_439 = arith.constant 400 : i32
          %mul3A_440 = arith.muli %rem3A_235, %mul3A_439 : i32
          %mul3A_441 = arith.constant 16 : i32
          %mul3A_442 = arith.muli %scan3A_313, %mul3A_441 : i32
          %add3A_443 = arith.addi %mul3A_440, %mul3A_442 : i32
          %add3A_444 = arith.constant 0 : i32
          %add3A_445 = arith.addi %add3A_443, %add3A_444 : i32
          %get3A_446 = arith.index_cast %add3A_445 : i32 to index
          %get3A_447 = arith.constant 0 : index
          %get3A_448 = tpu.vector_load %arg10[%get3A_446, %get3A_447] {strides = array<i32>} : memref<800x128xf32, #tpu.memory_space<vmem>>, vector<1x16xf32>,
          %get3A_449 = vector.shape_cast %get3A_448 : vector<1x16xf32> to vector<16xf32>
          %add3A_450 = arith.constant 1 : i32
          %add3A_451 = arith.addi %add3A_443, %add3A_450 : i32
          %get3A_452 = arith.index_cast %add3A_451 : i32 to index
          %get3A_453 = arith.constant 0 : index
          %get3A_454 = tpu.vector_load %arg10[%get3A_452, %get3A_453] {strides = array<i32>} : memref<800x128xf32, #tpu.memory_space<vmem>>, vector<1x16xf32>,
          %get3A_455 = vector.shape_cast %get3A_454 : vector<1x16xf32> to vector<16xf32>
          %add3A_456 = arith.constant 2 : i32
          %add3A_457 = arith.addi %add3A_443, %add3A_456 : i32
          %get3A_458 = arith.index_cast %add3A_457 : i32 to index
          %get3A_459 = arith.constant 0 : index
          %get3A_460 = tpu.vector_load %arg10[%get3A_458, %get3A_459] {strides = array<i32>} : memref<800x128xf32, #tpu.memory_space<vmem>>, vector<1x16xf32>,
          %get3A_461 = vector.shape_cast %get3A_460 : vector<1x16xf32> to vector<16xf32>
          %add3A_462 = arith.constant 3 : i32
          %add3A_463 = arith.addi %add3A_443, %add3A_462 : i32
          %get3A_464 = arith.index_cast %add3A_463 : i32 to index
          %get3A_465 = arith.constant 0 : index
          %get3A_466 = tpu.vector_load %arg10[%get3A_464, %get3A_465] {strides = array<i32>} : memref<800x128xf32, #tpu.memory_space<vmem>>, vector<1x16xf32>,
          %get3A_467 = vector.shape_cast %get3A_466 : vector<1x16xf32> to vector<16xf32>
          %add3A_468 = arith.constant 4 : i32
          %add3A_469 = arith.addi %add3A_443, %add3A_468 : i32
          %get3A_470 = arith.index_cast %add3A_469 : i32 to index
          %get3A_471 = arith.constant 0 : index
          %get3A_472 = tpu.vector_load %arg10[%get3A_470, %get3A_471] {strides = array<i32>} : memref<800x128xf32, #tpu.memory_space<vmem>>, vector<1x16xf32>,
          %get3A_473 = vector.shape_cast %get3A_472 : vector<1x16xf32> to vector<16xf32>
          %add3A_474 = arith.constant 5 : i32
          %add3A_475 = arith.addi %add3A_443, %add3A_474 : i32
          %get3A_476 = arith.index_cast %add3A_475 : i32 to index
          %get3A_477 = arith.constant 0 : index
          %get3A_478 = tpu.vector_load %arg10[%get3A_476, %get3A_477] {strides = array<i32>} : memref<800x128xf32, #tpu.memory_space<vmem>>, vector<1x16xf32>,
          %get3A_479 = vector.shape_cast %get3A_478 : vector<1x16xf32> to vector<16xf32>
          %add3A_480 = arith.constant 6 : i32
          %add3A_481 = arith.addi %add3A_443, %add3A_480 : i32
          %get3A_482 = arith.index_cast %add3A_481 : i32 to index
          %get3A_483 = arith.constant 0 : index
          %get3A_484 = tpu.vector_load %arg10[%get3A_482, %get3A_483] {strides = array<i32>} : memref<800x128xf32, #tpu.memory_space<vmem>>, vector<1x16xf32>,
          %get3A_485 = vector.shape_cast %get3A_484 : vector<1x16xf32> to vector<16xf32>
          %add3A_486 = arith.constant 7 : i32
          %add3A_487 = arith.addi %add3A_443, %add3A_486 : i32
          %get3A_488 = arith.index_cast %add3A_487 : i32 to index
          %get3A_489 = arith.constant 0 : index
          %get3A_490 = tpu.vector_load %arg10[%get3A_488, %get3A_489] {strides = array<i32>} : memref<800x128xf32, #tpu.memory_space<vmem>>, vector<1x16xf32>,
          %get3A_491 = vector.shape_cast %get3A_490 : vector<1x16xf32> to vector<16xf32>
          %add3A_492 = arith.constant 8 : i32
          %add3A_493 = arith.addi %add3A_443, %add3A_492 : i32
          %get3A_494 = arith.index_cast %add3A_493 : i32 to index
          %get3A_495 = arith.constant 0 : index
          %get3A_496 = tpu.vector_load %arg10[%get3A_494, %get3A_495] {strides = array<i32>} : memref<800x128xf32, #tpu.memory_space<vmem>>, vector<1x16xf32>,
          %get3A_497 = vector.shape_cast %get3A_496 : vector<1x16xf32> to vector<16xf32>
          %add3A_498 = arith.constant 9 : i32
          %add3A_499 = arith.addi %add3A_443, %add3A_498 : i32
          %get3A_500 = arith.index_cast %add3A_499 : i32 to index
          %get3A_501 = arith.constant 0 : index
          %get3A_502 = tpu.vector_load %arg10[%get3A_500, %get3A_501] {strides = array<i32>} : memref<800x128xf32, #tpu.memory_space<vmem>>, vector<1x16xf32>,
          %get3A_503 = vector.shape_cast %get3A_502 : vector<1x16xf32> to vector<16xf32>
          %add3A_504 = arith.constant 10 : i32
          %add3A_505 = arith.addi %add3A_443, %add3A_504 : i32
          %get3A_506 = arith.index_cast %add3A_505 : i32 to index
          %get3A_507 = arith.constant 0 : index
          %get3A_508 = tpu.vector_load %arg10[%get3A_506, %get3A_507] {strides = array<i32>} : memref<800x128xf32, #tpu.memory_space<vmem>>, vector<1x16xf32>,
          %get3A_509 = vector.shape_cast %get3A_508 : vector<1x16xf32> to vector<16xf32>
          %add3A_510 = arith.constant 11 : i32
          %add3A_511 = arith.addi %add3A_443, %add3A_510 : i32
          %get3A_512 = arith.index_cast %add3A_511 : i32 to index
          %get3A_513 = arith.constant 0 : index
          %get3A_514 = tpu.vector_load %arg10[%get3A_512, %get3A_513] {strides = array<i32>} : memref<800x128xf32, #tpu.memory_space<vmem>>, vector<1x16xf32>,
          %get3A_515 = vector.shape_cast %get3A_514 : vector<1x16xf32> to vector<16xf32>
          %add3A_516 = arith.constant 12 : i32
          %add3A_517 = arith.addi %add3A_443, %add3A_516 : i32
          %get3A_518 = arith.index_cast %add3A_517 : i32 to index
          %get3A_519 = arith.constant 0 : index
          %get3A_520 = tpu.vector_load %arg10[%get3A_518, %get3A_519] {strides = array<i32>} : memref<800x128xf32, #tpu.memory_space<vmem>>, vector<1x16xf32>,
          %get3A_521 = vector.shape_cast %get3A_520 : vector<1x16xf32> to vector<16xf32>
          %add3A_522 = arith.constant 13 : i32
          %add3A_523 = arith.addi %add3A_443, %add3A_522 : i32
          %get3A_524 = arith.index_cast %add3A_523 : i32 to index
          %get3A_525 = arith.constant 0 : index
          %get3A_526 = tpu.vector_load %arg10[%get3A_524, %get3A_525] {strides = array<i32>} : memref<800x128xf32, #tpu.memory_space<vmem>>, vector<1x16xf32>,
          %get3A_527 = vector.shape_cast %get3A_526 : vector<1x16xf32> to vector<16xf32>
          %add3A_528 = arith.constant 14 : i32
          %add3A_529 = arith.addi %add3A_443, %add3A_528 : i32
          %get3A_530 = arith.index_cast %add3A_529 : i32 to index
          %get3A_531 = arith.constant 0 : index
          %get3A_532 = tpu.vector_load %arg10[%get3A_530, %get3A_531] {strides = array<i32>} : memref<800x128xf32, #tpu.memory_space<vmem>>, vector<1x16xf32>,
          %get3A_533 = vector.shape_cast %get3A_532 : vector<1x16xf32> to vector<16xf32>
          %add3A_534 = arith.constant 15 : i32
          %add3A_535 = arith.addi %add3A_443, %add3A_534 : i32
          %get3A_536 = arith.index_cast %add3A_535 : i32 to index
          %get3A_537 = arith.constant 0 : index
          %get3A_538 = tpu.vector_load %arg10[%get3A_536, %get3A_537] {strides = array<i32>} : memref<800x128xf32, #tpu.memory_space<vmem>>, vector<1x16xf32>,
          %get3A_539 = vector.shape_cast %get3A_538 : vector<1x16xf32> to vector<16xf32>
          %max3A = arith.maximumf %get3A_449, %get3A_455 : vector<16xf32>
          %max3A_540 = arith.maximumf %get3A_461, %get3A_467 : vector<16xf32>
          %max3A_541 = arith.maximumf %get3A_473, %get3A_479 : vector<16xf32>
          %max3A_542 = arith.maximumf %get3A_485, %get3A_491 : vector<16xf32>
          %max3A_543 = arith.maximumf %get3A_497, %get3A_503 : vector<16xf32>
          %max3A_544 = arith.maximumf %get3A_509, %get3A_515 : vector<16xf32>
          %max3A_545 = arith.maximumf %get3A_521, %get3A_527 : vector<16xf32>
          %max3A_546 = arith.maximumf %get3A_533, %get3A_539 : vector<16xf32>
          %max3A_547 = arith.maximumf %max3A, %max3A_540 : vector<16xf32>
          %max3A_548 = arith.maximumf %max3A_541, %max3A_542 : vector<16xf32>
          %max3A_549 = arith.maximumf %max3A_543, %max3A_544 : vector<16xf32>
          %max3A_550 = arith.maximumf %max3A_545, %max3A_546 : vector<16xf32>
          %max3A_551 = arith.maximumf %max3A_547, %max3A_548 : vector<16xf32>
          %max3A_552 = arith.maximumf %max3A_549, %max3A_550 : vector<16xf32>
          %max3A_553 = arith.maximumf %max3A_551, %max3A_552 : vector<16xf32>
          %get3A_554 = arith.constant 0 : index
          %get3A_555 = tpu.vector_load %arg14[%get3A_554] {strides = array<i32>} : memref<128xf32, #tpu.memory_space<vmem>>, vector<16xf32>,
          %get3A_556 = vector.shape_cast %get3A_555 : vector<16xf32> to vector<16xf32>
          %max3A_557 = arith.maximumf %get3A_556, %max3A_553 : vector<16xf32>
          %swap3A_558 = arith.constant 0 : index
          %swap3A_559 = tpu.vector_load %arg14[%swap3A_558] {strides = array<i32>} : memref<128xf32, #tpu.memory_space<vmem>>, vector<16xf32>,
          %swap3A_560 = vector.shape_cast %swap3A_559 : vector<16xf32> to vector<16xf32>
          %swap3A_561 = vector.shape_cast %max3A_557 : vector<16xf32> to vector<16xf32>
          tpu.vector_store %arg14[%swap3A_558], %swap3A_561 {strides = array<i32>} : memref<128xf32, #tpu.memory_space<vmem>>, vector<16xf32>,
          %add3A_562 = arith.constant 0 : i32
          %add3A_563 = arith.addi %add3A_443, %add3A_562 : i32
          %get3A_564 = arith.index_cast %add3A_563 : i32 to index
          %get3A_565 = arith.constant 16 : index
          %get3A_566 = tpu.vector_load %arg10[%get3A_564, %get3A_565] {strides = array<i32>} : memref<800x128xf32, #tpu.memory_space<vmem>>, vector<1x16xf32>,
          %get3A_567 = vector.shape_cast %get3A_566 : vector<1x16xf32> to vector<16xf32>
          %add3A_568 = arith.constant 1 : i32
          %add3A_569 = arith.addi %add3A_443, %add3A_568 : i32
          %get3A_570 = arith.index_cast %add3A_569 : i32 to index
          %get3A_571 = arith.constant 16 : index
          %get3A_572 = tpu.vector_load %arg10[%get3A_570, %get3A_571] {strides = array<i32>} : memref<800x128xf32, #tpu.memory_space<vmem>>, vector<1x16xf32>,
          %get3A_573 = vector.shape_cast %get3A_572 : vector<1x16xf32> to vector<16xf32>
          %add3A_574 = arith.constant 2 : i32
          %add3A_575 = arith.addi %add3A_443, %add3A_574 : i32
          %get3A_576 = arith.index_cast %add3A_575 : i32 to index
          %get3A_577 = arith.constant 16 : index
          %get3A_578 = tpu.vector_load %arg10[%get3A_576, %get3A_577] {strides = array<i32>} : memref<800x128xf32, #tpu.memory_space<vmem>>, vector<1x16xf32>,
          %get3A_579 = vector.shape_cast %get3A_578 : vector<1x16xf32> to vector<16xf32>
          %add3A_580 = arith.constant 3 : i32
          %add3A_581 = arith.addi %add3A_443, %add3A_580 : i32
          %get3A_582 = arith.index_cast %add3A_581 : i32 to index
          %get3A_583 = arith.constant 16 : index
          %get3A_584 = tpu.vector_load %arg10[%get3A_582, %get3A_583] {strides = array<i32>} : memref<800x128xf32, #tpu.memory_space<vmem>>, vector<1x16xf32>,
          %get3A_585 = vector.shape_cast %get3A_584 : vector<1x16xf32> to vector<16xf32>
          %add3A_586 = arith.constant 4 : i32
          %add3A_587 = arith.addi %add3A_443, %add3A_586 : i32
          %get3A_588 = arith.index_cast %add3A_587 : i32 to index
          %get3A_589 = arith.constant 16 : index
          %get3A_590 = tpu.vector_load %arg10[%get3A_588, %get3A_589] {strides = array<i32>} : memref<800x128xf32, #tpu.memory_space<vmem>>, vector<1x16xf32>,
          %get3A_591 = vector.shape_cast %get3A_590 : vector<1x16xf32> to vector<16xf32>
          %add3A_592 = arith.constant 5 : i32
          %add3A_593 = arith.addi %add3A_443, %add3A_592 : i32
          %get3A_594 = arith.index_cast %add3A_593 : i32 to index
          %get3A_595 = arith.constant 16 : index
          %get3A_596 = tpu.vector_load %arg10[%get3A_594, %get3A_595] {strides = array<i32>} : memref<800x128xf32, #tpu.memory_space<vmem>>, vector<1x16xf32>,
          %get3A_597 = vector.shape_cast %get3A_596 : vector<1x16xf32> to vector<16xf32>
          %add3A_598 = arith.constant 6 : i32
          %add3A_599 = arith.addi %add3A_443, %add3A_598 : i32
          %get3A_600 = arith.index_cast %add3A_599 : i32 to index
          %get3A_601 = arith.constant 16 : index
          %get3A_602 = tpu.vector_load %arg10[%get3A_600, %get3A_601] {strides = array<i32>} : memref<800x128xf32, #tpu.memory_space<vmem>>, vector<1x16xf32>,
          %get3A_603 = vector.shape_cast %get3A_602 : vector<1x16xf32> to vector<16xf32>
          %add3A_604 = arith.constant 7 : i32
          %add3A_605 = arith.addi %add3A_443, %add3A_604 : i32
          %get3A_606 = arith.index_cast %add3A_605 : i32 to index
          %get3A_607 = arith.constant 16 : index
          %get3A_608 = tpu.vector_load %arg10[%get3A_606, %get3A_607] {strides = array<i32>} : memref<800x128xf32, #tpu.memory_space<vmem>>, vector<1x16xf32>,
          %get3A_609 = vector.shape_cast %get3A_608 : vector<1x16xf32> to vector<16xf32>
          %add3A_610 = arith.constant 8 : i32
          %add3A_611 = arith.addi %add3A_443, %add3A_610 : i32
          %get3A_612 = arith.index_cast %add3A_611 : i32 to index
          %get3A_613 = arith.constant 16 : index
          %get3A_614 = tpu.vector_load %arg10[%get3A_612, %get3A_613] {strides = array<i32>} : memref<800x128xf32, #tpu.memory_space<vmem>>, vector<1x16xf32>,
          %get3A_615 = vector.shape_cast %get3A_614 : vector<1x16xf32> to vector<16xf32>
          %add3A_616 = arith.constant 9 : i32
          %add3A_617 = arith.addi %add3A_443, %add3A_616 : i32
          %get3A_618 = arith.index_cast %add3A_617 : i32 to index
          %get3A_619 = arith.constant 16 : index
          %get3A_620 = tpu.vector_load %arg10[%get3A_618, %get3A_619] {strides = array<i32>} : memref<800x128xf32, #tpu.memory_space<vmem>>, vector<1x16xf32>,
          %get3A_621 = vector.shape_cast %get3A_620 : vector<1x16xf32> to vector<16xf32>
          %add3A_622 = arith.constant 10 : i32
          %add3A_623 = arith.addi %add3A_443, %add3A_622 : i32
          %get3A_624 = arith.index_cast %add3A_623 : i32 to index
          %get3A_625 = arith.constant 16 : index
          %get3A_626 = tpu.vector_load %arg10[%get3A_624, %get3A_625] {strides = array<i32>} : memref<800x128xf32, #tpu.memory_space<vmem>>, vector<1x16xf32>,
          %get3A_627 = vector.shape_cast %get3A_626 : vector<1x16xf32> to vector<16xf32>
          %add3A_628 = arith.constant 11 : i32
          %add3A_629 = arith.addi %add3A_443, %add3A_628 : i32
          %get3A_630 = arith.index_cast %add3A_629 : i32 to index
          %get3A_631 = arith.constant 16 : index
          %get3A_632 = tpu.vector_load %arg10[%get3A_630, %get3A_631] {strides = array<i32>} : memref<800x128xf32, #tpu.memory_space<vmem>>, vector<1x16xf32>,
          %get3A_633 = vector.shape_cast %get3A_632 : vector<1x16xf32> to vector<16xf32>
          %add3A_634 = arith.constant 12 : i32
          %add3A_635 = arith.addi %add3A_443, %add3A_634 : i32
          %get3A_636 = arith.index_cast %add3A_635 : i32 to index
          %get3A_637 = arith.constant 16 : index
          %get3A_638 = tpu.vector_load %arg10[%get3A_636, %get3A_637] {strides = array<i32>} : memref<800x128xf32, #tpu.memory_space<vmem>>, vector<1x16xf32>,
          %get3A_639 = vector.shape_cast %get3A_638 : vector<1x16xf32> to vector<16xf32>
          %add3A_640 = arith.constant 13 : i32
          %add3A_641 = arith.addi %add3A_443, %add3A_640 : i32
          %get3A_642 = arith.index_cast %add3A_641 : i32 to index
          %get3A_643 = arith.constant 16 : index
          %get3A_644 = tpu.vector_load %arg10[%get3A_642, %get3A_643] {strides = array<i32>} : memref<800x128xf32, #tpu.memory_space<vmem>>, vector<1x16xf32>,
          %get3A_645 = vector.shape_cast %get3A_644 : vector<1x16xf32> to vector<16xf32>
          %add3A_646 = arith.constant 14 : i32
          %add3A_647 = arith.addi %add3A_443, %add3A_646 : i32
          %get3A_648 = arith.index_cast %add3A_647 : i32 to index
          %get3A_649 = arith.constant 16 : index
          %get3A_650 = tpu.vector_load %arg10[%get3A_648, %get3A_649] {strides = array<i32>} : memref<800x128xf32, #tpu.memory_space<vmem>>, vector<1x16xf32>,
          %get3A_651 = vector.shape_cast %get3A_650 : vector<1x16xf32> to vector<16xf32>
          %add3A_652 = arith.constant 15 : i32
          %add3A_653 = arith.addi %add3A_443, %add3A_652 : i32
          %get3A_654 = arith.index_cast %add3A_653 : i32 to index
          %get3A_655 = arith.constant 16 : index
          %get3A_656 = tpu.vector_load %arg10[%get3A_654, %get3A_655] {strides = array<i32>} : memref<800x128xf32, #tpu.memory_space<vmem>>, vector<1x16xf32>,
          %get3A_657 = vector.shape_cast %get3A_656 : vector<1x16xf32> to vector<16xf32>
          %max3A_658 = arith.maximumf %get3A_567, %get3A_573 : vector<16xf32>
          %max3A_659 = arith.maximumf %get3A_579, %get3A_585 : vector<16xf32>
          %max3A_660 = arith.maximumf %get3A_591, %get3A_597 : vector<16xf32>
          %max3A_661 = arith.maximumf %get3A_603, %get3A_609 : vector<16xf32>
          %max3A_662 = arith.maximumf %get3A_615, %get3A_621 : vector<16xf32>
          %max3A_663 = arith.maximumf %get3A_627, %get3A_633 : vector<16xf32>
          %max3A_664 = arith.maximumf %get3A_639, %get3A_645 : vector<16xf32>
          %max3A_665 = arith.maximumf %get3A_651, %get3A_657 : vector<16xf32>
          %max3A_666 = arith.maximumf %max3A_658, %max3A_659 : vector<16xf32>
          %max3A_667 = arith.maximumf %max3A_660, %max3A_661 : vector<16xf32>
          %max3A_668 = arith.maximumf %max3A_662, %max3A_663 : vector<16xf32>
          %max3A_669 = arith.maximumf %max3A_664, %max3A_665 : vector<16xf32>
          %max3A_670 = arith.maximumf %max3A_666, %max3A_667 : vector<16xf32>
          %max3A_671 = arith.maximumf %max3A_668, %max3A_669 : vector<16xf32>
          %max3A_672 = arith.maximumf %max3A_670, %max3A_671 : vector<16xf32>
          %get3A_673 = arith.constant 16 : index
          %get3A_674 = tpu.vector_load %arg14[%get3A_673] {strides = array<i32>} : memref<128xf32, #tpu.memory_space<vmem>>, vector<16xf32>,
          %get3A_675 = vector.shape_cast %get3A_674 : vector<16xf32> to vector<16xf32>
          %max3A_676 = arith.maximumf %get3A_675, %max3A_672 : vector<16xf32>
          %swap3A_677 = arith.constant 16 : index
          %swap3A_678 = tpu.vector_load %arg14[%swap3A_677] {strides = array<i32>} : memref<128xf32, #tpu.memory_space<vmem>>, vector<16xf32>,
          %swap3A_679 = vector.shape_cast %swap3A_678 : vector<16xf32> to vector<16xf32>
          %swap3A_680 = vector.shape_cast %max3A_676 : vector<16xf32> to vector<16xf32>
          tpu.vector_store %arg14[%swap3A_677], %swap3A_680 {strides = array<i32>} : memref<128xf32, #tpu.memory_space<vmem>>, vector<16xf32>,
          %add3A_681 = arith.constant 0 : i32
          %add3A_682 = arith.addi %add3A_443, %add3A_681 : i32
          %get3A_683 = arith.index_cast %add3A_682 : i32 to index
          %get3A_684 = arith.constant 32 : index
          %get3A_685 = tpu.vector_load %arg10[%get3A_683, %get3A_684] {strides = array<i32>} : memref<800x128xf32, #tpu.memory_space<vmem>>, vector<1x16xf32>,
          %get3A_686 = vector.shape_cast %get3A_685 : vector<1x16xf32> to vector<16xf32>
          %add3A_687 = arith.constant 1 : i32
          %add3A_688 = arith.addi %add3A_443, %add3A_687 : i32
          %get3A_689 = arith.index_cast %add3A_688 : i32 to index
          %get3A_690 = arith.constant 32 : index
          %get3A_691 = tpu.vector_load %arg10[%get3A_689, %get3A_690] {strides = array<i32>} : memref<800x128xf32, #tpu.memory_space<vmem>>, vector<1x16xf32>,
          %get3A_692 = vector.shape_cast %get3A_691 : vector<1x16xf32> to vector<16xf32>
          %add3A_693 = arith.constant 2 : i32
          %add3A_694 = arith.addi %add3A_443, %add3A_693 : i32
          %get3A_695 = arith.index_cast %add3A_694 : i32 to index
          %get3A_696 = arith.constant 32 : index
          %get3A_697 = tpu.vector_load %arg10[%get3A_695, %get3A_696] {strides = array<i32>} : memref<800x128xf32, #tpu.memory_space<vmem>>, vector<1x16xf32>,
          %get3A_698 = vector.shape_cast %get3A_697 : vector<1x16xf32> to vector<16xf32>
          %add3A_699 = arith.constant 3 : i32
          %add3A_700 = arith.addi %add3A_443, %add3A_699 : i32
          %get3A_701 = arith.index_cast %add3A_700 : i32 to index
          %get3A_702 = arith.constant 32 : index
          %get3A_703 = tpu.vector_load %arg10[%get3A_701, %get3A_702] {strides = array<i32>} : memref<800x128xf32, #tpu.memory_space<vmem>>, vector<1x16xf32>,
          %get3A_704 = vector.shape_cast %get3A_703 : vector<1x16xf32> to vector<16xf32>
          %add3A_705 = arith.constant 4 : i32
          %add3A_706 = arith.addi %add3A_443, %add3A_705 : i32
          %get3A_707 = arith.index_cast %add3A_706 : i32 to index
          %get3A_708 = arith.constant 32 : index
          %get3A_709 = tpu.vector_load %arg10[%get3A_707, %get3A_708] {strides = array<i32>} : memref<800x128xf32, #tpu.memory_space<vmem>>, vector<1x16xf32>,
          %get3A_710 = vector.shape_cast %get3A_709 : vector<1x16xf32> to vector<16xf32>
          %add3A_711 = arith.constant 5 : i32
          %add3A_712 = arith.addi %add3A_443, %add3A_711 : i32
          %get3A_713 = arith.index_cast %add3A_712 : i32 to index
          %get3A_714 = arith.constant 32 : index
          %get3A_715 = tpu.vector_load %arg10[%get3A_713, %get3A_714] {strides = array<i32>} : memref<800x128xf32, #tpu.memory_space<vmem>>, vector<1x16xf32>,
          %get3A_716 = vector.shape_cast %get3A_715 : vector<1x16xf32> to vector<16xf32>
          %add3A_717 = arith.constant 6 : i32
          %add3A_718 = arith.addi %add3A_443, %add3A_717 : i32
          %get3A_719 = arith.index_cast %add3A_718 : i32 to index
          %get3A_720 = arith.constant 32 : index
          %get3A_721 = tpu.vector_load %arg10[%get3A_719, %get3A_720] {strides = array<i32>} : memref<800x128xf32, #tpu.memory_space<vmem>>, vector<1x16xf32>,
          %get3A_722 = vector.shape_cast %get3A_721 : vector<1x16xf32> to vector<16xf32>
          %add3A_723 = arith.constant 7 : i32
          %add3A_724 = arith.addi %add3A_443, %add3A_723 : i32
          %get3A_725 = arith.index_cast %add3A_724 : i32 to index
          %get3A_726 = arith.constant 32 : index
          %get3A_727 = tpu.vector_load %arg10[%get3A_725, %get3A_726] {strides = array<i32>} : memref<800x128xf32, #tpu.memory_space<vmem>>, vector<1x16xf32>,
          %get3A_728 = vector.shape_cast %get3A_727 : vector<1x16xf32> to vector<16xf32>
          %add3A_729 = arith.constant 8 : i32
          %add3A_730 = arith.addi %add3A_443, %add3A_729 : i32
          %get3A_731 = arith.index_cast %add3A_730 : i32 to index
          %get3A_732 = arith.constant 32 : index
          %get3A_733 = tpu.vector_load %arg10[%get3A_731, %get3A_732] {strides = array<i32>} : memref<800x128xf32, #tpu.memory_space<vmem>>, vector<1x16xf32>,
          %get3A_734 = vector.shape_cast %get3A_733 : vector<1x16xf32> to vector<16xf32>
          %add3A_735 = arith.constant 9 : i32
          %add3A_736 = arith.addi %add3A_443, %add3A_735 : i32
          %get3A_737 = arith.index_cast %add3A_736 : i32 to index
          %get3A_738 = arith.constant 32 : index
          %get3A_739 = tpu.vector_load %arg10[%get3A_737, %get3A_738] {strides = array<i32>} : memref<800x128xf32, #tpu.memory_space<vmem>>, vector<1x16xf32>,
          %get3A_740 = vector.shape_cast %get3A_739 : vector<1x16xf32> to vector<16xf32>
          %add3A_741 = arith.constant 10 : i32
          %add3A_742 = arith.addi %add3A_443, %add3A_741 : i32
          %get3A_743 = arith.index_cast %add3A_742 : i32 to index
          %get3A_744 = arith.constant 32 : index
          %get3A_745 = tpu.vector_load %arg10[%get3A_743, %get3A_744] {strides = array<i32>} : memref<800x128xf32, #tpu.memory_space<vmem>>, vector<1x16xf32>,
          %get3A_746 = vector.shape_cast %get3A_745 : vector<1x16xf32> to vector<16xf32>
          %add3A_747 = arith.constant 11 : i32
          %add3A_748 = arith.addi %add3A_443, %add3A_747 : i32
          %get3A_749 = arith.index_cast %add3A_748 : i32 to index
          %get3A_750 = arith.constant 32 : index
          %get3A_751 = tpu.vector_load %arg10[%get3A_749, %get3A_750] {strides = array<i32>} : memref<800x128xf32, #tpu.memory_space<vmem>>, vector<1x16xf32>,
          %get3A_752 = vector.shape_cast %get3A_751 : vector<1x16xf32> to vector<16xf32>
          %add3A_753 = arith.constant 12 : i32
          %add3A_754 = arith.addi %add3A_443, %add3A_753 : i32
          %get3A_755 = arith.index_cast %add3A_754 : i32 to index
          %get3A_756 = arith.constant 32 : index
          %get3A_757 = tpu.vector_load %arg10[%get3A_755, %get3A_756] {strides = array<i32>} : memref<800x128xf32, #tpu.memory_space<vmem>>, vector<1x16xf32>,
          %get3A_758 = vector.shape_cast %get3A_757 : vector<1x16xf32> to vector<16xf32>
          %add3A_759 = arith.constant 13 : i32
          %add3A_760 = arith.addi %add3A_443, %add3A_759 : i32
          %get3A_761 = arith.index_cast %add3A_760 : i32 to index
          %get3A_762 = arith.constant 32 : index
          %get3A_763 = tpu.vector_load %arg10[%get3A_761, %get3A_762] {strides = array<i32>} : memref<800x128xf32, #tpu.memory_space<vmem>>, vector<1x16xf32>,
          %get3A_764 = vector.shape_cast %get3A_763 : vector<1x16xf32> to vector<16xf32>
          %add3A_765 = arith.constant 14 : i32
          %add3A_766 = arith.addi %add3A_443, %add3A_765 : i32
          %get3A_767 = arith.index_cast %add3A_766 : i32 to index
          %get3A_768 = arith.constant 32 : index
          %get3A_769 = tpu.vector_load %arg10[%get3A_767, %get3A_768] {strides = array<i32>} : memref<800x128xf32, #tpu.memory_space<vmem>>, vector<1x16xf32>,
          %get3A_770 = vector.shape_cast %get3A_769 : vector<1x16xf32> to vector<16xf32>
          %add3A_771 = arith.constant 15 : i32
          %add3A_772 = arith.addi %add3A_443, %add3A_771 : i32
          %get3A_773 = arith.index_cast %add3A_772 : i32 to index
          %get3A_774 = arith.constant 32 : index
          %get3A_775 = tpu.vector_load %arg10[%get3A_773, %get3A_774] {strides = array<i32>} : memref<800x128xf32, #tpu.memory_space<vmem>>, vector<1x16xf32>,
          %get3A_776 = vector.shape_cast %get3A_775 : vector<1x16xf32> to vector<16xf32>
          %max3A_777 = arith.maximumf %get3A_686, %get3A_692 : vector<16xf32>
          %max3A_778 = arith.maximumf %get3A_698, %get3A_704 : vector<16xf32>
          %max3A_779 = arith.maximumf %get3A_710, %get3A_716 : vector<16xf32>
          %max3A_780 = arith.maximumf %get3A_722, %get3A_728 : vector<16xf32>
          %max3A_781 = arith.maximumf %get3A_734, %get3A_740 : vector<16xf32>
          %max3A_782 = arith.maximumf %get3A_746, %get3A_752 : vector<16xf32>
          %max3A_783 = arith.maximumf %get3A_758, %get3A_764 : vector<16xf32>
          %max3A_784 = arith.maximumf %get3A_770, %get3A_776 : vector<16xf32>
          %max3A_785 = arith.maximumf %max3A_777, %max3A_778 : vector<16xf32>
          %max3A_786 = arith.maximumf %max3A_779, %max3A_780 : vector<16xf32>
          %max3A_787 = arith.maximumf %max3A_781, %max3A_782 : vector<16xf32>
          %max3A_788 = arith.maximumf %max3A_783, %max3A_784 : vector<16xf32>
          %max3A_789 = arith.maximumf %max3A_785, %max3A_786 : vector<16xf32>
          %max3A_790 = arith.maximumf %max3A_787, %max3A_788 : vector<16xf32>
          %max3A_791 = arith.maximumf %max3A_789, %max3A_790 : vector<16xf32>
          %get3A_792 = arith.constant 32 : index
          %get3A_793 = tpu.vector_load %arg14[%get3A_792] {strides = array<i32>} : memref<128xf32, #tpu.memory_space<vmem>>, vector<16xf32>,
          %get3A_794 = vector.shape_cast %get3A_793 : vector<16xf32> to vector<16xf32>
          %max3A_795 = arith.maximumf %get3A_794, %max3A_791 : vector<16xf32>
          %swap3A_796 = arith.constant 32 : index
          %swap3A_797 = tpu.vector_load %arg14[%swap3A_796] {strides = array<i32>} : memref<128xf32, #tpu.memory_space<vmem>>, vector<16xf32>,
          %swap3A_798 = vector.shape_cast %swap3A_797 : vector<16xf32> to vector<16xf32>
          %swap3A_799 = vector.shape_cast %max3A_795 : vector<16xf32> to vector<16xf32>
          tpu.vector_store %arg14[%swap3A_796], %swap3A_799 {strides = array<i32>} : memref<128xf32, #tpu.memory_space<vmem>>, vector<16xf32>,
          %add3A_800 = arith.constant 0 : i32
          %add3A_801 = arith.addi %add3A_443, %add3A_800 : i32
          %get3A_802 = arith.index_cast %add3A_801 : i32 to index
          %get3A_803 = arith.constant 48 : index
          %get3A_804 = tpu.vector_load %arg10[%get3A_802, %get3A_803] {strides = array<i32>} : memref<800x128xf32, #tpu.memory_space<vmem>>, vector<1x16xf32>,
          %get3A_805 = vector.shape_cast %get3A_804 : vector<1x16xf32> to vector<16xf32>
          %add3A_806 = arith.constant 1 : i32
          %add3A_807 = arith.addi %add3A_443, %add3A_806 : i32
          %get3A_808 = arith.index_cast %add3A_807 : i32 to index
          %get3A_809 = arith.constant 48 : index
          %get3A_810 = tpu.vector_load %arg10[%get3A_808, %get3A_809] {strides = array<i32>} : memref<800x128xf32, #tpu.memory_space<vmem>>, vector<1x16xf32>,
          %get3A_811 = vector.shape_cast %get3A_810 : vector<1x16xf32> to vector<16xf32>
          %add3A_812 = arith.constant 2 : i32
          %add3A_813 = arith.addi %add3A_443, %add3A_812 : i32
          %get3A_814 = arith.index_cast %add3A_813 : i32 to index
          %get3A_815 = arith.constant 48 : index
          %get3A_816 = tpu.vector_load %arg10[%get3A_814, %get3A_815] {strides = array<i32>} : memref<800x128xf32, #tpu.memory_space<vmem>>, vector<1x16xf32>,
          %get3A_817 = vector.shape_cast %get3A_816 : vector<1x16xf32> to vector<16xf32>
          %add3A_818 = arith.constant 3 : i32
          %add3A_819 = arith.addi %add3A_443, %add3A_818 : i32
          %get3A_820 = arith.index_cast %add3A_819 : i32 to index
          %get3A_821 = arith.constant 48 : index
          %get3A_822 = tpu.vector_load %arg10[%get3A_820, %get3A_821] {strides = array<i32>} : memref<800x128xf32, #tpu.memory_space<vmem>>, vector<1x16xf32>,
          %get3A_823 = vector.shape_cast %get3A_822 : vector<1x16xf32> to vector<16xf32>
          %add3A_824 = arith.constant 4 : i32
          %add3A_825 = arith.addi %add3A_443, %add3A_824 : i32
          %get3A_826 = arith.index_cast %add3A_825 : i32 to index
          %get3A_827 = arith.constant 48 : index
          %get3A_828 = tpu.vector_load %arg10[%get3A_826, %get3A_827] {strides = array<i32>} : memref<800x128xf32, #tpu.memory_space<vmem>>, vector<1x16xf32>,
          %get3A_829 = vector.shape_cast %get3A_828 : vector<1x16xf32> to vector<16xf32>
          %add3A_830 = arith.constant 5 : i32
          %add3A_831 = arith.addi %add3A_443, %add3A_830 : i32
          %get3A_832 = arith.index_cast %add3A_831 : i32 to index
          %get3A_833 = arith.constant 48 : index
          %get3A_834 = tpu.vector_load %arg10[%get3A_832, %get3A_833] {strides = array<i32>} : memref<800x128xf32, #tpu.memory_space<vmem>>, vector<1x16xf32>,
          %get3A_835 = vector.shape_cast %get3A_834 : vector<1x16xf32> to vector<16xf32>
          %add3A_836 = arith.constant 6 : i32
          %add3A_837 = arith.addi %add3A_443, %add3A_836 : i32
          %get3A_838 = arith.index_cast %add3A_837 : i32 to index
          %get3A_839 = arith.constant 48 : index
          %get3A_840 = tpu.vector_load %arg10[%get3A_838, %get3A_839] {strides = array<i32>} : memref<800x128xf32, #tpu.memory_space<vmem>>, vector<1x16xf32>,
          %get3A_841 = vector.shape_cast %get3A_840 : vector<1x16xf32> to vector<16xf32>
          %add3A_842 = arith.constant 7 : i32
          %add3A_843 = arith.addi %add3A_443, %add3A_842 : i32
          %get3A_844 = arith.index_cast %add3A_843 : i32 to index
          %get3A_845 = arith.constant 48 : index
          %get3A_846 = tpu.vector_load %arg10[%get3A_844, %get3A_845] {strides = array<i32>} : memref<800x128xf32, #tpu.memory_space<vmem>>, vector<1x16xf32>,
          %get3A_847 = vector.shape_cast %get3A_846 : vector<1x16xf32> to vector<16xf32>
          %add3A_848 = arith.constant 8 : i32
          %add3A_849 = arith.addi %add3A_443, %add3A_848 : i32
          %get3A_850 = arith.index_cast %add3A_849 : i32 to index
          %get3A_851 = arith.constant 48 : index
          %get3A_852 = tpu.vector_load %arg10[%get3A_850, %get3A_851] {strides = array<i32>} : memref<800x128xf32, #tpu.memory_space<vmem>>, vector<1x16xf32>,
          %get3A_853 = vector.shape_cast %get3A_852 : vector<1x16xf32> to vector<16xf32>
          %add3A_854 = arith.constant 9 : i32
          %add3A_855 = arith.addi %add3A_443, %add3A_854 : i32
          %get3A_856 = arith.index_cast %add3A_855 : i32 to index
          %get3A_857 = arith.constant 48 : index
          %get3A_858 = tpu.vector_load %arg10[%get3A_856, %get3A_857] {strides = array<i32>} : memref<800x128xf32, #tpu.memory_space<vmem>>, vector<1x16xf32>,
          %get3A_859 = vector.shape_cast %get3A_858 : vector<1x16xf32> to vector<16xf32>
          %add3A_860 = arith.constant 10 : i32
          %add3A_861 = arith.addi %add3A_443, %add3A_860 : i32
          %get3A_862 = arith.index_cast %add3A_861 : i32 to index
          %get3A_863 = arith.constant 48 : index
          %get3A_864 = tpu.vector_load %arg10[%get3A_862, %get3A_863] {strides = array<i32>} : memref<800x128xf32, #tpu.memory_space<vmem>>, vector<1x16xf32>,
          %get3A_865 = vector.shape_cast %get3A_864 : vector<1x16xf32> to vector<16xf32>
          %add3A_866 = arith.constant 11 : i32
          %add3A_867 = arith.addi %add3A_443, %add3A_866 : i32
          %get3A_868 = arith.index_cast %add3A_867 : i32 to index
          %get3A_869 = arith.constant 48 : index
          %get3A_870 = tpu.vector_load %arg10[%get3A_868, %get3A_869] {strides = array<i32>} : memref<800x128xf32, #tpu.memory_space<vmem>>, vector<1x16xf32>,
          %get3A_871 = vector.shape_cast %get3A_870 : vector<1x16xf32> to vector<16xf32>
          %add3A_872 = arith.constant 12 : i32
          %add3A_873 = arith.addi %add3A_443, %add3A_872 : i32
          %get3A_874 = arith.index_cast %add3A_873 : i32 to index
          %get3A_875 = arith.constant 48 : index
          %get3A_876 = tpu.vector_load %arg10[%get3A_874, %get3A_875] {strides = array<i32>} : memref<800x128xf32, #tpu.memory_space<vmem>>, vector<1x16xf32>,
          %get3A_877 = vector.shape_cast %get3A_876 : vector<1x16xf32> to vector<16xf32>
          %add3A_878 = arith.constant 13 : i32
          %add3A_879 = arith.addi %add3A_443, %add3A_878 : i32
          %get3A_880 = arith.index_cast %add3A_879 : i32 to index
          %get3A_881 = arith.constant 48 : index
          %get3A_882 = tpu.vector_load %arg10[%get3A_880, %get3A_881] {strides = array<i32>} : memref<800x128xf32, #tpu.memory_space<vmem>>, vector<1x16xf32>,
          %get3A_883 = vector.shape_cast %get3A_882 : vector<1x16xf32> to vector<16xf32>
          %add3A_884 = arith.constant 14 : i32
          %add3A_885 = arith.addi %add3A_443, %add3A_884 : i32
          %get3A_886 = arith.index_cast %add3A_885 : i32 to index
          %get3A_887 = arith.constant 48 : index
          %get3A_888 = tpu.vector_load %arg10[%get3A_886, %get3A_887] {strides = array<i32>} : memref<800x128xf32, #tpu.memory_space<vmem>>, vector<1x16xf32>,
          %get3A_889 = vector.shape_cast %get3A_888 : vector<1x16xf32> to vector<16xf32>
          %add3A_890 = arith.constant 15 : i32
          %add3A_891 = arith.addi %add3A_443, %add3A_890 : i32
          %get3A_892 = arith.index_cast %add3A_891 : i32 to index
          %get3A_893 = arith.constant 48 : index
          %get3A_894 = tpu.vector_load %arg10[%get3A_892, %get3A_893] {strides = array<i32>} : memref<800x128xf32, #tpu.memory_space<vmem>>, vector<1x16xf32>,
          %get3A_895 = vector.shape_cast %get3A_894 : vector<1x16xf32> to vector<16xf32>
          %max3A_896 = arith.maximumf %get3A_805, %get3A_811 : vector<16xf32>
          %max3A_897 = arith.maximumf %get3A_817, %get3A_823 : vector<16xf32>
          %max3A_898 = arith.maximumf %get3A_829, %get3A_835 : vector<16xf32>
          %max3A_899 = arith.maximumf %get3A_841, %get3A_847 : vector<16xf32>
          %max3A_900 = arith.maximumf %get3A_853, %get3A_859 : vector<16xf32>
          %max3A_901 = arith.maximumf %get3A_865, %get3A_871 : vector<16xf32>
          %max3A_902 = arith.maximumf %get3A_877, %get3A_883 : vector<16xf32>
          %max3A_903 = arith.maximumf %get3A_889, %get3A_895 : vector<16xf32>
          %max3A_904 = arith.maximumf %max3A_896, %max3A_897 : vector<16xf32>
          %max3A_905 = arith.maximumf %max3A_898, %max3A_899 : vector<16xf32>
          %max3A_906 = arith.maximumf %max3A_900, %max3A_901 : vector<16xf32>
          %max3A_907 = arith.maximumf %max3A_902, %max3A_903 : vector<16xf32>
          %max3A_908 = arith.maximumf %max3A_904, %max3A_905 : vector<16xf32>
          %max3A_909 = arith.maximumf %max3A_906, %max3A_907 : vector<16xf32>
          %max3A_910 = arith.maximumf %max3A_908, %max3A_909 : vector<16xf32>
          %get3A_911 = arith.constant 48 : index
          %get3A_912 = tpu.vector_load %arg14[%get3A_911] {strides = array<i32>} : memref<128xf32, #tpu.memory_space<vmem>>, vector<16xf32>,
          %get3A_913 = vector.shape_cast %get3A_912 : vector<16xf32> to vector<16xf32>
          %max3A_914 = arith.maximumf %get3A_913, %max3A_910 : vector<16xf32>
          %swap3A_915 = arith.constant 48 : index
          %swap3A_916 = tpu.vector_load %arg14[%swap3A_915] {strides = array<i32>} : memref<128xf32, #tpu.memory_space<vmem>>, vector<16xf32>,
          %swap3A_917 = vector.shape_cast %swap3A_916 : vector<16xf32> to vector<16xf32>
          %swap3A_918 = vector.shape_cast %max3A_914 : vector<16xf32> to vector<16xf32>
          tpu.vector_store %arg14[%swap3A_915], %swap3A_918 {strides = array<i32>} : memref<128xf32, #tpu.memory_space<vmem>>, vector<16xf32>,
          %add3A_919 = arith.constant 0 : i32
          %add3A_920 = arith.addi %add3A_443, %add3A_919 : i32
          %get3A_921 = arith.index_cast %add3A_920 : i32 to index
          %get3A_922 = arith.constant 64 : index
          %get3A_923 = tpu.vector_load %arg10[%get3A_921, %get3A_922] {strides = array<i32>} : memref<800x128xf32, #tpu.memory_space<vmem>>, vector<1x16xf32>,
          %get3A_924 = vector.shape_cast %get3A_923 : vector<1x16xf32> to vector<16xf32>
          %add3A_925 = arith.constant 1 : i32
          %add3A_926 = arith.addi %add3A_443, %add3A_925 : i32
          %get3A_927 = arith.index_cast %add3A_926 : i32 to index
          %get3A_928 = arith.constant 64 : index
          %get3A_929 = tpu.vector_load %arg10[%get3A_927, %get3A_928] {strides = array<i32>} : memref<800x128xf32, #tpu.memory_space<vmem>>, vector<1x16xf32>,
          %get3A_930 = vector.shape_cast %get3A_929 : vector<1x16xf32> to vector<16xf32>
          %add3A_931 = arith.constant 2 : i32
          %add3A_932 = arith.addi %add3A_443, %add3A_931 : i32
          %get3A_933 = arith.index_cast %add3A_932 : i32 to index
          %get3A_934 = arith.constant 64 : index
          %get3A_935 = tpu.vector_load %arg10[%get3A_933, %get3A_934] {strides = array<i32>} : memref<800x128xf32, #tpu.memory_space<vmem>>, vector<1x16xf32>,
          %get3A_936 = vector.shape_cast %get3A_935 : vector<1x16xf32> to vector<16xf32>
          %add3A_937 = arith.constant 3 : i32
          %add3A_938 = arith.addi %add3A_443, %add3A_937 : i32
          %get3A_939 = arith.index_cast %add3A_938 : i32 to index
          %get3A_940 = arith.constant 64 : index
          %get3A_941 = tpu.vector_load %arg10[%get3A_939, %get3A_940] {strides = array<i32>} : memref<800x128xf32, #tpu.memory_space<vmem>>, vector<1x16xf32>,
          %get3A_942 = vector.shape_cast %get3A_941 : vector<1x16xf32> to vector<16xf32>
          %add3A_943 = arith.constant 4 : i32
          %add3A_944 = arith.addi %add3A_443, %add3A_943 : i32
          %get3A_945 = arith.index_cast %add3A_944 : i32 to index
          %get3A_946 = arith.constant 64 : index
          %get3A_947 = tpu.vector_load %arg10[%get3A_945, %get3A_946] {strides = array<i32>} : memref<800x128xf32, #tpu.memory_space<vmem>>, vector<1x16xf32>,
          %get3A_948 = vector.shape_cast %get3A_947 : vector<1x16xf32> to vector<16xf32>
          %add3A_949 = arith.constant 5 : i32
          %add3A_950 = arith.addi %add3A_443, %add3A_949 : i32
          %get3A_951 = arith.index_cast %add3A_950 : i32 to index
          %get3A_952 = arith.constant 64 : index
          %get3A_953 = tpu.vector_load %arg10[%get3A_951, %get3A_952] {strides = array<i32>} : memref<800x128xf32, #tpu.memory_space<vmem>>, vector<1x16xf32>,
          %get3A_954 = vector.shape_cast %get3A_953 : vector<1x16xf32> to vector<16xf32>
          %add3A_955 = arith.constant 6 : i32
          %add3A_956 = arith.addi %add3A_443, %add3A_955 : i32
          %get3A_957 = arith.index_cast %add3A_956 : i32 to index
          %get3A_958 = arith.constant 64 : index
          %get3A_959 = tpu.vector_load %arg10[%get3A_957, %get3A_958] {strides = array<i32>} : memref<800x128xf32, #tpu.memory_space<vmem>>, vector<1x16xf32>,
          %get3A_960 = vector.shape_cast %get3A_959 : vector<1x16xf32> to vector<16xf32>
          %add3A_961 = arith.constant 7 : i32
          %add3A_962 = arith.addi %add3A_443, %add3A_961 : i32
          %get3A_963 = arith.index_cast %add3A_962 : i32 to index
          %get3A_964 = arith.constant 64 : index
          %get3A_965 = tpu.vector_load %arg10[%get3A_963, %get3A_964] {strides = array<i32>} : memref<800x128xf32, #tpu.memory_space<vmem>>, vector<1x16xf32>,
          %get3A_966 = vector.shape_cast %get3A_965 : vector<1x16xf32> to vector<16xf32>
          %add3A_967 = arith.constant 8 : i32
          %add3A_968 = arith.addi %add3A_443, %add3A_967 : i32
          %get3A_969 = arith.index_cast %add3A_968 : i32 to index
          %get3A_970 = arith.constant 64 : index
          %get3A_971 = tpu.vector_load %arg10[%get3A_969, %get3A_970] {strides = array<i32>} : memref<800x128xf32, #tpu.memory_space<vmem>>, vector<1x16xf32>,
          %get3A_972 = vector.shape_cast %get3A_971 : vector<1x16xf32> to vector<16xf32>
          %add3A_973 = arith.constant 9 : i32
          %add3A_974 = arith.addi %add3A_443, %add3A_973 : i32
          %get3A_975 = arith.index_cast %add3A_974 : i32 to index
          %get3A_976 = arith.constant 64 : index
          %get3A_977 = tpu.vector_load %arg10[%get3A_975, %get3A_976] {strides = array<i32>} : memref<800x128xf32, #tpu.memory_space<vmem>>, vector<1x16xf32>,
          %get3A_978 = vector.shape_cast %get3A_977 : vector<1x16xf32> to vector<16xf32>
          %add3A_979 = arith.constant 10 : i32
          %add3A_980 = arith.addi %add3A_443, %add3A_979 : i32
          %get3A_981 = arith.index_cast %add3A_980 : i32 to index
          %get3A_982 = arith.constant 64 : index
          %get3A_983 = tpu.vector_load %arg10[%get3A_981, %get3A_982] {strides = array<i32>} : memref<800x128xf32, #tpu.memory_space<vmem>>, vector<1x16xf32>,
          %get3A_984 = vector.shape_cast %get3A_983 : vector<1x16xf32> to vector<16xf32>
          %add3A_985 = arith.constant 11 : i32
          %add3A_986 = arith.addi %add3A_443, %add3A_985 : i32
          %get3A_987 = arith.index_cast %add3A_986 : i32 to index
          %get3A_988 = arith.constant 64 : index
          %get3A_989 = tpu.vector_load %arg10[%get3A_987, %get3A_988] {strides = array<i32>} : memref<800x128xf32, #tpu.memory_space<vmem>>, vector<1x16xf32>,
          %get3A_990 = vector.shape_cast %get3A_989 : vector<1x16xf32> to vector<16xf32>
          %add3A_991 = arith.constant 12 : i32
          %add3A_992 = arith.addi %add3A_443, %add3A_991 : i32
          %get3A_993 = arith.index_cast %add3A_992 : i32 to index
          %get3A_994 = arith.constant 64 : index
          %get3A_995 = tpu.vector_load %arg10[%get3A_993, %get3A_994] {strides = array<i32>} : memref<800x128xf32, #tpu.memory_space<vmem>>, vector<1x16xf32>,
          %get3A_996 = vector.shape_cast %get3A_995 : vector<1x16xf32> to vector<16xf32>
          %add3A_997 = arith.constant 13 : i32
          %add3A_998 = arith.addi %add3A_443, %add3A_997 : i32
          %get3A_999 = arith.index_cast %add3A_998 : i32 to index
          %get3A_1000 = arith.constant 64 : index
          %get3A_1001 = tpu.vector_load %arg10[%get3A_999, %get3A_1000] {strides = array<i32>} : memref<800x128xf32, #tpu.memory_space<vmem>>, vector<1x16xf32>,
          %get3A_1002 = vector.shape_cast %get3A_1001 : vector<1x16xf32> to vector<16xf32>
          %add3A_1003 = arith.constant 14 : i32
          %add3A_1004 = arith.addi %add3A_443, %add3A_1003 : i32
          %get3A_1005 = arith.index_cast %add3A_1004 : i32 to index
          %get3A_1006 = arith.constant 64 : index
          %get3A_1007 = tpu.vector_load %arg10[%get3A_1005, %get3A_1006] {strides = array<i32>} : memref<800x128xf32, #tpu.memory_space<vmem>>, vector<1x16xf32>,
          %get3A_1008 = vector.shape_cast %get3A_1007 : vector<1x16xf32> to vector<16xf32>
          %add3A_1009 = arith.constant 15 : i32
          %add3A_1010 = arith.addi %add3A_443, %add3A_1009 : i32
          %get3A_1011 = arith.index_cast %add3A_1010 : i32 to index
          %get3A_1012 = arith.constant 64 : index
          %get3A_1013 = tpu.vector_load %arg10[%get3A_1011, %get3A_1012] {strides = array<i32>} : memref<800x128xf32, #tpu.memory_space<vmem>>, vector<1x16xf32>,
          %get3A_1014 = vector.shape_cast %get3A_1013 : vector<1x16xf32> to vector<16xf32>
          %max3A_1015 = arith.maximumf %get3A_924, %get3A_930 : vector<16xf32>
          %max3A_1016 = arith.maximumf %get3A_936, %get3A_942 : vector<16xf32>
          %max3A_1017 = arith.maximumf %get3A_948, %get3A_954 : vector<16xf32>
          %max3A_1018 = arith.maximumf %get3A_960, %get3A_966 : vector<16xf32>
          %max3A_1019 = arith.maximumf %get3A_972, %get3A_978 : vector<16xf32>
          %max3A_1020 = arith.maximumf %get3A_984, %get3A_990 : vector<16xf32>
          %max3A_1021 = arith.maximumf %get3A_996, %get3A_1002 : vector<16xf32>
          %max3A_1022 = arith.maximumf %get3A_1008, %get3A_1014 : vector<16xf32>
          %max3A_1023 = arith.maximumf %max3A_1015, %max3A_1016 : vector<16xf32>
          %max3A_1024 = arith.maximumf %max3A_1017, %max3A_1018 : vector<16xf32>
          %max3A_1025 = arith.maximumf %max3A_1019, %max3A_1020 : vector<16xf32>
          %max3A_1026 = arith.maximumf %max3A_1021, %max3A_1022 : vector<16xf32>
          %max3A_1027 = arith.maximumf %max3A_1023, %max3A_1024 : vector<16xf32>
          %max3A_1028 = arith.maximumf %max3A_1025, %max3A_1026 : vector<16xf32>
          %max3A_1029 = arith.maximumf %max3A_1027, %max3A_1028 : vector<16xf32>
          %get3A_1030 = arith.constant 64 : index
          %get3A_1031 = tpu.vector_load %arg14[%get3A_1030] {strides = array<i32>} : memref<128xf32, #tpu.memory_space<vmem>>, vector<16xf32>,
          %get3A_1032 = vector.shape_cast %get3A_1031 : vector<16xf32> to vector<16xf32>
          %max3A_1033 = arith.maximumf %get3A_1032, %max3A_1029 : vector<16xf32>
          %swap3A_1034 = arith.constant 64 : index
          %swap3A_1035 = tpu.vector_load %arg14[%swap3A_1034] {strides = array<i32>} : memref<128xf32, #tpu.memory_space<vmem>>, vector<16xf32>,
          %swap3A_1036 = vector.shape_cast %swap3A_1035 : vector<16xf32> to vector<16xf32>
          %swap3A_1037 = vector.shape_cast %max3A_1033 : vector<16xf32> to vector<16xf32>
          tpu.vector_store %arg14[%swap3A_1034], %swap3A_1037 {strides = array<i32>} : memref<128xf32, #tpu.memory_space<vmem>>, vector<16xf32>,
          %add3A_1038 = arith.constant 0 : i32
          %add3A_1039 = arith.addi %add3A_443, %add3A_1038 : i32
          %get3A_1040 = arith.index_cast %add3A_1039 : i32 to index
          %get3A_1041 = arith.constant 80 : index
          %get3A_1042 = tpu.vector_load %arg10[%get3A_1040, %get3A_1041] {strides = array<i32>} : memref<800x128xf32, #tpu.memory_space<vmem>>, vector<1x16xf32>,
          %get3A_1043 = vector.shape_cast %get3A_1042 : vector<1x16xf32> to vector<16xf32>
          %add3A_1044 = arith.constant 1 : i32
          %add3A_1045 = arith.addi %add3A_443, %add3A_1044 : i32
          %get3A_1046 = arith.index_cast %add3A_1045 : i32 to index
          %get3A_1047 = arith.constant 80 : index
          %get3A_1048 = tpu.vector_load %arg10[%get3A_1046, %get3A_1047] {strides = array<i32>} : memref<800x128xf32, #tpu.memory_space<vmem>>, vector<1x16xf32>,
          %get3A_1049 = vector.shape_cast %get3A_1048 : vector<1x16xf32> to vector<16xf32>
          %add3A_1050 = arith.constant 2 : i32
          %add3A_1051 = arith.addi %add3A_443, %add3A_1050 : i32
          %get3A_1052 = arith.index_cast %add3A_1051 : i32 to index
          %get3A_1053 = arith.constant 80 : index
          %get3A_1054 = tpu.vector_load %arg10[%get3A_1052, %get3A_1053] {strides = array<i32>} : memref<800x128xf32, #tpu.memory_space<vmem>>, vector<1x16xf32>,
          %get3A_1055 = vector.shape_cast %get3A_1054 : vector<1x16xf32> to vector<16xf32>
          %add3A_1056 = arith.constant 3 : i32
          %add3A_1057 = arith.addi %add3A_443, %add3A_1056 : i32
          %get3A_1058 = arith.index_cast %add3A_1057 : i32 to index
          %get3A_1059 = arith.constant 80 : index
          %get3A_1060 = tpu.vector_load %arg10[%get3A_1058, %get3A_1059] {strides = array<i32>} : memref<800x128xf32, #tpu.memory_space<vmem>>, vector<1x16xf32>,
          %get3A_1061 = vector.shape_cast %get3A_1060 : vector<1x16xf32> to vector<16xf32>
          %add3A_1062 = arith.constant 4 : i32
          %add3A_1063 = arith.addi %add3A_443, %add3A_1062 : i32
          %get3A_1064 = arith.index_cast %add3A_1063 : i32 to index
          %get3A_1065 = arith.constant 80 : index
          %get3A_1066 = tpu.vector_load %arg10[%get3A_1064, %get3A_1065] {strides = array<i32>} : memref<800x128xf32, #tpu.memory_space<vmem>>, vector<1x16xf32>,
          %get3A_1067 = vector.shape_cast %get3A_1066 : vector<1x16xf32> to vector<16xf32>
          %add3A_1068 = arith.constant 5 : i32
          %add3A_1069 = arith.addi %add3A_443, %add3A_1068 : i32
          %get3A_1070 = arith.index_cast %add3A_1069 : i32 to index
          %get3A_1071 = arith.constant 80 : index
          %get3A_1072 = tpu.vector_load %arg10[%get3A_1070, %get3A_1071] {strides = array<i32>} : memref<800x128xf32, #tpu.memory_space<vmem>>, vector<1x16xf32>,
          %get3A_1073 = vector.shape_cast %get3A_1072 : vector<1x16xf32> to vector<16xf32>
          %add3A_1074 = arith.constant 6 : i32
          %add3A_1075 = arith.addi %add3A_443, %add3A_1074 : i32
          %get3A_1076 = arith.index_cast %add3A_1075 : i32 to index
          %get3A_1077 = arith.constant 80 : index
          %get3A_1078 = tpu.vector_load %arg10[%get3A_1076, %get3A_1077] {strides = array<i32>} : memref<800x128xf32, #tpu.memory_space<vmem>>, vector<1x16xf32>,
          %get3A_1079 = vector.shape_cast %get3A_1078 : vector<1x16xf32> to vector<16xf32>
          %add3A_1080 = arith.constant 7 : i32
          %add3A_1081 = arith.addi %add3A_443, %add3A_1080 : i32
          %get3A_1082 = arith.index_cast %add3A_1081 : i32 to index
          %get3A_1083 = arith.constant 80 : index
          %get3A_1084 = tpu.vector_load %arg10[%get3A_1082, %get3A_1083] {strides = array<i32>} : memref<800x128xf32, #tpu.memory_space<vmem>>, vector<1x16xf32>,
          %get3A_1085 = vector.shape_cast %get3A_1084 : vector<1x16xf32> to vector<16xf32>
          %add3A_1086 = arith.constant 8 : i32
          %add3A_1087 = arith.addi %add3A_443, %add3A_1086 : i32
          %get3A_1088 = arith.index_cast %add3A_1087 : i32 to index
          %get3A_1089 = arith.constant 80 : index
          %get3A_1090 = tpu.vector_load %arg10[%get3A_1088, %get3A_1089] {strides = array<i32>} : memref<800x128xf32, #tpu.memory_space<vmem>>, vector<1x16xf32>,
          %get3A_1091 = vector.shape_cast %get3A_1090 : vector<1x16xf32> to vector<16xf32>
          %add3A_1092 = arith.constant 9 : i32
          %add3A_1093 = arith.addi %add3A_443, %add3A_1092 : i32
          %get3A_1094 = arith.index_cast %add3A_1093 : i32 to index
          %get3A_1095 = arith.constant 80 : index
          %get3A_1096 = tpu.vector_load %arg10[%get3A_1094, %get3A_1095] {strides = array<i32>} : memref<800x128xf32, #tpu.memory_space<vmem>>, vector<1x16xf32>,
          %get3A_1097 = vector.shape_cast %get3A_1096 : vector<1x16xf32> to vector<16xf32>
          %add3A_1098 = arith.constant 10 : i32
          %add3A_1099 = arith.addi %add3A_443, %add3A_1098 : i32
          %get3A_1100 = arith.index_cast %add3A_1099 : i32 to index
          %get3A_1101 = arith.constant 80 : index
          %get3A_1102 = tpu.vector_load %arg10[%get3A_1100, %get3A_1101] {strides = array<i32>} : memref<800x128xf32, #tpu.memory_space<vmem>>, vector<1x16xf32>,
          %get3A_1103 = vector.shape_cast %get3A_1102 : vector<1x16xf32> to vector<16xf32>
          %add3A_1104 = arith.constant 11 : i32
          %add3A_1105 = arith.addi %add3A_443, %add3A_1104 : i32
          %get3A_1106 = arith.index_cast %add3A_1105 : i32 to index
          %get3A_1107 = arith.constant 80 : index
          %get3A_1108 = tpu.vector_load %arg10[%get3A_1106, %get3A_1107] {strides = array<i32>} : memref<800x128xf32, #tpu.memory_space<vmem>>, vector<1x16xf32>,
          %get3A_1109 = vector.shape_cast %get3A_1108 : vector<1x16xf32> to vector<16xf32>
          %add3A_1110 = arith.constant 12 : i32
          %add3A_1111 = arith.addi %add3A_443, %add3A_1110 : i32
          %get3A_1112 = arith.index_cast %add3A_1111 : i32 to index
          %get3A_1113 = arith.constant 80 : index
          %get3A_1114 = tpu.vector_load %arg10[%get3A_1112, %get3A_1113] {strides = array<i32>} : memref<800x128xf32, #tpu.memory_space<vmem>>, vector<1x16xf32>,
          %get3A_1115 = vector.shape_cast %get3A_1114 : vector<1x16xf32> to vector<16xf32>
          %add3A_1116 = arith.constant 13 : i32
          %add3A_1117 = arith.addi %add3A_443, %add3A_1116 : i32
          %get3A_1118 = arith.index_cast %add3A_1117 : i32 to index
          %get3A_1119 = arith.constant 80 : index
          %get3A_1120 = tpu.vector_load %arg10[%get3A_1118, %get3A_1119] {strides = array<i32>} : memref<800x128xf32, #tpu.memory_space<vmem>>, vector<1x16xf32>,
          %get3A_1121 = vector.shape_cast %get3A_1120 : vector<1x16xf32> to vector<16xf32>
          %add3A_1122 = arith.constant 14 : i32
          %add3A_1123 = arith.addi %add3A_443, %add3A_1122 : i32
          %get3A_1124 = arith.index_cast %add3A_1123 : i32 to index
          %get3A_1125 = arith.constant 80 : index
          %get3A_1126 = tpu.vector_load %arg10[%get3A_1124, %get3A_1125] {strides = array<i32>} : memref<800x128xf32, #tpu.memory_space<vmem>>, vector<1x16xf32>,
          %get3A_1127 = vector.shape_cast %get3A_1126 : vector<1x16xf32> to vector<16xf32>
          %add3A_1128 = arith.constant 15 : i32
          %add3A_1129 = arith.addi %add3A_443, %add3A_1128 : i32
          %get3A_1130 = arith.index_cast %add3A_1129 : i32 to index
          %get3A_1131 = arith.constant 80 : index
          %get3A_1132 = tpu.vector_load %arg10[%get3A_1130, %get3A_1131] {strides = array<i32>} : memref<800x128xf32, #tpu.memory_space<vmem>>, vector<1x16xf32>,
          %get3A_1133 = vector.shape_cast %get3A_1132 : vector<1x16xf32> to vector<16xf32>
          %max3A_1134 = arith.maximumf %get3A_1043, %get3A_1049 : vector<16xf32>
          %max3A_1135 = arith.maximumf %get3A_1055, %get3A_1061 : vector<16xf32>
          %max3A_1136 = arith.maximumf %get3A_1067, %get3A_1073 : vector<16xf32>
          %max3A_1137 = arith.maximumf %get3A_1079, %get3A_1085 : vector<16xf32>
          %max3A_1138 = arith.maximumf %get3A_1091, %get3A_1097 : vector<16xf32>
          %max3A_1139 = arith.maximumf %get3A_1103, %get3A_1109 : vector<16xf32>
          %max3A_1140 = arith.maximumf %get3A_1115, %get3A_1121 : vector<16xf32>
          %max3A_1141 = arith.maximumf %get3A_1127, %get3A_1133 : vector<16xf32>
          %max3A_1142 = arith.maximumf %max3A_1134, %max3A_1135 : vector<16xf32>
          %max3A_1143 = arith.maximumf %max3A_1136, %max3A_1137 : vector<16xf32>
          %max3A_1144 = arith.maximumf %max3A_1138, %max3A_1139 : vector<16xf32>
          %max3A_1145 = arith.maximumf %max3A_1140, %max3A_1141 : vector<16xf32>
          %max3A_1146 = arith.maximumf %max3A_1142, %max3A_1143 : vector<16xf32>
          %max3A_1147 = arith.maximumf %max3A_1144, %max3A_1145 : vector<16xf32>
          %max3A_1148 = arith.maximumf %max3A_1146, %max3A_1147 : vector<16xf32>
          %get3A_1149 = arith.constant 80 : index
          %get3A_1150 = tpu.vector_load %arg14[%get3A_1149] {strides = array<i32>} : memref<128xf32, #tpu.memory_space<vmem>>, vector<16xf32>,
          %get3A_1151 = vector.shape_cast %get3A_1150 : vector<16xf32> to vector<16xf32>
          %max3A_1152 = arith.maximumf %get3A_1151, %max3A_1148 : vector<16xf32>
          %swap3A_1153 = arith.constant 80 : index
          %swap3A_1154 = tpu.vector_load %arg14[%swap3A_1153] {strides = array<i32>} : memref<128xf32, #tpu.memory_space<vmem>>, vector<16xf32>,
          %swap3A_1155 = vector.shape_cast %swap3A_1154 : vector<16xf32> to vector<16xf32>
          %swap3A_1156 = vector.shape_cast %max3A_1152 : vector<16xf32> to vector<16xf32>
          tpu.vector_store %arg14[%swap3A_1153], %swap3A_1156 {strides = array<i32>} : memref<128xf32, #tpu.memory_space<vmem>>, vector<16xf32>,
          %add3A_1157 = arith.constant 0 : i32
          %add3A_1158 = arith.addi %add3A_443, %add3A_1157 : i32
          %get3A_1159 = arith.index_cast %add3A_1158 : i32 to index
          %get3A_1160 = arith.constant 96 : index
          %get3A_1161 = tpu.vector_load %arg10[%get3A_1159, %get3A_1160] {strides = array<i32>} : memref<800x128xf32, #tpu.memory_space<vmem>>, vector<1x16xf32>,
          %get3A_1162 = vector.shape_cast %get3A_1161 : vector<1x16xf32> to vector<16xf32>
          %add3A_1163 = arith.constant 1 : i32
          %add3A_1164 = arith.addi %add3A_443, %add3A_1163 : i32
          %get3A_1165 = arith.index_cast %add3A_1164 : i32 to index
          %get3A_1166 = arith.constant 96 : index
          %get3A_1167 = tpu.vector_load %arg10[%get3A_1165, %get3A_1166] {strides = array<i32>} : memref<800x128xf32, #tpu.memory_space<vmem>>, vector<1x16xf32>,
          %get3A_1168 = vector.shape_cast %get3A_1167 : vector<1x16xf32> to vector<16xf32>
          %add3A_1169 = arith.constant 2 : i32
          %add3A_1170 = arith.addi %add3A_443, %add3A_1169 : i32
          %get3A_1171 = arith.index_cast %add3A_1170 : i32 to index
          %get3A_1172 = arith.constant 96 : index
          %get3A_1173 = tpu.vector_load %arg10[%get3A_1171, %get3A_1172] {strides = array<i32>} : memref<800x128xf32, #tpu.memory_space<vmem>>, vector<1x16xf32>,
          %get3A_1174 = vector.shape_cast %get3A_1173 : vector<1x16xf32> to vector<16xf32>
          %add3A_1175 = arith.constant 3 : i32
          %add3A_1176 = arith.addi %add3A_443, %add3A_1175 : i32
          %get3A_1177 = arith.index_cast %add3A_1176 : i32 to index
          %get3A_1178 = arith.constant 96 : index
          %get3A_1179 = tpu.vector_load %arg10[%get3A_1177, %get3A_1178] {strides = array<i32>} : memref<800x128xf32, #tpu.memory_space<vmem>>, vector<1x16xf32>,
          %get3A_1180 = vector.shape_cast %get3A_1179 : vector<1x16xf32> to vector<16xf32>
          %add3A_1181 = arith.constant 4 : i32
          %add3A_1182 = arith.addi %add3A_443, %add3A_1181 : i32
          %get3A_1183 = arith.index_cast %add3A_1182 : i32 to index
          %get3A_1184 = arith.constant 96 : index
          %get3A_1185 = tpu.vector_load %arg10[%get3A_1183, %get3A_1184] {strides = array<i32>} : memref<800x128xf32, #tpu.memory_space<vmem>>, vector<1x16xf32>,
          %get3A_1186 = vector.shape_cast %get3A_1185 : vector<1x16xf32> to vector<16xf32>
          %add3A_1187 = arith.constant 5 : i32
          %add3A_1188 = arith.addi %add3A_443, %add3A_1187 : i32
          %get3A_1189 = arith.index_cast %add3A_1188 : i32 to index
          %get3A_1190 = arith.constant 96 : index
          %get3A_1191 = tpu.vector_load %arg10[%get3A_1189, %get3A_1190] {strides = array<i32>} : memref<800x128xf32, #tpu.memory_space<vmem>>, vector<1x16xf32>,
          %get3A_1192 = vector.shape_cast %get3A_1191 : vector<1x16xf32> to vector<16xf32>
          %add3A_1193 = arith.constant 6 : i32
          %add3A_1194 = arith.addi %add3A_443, %add3A_1193 : i32
          %get3A_1195 = arith.index_cast %add3A_1194 : i32 to index
          %get3A_1196 = arith.constant 96 : index
          %get3A_1197 = tpu.vector_load %arg10[%get3A_1195, %get3A_1196] {strides = array<i32>} : memref<800x128xf32, #tpu.memory_space<vmem>>, vector<1x16xf32>,
          %get3A_1198 = vector.shape_cast %get3A_1197 : vector<1x16xf32> to vector<16xf32>
          %add3A_1199 = arith.constant 7 : i32
          %add3A_1200 = arith.addi %add3A_443, %add3A_1199 : i32
          %get3A_1201 = arith.index_cast %add3A_1200 : i32 to index
          %get3A_1202 = arith.constant 96 : index
          %get3A_1203 = tpu.vector_load %arg10[%get3A_1201, %get3A_1202] {strides = array<i32>} : memref<800x128xf32, #tpu.memory_space<vmem>>, vector<1x16xf32>,
          %get3A_1204 = vector.shape_cast %get3A_1203 : vector<1x16xf32> to vector<16xf32>
          %add3A_1205 = arith.constant 8 : i32
          %add3A_1206 = arith.addi %add3A_443, %add3A_1205 : i32
          %get3A_1207 = arith.index_cast %add3A_1206 : i32 to index
          %get3A_1208 = arith.constant 96 : index
          %get3A_1209 = tpu.vector_load %arg10[%get3A_1207, %get3A_1208] {strides = array<i32>} : memref<800x128xf32, #tpu.memory_space<vmem>>, vector<1x16xf32>,
          %get3A_1210 = vector.shape_cast %get3A_1209 : vector<1x16xf32> to vector<16xf32>
          %add3A_1211 = arith.constant 9 : i32
          %add3A_1212 = arith.addi %add3A_443, %add3A_1211 : i32
          %get3A_1213 = arith.index_cast %add3A_1212 : i32 to index
          %get3A_1214 = arith.constant 96 : index
          %get3A_1215 = tpu.vector_load %arg10[%get3A_1213, %get3A_1214] {strides = array<i32>} : memref<800x128xf32, #tpu.memory_space<vmem>>, vector<1x16xf32>,
          %get3A_1216 = vector.shape_cast %get3A_1215 : vector<1x16xf32> to vector<16xf32>
          %add3A_1217 = arith.constant 10 : i32
          %add3A_1218 = arith.addi %add3A_443, %add3A_1217 : i32
          %get3A_1219 = arith.index_cast %add3A_1218 : i32 to index
          %get3A_1220 = arith.constant 96 : index
          %get3A_1221 = tpu.vector_load %arg10[%get3A_1219, %get3A_1220] {strides = array<i32>} : memref<800x128xf32, #tpu.memory_space<vmem>>, vector<1x16xf32>,
          %get3A_1222 = vector.shape_cast %get3A_1221 : vector<1x16xf32> to vector<16xf32>
          %add3A_1223 = arith.constant 11 : i32
          %add3A_1224 = arith.addi %add3A_443, %add3A_1223 : i32
          %get3A_1225 = arith.index_cast %add3A_1224 : i32 to index
          %get3A_1226 = arith.constant 96 : index
          %get3A_1227 = tpu.vector_load %arg10[%get3A_1225, %get3A_1226] {strides = array<i32>} : memref<800x128xf32, #tpu.memory_space<vmem>>, vector<1x16xf32>,
          %get3A_1228 = vector.shape_cast %get3A_1227 : vector<1x16xf32> to vector<16xf32>
          %add3A_1229 = arith.constant 12 : i32
          %add3A_1230 = arith.addi %add3A_443, %add3A_1229 : i32
          %get3A_1231 = arith.index_cast %add3A_1230 : i32 to index
          %get3A_1232 = arith.constant 96 : index
          %get3A_1233 = tpu.vector_load %arg10[%get3A_1231, %get3A_1232] {strides = array<i32>} : memref<800x128xf32, #tpu.memory_space<vmem>>, vector<1x16xf32>,
          %get3A_1234 = vector.shape_cast %get3A_1233 : vector<1x16xf32> to vector<16xf32>
          %add3A_1235 = arith.constant 13 : i32
          %add3A_1236 = arith.addi %add3A_443, %add3A_1235 : i32
          %get3A_1237 = arith.index_cast %add3A_1236 : i32 to index
          %get3A_1238 = arith.constant 96 : index
          %get3A_1239 = tpu.vector_load %arg10[%get3A_1237, %get3A_1238] {strides = array<i32>} : memref<800x128xf32, #tpu.memory_space<vmem>>, vector<1x16xf32>,
          %get3A_1240 = vector.shape_cast %get3A_1239 : vector<1x16xf32> to vector<16xf32>
          %add3A_1241 = arith.constant 14 : i32
          %add3A_1242 = arith.addi %add3A_443, %add3A_1241 : i32
          %get3A_1243 = arith.index_cast %add3A_1242 : i32 to index
          %get3A_1244 = arith.constant 96 : index
          %get3A_1245 = tpu.vector_load %arg10[%get3A_1243, %get3A_1244] {strides = array<i32>} : memref<800x128xf32, #tpu.memory_space<vmem>>, vector<1x16xf32>,
          %get3A_1246 = vector.shape_cast %get3A_1245 : vector<1x16xf32> to vector<16xf32>
          %add3A_1247 = arith.constant 15 : i32
          %add3A_1248 = arith.addi %add3A_443, %add3A_1247 : i32
          %get3A_1249 = arith.index_cast %add3A_1248 : i32 to index
          %get3A_1250 = arith.constant 96 : index
          %get3A_1251 = tpu.vector_load %arg10[%get3A_1249, %get3A_1250] {strides = array<i32>} : memref<800x128xf32, #tpu.memory_space<vmem>>, vector<1x16xf32>,
          %get3A_1252 = vector.shape_cast %get3A_1251 : vector<1x16xf32> to vector<16xf32>
          %max3A_1253 = arith.maximumf %get3A_1162, %get3A_1168 : vector<16xf32>
          %max3A_1254 = arith.maximumf %get3A_1174, %get3A_1180 : vector<16xf32>
          %max3A_1255 = arith.maximumf %get3A_1186, %get3A_1192 : vector<16xf32>
          %max3A_1256 = arith.maximumf %get3A_1198, %get3A_1204 : vector<16xf32>
          %max3A_1257 = arith.maximumf %get3A_1210, %get3A_1216 : vector<16xf32>
          %max3A_1258 = arith.maximumf %get3A_1222, %get3A_1228 : vector<16xf32>
          %max3A_1259 = arith.maximumf %get3A_1234, %get3A_1240 : vector<16xf32>
          %max3A_1260 = arith.maximumf %get3A_1246, %get3A_1252 : vector<16xf32>
          %max3A_1261 = arith.maximumf %max3A_1253, %max3A_1254 : vector<16xf32>
          %max3A_1262 = arith.maximumf %max3A_1255, %max3A_1256 : vector<16xf32>
          %max3A_1263 = arith.maximumf %max3A_1257, %max3A_1258 : vector<16xf32>
          %max3A_1264 = arith.maximumf %max3A_1259, %max3A_1260 : vector<16xf32>
          %max3A_1265 = arith.maximumf %max3A_1261, %max3A_1262 : vector<16xf32>
          %max3A_1266 = arith.maximumf %max3A_1263, %max3A_1264 : vector<16xf32>
          %max3A_1267 = arith.maximumf %max3A_1265, %max3A_1266 : vector<16xf32>
          %get3A_1268 = arith.constant 96 : index
          %get3A_1269 = tpu.vector_load %arg14[%get3A_1268] {strides = array<i32>} : memref<128xf32, #tpu.memory_space<vmem>>, vector<16xf32>,
          %get3A_1270 = vector.shape_cast %get3A_1269 : vector<16xf32> to vector<16xf32>
          %max3A_1271 = arith.maximumf %get3A_1270, %max3A_1267 : vector<16xf32>
          %swap3A_1272 = arith.constant 96 : index
          %swap3A_1273 = tpu.vector_load %arg14[%swap3A_1272] {strides = array<i32>} : memref<128xf32, #tpu.memory_space<vmem>>, vector<16xf32>,
          %swap3A_1274 = vector.shape_cast %swap3A_1273 : vector<16xf32> to vector<16xf32>
          %swap3A_1275 = vector.shape_cast %max3A_1271 : vector<16xf32> to vector<16xf32>
          tpu.vector_store %arg14[%swap3A_1272], %swap3A_1275 {strides = array<i32>} : memref<128xf32, #tpu.memory_space<vmem>>, vector<16xf32>,
          %add3A_1276 = arith.constant 0 : i32
          %add3A_1277 = arith.addi %add3A_443, %add3A_1276 : i32
          %get3A_1278 = arith.index_cast %add3A_1277 : i32 to index
          %get3A_1279 = arith.constant 112 : index
          %get3A_1280 = tpu.vector_load %arg10[%get3A_1278, %get3A_1279] {strides = array<i32>} : memref<800x128xf32, #tpu.memory_space<vmem>>, vector<1x16xf32>,
          %get3A_1281 = vector.shape_cast %get3A_1280 : vector<1x16xf32> to vector<16xf32>
          %add3A_1282 = arith.constant 1 : i32
          %add3A_1283 = arith.addi %add3A_443, %add3A_1282 : i32
          %get3A_1284 = arith.index_cast %add3A_1283 : i32 to index
          %get3A_1285 = arith.constant 112 : index
          %get3A_1286 = tpu.vector_load %arg10[%get3A_1284, %get3A_1285] {strides = array<i32>} : memref<800x128xf32, #tpu.memory_space<vmem>>, vector<1x16xf32>,
          %get3A_1287 = vector.shape_cast %get3A_1286 : vector<1x16xf32> to vector<16xf32>
          %add3A_1288 = arith.constant 2 : i32
          %add3A_1289 = arith.addi %add3A_443, %add3A_1288 : i32
          %get3A_1290 = arith.index_cast %add3A_1289 : i32 to index
          %get3A_1291 = arith.constant 112 : index
          %get3A_1292 = tpu.vector_load %arg10[%get3A_1290, %get3A_1291] {strides = array<i32>} : memref<800x128xf32, #tpu.memory_space<vmem>>, vector<1x16xf32>,
          %get3A_1293 = vector.shape_cast %get3A_1292 : vector<1x16xf32> to vector<16xf32>
          %add3A_1294 = arith.constant 3 : i32
          %add3A_1295 = arith.addi %add3A_443, %add3A_1294 : i32
          %get3A_1296 = arith.index_cast %add3A_1295 : i32 to index
          %get3A_1297 = arith.constant 112 : index
          %get3A_1298 = tpu.vector_load %arg10[%get3A_1296, %get3A_1297] {strides = array<i32>} : memref<800x128xf32, #tpu.memory_space<vmem>>, vector<1x16xf32>,
          %get3A_1299 = vector.shape_cast %get3A_1298 : vector<1x16xf32> to vector<16xf32>
          %add3A_1300 = arith.constant 4 : i32
          %add3A_1301 = arith.addi %add3A_443, %add3A_1300 : i32
          %get3A_1302 = arith.index_cast %add3A_1301 : i32 to index
          %get3A_1303 = arith.constant 112 : index
          %get3A_1304 = tpu.vector_load %arg10[%get3A_1302, %get3A_1303] {strides = array<i32>} : memref<800x128xf32, #tpu.memory_space<vmem>>, vector<1x16xf32>,
          %get3A_1305 = vector.shape_cast %get3A_1304 : vector<1x16xf32> to vector<16xf32>
          %add3A_1306 = arith.constant 5 : i32
          %add3A_1307 = arith.addi %add3A_443, %add3A_1306 : i32
          %get3A_1308 = arith.index_cast %add3A_1307 : i32 to index
          %get3A_1309 = arith.constant 112 : index
          %get3A_1310 = tpu.vector_load %arg10[%get3A_1308, %get3A_1309] {strides = array<i32>} : memref<800x128xf32, #tpu.memory_space<vmem>>, vector<1x16xf32>,
          %get3A_1311 = vector.shape_cast %get3A_1310 : vector<1x16xf32> to vector<16xf32>
          %add3A_1312 = arith.constant 6 : i32
          %add3A_1313 = arith.addi %add3A_443, %add3A_1312 : i32
          %get3A_1314 = arith.index_cast %add3A_1313 : i32 to index
          %get3A_1315 = arith.constant 112 : index
          %get3A_1316 = tpu.vector_load %arg10[%get3A_1314, %get3A_1315] {strides = array<i32>} : memref<800x128xf32, #tpu.memory_space<vmem>>, vector<1x16xf32>,
          %get3A_1317 = vector.shape_cast %get3A_1316 : vector<1x16xf32> to vector<16xf32>
          %add3A_1318 = arith.constant 7 : i32
          %add3A_1319 = arith.addi %add3A_443, %add3A_1318 : i32
          %get3A_1320 = arith.index_cast %add3A_1319 : i32 to index
          %get3A_1321 = arith.constant 112 : index
          %get3A_1322 = tpu.vector_load %arg10[%get3A_1320, %get3A_1321] {strides = array<i32>} : memref<800x128xf32, #tpu.memory_space<vmem>>, vector<1x16xf32>,
          %get3A_1323 = vector.shape_cast %get3A_1322 : vector<1x16xf32> to vector<16xf32>
          %add3A_1324 = arith.constant 8 : i32
          %add3A_1325 = arith.addi %add3A_443, %add3A_1324 : i32
          %get3A_1326 = arith.index_cast %add3A_1325 : i32 to index
          %get3A_1327 = arith.constant 112 : index
          %get3A_1328 = tpu.vector_load %arg10[%get3A_1326, %get3A_1327] {strides = array<i32>} : memref<800x128xf32, #tpu.memory_space<vmem>>, vector<1x16xf32>,
          %get3A_1329 = vector.shape_cast %get3A_1328 : vector<1x16xf32> to vector<16xf32>
          %add3A_1330 = arith.constant 9 : i32
          %add3A_1331 = arith.addi %add3A_443, %add3A_1330 : i32
          %get3A_1332 = arith.index_cast %add3A_1331 : i32 to index
          %get3A_1333 = arith.constant 112 : index
          %get3A_1334 = tpu.vector_load %arg10[%get3A_1332, %get3A_1333] {strides = array<i32>} : memref<800x128xf32, #tpu.memory_space<vmem>>, vector<1x16xf32>,
          %get3A_1335 = vector.shape_cast %get3A_1334 : vector<1x16xf32> to vector<16xf32>
          %add3A_1336 = arith.constant 10 : i32
          %add3A_1337 = arith.addi %add3A_443, %add3A_1336 : i32
          %get3A_1338 = arith.index_cast %add3A_1337 : i32 to index
          %get3A_1339 = arith.constant 112 : index
          %get3A_1340 = tpu.vector_load %arg10[%get3A_1338, %get3A_1339] {strides = array<i32>} : memref<800x128xf32, #tpu.memory_space<vmem>>, vector<1x16xf32>,
          %get3A_1341 = vector.shape_cast %get3A_1340 : vector<1x16xf32> to vector<16xf32>
          %add3A_1342 = arith.constant 11 : i32
          %add3A_1343 = arith.addi %add3A_443, %add3A_1342 : i32
          %get3A_1344 = arith.index_cast %add3A_1343 : i32 to index
          %get3A_1345 = arith.constant 112 : index
          %get3A_1346 = tpu.vector_load %arg10[%get3A_1344, %get3A_1345] {strides = array<i32>} : memref<800x128xf32, #tpu.memory_space<vmem>>, vector<1x16xf32>,
          %get3A_1347 = vector.shape_cast %get3A_1346 : vector<1x16xf32> to vector<16xf32>
          %add3A_1348 = arith.constant 12 : i32
          %add3A_1349 = arith.addi %add3A_443, %add3A_1348 : i32
          %get3A_1350 = arith.index_cast %add3A_1349 : i32 to index
          %get3A_1351 = arith.constant 112 : index
          %get3A_1352 = tpu.vector_load %arg10[%get3A_1350, %get3A_1351] {strides = array<i32>} : memref<800x128xf32, #tpu.memory_space<vmem>>, vector<1x16xf32>,
          %get3A_1353 = vector.shape_cast %get3A_1352 : vector<1x16xf32> to vector<16xf32>
          %add3A_1354 = arith.constant 13 : i32
          %add3A_1355 = arith.addi %add3A_443, %add3A_1354 : i32
          %get3A_1356 = arith.index_cast %add3A_1355 : i32 to index
          %get3A_1357 = arith.constant 112 : index
          %get3A_1358 = tpu.vector_load %arg10[%get3A_1356, %get3A_1357] {strides = array<i32>} : memref<800x128xf32, #tpu.memory_space<vmem>>, vector<1x16xf32>,
          %get3A_1359 = vector.shape_cast %get3A_1358 : vector<1x16xf32> to vector<16xf32>
          %add3A_1360 = arith.constant 14 : i32
          %add3A_1361 = arith.addi %add3A_443, %add3A_1360 : i32
          %get3A_1362 = arith.index_cast %add3A_1361 : i32 to index
          %get3A_1363 = arith.constant 112 : index
          %get3A_1364 = tpu.vector_load %arg10[%get3A_1362, %get3A_1363] {strides = array<i32>} : memref<800x128xf32, #tpu.memory_space<vmem>>, vector<1x16xf32>,
          %get3A_1365 = vector.shape_cast %get3A_1364 : vector<1x16xf32> to vector<16xf32>
          %add3A_1366 = arith.constant 15 : i32
          %add3A_1367 = arith.addi %add3A_443, %add3A_1366 : i32
          %get3A_1368 = arith.index_cast %add3A_1367 : i32 to index
          %get3A_1369 = arith.constant 112 : index
          %get3A_1370 = tpu.vector_load %arg10[%get3A_1368, %get3A_1369] {strides = array<i32>} : memref<800x128xf32, #tpu.memory_space<vmem>>, vector<1x16xf32>,
          %get3A_1371 = vector.shape_cast %get3A_1370 : vector<1x16xf32> to vector<16xf32>
          %max3A_1372 = arith.maximumf %get3A_1281, %get3A_1287 : vector<16xf32>
          %max3A_1373 = arith.maximumf %get3A_1293, %get3A_1299 : vector<16xf32>
          %max3A_1374 = arith.maximumf %get3A_1305, %get3A_1311 : vector<16xf32>
          %max3A_1375 = arith.maximumf %get3A_1317, %get3A_1323 : vector<16xf32>
          %max3A_1376 = arith.maximumf %get3A_1329, %get3A_1335 : vector<16xf32>
          %max3A_1377 = arith.maximumf %get3A_1341, %get3A_1347 : vector<16xf32>
          %max3A_1378 = arith.maximumf %get3A_1353, %get3A_1359 : vector<16xf32>
          %max3A_1379 = arith.maximumf %get3A_1365, %get3A_1371 : vector<16xf32>
          %max3A_1380 = arith.maximumf %max3A_1372, %max3A_1373 : vector<16xf32>
          %max3A_1381 = arith.maximumf %max3A_1374, %max3A_1375 : vector<16xf32>
          %max3A_1382 = arith.maximumf %max3A_1376, %max3A_1377 : vector<16xf32>
          %max3A_1383 = arith.maximumf %max3A_1378, %max3A_1379 : vector<16xf32>
          %max3A_1384 = arith.maximumf %max3A_1380, %max3A_1381 : vector<16xf32>
          %max3A_1385 = arith.maximumf %max3A_1382, %max3A_1383 : vector<16xf32>
          %max3A_1386 = arith.maximumf %max3A_1384, %max3A_1385 : vector<16xf32>
          %get3A_1387 = arith.constant 112 : index
          %get3A_1388 = tpu.vector_load %arg14[%get3A_1387] {strides = array<i32>} : memref<128xf32, #tpu.memory_space<vmem>>, vector<16xf32>,
          %get3A_1389 = vector.shape_cast %get3A_1388 : vector<16xf32> to vector<16xf32>
          %max3A_1390 = arith.maximumf %get3A_1389, %max3A_1386 : vector<16xf32>
          %swap3A_1391 = arith.constant 112 : index
          %swap3A_1392 = tpu.vector_load %arg14[%swap3A_1391] {strides = array<i32>} : memref<128xf32, #tpu.memory_space<vmem>>, vector<16xf32>,
          %swap3A_1393 = vector.shape_cast %swap3A_1392 : vector<16xf32> to vector<16xf32>
          %swap3A_1394 = vector.shape_cast %max3A_1390 : vector<16xf32> to vector<16xf32>
          tpu.vector_store %arg14[%swap3A_1391], %swap3A_1394 {strides = array<i32>} : memref<128xf32, #tpu.memory_space<vmem>>, vector<16xf32>,
        } else {
        }
        %convert_element_type3A_430 = arith.extui %and3A_426 : i1 to i32
        %cond3A_431 = arith.constant 0 : i32
        %cond3A_432 = arith.cmpi ne, %convert_element_type3A_430, %cond3A_431 : i32
        scf.if %cond3A_432 {
          %mul3A_439 = arith.constant 0 : i32
          %mul3A_440 = arith.muli %squeeze3A_329, %mul3A_439 : i32
          %eq3A_441 = arith.cmpi eq, %squeeze3A_329, %scan3A_314 : i32
          %convert_element_type3A_442 = arith.extui %eq3A_441 : i1 to i32
          %add3A_443 = arith.addi %mul3A_440, %convert_element_type3A_442 : i32
          %eq3A_444 = arith.cmpi eq, %squeeze3A_331, %scan3A_314 : i32
          %convert_element_type3A_445 = arith.extui %eq3A_444 : i1 to i32
          %add3A_446 = arith.addi %add3A_443, %convert_element_type3A_445 : i32
          %eq3A_447 = arith.cmpi eq, %squeeze3A_333, %scan3A_314 : i32
          %convert_element_type3A_448 = arith.extui %eq3A_447 : i1 to i32
          %add3A_449 = arith.addi %add3A_446, %convert_element_type3A_448 : i32
          %eq3A_450 = arith.cmpi eq, %squeeze3A_335, %scan3A_314 : i32
          %convert_element_type3A_451 = arith.extui %eq3A_450 : i1 to i32
          %add3A_452 = arith.addi %add3A_449, %convert_element_type3A_451 : i32
          %eq3A_453 = arith.cmpi eq, %squeeze3A_337, %scan3A_314 : i32
          %convert_element_type3A_454 = arith.extui %eq3A_453 : i1 to i32
          %add3A_455 = arith.addi %add3A_452, %convert_element_type3A_454 : i32
          %eq3A_456 = arith.cmpi eq, %squeeze3A_339, %scan3A_314 : i32
          %convert_element_type3A_457 = arith.extui %eq3A_456 : i1 to i32
          %add3A_458 = arith.addi %add3A_455, %convert_element_type3A_457 : i32
          %eq3A_459 = arith.cmpi eq, %squeeze3A_341, %scan3A_314 : i32
          %convert_element_type3A_460 = arith.extui %eq3A_459 : i1 to i32
          %add3A_461 = arith.addi %add3A_458, %convert_element_type3A_460 : i32
          %eq3A_462 = arith.cmpi eq, %squeeze3A_343, %scan3A_314 : i32
          %convert_element_type3A_463 = arith.extui %eq3A_462 : i1 to i32
          %add3A_464 = arith.addi %add3A_461, %convert_element_type3A_463 : i32
          %eq3A_465 = arith.cmpi eq, %squeeze3A_345, %scan3A_314 : i32
          %convert_element_type3A_466 = arith.extui %eq3A_465 : i1 to i32
          %add3A_467 = arith.addi %add3A_464, %convert_element_type3A_466 : i32
          %eq3A_468 = arith.cmpi eq, %squeeze3A_347, %scan3A_314 : i32
          %convert_element_type3A_469 = arith.extui %eq3A_468 : i1 to i32
          %add3A_470 = arith.addi %add3A_467, %convert_element_type3A_469 : i32
          %eq3A_471 = arith.cmpi eq, %squeeze3A_349, %scan3A_314 : i32
          %convert_element_type3A_472 = arith.extui %eq3A_471 : i1 to i32
          %add3A_473 = arith.addi %add3A_470, %convert_element_type3A_472 : i32
          %eq3A_474 = arith.cmpi eq, %squeeze3A_351, %scan3A_314 : i32
          %convert_element_type3A_475 = arith.extui %eq3A_474 : i1 to i32
          %add3A_476 = arith.addi %add3A_473, %convert_element_type3A_475 : i32
          %eq3A_477 = arith.cmpi eq, %squeeze3A_353, %scan3A_314 : i32
          %convert_element_type3A_478 = arith.extui %eq3A_477 : i1 to i32
          %add3A_479 = arith.addi %add3A_476, %convert_element_type3A_478 : i32
          %eq3A_480 = arith.cmpi eq, %squeeze3A_355, %scan3A_314 : i32
          %convert_element_type3A_481 = arith.extui %eq3A_480 : i1 to i32
          %add3A_482 = arith.addi %add3A_479, %convert_element_type3A_481 : i32
          %eq3A_483 = arith.cmpi eq, %squeeze3A_357, %scan3A_314 : i32
          %convert_element_type3A_484 = arith.extui %eq3A_483 : i1 to i32
          %add3A_485 = arith.addi %add3A_482, %convert_element_type3A_484 : i32
          %eq3A_486 = arith.cmpi eq, %squeeze3A_359, %scan3A_314 : i32
          %convert_element_type3A_487 = arith.extui %eq3A_486 : i1 to i32
          %add3A_488 = arith.addi %add3A_485, %convert_element_type3A_487 : i32
          %get3A_489 = arith.constant 0 : i32
          %get3A_490 = arith.index_cast %get3A_489 : i32 to index
          %get3A_491 = memref.load %arg15[%get3A_490] : memref<2xi32, #tpu.memory_space<smem>>
          %get3A_492 = arith.constant 1 : i32
          %get3A_493 = arith.index_cast %get3A_492 : i32 to index
          %get3A_494 = memref.load %arg15[%get3A_493] : memref<2xi32, #tpu.memory_space<smem>>
          %mul3A_495 = arith.constant 400 : i32
          %mul3A_496 = arith.muli %rem3A_235, %mul3A_495 : i32
          %mul3A_497 = arith.constant 16 : i32
          %mul3A_498 = arith.muli %scan3A_313, %mul3A_497 : i32
          %add3A_499 = arith.addi %mul3A_496, %mul3A_498 : i32
          %gt3A_500 = arith.constant 0 : i32
          %gt3A_501 = arith.cmpi sgt, %add3A_488, %gt3A_500 : i32
          %gt3A_502 = arith.constant 1 : i32
          %gt3A_503 = arith.cmpi sgt, %add3A_488, %gt3A_502 : i32
          %gt3A_504 = arith.constant 2 : i32
          %gt3A_505 = arith.cmpi sgt, %add3A_488, %gt3A_504 : i32
          %gt3A_506 = arith.constant 3 : i32
          %gt3A_507 = arith.cmpi sgt, %add3A_488, %gt3A_506 : i32
          %gt3A_508 = arith.constant 4 : i32
          %gt3A_509 = arith.cmpi sgt, %add3A_488, %gt3A_508 : i32
          %gt3A_510 = arith.constant 5 : i32
          %gt3A_511 = arith.cmpi sgt, %add3A_488, %gt3A_510 : i32
          %gt3A_512 = arith.constant 6 : i32
          %gt3A_513 = arith.cmpi sgt, %add3A_488, %gt3A_512 : i32
          %gt3A_514 = arith.constant 7 : i32
          %gt3A_515 = arith.cmpi sgt, %add3A_488, %gt3A_514 : i32
          %gt3A_516 = arith.constant 8 : i32
          %gt3A_517 = arith.cmpi sgt, %add3A_488, %gt3A_516 : i32
          %gt3A_518 = arith.constant 9 : i32
          %gt3A_519 = arith.cmpi sgt, %add3A_488, %gt3A_518 : i32
          %gt3A_520 = arith.constant 10 : i32
          %gt3A_521 = arith.cmpi sgt, %add3A_488, %gt3A_520 : i32
          %gt3A_522 = arith.constant 11 : i32
          %gt3A_523 = arith.cmpi sgt, %add3A_488, %gt3A_522 : i32
          %gt3A_524 = arith.constant 12 : i32
          %gt3A_525 = arith.cmpi sgt, %add3A_488, %gt3A_524 : i32
          %gt3A_526 = arith.constant 13 : i32
          %gt3A_527 = arith.cmpi sgt, %add3A_488, %gt3A_526 : i32
          %gt3A_528 = arith.constant 14 : i32
          %gt3A_529 = arith.cmpi sgt, %add3A_488, %gt3A_528 : i32
          %gt3A_530 = arith.constant 15 : i32
          %gt3A_531 = arith.cmpi sgt, %add3A_488, %gt3A_530 : i32
          %add3A_532 = arith.constant 0 : i32
          %add3A_533 = arith.addi %add3A_499, %add3A_532 : i32
          %get3A_534 = arith.index_cast %add3A_533 : i32 to index
          %get3A_535 = arith.constant 0 : index
          %get3A_536 = tpu.vector_load %arg10[%get3A_534, %get3A_535] {strides = array<i32>} : memref<800x128xf32, #tpu.memory_space<vmem>>, vector<1x16xf32>,
          %get3A_537 = vector.shape_cast %get3A_536 : vector<1x16xf32> to vector<16xf32>
          %add3A_538 = arith.constant 1 : i32
          %add3A_539 = arith.addi %add3A_499, %add3A_538 : i32
          %get3A_540 = arith.index_cast %add3A_539 : i32 to index
          %get3A_541 = arith.constant 0 : index
          %get3A_542 = tpu.vector_load %arg10[%get3A_540, %get3A_541] {strides = array<i32>} : memref<800x128xf32, #tpu.memory_space<vmem>>, vector<1x16xf32>,
          %get3A_543 = vector.shape_cast %get3A_542 : vector<1x16xf32> to vector<16xf32>
          %add3A_544 = arith.constant 2 : i32
          %add3A_545 = arith.addi %add3A_499, %add3A_544 : i32
          %get3A_546 = arith.index_cast %add3A_545 : i32 to index
          %get3A_547 = arith.constant 0 : index
          %get3A_548 = tpu.vector_load %arg10[%get3A_546, %get3A_547] {strides = array<i32>} : memref<800x128xf32, #tpu.memory_space<vmem>>, vector<1x16xf32>,
          %get3A_549 = vector.shape_cast %get3A_548 : vector<1x16xf32> to vector<16xf32>
          %add3A_550 = arith.constant 3 : i32
          %add3A_551 = arith.addi %add3A_499, %add3A_550 : i32
          %get3A_552 = arith.index_cast %add3A_551 : i32 to index
          %get3A_553 = arith.constant 0 : index
          %get3A_554 = tpu.vector_load %arg10[%get3A_552, %get3A_553] {strides = array<i32>} : memref<800x128xf32, #tpu.memory_space<vmem>>, vector<1x16xf32>,
          %get3A_555 = vector.shape_cast %get3A_554 : vector<1x16xf32> to vector<16xf32>
          %add3A_556 = arith.constant 4 : i32
          %add3A_557 = arith.addi %add3A_499, %add3A_556 : i32
          %get3A_558 = arith.index_cast %add3A_557 : i32 to index
          %get3A_559 = arith.constant 0 : index
          %get3A_560 = tpu.vector_load %arg10[%get3A_558, %get3A_559] {strides = array<i32>} : memref<800x128xf32, #tpu.memory_space<vmem>>, vector<1x16xf32>,
          %get3A_561 = vector.shape_cast %get3A_560 : vector<1x16xf32> to vector<16xf32>
          %add3A_562 = arith.constant 5 : i32
          %add3A_563 = arith.addi %add3A_499, %add3A_562 : i32
          %get3A_564 = arith.index_cast %add3A_563 : i32 to index
          %get3A_565 = arith.constant 0 : index
          %get3A_566 = tpu.vector_load %arg10[%get3A_564, %get3A_565] {strides = array<i32>} : memref<800x128xf32, #tpu.memory_space<vmem>>, vector<1x16xf32>,
          %get3A_567 = vector.shape_cast %get3A_566 : vector<1x16xf32> to vector<16xf32>
          %add3A_568 = arith.constant 6 : i32
          %add3A_569 = arith.addi %add3A_499, %add3A_568 : i32
          %get3A_570 = arith.index_cast %add3A_569 : i32 to index
          %get3A_571 = arith.constant 0 : index
          %get3A_572 = tpu.vector_load %arg10[%get3A_570, %get3A_571] {strides = array<i32>} : memref<800x128xf32, #tpu.memory_space<vmem>>, vector<1x16xf32>,
          %get3A_573 = vector.shape_cast %get3A_572 : vector<1x16xf32> to vector<16xf32>
          %add3A_574 = arith.constant 7 : i32
          %add3A_575 = arith.addi %add3A_499, %add3A_574 : i32
          %get3A_576 = arith.index_cast %add3A_575 : i32 to index
          %get3A_577 = arith.constant 0 : index
          %get3A_578 = tpu.vector_load %arg10[%get3A_576, %get3A_577] {strides = array<i32>} : memref<800x128xf32, #tpu.memory_space<vmem>>, vector<1x16xf32>,
          %get3A_579 = vector.shape_cast %get3A_578 : vector<1x16xf32> to vector<16xf32>
          %add3A_580 = arith.constant 8 : i32
          %add3A_581 = arith.addi %add3A_499, %add3A_580 : i32
          %get3A_582 = arith.index_cast %add3A_581 : i32 to index
          %get3A_583 = arith.constant 0 : index
          %get3A_584 = tpu.vector_load %arg10[%get3A_582, %get3A_583] {strides = array<i32>} : memref<800x128xf32, #tpu.memory_space<vmem>>, vector<1x16xf32>,
          %get3A_585 = vector.shape_cast %get3A_584 : vector<1x16xf32> to vector<16xf32>
          %add3A_586 = arith.constant 9 : i32
          %add3A_587 = arith.addi %add3A_499, %add3A_586 : i32
          %get3A_588 = arith.index_cast %add3A_587 : i32 to index
          %get3A_589 = arith.constant 0 : index
          %get3A_590 = tpu.vector_load %arg10[%get3A_588, %get3A_589] {strides = array<i32>} : memref<800x128xf32, #tpu.memory_space<vmem>>, vector<1x16xf32>,
          %get3A_591 = vector.shape_cast %get3A_590 : vector<1x16xf32> to vector<16xf32>
          %add3A_592 = arith.constant 10 : i32
          %add3A_593 = arith.addi %add3A_499, %add3A_592 : i32
          %get3A_594 = arith.index_cast %add3A_593 : i32 to index
          %get3A_595 = arith.constant 0 : index
          %get3A_596 = tpu.vector_load %arg10[%get3A_594, %get3A_595] {strides = array<i32>} : memref<800x128xf32, #tpu.memory_space<vmem>>, vector<1x16xf32>,
          %get3A_597 = vector.shape_cast %get3A_596 : vector<1x16xf32> to vector<16xf32>
          %add3A_598 = arith.constant 11 : i32
          %add3A_599 = arith.addi %add3A_499, %add3A_598 : i32
          %get3A_600 = arith.index_cast %add3A_599 : i32 to index
          %get3A_601 = arith.constant 0 : index
          %get3A_602 = tpu.vector_load %arg10[%get3A_600, %get3A_601] {strides = array<i32>} : memref<800x128xf32, #tpu.memory_space<vmem>>, vector<1x16xf32>,
          %get3A_603 = vector.shape_cast %get3A_602 : vector<1x16xf32> to vector<16xf32>
          %add3A_604 = arith.constant 12 : i32
          %add3A_605 = arith.addi %add3A_499, %add3A_604 : i32
          %get3A_606 = arith.index_cast %add3A_605 : i32 to index
          %get3A_607 = arith.constant 0 : index
          %get3A_608 = tpu.vector_load %arg10[%get3A_606, %get3A_607] {strides = array<i32>} : memref<800x128xf32, #tpu.memory_space<vmem>>, vector<1x16xf32>,
          %get3A_609 = vector.shape_cast %get3A_608 : vector<1x16xf32> to vector<16xf32>
          %add3A_610 = arith.constant 13 : i32
          %add3A_611 = arith.addi %add3A_499, %add3A_610 : i32
          %get3A_612 = arith.index_cast %add3A_611 : i32 to index
          %get3A_613 = arith.constant 0 : index
          %get3A_614 = tpu.vector_load %arg10[%get3A_612, %get3A_613] {strides = array<i32>} : memref<800x128xf32, #tpu.memory_space<vmem>>, vector<1x16xf32>,
          %get3A_615 = vector.shape_cast %get3A_614 : vector<1x16xf32> to vector<16xf32>
          %add3A_616 = arith.constant 14 : i32
          %add3A_617 = arith.addi %add3A_499, %add3A_616 : i32
          %get3A_618 = arith.index_cast %add3A_617 : i32 to index
          %get3A_619 = arith.constant 0 : index
          %get3A_620 = tpu.vector_load %arg10[%get3A_618, %get3A_619] {strides = array<i32>} : memref<800x128xf32, #tpu.memory_space<vmem>>, vector<1x16xf32>,
          %get3A_621 = vector.shape_cast %get3A_620 : vector<1x16xf32> to vector<16xf32>
          %add3A_622 = arith.constant 15 : i32
          %add3A_623 = arith.addi %add3A_499, %add3A_622 : i32
          %get3A_624 = arith.index_cast %add3A_623 : i32 to index
          %get3A_625 = arith.constant 0 : index
          %get3A_626 = tpu.vector_load %arg10[%get3A_624, %get3A_625] {strides = array<i32>} : memref<800x128xf32, #tpu.memory_space<vmem>>, vector<1x16xf32>,
          %get3A_627 = vector.shape_cast %get3A_626 : vector<1x16xf32> to vector<16xf32>
          %select_n3A = arith.select %gt3A_501, %get3A_537, %broadcast_in_dim3A_19 : vector<16xf32>
          %select_n3A_628 = arith.select %gt3A_503, %get3A_543, %broadcast_in_dim3A_19 : vector<16xf32>
          %select_n3A_629 = arith.select %gt3A_505, %get3A_549, %broadcast_in_dim3A_19 : vector<16xf32>
          %select_n3A_630 = arith.select %gt3A_507, %get3A_555, %broadcast_in_dim3A_19 : vector<16xf32>
          %select_n3A_631 = arith.select %gt3A_509, %get3A_561, %broadcast_in_dim3A_19 : vector<16xf32>
          %select_n3A_632 = arith.select %gt3A_511, %get3A_567, %broadcast_in_dim3A_19 : vector<16xf32>
          %select_n3A_633 = arith.select %gt3A_513, %get3A_573, %broadcast_in_dim3A_19 : vector<16xf32>
          %select_n3A_634 = arith.select %gt3A_515, %get3A_579, %broadcast_in_dim3A_19 : vector<16xf32>
          %select_n3A_635 = arith.select %gt3A_517, %get3A_585, %broadcast_in_dim3A_19 : vector<16xf32>
          %select_n3A_636 = arith.select %gt3A_519, %get3A_591, %broadcast_in_dim3A_19 : vector<16xf32>
          %select_n3A_637 = arith.select %gt3A_521, %get3A_597, %broadcast_in_dim3A_19 : vector<16xf32>
          %select_n3A_638 = arith.select %gt3A_523, %get3A_603, %broadcast_in_dim3A_19 : vector<16xf32>
          %select_n3A_639 = arith.select %gt3A_525, %get3A_609, %broadcast_in_dim3A_19 : vector<16xf32>
          %select_n3A_640 = arith.select %gt3A_527, %get3A_615, %broadcast_in_dim3A_19 : vector<16xf32>
          %select_n3A_641 = arith.select %gt3A_529, %get3A_621, %broadcast_in_dim3A_19 : vector<16xf32>
          %select_n3A_642 = arith.select %gt3A_531, %get3A_627, %broadcast_in_dim3A_19 : vector<16xf32>
          %select_n3A_643 = arith.select %gt3A_501, %broadcast_in_dim3A_19, %get3A_537 : vector<16xf32>
          %select_n3A_644 = arith.select %gt3A_503, %broadcast_in_dim3A_19, %get3A_543 : vector<16xf32>
          %select_n3A_645 = arith.select %gt3A_505, %broadcast_in_dim3A_19, %get3A_549 : vector<16xf32>
          %select_n3A_646 = arith.select %gt3A_507, %broadcast_in_dim3A_19, %get3A_555 : vector<16xf32>
          %select_n3A_647 = arith.select %gt3A_509, %broadcast_in_dim3A_19, %get3A_561 : vector<16xf32>
          %select_n3A_648 = arith.select %gt3A_511, %broadcast_in_dim3A_19, %get3A_567 : vector<16xf32>
          %select_n3A_649 = arith.select %gt3A_513, %broadcast_in_dim3A_19, %get3A_573 : vector<16xf32>
          %select_n3A_650 = arith.select %gt3A_515, %broadcast_in_dim3A_19, %get3A_579 : vector<16xf32>
          %select_n3A_651 = arith.select %gt3A_517, %broadcast_in_dim3A_19, %get3A_585 : vector<16xf32>
          %select_n3A_652 = arith.select %gt3A_519, %broadcast_in_dim3A_19, %get3A_591 : vector<16xf32>
          %select_n3A_653 = arith.select %gt3A_521, %broadcast_in_dim3A_19, %get3A_597 : vector<16xf32>
          %select_n3A_654 = arith.select %gt3A_523, %broadcast_in_dim3A_19, %get3A_603 : vector<16xf32>
          %select_n3A_655 = arith.select %gt3A_525, %broadcast_in_dim3A_19, %get3A_609 : vector<16xf32>
          %select_n3A_656 = arith.select %gt3A_527, %broadcast_in_dim3A_19, %get3A_615 : vector<16xf32>
          %select_n3A_657 = arith.select %gt3A_529, %broadcast_in_dim3A_19, %get3A_621 : vector<16xf32>
          %select_n3A_658 = arith.select %gt3A_531, %broadcast_in_dim3A_19, %get3A_627 : vector<16xf32>
          %max3A = arith.maximumf %select_n3A, %select_n3A_628 : vector<16xf32>
          %max3A_659 = arith.maximumf %select_n3A_629, %select_n3A_630 : vector<16xf32>
          %max3A_660 = arith.maximumf %select_n3A_631, %select_n3A_632 : vector<16xf32>
          %max3A_661 = arith.maximumf %select_n3A_633, %select_n3A_634 : vector<16xf32>
          %max3A_662 = arith.maximumf %select_n3A_635, %select_n3A_636 : vector<16xf32>
          %max3A_663 = arith.maximumf %select_n3A_637, %select_n3A_638 : vector<16xf32>
          %max3A_664 = arith.maximumf %select_n3A_639, %select_n3A_640 : vector<16xf32>
          %max3A_665 = arith.maximumf %select_n3A_641, %select_n3A_642 : vector<16xf32>
          %max3A_666 = arith.maximumf %select_n3A_643, %select_n3A_644 : vector<16xf32>
          %max3A_667 = arith.maximumf %select_n3A_645, %select_n3A_646 : vector<16xf32>
          %max3A_668 = arith.maximumf %select_n3A_647, %select_n3A_648 : vector<16xf32>
          %max3A_669 = arith.maximumf %select_n3A_649, %select_n3A_650 : vector<16xf32>
          %max3A_670 = arith.maximumf %select_n3A_651, %select_n3A_652 : vector<16xf32>
          %max3A_671 = arith.maximumf %select_n3A_653, %select_n3A_654 : vector<16xf32>
          %max3A_672 = arith.maximumf %select_n3A_655, %select_n3A_656 : vector<16xf32>
          %max3A_673 = arith.maximumf %select_n3A_657, %select_n3A_658 : vector<16xf32>
          %max3A_674 = arith.maximumf %max3A, %max3A_659 : vector<16xf32>
          %max3A_675 = arith.maximumf %max3A_660, %max3A_661 : vector<16xf32>
          %max3A_676 = arith.maximumf %max3A_662, %max3A_663 : vector<16xf32>
          %max3A_677 = arith.maximumf %max3A_664, %max3A_665 : vector<16xf32>
          %max3A_678 = arith.maximumf %max3A_666, %max3A_667 : vector<16xf32>
          %max3A_679 = arith.maximumf %max3A_668, %max3A_669 : vector<16xf32>
          %max3A_680 = arith.maximumf %max3A_670, %max3A_671 : vector<16xf32>
          %max3A_681 = arith.maximumf %max3A_672, %max3A_673 : vector<16xf32>
          %max3A_682 = arith.maximumf %max3A_674, %max3A_675 : vector<16xf32>
          %max3A_683 = arith.maximumf %max3A_676, %max3A_677 : vector<16xf32>
          %max3A_684 = arith.maximumf %max3A_678, %max3A_679 : vector<16xf32>
          %max3A_685 = arith.maximumf %max3A_680, %max3A_681 : vector<16xf32>
          %max3A_686 = arith.maximumf %max3A_682, %max3A_683 : vector<16xf32>
          %max3A_687 = arith.maximumf %max3A_684, %max3A_685 : vector<16xf32>
          %get3A_688 = arith.constant 0 : index
          %get3A_689 = tpu.vector_load %arg14[%get3A_688] {strides = array<i32>} : memref<128xf32, #tpu.memory_space<vmem>>, vector<16xf32>,
          %get3A_690 = vector.shape_cast %get3A_689 : vector<16xf32> to vector<16xf32>
          %max3A_691 = arith.maximumf %get3A_690, %max3A_686 : vector<16xf32>
          %add3A_692 = arith.constant 0 : i32
          %add3A_693 = arith.addi %add3A_499, %add3A_692 : i32
          %get3A_694 = arith.index_cast %add3A_693 : i32 to index
          %get3A_695 = arith.constant 16 : index
          %get3A_696 = tpu.vector_load %arg10[%get3A_694, %get3A_695] {strides = array<i32>} : memref<800x128xf32, #tpu.memory_space<vmem>>, vector<1x16xf32>,
          %get3A_697 = vector.shape_cast %get3A_696 : vector<1x16xf32> to vector<16xf32>
          %add3A_698 = arith.constant 1 : i32
          %add3A_699 = arith.addi %add3A_499, %add3A_698 : i32
          %get3A_700 = arith.index_cast %add3A_699 : i32 to index
          %get3A_701 = arith.constant 16 : index
          %get3A_702 = tpu.vector_load %arg10[%get3A_700, %get3A_701] {strides = array<i32>} : memref<800x128xf32, #tpu.memory_space<vmem>>, vector<1x16xf32>,
          %get3A_703 = vector.shape_cast %get3A_702 : vector<1x16xf32> to vector<16xf32>
          %add3A_704 = arith.constant 2 : i32
          %add3A_705 = arith.addi %add3A_499, %add3A_704 : i32
          %get3A_706 = arith.index_cast %add3A_705 : i32 to index
          %get3A_707 = arith.constant 16 : index
          %get3A_708 = tpu.vector_load %arg10[%get3A_706, %get3A_707] {strides = array<i32>} : memref<800x128xf32, #tpu.memory_space<vmem>>, vector<1x16xf32>,
          %get3A_709 = vector.shape_cast %get3A_708 : vector<1x16xf32> to vector<16xf32>
          %add3A_710 = arith.constant 3 : i32
          %add3A_711 = arith.addi %add3A_499, %add3A_710 : i32
          %get3A_712 = arith.index_cast %add3A_711 : i32 to index
          %get3A_713 = arith.constant 16 : index
          %get3A_714 = tpu.vector_load %arg10[%get3A_712, %get3A_713] {strides = array<i32>} : memref<800x128xf32, #tpu.memory_space<vmem>>, vector<1x16xf32>,
          %get3A_715 = vector.shape_cast %get3A_714 : vector<1x16xf32> to vector<16xf32>
          %add3A_716 = arith.constant 4 : i32
          %add3A_717 = arith.addi %add3A_499, %add3A_716 : i32
          %get3A_718 = arith.index_cast %add3A_717 : i32 to index
          %get3A_719 = arith.constant 16 : index
          %get3A_720 = tpu.vector_load %arg10[%get3A_718, %get3A_719] {strides = array<i32>} : memref<800x128xf32, #tpu.memory_space<vmem>>, vector<1x16xf32>,
          %get3A_721 = vector.shape_cast %get3A_720 : vector<1x16xf32> to vector<16xf32>
          %add3A_722 = arith.constant 5 : i32
          %add3A_723 = arith.addi %add3A_499, %add3A_722 : i32
          %get3A_724 = arith.index_cast %add3A_723 : i32 to index
          %get3A_725 = arith.constant 16 : index
          %get3A_726 = tpu.vector_load %arg10[%get3A_724, %get3A_725] {strides = array<i32>} : memref<800x128xf32, #tpu.memory_space<vmem>>, vector<1x16xf32>,
          %get3A_727 = vector.shape_cast %get3A_726 : vector<1x16xf32> to vector<16xf32>
          %add3A_728 = arith.constant 6 : i32
          %add3A_729 = arith.addi %add3A_499, %add3A_728 : i32
          %get3A_730 = arith.index_cast %add3A_729 : i32 to index
          %get3A_731 = arith.constant 16 : index
          %get3A_732 = tpu.vector_load %arg10[%get3A_730, %get3A_731] {strides = array<i32>} : memref<800x128xf32, #tpu.memory_space<vmem>>, vector<1x16xf32>,
          %get3A_733 = vector.shape_cast %get3A_732 : vector<1x16xf32> to vector<16xf32>
          %add3A_734 = arith.constant 7 : i32
          %add3A_735 = arith.addi %add3A_499, %add3A_734 : i32
          %get3A_736 = arith.index_cast %add3A_735 : i32 to index
          %get3A_737 = arith.constant 16 : index
          %get3A_738 = tpu.vector_load %arg10[%get3A_736, %get3A_737] {strides = array<i32>} : memref<800x128xf32, #tpu.memory_space<vmem>>, vector<1x16xf32>,
          %get3A_739 = vector.shape_cast %get3A_738 : vector<1x16xf32> to vector<16xf32>
          %add3A_740 = arith.constant 8 : i32
          %add3A_741 = arith.addi %add3A_499, %add3A_740 : i32
          %get3A_742 = arith.index_cast %add3A_741 : i32 to index
          %get3A_743 = arith.constant 16 : index
          %get3A_744 = tpu.vector_load %arg10[%get3A_742, %get3A_743] {strides = array<i32>} : memref<800x128xf32, #tpu.memory_space<vmem>>, vector<1x16xf32>,
          %get3A_745 = vector.shape_cast %get3A_744 : vector<1x16xf32> to vector<16xf32>
          %add3A_746 = arith.constant 9 : i32
          %add3A_747 = arith.addi %add3A_499, %add3A_746 : i32
          %get3A_748 = arith.index_cast %add3A_747 : i32 to index
          %get3A_749 = arith.constant 16 : index
          %get3A_750 = tpu.vector_load %arg10[%get3A_748, %get3A_749] {strides = array<i32>} : memref<800x128xf32, #tpu.memory_space<vmem>>, vector<1x16xf32>,
          %get3A_751 = vector.shape_cast %get3A_750 : vector<1x16xf32> to vector<16xf32>
          %add3A_752 = arith.constant 10 : i32
          %add3A_753 = arith.addi %add3A_499, %add3A_752 : i32
          %get3A_754 = arith.index_cast %add3A_753 : i32 to index
          %get3A_755 = arith.constant 16 : index
          %get3A_756 = tpu.vector_load %arg10[%get3A_754, %get3A_755] {strides = array<i32>} : memref<800x128xf32, #tpu.memory_space<vmem>>, vector<1x16xf32>,
          %get3A_757 = vector.shape_cast %get3A_756 : vector<1x16xf32> to vector<16xf32>
          %add3A_758 = arith.constant 11 : i32
          %add3A_759 = arith.addi %add3A_499, %add3A_758 : i32
          %get3A_760 = arith.index_cast %add3A_759 : i32 to index
          %get3A_761 = arith.constant 16 : index
          %get3A_762 = tpu.vector_load %arg10[%get3A_760, %get3A_761] {strides = array<i32>} : memref<800x128xf32, #tpu.memory_space<vmem>>, vector<1x16xf32>,
          %get3A_763 = vector.shape_cast %get3A_762 : vector<1x16xf32> to vector<16xf32>
          %add3A_764 = arith.constant 12 : i32
          %add3A_765 = arith.addi %add3A_499, %add3A_764 : i32
          %get3A_766 = arith.index_cast %add3A_765 : i32 to index
          %get3A_767 = arith.constant 16 : index
          %get3A_768 = tpu.vector_load %arg10[%get3A_766, %get3A_767] {strides = array<i32>} : memref<800x128xf32, #tpu.memory_space<vmem>>, vector<1x16xf32>,
          %get3A_769 = vector.shape_cast %get3A_768 : vector<1x16xf32> to vector<16xf32>
          %add3A_770 = arith.constant 13 : i32
          %add3A_771 = arith.addi %add3A_499, %add3A_770 : i32
          %get3A_772 = arith.index_cast %add3A_771 : i32 to index
          %get3A_773 = arith.constant 16 : index
          %get3A_774 = tpu.vector_load %arg10[%get3A_772, %get3A_773] {strides = array<i32>} : memref<800x128xf32, #tpu.memory_space<vmem>>, vector<1x16xf32>,
          %get3A_775 = vector.shape_cast %get3A_774 : vector<1x16xf32> to vector<16xf32>
          %add3A_776 = arith.constant 14 : i32
          %add3A_777 = arith.addi %add3A_499, %add3A_776 : i32
          %get3A_778 = arith.index_cast %add3A_777 : i32 to index
          %get3A_779 = arith.constant 16 : index
          %get3A_780 = tpu.vector_load %arg10[%get3A_778, %get3A_779] {strides = array<i32>} : memref<800x128xf32, #tpu.memory_space<vmem>>, vector<1x16xf32>,
          %get3A_781 = vector.shape_cast %get3A_780 : vector<1x16xf32> to vector<16xf32>
          %add3A_782 = arith.constant 15 : i32
          %add3A_783 = arith.addi %add3A_499, %add3A_782 : i32
          %get3A_784 = arith.index_cast %add3A_783 : i32 to index
          %get3A_785 = arith.constant 16 : index
          %get3A_786 = tpu.vector_load %arg10[%get3A_784, %get3A_785] {strides = array<i32>} : memref<800x128xf32, #tpu.memory_space<vmem>>, vector<1x16xf32>,
          %get3A_787 = vector.shape_cast %get3A_786 : vector<1x16xf32> to vector<16xf32>
          %select_n3A_788 = arith.select %gt3A_501, %get3A_697, %broadcast_in_dim3A_19 : vector<16xf32>
          %select_n3A_789 = arith.select %gt3A_503, %get3A_703, %broadcast_in_dim3A_19 : vector<16xf32>
          %select_n3A_790 = arith.select %gt3A_505, %get3A_709, %broadcast_in_dim3A_19 : vector<16xf32>
          %select_n3A_791 = arith.select %gt3A_507, %get3A_715, %broadcast_in_dim3A_19 : vector<16xf32>
          %select_n3A_792 = arith.select %gt3A_509, %get3A_721, %broadcast_in_dim3A_19 : vector<16xf32>
          %select_n3A_793 = arith.select %gt3A_511, %get3A_727, %broadcast_in_dim3A_19 : vector<16xf32>
          %select_n3A_794 = arith.select %gt3A_513, %get3A_733, %broadcast_in_dim3A_19 : vector<16xf32>
          %select_n3A_795 = arith.select %gt3A_515, %get3A_739, %broadcast_in_dim3A_19 : vector<16xf32>
          %select_n3A_796 = arith.select %gt3A_517, %get3A_745, %broadcast_in_dim3A_19 : vector<16xf32>
          %select_n3A_797 = arith.select %gt3A_519, %get3A_751, %broadcast_in_dim3A_19 : vector<16xf32>
          %select_n3A_798 = arith.select %gt3A_521, %get3A_757, %broadcast_in_dim3A_19 : vector<16xf32>
          %select_n3A_799 = arith.select %gt3A_523, %get3A_763, %broadcast_in_dim3A_19 : vector<16xf32>
          %select_n3A_800 = arith.select %gt3A_525, %get3A_769, %broadcast_in_dim3A_19 : vector<16xf32>
          %select_n3A_801 = arith.select %gt3A_527, %get3A_775, %broadcast_in_dim3A_19 : vector<16xf32>
          %select_n3A_802 = arith.select %gt3A_529, %get3A_781, %broadcast_in_dim3A_19 : vector<16xf32>
          %select_n3A_803 = arith.select %gt3A_531, %get3A_787, %broadcast_in_dim3A_19 : vector<16xf32>
          %select_n3A_804 = arith.select %gt3A_501, %broadcast_in_dim3A_19, %get3A_697 : vector<16xf32>
          %select_n3A_805 = arith.select %gt3A_503, %broadcast_in_dim3A_19, %get3A_703 : vector<16xf32>
          %select_n3A_806 = arith.select %gt3A_505, %broadcast_in_dim3A_19, %get3A_709 : vector<16xf32>
          %select_n3A_807 = arith.select %gt3A_507, %broadcast_in_dim3A_19, %get3A_715 : vector<16xf32>
          %select_n3A_808 = arith.select %gt3A_509, %broadcast_in_dim3A_19, %get3A_721 : vector<16xf32>
          %select_n3A_809 = arith.select %gt3A_511, %broadcast_in_dim3A_19, %get3A_727 : vector<16xf32>
          %select_n3A_810 = arith.select %gt3A_513, %broadcast_in_dim3A_19, %get3A_733 : vector<16xf32>
          %select_n3A_811 = arith.select %gt3A_515, %broadcast_in_dim3A_19, %get3A_739 : vector<16xf32>
          %select_n3A_812 = arith.select %gt3A_517, %broadcast_in_dim3A_19, %get3A_745 : vector<16xf32>
          %select_n3A_813 = arith.select %gt3A_519, %broadcast_in_dim3A_19, %get3A_751 : vector<16xf32>
          %select_n3A_814 = arith.select %gt3A_521, %broadcast_in_dim3A_19, %get3A_757 : vector<16xf32>
          %select_n3A_815 = arith.select %gt3A_523, %broadcast_in_dim3A_19, %get3A_763 : vector<16xf32>
          %select_n3A_816 = arith.select %gt3A_525, %broadcast_in_dim3A_19, %get3A_769 : vector<16xf32>
          %select_n3A_817 = arith.select %gt3A_527, %broadcast_in_dim3A_19, %get3A_775 : vector<16xf32>
          %select_n3A_818 = arith.select %gt3A_529, %broadcast_in_dim3A_19, %get3A_781 : vector<16xf32>
          %select_n3A_819 = arith.select %gt3A_531, %broadcast_in_dim3A_19, %get3A_787 : vector<16xf32>
          %max3A_820 = arith.maximumf %select_n3A_788, %select_n3A_789 : vector<16xf32>
          %max3A_821 = arith.maximumf %select_n3A_790, %select_n3A_791 : vector<16xf32>
          %max3A_822 = arith.maximumf %select_n3A_792, %select_n3A_793 : vector<16xf32>
          %max3A_823 = arith.maximumf %select_n3A_794, %select_n3A_795 : vector<16xf32>
          %max3A_824 = arith.maximumf %select_n3A_796, %select_n3A_797 : vector<16xf32>
          %max3A_825 = arith.maximumf %select_n3A_798, %select_n3A_799 : vector<16xf32>
          %max3A_826 = arith.maximumf %select_n3A_800, %select_n3A_801 : vector<16xf32>
          %max3A_827 = arith.maximumf %select_n3A_802, %select_n3A_803 : vector<16xf32>
          %max3A_828 = arith.maximumf %select_n3A_804, %select_n3A_805 : vector<16xf32>
          %max3A_829 = arith.maximumf %select_n3A_806, %select_n3A_807 : vector<16xf32>
          %max3A_830 = arith.maximumf %select_n3A_808, %select_n3A_809 : vector<16xf32>
          %max3A_831 = arith.maximumf %select_n3A_810, %select_n3A_811 : vector<16xf32>
          %max3A_832 = arith.maximumf %select_n3A_812, %select_n3A_813 : vector<16xf32>
          %max3A_833 = arith.maximumf %select_n3A_814, %select_n3A_815 : vector<16xf32>
          %max3A_834 = arith.maximumf %select_n3A_816, %select_n3A_817 : vector<16xf32>
          %max3A_835 = arith.maximumf %select_n3A_818, %select_n3A_819 : vector<16xf32>
          %max3A_836 = arith.maximumf %max3A_820, %max3A_821 : vector<16xf32>
          %max3A_837 = arith.maximumf %max3A_822, %max3A_823 : vector<16xf32>
          %max3A_838 = arith.maximumf %max3A_824, %max3A_825 : vector<16xf32>
          %max3A_839 = arith.maximumf %max3A_826, %max3A_827 : vector<16xf32>
          %max3A_840 = arith.maximumf %max3A_828, %max3A_829 : vector<16xf32>
          %max3A_841 = arith.maximumf %max3A_830, %max3A_831 : vector<16xf32>
          %max3A_842 = arith.maximumf %max3A_832, %max3A_833 : vector<16xf32>
          %max3A_843 = arith.maximumf %max3A_834, %max3A_835 : vector<16xf32>
          %max3A_844 = arith.maximumf %max3A_836, %max3A_837 : vector<16xf32>
          %max3A_845 = arith.maximumf %max3A_838, %max3A_839 : vector<16xf32>
          %max3A_846 = arith.maximumf %max3A_840, %max3A_841 : vector<16xf32>
          %max3A_847 = arith.maximumf %max3A_842, %max3A_843 : vector<16xf32>
          %max3A_848 = arith.maximumf %max3A_844, %max3A_845 : vector<16xf32>
          %max3A_849 = arith.maximumf %max3A_846, %max3A_847 : vector<16xf32>
          %get3A_850 = arith.constant 16 : index
          %get3A_851 = tpu.vector_load %arg14[%get3A_850] {strides = array<i32>} : memref<128xf32, #tpu.memory_space<vmem>>, vector<16xf32>,
          %get3A_852 = vector.shape_cast %get3A_851 : vector<16xf32> to vector<16xf32>
          %max3A_853 = arith.maximumf %get3A_852, %max3A_848 : vector<16xf32>
          %add3A_854 = arith.constant 0 : i32
          %add3A_855 = arith.addi %add3A_499, %add3A_854 : i32
          %get3A_856 = arith.index_cast %add3A_855 : i32 to index
          %get3A_857 = arith.constant 32 : index
          %get3A_858 = tpu.vector_load %arg10[%get3A_856, %get3A_857] {strides = array<i32>} : memref<800x128xf32, #tpu.memory_space<vmem>>, vector<1x16xf32>,
          %get3A_859 = vector.shape_cast %get3A_858 : vector<1x16xf32> to vector<16xf32>
          %add3A_860 = arith.constant 1 : i32
          %add3A_861 = arith.addi %add3A_499, %add3A_860 : i32
          %get3A_862 = arith.index_cast %add3A_861 : i32 to index
          %get3A_863 = arith.constant 32 : index
          %get3A_864 = tpu.vector_load %arg10[%get3A_862, %get3A_863] {strides = array<i32>} : memref<800x128xf32, #tpu.memory_space<vmem>>, vector<1x16xf32>,
          %get3A_865 = vector.shape_cast %get3A_864 : vector<1x16xf32> to vector<16xf32>
          %add3A_866 = arith.constant 2 : i32
          %add3A_867 = arith.addi %add3A_499, %add3A_866 : i32
          %get3A_868 = arith.index_cast %add3A_867 : i32 to index
          %get3A_869 = arith.constant 32 : index
          %get3A_870 = tpu.vector_load %arg10[%get3A_868, %get3A_869] {strides = array<i32>} : memref<800x128xf32, #tpu.memory_space<vmem>>, vector<1x16xf32>,
          %get3A_871 = vector.shape_cast %get3A_870 : vector<1x16xf32> to vector<16xf32>
          %add3A_872 = arith.constant 3 : i32
          %add3A_873 = arith.addi %add3A_499, %add3A_872 : i32
          %get3A_874 = arith.index_cast %add3A_873 : i32 to index
          %get3A_875 = arith.constant 32 : index
          %get3A_876 = tpu.vector_load %arg10[%get3A_874, %get3A_875] {strides = array<i32>} : memref<800x128xf32, #tpu.memory_space<vmem>>, vector<1x16xf32>,
          %get3A_877 = vector.shape_cast %get3A_876 : vector<1x16xf32> to vector<16xf32>
          %add3A_878 = arith.constant 4 : i32
          %add3A_879 = arith.addi %add3A_499, %add3A_878 : i32
          %get3A_880 = arith.index_cast %add3A_879 : i32 to index
          %get3A_881 = arith.constant 32 : index
          %get3A_882 = tpu.vector_load %arg10[%get3A_880, %get3A_881] {strides = array<i32>} : memref<800x128xf32, #tpu.memory_space<vmem>>, vector<1x16xf32>,
          %get3A_883 = vector.shape_cast %get3A_882 : vector<1x16xf32> to vector<16xf32>
          %add3A_884 = arith.constant 5 : i32
          %add3A_885 = arith.addi %add3A_499, %add3A_884 : i32
          %get3A_886 = arith.index_cast %add3A_885 : i32 to index
          %get3A_887 = arith.constant 32 : index
          %get3A_888 = tpu.vector_load %arg10[%get3A_886, %get3A_887] {strides = array<i32>} : memref<800x128xf32, #tpu.memory_space<vmem>>, vector<1x16xf32>,
          %get3A_889 = vector.shape_cast %get3A_888 : vector<1x16xf32> to vector<16xf32>
          %add3A_890 = arith.constant 6 : i32
          %add3A_891 = arith.addi %add3A_499, %add3A_890 : i32
          %get3A_892 = arith.index_cast %add3A_891 : i32 to index
          %get3A_893 = arith.constant 32 : index
          %get3A_894 = tpu.vector_load %arg10[%get3A_892, %get3A_893] {strides = array<i32>} : memref<800x128xf32, #tpu.memory_space<vmem>>, vector<1x16xf32>,
          %get3A_895 = vector.shape_cast %get3A_894 : vector<1x16xf32> to vector<16xf32>
          %add3A_896 = arith.constant 7 : i32
          %add3A_897 = arith.addi %add3A_499, %add3A_896 : i32
          %get3A_898 = arith.index_cast %add3A_897 : i32 to index
          %get3A_899 = arith.constant 32 : index
          %get3A_900 = tpu.vector_load %arg10[%get3A_898, %get3A_899] {strides = array<i32>} : memref<800x128xf32, #tpu.memory_space<vmem>>, vector<1x16xf32>,
          %get3A_901 = vector.shape_cast %get3A_900 : vector<1x16xf32> to vector<16xf32>
          %add3A_902 = arith.constant 8 : i32
          %add3A_903 = arith.addi %add3A_499, %add3A_902 : i32
          %get3A_904 = arith.index_cast %add3A_903 : i32 to index
          %get3A_905 = arith.constant 32 : index
          %get3A_906 = tpu.vector_load %arg10[%get3A_904, %get3A_905] {strides = array<i32>} : memref<800x128xf32, #tpu.memory_space<vmem>>, vector<1x16xf32>,
          %get3A_907 = vector.shape_cast %get3A_906 : vector<1x16xf32> to vector<16xf32>
          %add3A_908 = arith.constant 9 : i32
          %add3A_909 = arith.addi %add3A_499, %add3A_908 : i32
          %get3A_910 = arith.index_cast %add3A_909 : i32 to index
          %get3A_911 = arith.constant 32 : index
          %get3A_912 = tpu.vector_load %arg10[%get3A_910, %get3A_911] {strides = array<i32>} : memref<800x128xf32, #tpu.memory_space<vmem>>, vector<1x16xf32>,
          %get3A_913 = vector.shape_cast %get3A_912 : vector<1x16xf32> to vector<16xf32>
          %add3A_914 = arith.constant 10 : i32
          %add3A_915 = arith.addi %add3A_499, %add3A_914 : i32
          %get3A_916 = arith.index_cast %add3A_915 : i32 to index
          %get3A_917 = arith.constant 32 : index
          %get3A_918 = tpu.vector_load %arg10[%get3A_916, %get3A_917] {strides = array<i32>} : memref<800x128xf32, #tpu.memory_space<vmem>>, vector<1x16xf32>,
          %get3A_919 = vector.shape_cast %get3A_918 : vector<1x16xf32> to vector<16xf32>
          %add3A_920 = arith.constant 11 : i32
          %add3A_921 = arith.addi %add3A_499, %add3A_920 : i32
          %get3A_922 = arith.index_cast %add3A_921 : i32 to index
          %get3A_923 = arith.constant 32 : index
          %get3A_924 = tpu.vector_load %arg10[%get3A_922, %get3A_923] {strides = array<i32>} : memref<800x128xf32, #tpu.memory_space<vmem>>, vector<1x16xf32>,
          %get3A_925 = vector.shape_cast %get3A_924 : vector<1x16xf32> to vector<16xf32>
          %add3A_926 = arith.constant 12 : i32
          %add3A_927 = arith.addi %add3A_499, %add3A_926 : i32
          %get3A_928 = arith.index_cast %add3A_927 : i32 to index
          %get3A_929 = arith.constant 32 : index
          %get3A_930 = tpu.vector_load %arg10[%get3A_928, %get3A_929] {strides = array<i32>} : memref<800x128xf32, #tpu.memory_space<vmem>>, vector<1x16xf32>,
          %get3A_931 = vector.shape_cast %get3A_930 : vector<1x16xf32> to vector<16xf32>
          %add3A_932 = arith.constant 13 : i32
          %add3A_933 = arith.addi %add3A_499, %add3A_932 : i32
          %get3A_934 = arith.index_cast %add3A_933 : i32 to index
          %get3A_935 = arith.constant 32 : index
          %get3A_936 = tpu.vector_load %arg10[%get3A_934, %get3A_935] {strides = array<i32>} : memref<800x128xf32, #tpu.memory_space<vmem>>, vector<1x16xf32>,
          %get3A_937 = vector.shape_cast %get3A_936 : vector<1x16xf32> to vector<16xf32>
          %add3A_938 = arith.constant 14 : i32
          %add3A_939 = arith.addi %add3A_499, %add3A_938 : i32
          %get3A_940 = arith.index_cast %add3A_939 : i32 to index
          %get3A_941 = arith.constant 32 : index
          %get3A_942 = tpu.vector_load %arg10[%get3A_940, %get3A_941] {strides = array<i32>} : memref<800x128xf32, #tpu.memory_space<vmem>>, vector<1x16xf32>,
          %get3A_943 = vector.shape_cast %get3A_942 : vector<1x16xf32> to vector<16xf32>
          %add3A_944 = arith.constant 15 : i32
          %add3A_945 = arith.addi %add3A_499, %add3A_944 : i32
          %get3A_946 = arith.index_cast %add3A_945 : i32 to index
          %get3A_947 = arith.constant 32 : index
          %get3A_948 = tpu.vector_load %arg10[%get3A_946, %get3A_947] {strides = array<i32>} : memref<800x128xf32, #tpu.memory_space<vmem>>, vector<1x16xf32>,
          %get3A_949 = vector.shape_cast %get3A_948 : vector<1x16xf32> to vector<16xf32>
          %select_n3A_950 = arith.select %gt3A_501, %get3A_859, %broadcast_in_dim3A_19 : vector<16xf32>
          %select_n3A_951 = arith.select %gt3A_503, %get3A_865, %broadcast_in_dim3A_19 : vector<16xf32>
          %select_n3A_952 = arith.select %gt3A_505, %get3A_871, %broadcast_in_dim3A_19 : vector<16xf32>
          %select_n3A_953 = arith.select %gt3A_507, %get3A_877, %broadcast_in_dim3A_19 : vector<16xf32>
          %select_n3A_954 = arith.select %gt3A_509, %get3A_883, %broadcast_in_dim3A_19 : vector<16xf32>
          %select_n3A_955 = arith.select %gt3A_511, %get3A_889, %broadcast_in_dim3A_19 : vector<16xf32>
          %select_n3A_956 = arith.select %gt3A_513, %get3A_895, %broadcast_in_dim3A_19 : vector<16xf32>
          %select_n3A_957 = arith.select %gt3A_515, %get3A_901, %broadcast_in_dim3A_19 : vector<16xf32>
          %select_n3A_958 = arith.select %gt3A_517, %get3A_907, %broadcast_in_dim3A_19 : vector<16xf32>
          %select_n3A_959 = arith.select %gt3A_519, %get3A_913, %broadcast_in_dim3A_19 : vector<16xf32>
          %select_n3A_960 = arith.select %gt3A_521, %get3A_919, %broadcast_in_dim3A_19 : vector<16xf32>
          %select_n3A_961 = arith.select %gt3A_523, %get3A_925, %broadcast_in_dim3A_19 : vector<16xf32>
          %select_n3A_962 = arith.select %gt3A_525, %get3A_931, %broadcast_in_dim3A_19 : vector<16xf32>
          %select_n3A_963 = arith.select %gt3A_527, %get3A_937, %broadcast_in_dim3A_19 : vector<16xf32>
          %select_n3A_964 = arith.select %gt3A_529, %get3A_943, %broadcast_in_dim3A_19 : vector<16xf32>
          %select_n3A_965 = arith.select %gt3A_531, %get3A_949, %broadcast_in_dim3A_19 : vector<16xf32>
          %select_n3A_966 = arith.select %gt3A_501, %broadcast_in_dim3A_19, %get3A_859 : vector<16xf32>
          %select_n3A_967 = arith.select %gt3A_503, %broadcast_in_dim3A_19, %get3A_865 : vector<16xf32>
          %select_n3A_968 = arith.select %gt3A_505, %broadcast_in_dim3A_19, %get3A_871 : vector<16xf32>
          %select_n3A_969 = arith.select %gt3A_507, %broadcast_in_dim3A_19, %get3A_877 : vector<16xf32>
          %select_n3A_970 = arith.select %gt3A_509, %broadcast_in_dim3A_19, %get3A_883 : vector<16xf32>
          %select_n3A_971 = arith.select %gt3A_511, %broadcast_in_dim3A_19, %get3A_889 : vector<16xf32>
          %select_n3A_972 = arith.select %gt3A_513, %broadcast_in_dim3A_19, %get3A_895 : vector<16xf32>
          %select_n3A_973 = arith.select %gt3A_515, %broadcast_in_dim3A_19, %get3A_901 : vector<16xf32>
          %select_n3A_974 = arith.select %gt3A_517, %broadcast_in_dim3A_19, %get3A_907 : vector<16xf32>
          %select_n3A_975 = arith.select %gt3A_519, %broadcast_in_dim3A_19, %get3A_913 : vector<16xf32>
          %select_n3A_976 = arith.select %gt3A_521, %broadcast_in_dim3A_19, %get3A_919 : vector<16xf32>
          %select_n3A_977 = arith.select %gt3A_523, %broadcast_in_dim3A_19, %get3A_925 : vector<16xf32>
          %select_n3A_978 = arith.select %gt3A_525, %broadcast_in_dim3A_19, %get3A_931 : vector<16xf32>
          %select_n3A_979 = arith.select %gt3A_527, %broadcast_in_dim3A_19, %get3A_937 : vector<16xf32>
          %select_n3A_980 = arith.select %gt3A_529, %broadcast_in_dim3A_19, %get3A_943 : vector<16xf32>
          %select_n3A_981 = arith.select %gt3A_531, %broadcast_in_dim3A_19, %get3A_949 : vector<16xf32>
          %max3A_982 = arith.maximumf %select_n3A_950, %select_n3A_951 : vector<16xf32>
          %max3A_983 = arith.maximumf %select_n3A_952, %select_n3A_953 : vector<16xf32>
          %max3A_984 = arith.maximumf %select_n3A_954, %select_n3A_955 : vector<16xf32>
          %max3A_985 = arith.maximumf %select_n3A_956, %select_n3A_957 : vector<16xf32>
          %max3A_986 = arith.maximumf %select_n3A_958, %select_n3A_959 : vector<16xf32>
          %max3A_987 = arith.maximumf %select_n3A_960, %select_n3A_961 : vector<16xf32>
          %max3A_988 = arith.maximumf %select_n3A_962, %select_n3A_963 : vector<16xf32>
          %max3A_989 = arith.maximumf %select_n3A_964, %select_n3A_965 : vector<16xf32>
          %max3A_990 = arith.maximumf %select_n3A_966, %select_n3A_967 : vector<16xf32>
          %max3A_991 = arith.maximumf %select_n3A_968, %select_n3A_969 : vector<16xf32>
          %max3A_992 = arith.maximumf %select_n3A_970, %select_n3A_971 : vector<16xf32>
          %max3A_993 = arith.maximumf %select_n3A_972, %select_n3A_973 : vector<16xf32>
          %max3A_994 = arith.maximumf %select_n3A_974, %select_n3A_975 : vector<16xf32>
          %max3A_995 = arith.maximumf %select_n3A_976, %select_n3A_977 : vector<16xf32>
          %max3A_996 = arith.maximumf %select_n3A_978, %select_n3A_979 : vector<16xf32>
          %max3A_997 = arith.maximumf %select_n3A_980, %select_n3A_981 : vector<16xf32>
          %max3A_998 = arith.maximumf %max3A_982, %max3A_983 : vector<16xf32>
          %max3A_999 = arith.maximumf %max3A_984, %max3A_985 : vector<16xf32>
          %max3A_1000 = arith.maximumf %max3A_986, %max3A_987 : vector<16xf32>
          %max3A_1001 = arith.maximumf %max3A_988, %max3A_989 : vector<16xf32>
          %max3A_1002 = arith.maximumf %max3A_990, %max3A_991 : vector<16xf32>
          %max3A_1003 = arith.maximumf %max3A_992, %max3A_993 : vector<16xf32>
          %max3A_1004 = arith.maximumf %max3A_994, %max3A_995 : vector<16xf32>
          %max3A_1005 = arith.maximumf %max3A_996, %max3A_997 : vector<16xf32>
          %max3A_1006 = arith.maximumf %max3A_998, %max3A_999 : vector<16xf32>
          %max3A_1007 = arith.maximumf %max3A_1000, %max3A_1001 : vector<16xf32>
          %max3A_1008 = arith.maximumf %max3A_1002, %max3A_1003 : vector<16xf32>
          %max3A_1009 = arith.maximumf %max3A_1004, %max3A_1005 : vector<16xf32>
          %max3A_1010 = arith.maximumf %max3A_1006, %max3A_1007 : vector<16xf32>
          %max3A_1011 = arith.maximumf %max3A_1008, %max3A_1009 : vector<16xf32>
          %get3A_1012 = arith.constant 32 : index
          %get3A_1013 = tpu.vector_load %arg14[%get3A_1012] {strides = array<i32>} : memref<128xf32, #tpu.memory_space<vmem>>, vector<16xf32>,
          %get3A_1014 = vector.shape_cast %get3A_1013 : vector<16xf32> to vector<16xf32>
          %max3A_1015 = arith.maximumf %get3A_1014, %max3A_1010 : vector<16xf32>
          %add3A_1016 = arith.constant 0 : i32
          %add3A_1017 = arith.addi %add3A_499, %add3A_1016 : i32
          %get3A_1018 = arith.index_cast %add3A_1017 : i32 to index
          %get3A_1019 = arith.constant 48 : index
          %get3A_1020 = tpu.vector_load %arg10[%get3A_1018, %get3A_1019] {strides = array<i32>} : memref<800x128xf32, #tpu.memory_space<vmem>>, vector<1x16xf32>,
          %get3A_1021 = vector.shape_cast %get3A_1020 : vector<1x16xf32> to vector<16xf32>
          %add3A_1022 = arith.constant 1 : i32
          %add3A_1023 = arith.addi %add3A_499, %add3A_1022 : i32
          %get3A_1024 = arith.index_cast %add3A_1023 : i32 to index
          %get3A_1025 = arith.constant 48 : index
          %get3A_1026 = tpu.vector_load %arg10[%get3A_1024, %get3A_1025] {strides = array<i32>} : memref<800x128xf32, #tpu.memory_space<vmem>>, vector<1x16xf32>,
          %get3A_1027 = vector.shape_cast %get3A_1026 : vector<1x16xf32> to vector<16xf32>
          %add3A_1028 = arith.constant 2 : i32
          %add3A_1029 = arith.addi %add3A_499, %add3A_1028 : i32
          %get3A_1030 = arith.index_cast %add3A_1029 : i32 to index
          %get3A_1031 = arith.constant 48 : index
          %get3A_1032 = tpu.vector_load %arg10[%get3A_1030, %get3A_1031] {strides = array<i32>} : memref<800x128xf32, #tpu.memory_space<vmem>>, vector<1x16xf32>,
          %get3A_1033 = vector.shape_cast %get3A_1032 : vector<1x16xf32> to vector<16xf32>
          %add3A_1034 = arith.constant 3 : i32
          %add3A_1035 = arith.addi %add3A_499, %add3A_1034 : i32
          %get3A_1036 = arith.index_cast %add3A_1035 : i32 to index
          %get3A_1037 = arith.constant 48 : index
          %get3A_1038 = tpu.vector_load %arg10[%get3A_1036, %get3A_1037] {strides = array<i32>} : memref<800x128xf32, #tpu.memory_space<vmem>>, vector<1x16xf32>,
          %get3A_1039 = vector.shape_cast %get3A_1038 : vector<1x16xf32> to vector<16xf32>
          %add3A_1040 = arith.constant 4 : i32
          %add3A_1041 = arith.addi %add3A_499, %add3A_1040 : i32
          %get3A_1042 = arith.index_cast %add3A_1041 : i32 to index
          %get3A_1043 = arith.constant 48 : index
          %get3A_1044 = tpu.vector_load %arg10[%get3A_1042, %get3A_1043] {strides = array<i32>} : memref<800x128xf32, #tpu.memory_space<vmem>>, vector<1x16xf32>,
          %get3A_1045 = vector.shape_cast %get3A_1044 : vector<1x16xf32> to vector<16xf32>
          %add3A_1046 = arith.constant 5 : i32
          %add3A_1047 = arith.addi %add3A_499, %add3A_1046 : i32
          %get3A_1048 = arith.index_cast %add3A_1047 : i32 to index
          %get3A_1049 = arith.constant 48 : index
          %get3A_1050 = tpu.vector_load %arg10[%get3A_1048, %get3A_1049] {strides = array<i32>} : memref<800x128xf32, #tpu.memory_space<vmem>>, vector<1x16xf32>,
          %get3A_1051 = vector.shape_cast %get3A_1050 : vector<1x16xf32> to vector<16xf32>
          %add3A_1052 = arith.constant 6 : i32
          %add3A_1053 = arith.addi %add3A_499, %add3A_1052 : i32
          %get3A_1054 = arith.index_cast %add3A_1053 : i32 to index
          %get3A_1055 = arith.constant 48 : index
          %get3A_1056 = tpu.vector_load %arg10[%get3A_1054, %get3A_1055] {strides = array<i32>} : memref<800x128xf32, #tpu.memory_space<vmem>>, vector<1x16xf32>,
          %get3A_1057 = vector.shape_cast %get3A_1056 : vector<1x16xf32> to vector<16xf32>
          %add3A_1058 = arith.constant 7 : i32
          %add3A_1059 = arith.addi %add3A_499, %add3A_1058 : i32
          %get3A_1060 = arith.index_cast %add3A_1059 : i32 to index
          %get3A_1061 = arith.constant 48 : index
          %get3A_1062 = tpu.vector_load %arg10[%get3A_1060, %get3A_1061] {strides = array<i32>} : memref<800x128xf32, #tpu.memory_space<vmem>>, vector<1x16xf32>,
          %get3A_1063 = vector.shape_cast %get3A_1062 : vector<1x16xf32> to vector<16xf32>
          %add3A_1064 = arith.constant 8 : i32
          %add3A_1065 = arith.addi %add3A_499, %add3A_1064 : i32
          %get3A_1066 = arith.index_cast %add3A_1065 : i32 to index
          %get3A_1067 = arith.constant 48 : index
          %get3A_1068 = tpu.vector_load %arg10[%get3A_1066, %get3A_1067] {strides = array<i32>} : memref<800x128xf32, #tpu.memory_space<vmem>>, vector<1x16xf32>,
          %get3A_1069 = vector.shape_cast %get3A_1068 : vector<1x16xf32> to vector<16xf32>
          %add3A_1070 = arith.constant 9 : i32
          %add3A_1071 = arith.addi %add3A_499, %add3A_1070 : i32
          %get3A_1072 = arith.index_cast %add3A_1071 : i32 to index
          %get3A_1073 = arith.constant 48 : index
          %get3A_1074 = tpu.vector_load %arg10[%get3A_1072, %get3A_1073] {strides = array<i32>} : memref<800x128xf32, #tpu.memory_space<vmem>>, vector<1x16xf32>,
          %get3A_1075 = vector.shape_cast %get3A_1074 : vector<1x16xf32> to vector<16xf32>
          %add3A_1076 = arith.constant 10 : i32
          %add3A_1077 = arith.addi %add3A_499, %add3A_1076 : i32
          %get3A_1078 = arith.index_cast %add3A_1077 : i32 to index
          %get3A_1079 = arith.constant 48 : index
          %get3A_1080 = tpu.vector_load %arg10[%get3A_1078, %get3A_1079] {strides = array<i32>} : memref<800x128xf32, #tpu.memory_space<vmem>>, vector<1x16xf32>,
          %get3A_1081 = vector.shape_cast %get3A_1080 : vector<1x16xf32> to vector<16xf32>
          %add3A_1082 = arith.constant 11 : i32
          %add3A_1083 = arith.addi %add3A_499, %add3A_1082 : i32
          %get3A_1084 = arith.index_cast %add3A_1083 : i32 to index
          %get3A_1085 = arith.constant 48 : index
          %get3A_1086 = tpu.vector_load %arg10[%get3A_1084, %get3A_1085] {strides = array<i32>} : memref<800x128xf32, #tpu.memory_space<vmem>>, vector<1x16xf32>,
          %get3A_1087 = vector.shape_cast %get3A_1086 : vector<1x16xf32> to vector<16xf32>
          %add3A_1088 = arith.constant 12 : i32
          %add3A_1089 = arith.addi %add3A_499, %add3A_1088 : i32
          %get3A_1090 = arith.index_cast %add3A_1089 : i32 to index
          %get3A_1091 = arith.constant 48 : index
          %get3A_1092 = tpu.vector_load %arg10[%get3A_1090, %get3A_1091] {strides = array<i32>} : memref<800x128xf32, #tpu.memory_space<vmem>>, vector<1x16xf32>,
          %get3A_1093 = vector.shape_cast %get3A_1092 : vector<1x16xf32> to vector<16xf32>
          %add3A_1094 = arith.constant 13 : i32
          %add3A_1095 = arith.addi %add3A_499, %add3A_1094 : i32
          %get3A_1096 = arith.index_cast %add3A_1095 : i32 to index
          %get3A_1097 = arith.constant 48 : index
          %get3A_1098 = tpu.vector_load %arg10[%get3A_1096, %get3A_1097] {strides = array<i32>} : memref<800x128xf32, #tpu.memory_space<vmem>>, vector<1x16xf32>,
          %get3A_1099 = vector.shape_cast %get3A_1098 : vector<1x16xf32> to vector<16xf32>
          %add3A_1100 = arith.constant 14 : i32
          %add3A_1101 = arith.addi %add3A_499, %add3A_1100 : i32
          %get3A_1102 = arith.index_cast %add3A_1101 : i32 to index
          %get3A_1103 = arith.constant 48 : index
          %get3A_1104 = tpu.vector_load %arg10[%get3A_1102, %get3A_1103] {strides = array<i32>} : memref<800x128xf32, #tpu.memory_space<vmem>>, vector<1x16xf32>,
          %get3A_1105 = vector.shape_cast %get3A_1104 : vector<1x16xf32> to vector<16xf32>
          %add3A_1106 = arith.constant 15 : i32
          %add3A_1107 = arith.addi %add3A_499, %add3A_1106 : i32
          %get3A_1108 = arith.index_cast %add3A_1107 : i32 to index
          %get3A_1109 = arith.constant 48 : index
          %get3A_1110 = tpu.vector_load %arg10[%get3A_1108, %get3A_1109] {strides = array<i32>} : memref<800x128xf32, #tpu.memory_space<vmem>>, vector<1x16xf32>,
          %get3A_1111 = vector.shape_cast %get3A_1110 : vector<1x16xf32> to vector<16xf32>
          %select_n3A_1112 = arith.select %gt3A_501, %get3A_1021, %broadcast_in_dim3A_19 : vector<16xf32>
          %select_n3A_1113 = arith.select %gt3A_503, %get3A_1027, %broadcast_in_dim3A_19 : vector<16xf32>
          %select_n3A_1114 = arith.select %gt3A_505, %get3A_1033, %broadcast_in_dim3A_19 : vector<16xf32>
          %select_n3A_1115 = arith.select %gt3A_507, %get3A_1039, %broadcast_in_dim3A_19 : vector<16xf32>
          %select_n3A_1116 = arith.select %gt3A_509, %get3A_1045, %broadcast_in_dim3A_19 : vector<16xf32>
          %select_n3A_1117 = arith.select %gt3A_511, %get3A_1051, %broadcast_in_dim3A_19 : vector<16xf32>
          %select_n3A_1118 = arith.select %gt3A_513, %get3A_1057, %broadcast_in_dim3A_19 : vector<16xf32>
          %select_n3A_1119 = arith.select %gt3A_515, %get3A_1063, %broadcast_in_dim3A_19 : vector<16xf32>
          %select_n3A_1120 = arith.select %gt3A_517, %get3A_1069, %broadcast_in_dim3A_19 : vector<16xf32>
          %select_n3A_1121 = arith.select %gt3A_519, %get3A_1075, %broadcast_in_dim3A_19 : vector<16xf32>
          %select_n3A_1122 = arith.select %gt3A_521, %get3A_1081, %broadcast_in_dim3A_19 : vector<16xf32>
          %select_n3A_1123 = arith.select %gt3A_523, %get3A_1087, %broadcast_in_dim3A_19 : vector<16xf32>
          %select_n3A_1124 = arith.select %gt3A_525, %get3A_1093, %broadcast_in_dim3A_19 : vector<16xf32>
          %select_n3A_1125 = arith.select %gt3A_527, %get3A_1099, %broadcast_in_dim3A_19 : vector<16xf32>
          %select_n3A_1126 = arith.select %gt3A_529, %get3A_1105, %broadcast_in_dim3A_19 : vector<16xf32>
          %select_n3A_1127 = arith.select %gt3A_531, %get3A_1111, %broadcast_in_dim3A_19 : vector<16xf32>
          %select_n3A_1128 = arith.select %gt3A_501, %broadcast_in_dim3A_19, %get3A_1021 : vector<16xf32>
          %select_n3A_1129 = arith.select %gt3A_503, %broadcast_in_dim3A_19, %get3A_1027 : vector<16xf32>
          %select_n3A_1130 = arith.select %gt3A_505, %broadcast_in_dim3A_19, %get3A_1033 : vector<16xf32>
          %select_n3A_1131 = arith.select %gt3A_507, %broadcast_in_dim3A_19, %get3A_1039 : vector<16xf32>
          %select_n3A_1132 = arith.select %gt3A_509, %broadcast_in_dim3A_19, %get3A_1045 : vector<16xf32>
          %select_n3A_1133 = arith.select %gt3A_511, %broadcast_in_dim3A_19, %get3A_1051 : vector<16xf32>
          %select_n3A_1134 = arith.select %gt3A_513, %broadcast_in_dim3A_19, %get3A_1057 : vector<16xf32>
          %select_n3A_1135 = arith.select %gt3A_515, %broadcast_in_dim3A_19, %get3A_1063 : vector<16xf32>
          %select_n3A_1136 = arith.select %gt3A_517, %broadcast_in_dim3A_19, %get3A_1069 : vector<16xf32>
          %select_n3A_1137 = arith.select %gt3A_519, %broadcast_in_dim3A_19, %get3A_1075 : vector<16xf32>
          %select_n3A_1138 = arith.select %gt3A_521, %broadcast_in_dim3A_19, %get3A_1081 : vector<16xf32>
          %select_n3A_1139 = arith.select %gt3A_523, %broadcast_in_dim3A_19, %get3A_1087 : vector<16xf32>
          %select_n3A_1140 = arith.select %gt3A_525, %broadcast_in_dim3A_19, %get3A_1093 : vector<16xf32>
          %select_n3A_1141 = arith.select %gt3A_527, %broadcast_in_dim3A_19, %get3A_1099 : vector<16xf32>
          %select_n3A_1142 = arith.select %gt3A_529, %broadcast_in_dim3A_19, %get3A_1105 : vector<16xf32>
          %select_n3A_1143 = arith.select %gt3A_531, %broadcast_in_dim3A_19, %get3A_1111 : vector<16xf32>
          %max3A_1144 = arith.maximumf %select_n3A_1112, %select_n3A_1113 : vector<16xf32>
          %max3A_1145 = arith.maximumf %select_n3A_1114, %select_n3A_1115 : vector<16xf32>
          %max3A_1146 = arith.maximumf %select_n3A_1116, %select_n3A_1117 : vector<16xf32>
          %max3A_1147 = arith.maximumf %select_n3A_1118, %select_n3A_1119 : vector<16xf32>
          %max3A_1148 = arith.maximumf %select_n3A_1120, %select_n3A_1121 : vector<16xf32>
          %max3A_1149 = arith.maximumf %select_n3A_1122, %select_n3A_1123 : vector<16xf32>
          %max3A_1150 = arith.maximumf %select_n3A_1124, %select_n3A_1125 : vector<16xf32>
          %max3A_1151 = arith.maximumf %select_n3A_1126, %select_n3A_1127 : vector<16xf32>
          %max3A_1152 = arith.maximumf %select_n3A_1128, %select_n3A_1129 : vector<16xf32>
          %max3A_1153 = arith.maximumf %select_n3A_1130, %select_n3A_1131 : vector<16xf32>
          %max3A_1154 = arith.maximumf %select_n3A_1132, %select_n3A_1133 : vector<16xf32>
          %max3A_1155 = arith.maximumf %select_n3A_1134, %select_n3A_1135 : vector<16xf32>
          %max3A_1156 = arith.maximumf %select_n3A_1136, %select_n3A_1137 : vector<16xf32>
          %max3A_1157 = arith.maximumf %select_n3A_1138, %select_n3A_1139 : vector<16xf32>
          %max3A_1158 = arith.maximumf %select_n3A_1140, %select_n3A_1141 : vector<16xf32>
          %max3A_1159 = arith.maximumf %select_n3A_1142, %select_n3A_1143 : vector<16xf32>
          %max3A_1160 = arith.maximumf %max3A_1144, %max3A_1145 : vector<16xf32>
          %max3A_1161 = arith.maximumf %max3A_1146, %max3A_1147 : vector<16xf32>
          %max3A_1162 = arith.maximumf %max3A_1148, %max3A_1149 : vector<16xf32>
          %max3A_1163 = arith.maximumf %max3A_1150, %max3A_1151 : vector<16xf32>
          %max3A_1164 = arith.maximumf %max3A_1152, %max3A_1153 : vector<16xf32>
          %max3A_1165 = arith.maximumf %max3A_1154, %max3A_1155 : vector<16xf32>
          %max3A_1166 = arith.maximumf %max3A_1156, %max3A_1157 : vector<16xf32>
          %max3A_1167 = arith.maximumf %max3A_1158, %max3A_1159 : vector<16xf32>
          %max3A_1168 = arith.maximumf %max3A_1160, %max3A_1161 : vector<16xf32>
          %max3A_1169 = arith.maximumf %max3A_1162, %max3A_1163 : vector<16xf32>
          %max3A_1170 = arith.maximumf %max3A_1164, %max3A_1165 : vector<16xf32>
          %max3A_1171 = arith.maximumf %max3A_1166, %max3A_1167 : vector<16xf32>
          %max3A_1172 = arith.maximumf %max3A_1168, %max3A_1169 : vector<16xf32>
          %max3A_1173 = arith.maximumf %max3A_1170, %max3A_1171 : vector<16xf32>
          %get3A_1174 = arith.constant 48 : index
          %get3A_1175 = tpu.vector_load %arg14[%get3A_1174] {strides = array<i32>} : memref<128xf32, #tpu.memory_space<vmem>>, vector<16xf32>,
          %get3A_1176 = vector.shape_cast %get3A_1175 : vector<16xf32> to vector<16xf32>
          %max3A_1177 = arith.maximumf %get3A_1176, %max3A_1172 : vector<16xf32>
          %add3A_1178 = arith.constant 0 : i32
          %add3A_1179 = arith.addi %add3A_499, %add3A_1178 : i32
          %get3A_1180 = arith.index_cast %add3A_1179 : i32 to index
          %get3A_1181 = arith.constant 64 : index
          %get3A_1182 = tpu.vector_load %arg10[%get3A_1180, %get3A_1181] {strides = array<i32>} : memref<800x128xf32, #tpu.memory_space<vmem>>, vector<1x16xf32>,
          %get3A_1183 = vector.shape_cast %get3A_1182 : vector<1x16xf32> to vector<16xf32>
          %add3A_1184 = arith.constant 1 : i32
          %add3A_1185 = arith.addi %add3A_499, %add3A_1184 : i32
          %get3A_1186 = arith.index_cast %add3A_1185 : i32 to index
          %get3A_1187 = arith.constant 64 : index
          %get3A_1188 = tpu.vector_load %arg10[%get3A_1186, %get3A_1187] {strides = array<i32>} : memref<800x128xf32, #tpu.memory_space<vmem>>, vector<1x16xf32>,
          %get3A_1189 = vector.shape_cast %get3A_1188 : vector<1x16xf32> to vector<16xf32>
          %add3A_1190 = arith.constant 2 : i32
          %add3A_1191 = arith.addi %add3A_499, %add3A_1190 : i32
          %get3A_1192 = arith.index_cast %add3A_1191 : i32 to index
          %get3A_1193 = arith.constant 64 : index
          %get3A_1194 = tpu.vector_load %arg10[%get3A_1192, %get3A_1193] {strides = array<i32>} : memref<800x128xf32, #tpu.memory_space<vmem>>, vector<1x16xf32>,
          %get3A_1195 = vector.shape_cast %get3A_1194 : vector<1x16xf32> to vector<16xf32>
          %add3A_1196 = arith.constant 3 : i32
          %add3A_1197 = arith.addi %add3A_499, %add3A_1196 : i32
          %get3A_1198 = arith.index_cast %add3A_1197 : i32 to index
          %get3A_1199 = arith.constant 64 : index
          %get3A_1200 = tpu.vector_load %arg10[%get3A_1198, %get3A_1199] {strides = array<i32>} : memref<800x128xf32, #tpu.memory_space<vmem>>, vector<1x16xf32>,
          %get3A_1201 = vector.shape_cast %get3A_1200 : vector<1x16xf32> to vector<16xf32>
          %add3A_1202 = arith.constant 4 : i32
          %add3A_1203 = arith.addi %add3A_499, %add3A_1202 : i32
          %get3A_1204 = arith.index_cast %add3A_1203 : i32 to index
          %get3A_1205 = arith.constant 64 : index
          %get3A_1206 = tpu.vector_load %arg10[%get3A_1204, %get3A_1205] {strides = array<i32>} : memref<800x128xf32, #tpu.memory_space<vmem>>, vector<1x16xf32>,
          %get3A_1207 = vector.shape_cast %get3A_1206 : vector<1x16xf32> to vector<16xf32>
          %add3A_1208 = arith.constant 5 : i32
          %add3A_1209 = arith.addi %add3A_499, %add3A_1208 : i32
          %get3A_1210 = arith.index_cast %add3A_1209 : i32 to index
          %get3A_1211 = arith.constant 64 : index
          %get3A_1212 = tpu.vector_load %arg10[%get3A_1210, %get3A_1211] {strides = array<i32>} : memref<800x128xf32, #tpu.memory_space<vmem>>, vector<1x16xf32>,
          %get3A_1213 = vector.shape_cast %get3A_1212 : vector<1x16xf32> to vector<16xf32>
          %add3A_1214 = arith.constant 6 : i32
          %add3A_1215 = arith.addi %add3A_499, %add3A_1214 : i32
          %get3A_1216 = arith.index_cast %add3A_1215 : i32 to index
          %get3A_1217 = arith.constant 64 : index
          %get3A_1218 = tpu.vector_load %arg10[%get3A_1216, %get3A_1217] {strides = array<i32>} : memref<800x128xf32, #tpu.memory_space<vmem>>, vector<1x16xf32>,
          %get3A_1219 = vector.shape_cast %get3A_1218 : vector<1x16xf32> to vector<16xf32>
          %add3A_1220 = arith.constant 7 : i32
          %add3A_1221 = arith.addi %add3A_499, %add3A_1220 : i32
          %get3A_1222 = arith.index_cast %add3A_1221 : i32 to index
          %get3A_1223 = arith.constant 64 : index
          %get3A_1224 = tpu.vector_load %arg10[%get3A_1222, %get3A_1223] {strides = array<i32>} : memref<800x128xf32, #tpu.memory_space<vmem>>, vector<1x16xf32>,
          %get3A_1225 = vector.shape_cast %get3A_1224 : vector<1x16xf32> to vector<16xf32>
          %add3A_1226 = arith.constant 8 : i32
          %add3A_1227 = arith.addi %add3A_499, %add3A_1226 : i32
          %get3A_1228 = arith.index_cast %add3A_1227 : i32 to index
          %get3A_1229 = arith.constant 64 : index
          %get3A_1230 = tpu.vector_load %arg10[%get3A_1228, %get3A_1229] {strides = array<i32>} : memref<800x128xf32, #tpu.memory_space<vmem>>, vector<1x16xf32>,
          %get3A_1231 = vector.shape_cast %get3A_1230 : vector<1x16xf32> to vector<16xf32>
          %add3A_1232 = arith.constant 9 : i32
          %add3A_1233 = arith.addi %add3A_499, %add3A_1232 : i32
          %get3A_1234 = arith.index_cast %add3A_1233 : i32 to index
          %get3A_1235 = arith.constant 64 : index
          %get3A_1236 = tpu.vector_load %arg10[%get3A_1234, %get3A_1235] {strides = array<i32>} : memref<800x128xf32, #tpu.memory_space<vmem>>, vector<1x16xf32>,
          %get3A_1237 = vector.shape_cast %get3A_1236 : vector<1x16xf32> to vector<16xf32>
          %add3A_1238 = arith.constant 10 : i32
          %add3A_1239 = arith.addi %add3A_499, %add3A_1238 : i32
          %get3A_1240 = arith.index_cast %add3A_1239 : i32 to index
          %get3A_1241 = arith.constant 64 : index
          %get3A_1242 = tpu.vector_load %arg10[%get3A_1240, %get3A_1241] {strides = array<i32>} : memref<800x128xf32, #tpu.memory_space<vmem>>, vector<1x16xf32>,
          %get3A_1243 = vector.shape_cast %get3A_1242 : vector<1x16xf32> to vector<16xf32>
          %add3A_1244 = arith.constant 11 : i32
          %add3A_1245 = arith.addi %add3A_499, %add3A_1244 : i32
          %get3A_1246 = arith.index_cast %add3A_1245 : i32 to index
          %get3A_1247 = arith.constant 64 : index
          %get3A_1248 = tpu.vector_load %arg10[%get3A_1246, %get3A_1247] {strides = array<i32>} : memref<800x128xf32, #tpu.memory_space<vmem>>, vector<1x16xf32>,
          %get3A_1249 = vector.shape_cast %get3A_1248 : vector<1x16xf32> to vector<16xf32>
          %add3A_1250 = arith.constant 12 : i32
          %add3A_1251 = arith.addi %add3A_499, %add3A_1250 : i32
          %get3A_1252 = arith.index_cast %add3A_1251 : i32 to index
          %get3A_1253 = arith.constant 64 : index
          %get3A_1254 = tpu.vector_load %arg10[%get3A_1252, %get3A_1253] {strides = array<i32>} : memref<800x128xf32, #tpu.memory_space<vmem>>, vector<1x16xf32>,
          %get3A_1255 = vector.shape_cast %get3A_1254 : vector<1x16xf32> to vector<16xf32>
          %add3A_1256 = arith.constant 13 : i32
          %add3A_1257 = arith.addi %add3A_499, %add3A_1256 : i32
          %get3A_1258 = arith.index_cast %add3A_1257 : i32 to index
          %get3A_1259 = arith.constant 64 : index
          %get3A_1260 = tpu.vector_load %arg10[%get3A_1258, %get3A_1259] {strides = array<i32>} : memref<800x128xf32, #tpu.memory_space<vmem>>, vector<1x16xf32>,
          %get3A_1261 = vector.shape_cast %get3A_1260 : vector<1x16xf32> to vector<16xf32>
          %add3A_1262 = arith.constant 14 : i32
          %add3A_1263 = arith.addi %add3A_499, %add3A_1262 : i32
          %get3A_1264 = arith.index_cast %add3A_1263 : i32 to index
          %get3A_1265 = arith.constant 64 : index
          %get3A_1266 = tpu.vector_load %arg10[%get3A_1264, %get3A_1265] {strides = array<i32>} : memref<800x128xf32, #tpu.memory_space<vmem>>, vector<1x16xf32>,
          %get3A_1267 = vector.shape_cast %get3A_1266 : vector<1x16xf32> to vector<16xf32>
          %add3A_1268 = arith.constant 15 : i32
          %add3A_1269 = arith.addi %add3A_499, %add3A_1268 : i32
          %get3A_1270 = arith.index_cast %add3A_1269 : i32 to index
          %get3A_1271 = arith.constant 64 : index
          %get3A_1272 = tpu.vector_load %arg10[%get3A_1270, %get3A_1271] {strides = array<i32>} : memref<800x128xf32, #tpu.memory_space<vmem>>, vector<1x16xf32>,
          %get3A_1273 = vector.shape_cast %get3A_1272 : vector<1x16xf32> to vector<16xf32>
          %select_n3A_1274 = arith.select %gt3A_501, %get3A_1183, %broadcast_in_dim3A_19 : vector<16xf32>
          %select_n3A_1275 = arith.select %gt3A_503, %get3A_1189, %broadcast_in_dim3A_19 : vector<16xf32>
          %select_n3A_1276 = arith.select %gt3A_505, %get3A_1195, %broadcast_in_dim3A_19 : vector<16xf32>
          %select_n3A_1277 = arith.select %gt3A_507, %get3A_1201, %broadcast_in_dim3A_19 : vector<16xf32>
          %select_n3A_1278 = arith.select %gt3A_509, %get3A_1207, %broadcast_in_dim3A_19 : vector<16xf32>
          %select_n3A_1279 = arith.select %gt3A_511, %get3A_1213, %broadcast_in_dim3A_19 : vector<16xf32>
          %select_n3A_1280 = arith.select %gt3A_513, %get3A_1219, %broadcast_in_dim3A_19 : vector<16xf32>
          %select_n3A_1281 = arith.select %gt3A_515, %get3A_1225, %broadcast_in_dim3A_19 : vector<16xf32>
          %select_n3A_1282 = arith.select %gt3A_517, %get3A_1231, %broadcast_in_dim3A_19 : vector<16xf32>
          %select_n3A_1283 = arith.select %gt3A_519, %get3A_1237, %broadcast_in_dim3A_19 : vector<16xf32>
          %select_n3A_1284 = arith.select %gt3A_521, %get3A_1243, %broadcast_in_dim3A_19 : vector<16xf32>
          %select_n3A_1285 = arith.select %gt3A_523, %get3A_1249, %broadcast_in_dim3A_19 : vector<16xf32>
          %select_n3A_1286 = arith.select %gt3A_525, %get3A_1255, %broadcast_in_dim3A_19 : vector<16xf32>
          %select_n3A_1287 = arith.select %gt3A_527, %get3A_1261, %broadcast_in_dim3A_19 : vector<16xf32>
          %select_n3A_1288 = arith.select %gt3A_529, %get3A_1267, %broadcast_in_dim3A_19 : vector<16xf32>
          %select_n3A_1289 = arith.select %gt3A_531, %get3A_1273, %broadcast_in_dim3A_19 : vector<16xf32>
          %select_n3A_1290 = arith.select %gt3A_501, %broadcast_in_dim3A_19, %get3A_1183 : vector<16xf32>
          %select_n3A_1291 = arith.select %gt3A_503, %broadcast_in_dim3A_19, %get3A_1189 : vector<16xf32>
          %select_n3A_1292 = arith.select %gt3A_505, %broadcast_in_dim3A_19, %get3A_1195 : vector<16xf32>
          %select_n3A_1293 = arith.select %gt3A_507, %broadcast_in_dim3A_19, %get3A_1201 : vector<16xf32>
          %select_n3A_1294 = arith.select %gt3A_509, %broadcast_in_dim3A_19, %get3A_1207 : vector<16xf32>
          %select_n3A_1295 = arith.select %gt3A_511, %broadcast_in_dim3A_19, %get3A_1213 : vector<16xf32>
          %select_n3A_1296 = arith.select %gt3A_513, %broadcast_in_dim3A_19, %get3A_1219 : vector<16xf32>
          %select_n3A_1297 = arith.select %gt3A_515, %broadcast_in_dim3A_19, %get3A_1225 : vector<16xf32>
          %select_n3A_1298 = arith.select %gt3A_517, %broadcast_in_dim3A_19, %get3A_1231 : vector<16xf32>
          %select_n3A_1299 = arith.select %gt3A_519, %broadcast_in_dim3A_19, %get3A_1237 : vector<16xf32>
          %select_n3A_1300 = arith.select %gt3A_521, %broadcast_in_dim3A_19, %get3A_1243 : vector<16xf32>
          %select_n3A_1301 = arith.select %gt3A_523, %broadcast_in_dim3A_19, %get3A_1249 : vector<16xf32>
          %select_n3A_1302 = arith.select %gt3A_525, %broadcast_in_dim3A_19, %get3A_1255 : vector<16xf32>
          %select_n3A_1303 = arith.select %gt3A_527, %broadcast_in_dim3A_19, %get3A_1261 : vector<16xf32>
          %select_n3A_1304 = arith.select %gt3A_529, %broadcast_in_dim3A_19, %get3A_1267 : vector<16xf32>
          %select_n3A_1305 = arith.select %gt3A_531, %broadcast_in_dim3A_19, %get3A_1273 : vector<16xf32>
          %max3A_1306 = arith.maximumf %select_n3A_1274, %select_n3A_1275 : vector<16xf32>
          %max3A_1307 = arith.maximumf %select_n3A_1276, %select_n3A_1277 : vector<16xf32>
          %max3A_1308 = arith.maximumf %select_n3A_1278, %select_n3A_1279 : vector<16xf32>
          %max3A_1309 = arith.maximumf %select_n3A_1280, %select_n3A_1281 : vector<16xf32>
          %max3A_1310 = arith.maximumf %select_n3A_1282, %select_n3A_1283 : vector<16xf32>
          %max3A_1311 = arith.maximumf %select_n3A_1284, %select_n3A_1285 : vector<16xf32>
          %max3A_1312 = arith.maximumf %select_n3A_1286, %select_n3A_1287 : vector<16xf32>
          %max3A_1313 = arith.maximumf %select_n3A_1288, %select_n3A_1289 : vector<16xf32>
          %max3A_1314 = arith.maximumf %select_n3A_1290, %select_n3A_1291 : vector<16xf32>
          %max3A_1315 = arith.maximumf %select_n3A_1292, %select_n3A_1293 : vector<16xf32>
          %max3A_1316 = arith.maximumf %select_n3A_1294, %select_n3A_1295 : vector<16xf32>
          %max3A_1317 = arith.maximumf %select_n3A_1296, %select_n3A_1297 : vector<16xf32>
          %max3A_1318 = arith.maximumf %select_n3A_1298, %select_n3A_1299 : vector<16xf32>
          %max3A_1319 = arith.maximumf %select_n3A_1300, %select_n3A_1301 : vector<16xf32>
          %max3A_1320 = arith.maximumf %select_n3A_1302, %select_n3A_1303 : vector<16xf32>
          %max3A_1321 = arith.maximumf %select_n3A_1304, %select_n3A_1305 : vector<16xf32>
          %max3A_1322 = arith.maximumf %max3A_1306, %max3A_1307 : vector<16xf32>
          %max3A_1323 = arith.maximumf %max3A_1308, %max3A_1309 : vector<16xf32>
          %max3A_1324 = arith.maximumf %max3A_1310, %max3A_1311 : vector<16xf32>
          %max3A_1325 = arith.maximumf %max3A_1312, %max3A_1313 : vector<16xf32>
          %max3A_1326 = arith.maximumf %max3A_1314, %max3A_1315 : vector<16xf32>
          %max3A_1327 = arith.maximumf %max3A_1316, %max3A_1317 : vector<16xf32>
          %max3A_1328 = arith.maximumf %max3A_1318, %max3A_1319 : vector<16xf32>
          %max3A_1329 = arith.maximumf %max3A_1320, %max3A_1321 : vector<16xf32>
          %max3A_1330 = arith.maximumf %max3A_1322, %max3A_1323 : vector<16xf32>
          %max3A_1331 = arith.maximumf %max3A_1324, %max3A_1325 : vector<16xf32>
          %max3A_1332 = arith.maximumf %max3A_1326, %max3A_1327 : vector<16xf32>
          %max3A_1333 = arith.maximumf %max3A_1328, %max3A_1329 : vector<16xf32>
          %max3A_1334 = arith.maximumf %max3A_1330, %max3A_1331 : vector<16xf32>
          %max3A_1335 = arith.maximumf %max3A_1332, %max3A_1333 : vector<16xf32>
          %get3A_1336 = arith.constant 64 : index
          %get3A_1337 = tpu.vector_load %arg14[%get3A_1336] {strides = array<i32>} : memref<128xf32, #tpu.memory_space<vmem>>, vector<16xf32>,
          %get3A_1338 = vector.shape_cast %get3A_1337 : vector<16xf32> to vector<16xf32>
          %max3A_1339 = arith.maximumf %get3A_1338, %max3A_1334 : vector<16xf32>
          %add3A_1340 = arith.constant 0 : i32
          %add3A_1341 = arith.addi %add3A_499, %add3A_1340 : i32
          %get3A_1342 = arith.index_cast %add3A_1341 : i32 to index
          %get3A_1343 = arith.constant 80 : index
          %get3A_1344 = tpu.vector_load %arg10[%get3A_1342, %get3A_1343] {strides = array<i32>} : memref<800x128xf32, #tpu.memory_space<vmem>>, vector<1x16xf32>,
          %get3A_1345 = vector.shape_cast %get3A_1344 : vector<1x16xf32> to vector<16xf32>
          %add3A_1346 = arith.constant 1 : i32
          %add3A_1347 = arith.addi %add3A_499, %add3A_1346 : i32
          %get3A_1348 = arith.index_cast %add3A_1347 : i32 to index
          %get3A_1349 = arith.constant 80 : index
          %get3A_1350 = tpu.vector_load %arg10[%get3A_1348, %get3A_1349] {strides = array<i32>} : memref<800x128xf32, #tpu.memory_space<vmem>>, vector<1x16xf32>,
          %get3A_1351 = vector.shape_cast %get3A_1350 : vector<1x16xf32> to vector<16xf32>
          %add3A_1352 = arith.constant 2 : i32
          %add3A_1353 = arith.addi %add3A_499, %add3A_1352 : i32
          %get3A_1354 = arith.index_cast %add3A_1353 : i32 to index
          %get3A_1355 = arith.constant 80 : index
          %get3A_1356 = tpu.vector_load %arg10[%get3A_1354, %get3A_1355] {strides = array<i32>} : memref<800x128xf32, #tpu.memory_space<vmem>>, vector<1x16xf32>,
          %get3A_1357 = vector.shape_cast %get3A_1356 : vector<1x16xf32> to vector<16xf32>
          %add3A_1358 = arith.constant 3 : i32
          %add3A_1359 = arith.addi %add3A_499, %add3A_1358 : i32
          %get3A_1360 = arith.index_cast %add3A_1359 : i32 to index
          %get3A_1361 = arith.constant 80 : index
          %get3A_1362 = tpu.vector_load %arg10[%get3A_1360, %get3A_1361] {strides = array<i32>} : memref<800x128xf32, #tpu.memory_space<vmem>>, vector<1x16xf32>,
          %get3A_1363 = vector.shape_cast %get3A_1362 : vector<1x16xf32> to vector<16xf32>
          %add3A_1364 = arith.constant 4 : i32
          %add3A_1365 = arith.addi %add3A_499, %add3A_1364 : i32
          %get3A_1366 = arith.index_cast %add3A_1365 : i32 to index
          %get3A_1367 = arith.constant 80 : index
          %get3A_1368 = tpu.vector_load %arg10[%get3A_1366, %get3A_1367] {strides = array<i32>} : memref<800x128xf32, #tpu.memory_space<vmem>>, vector<1x16xf32>,
          %get3A_1369 = vector.shape_cast %get3A_1368 : vector<1x16xf32> to vector<16xf32>
          %add3A_1370 = arith.constant 5 : i32
          %add3A_1371 = arith.addi %add3A_499, %add3A_1370 : i32
          %get3A_1372 = arith.index_cast %add3A_1371 : i32 to index
          %get3A_1373 = arith.constant 80 : index
          %get3A_1374 = tpu.vector_load %arg10[%get3A_1372, %get3A_1373] {strides = array<i32>} : memref<800x128xf32, #tpu.memory_space<vmem>>, vector<1x16xf32>,
          %get3A_1375 = vector.shape_cast %get3A_1374 : vector<1x16xf32> to vector<16xf32>
          %add3A_1376 = arith.constant 6 : i32
          %add3A_1377 = arith.addi %add3A_499, %add3A_1376 : i32
          %get3A_1378 = arith.index_cast %add3A_1377 : i32 to index
          %get3A_1379 = arith.constant 80 : index
          %get3A_1380 = tpu.vector_load %arg10[%get3A_1378, %get3A_1379] {strides = array<i32>} : memref<800x128xf32, #tpu.memory_space<vmem>>, vector<1x16xf32>,
          %get3A_1381 = vector.shape_cast %get3A_1380 : vector<1x16xf32> to vector<16xf32>
          %add3A_1382 = arith.constant 7 : i32
          %add3A_1383 = arith.addi %add3A_499, %add3A_1382 : i32
          %get3A_1384 = arith.index_cast %add3A_1383 : i32 to index
          %get3A_1385 = arith.constant 80 : index
          %get3A_1386 = tpu.vector_load %arg10[%get3A_1384, %get3A_1385] {strides = array<i32>} : memref<800x128xf32, #tpu.memory_space<vmem>>, vector<1x16xf32>,
          %get3A_1387 = vector.shape_cast %get3A_1386 : vector<1x16xf32> to vector<16xf32>
          %add3A_1388 = arith.constant 8 : i32
          %add3A_1389 = arith.addi %add3A_499, %add3A_1388 : i32
          %get3A_1390 = arith.index_cast %add3A_1389 : i32 to index
          %get3A_1391 = arith.constant 80 : index
          %get3A_1392 = tpu.vector_load %arg10[%get3A_1390, %get3A_1391] {strides = array<i32>} : memref<800x128xf32, #tpu.memory_space<vmem>>, vector<1x16xf32>,
          %get3A_1393 = vector.shape_cast %get3A_1392 : vector<1x16xf32> to vector<16xf32>
          %add3A_1394 = arith.constant 9 : i32
          %add3A_1395 = arith.addi %add3A_499, %add3A_1394 : i32
          %get3A_1396 = arith.index_cast %add3A_1395 : i32 to index
          %get3A_1397 = arith.constant 80 : index
          %get3A_1398 = tpu.vector_load %arg10[%get3A_1396, %get3A_1397] {strides = array<i32>} : memref<800x128xf32, #tpu.memory_space<vmem>>, vector<1x16xf32>,
          %get3A_1399 = vector.shape_cast %get3A_1398 : vector<1x16xf32> to vector<16xf32>
          %add3A_1400 = arith.constant 10 : i32
          %add3A_1401 = arith.addi %add3A_499, %add3A_1400 : i32
          %get3A_1402 = arith.index_cast %add3A_1401 : i32 to index
          %get3A_1403 = arith.constant 80 : index
          %get3A_1404 = tpu.vector_load %arg10[%get3A_1402, %get3A_1403] {strides = array<i32>} : memref<800x128xf32, #tpu.memory_space<vmem>>, vector<1x16xf32>,
          %get3A_1405 = vector.shape_cast %get3A_1404 : vector<1x16xf32> to vector<16xf32>
          %add3A_1406 = arith.constant 11 : i32
          %add3A_1407 = arith.addi %add3A_499, %add3A_1406 : i32
          %get3A_1408 = arith.index_cast %add3A_1407 : i32 to index
          %get3A_1409 = arith.constant 80 : index
          %get3A_1410 = tpu.vector_load %arg10[%get3A_1408, %get3A_1409] {strides = array<i32>} : memref<800x128xf32, #tpu.memory_space<vmem>>, vector<1x16xf32>,
          %get3A_1411 = vector.shape_cast %get3A_1410 : vector<1x16xf32> to vector<16xf32>
          %add3A_1412 = arith.constant 12 : i32
          %add3A_1413 = arith.addi %add3A_499, %add3A_1412 : i32
          %get3A_1414 = arith.index_cast %add3A_1413 : i32 to index
          %get3A_1415 = arith.constant 80 : index
          %get3A_1416 = tpu.vector_load %arg10[%get3A_1414, %get3A_1415] {strides = array<i32>} : memref<800x128xf32, #tpu.memory_space<vmem>>, vector<1x16xf32>,
          %get3A_1417 = vector.shape_cast %get3A_1416 : vector<1x16xf32> to vector<16xf32>
          %add3A_1418 = arith.constant 13 : i32
          %add3A_1419 = arith.addi %add3A_499, %add3A_1418 : i32
          %get3A_1420 = arith.index_cast %add3A_1419 : i32 to index
          %get3A_1421 = arith.constant 80 : index
          %get3A_1422 = tpu.vector_load %arg10[%get3A_1420, %get3A_1421] {strides = array<i32>} : memref<800x128xf32, #tpu.memory_space<vmem>>, vector<1x16xf32>,
          %get3A_1423 = vector.shape_cast %get3A_1422 : vector<1x16xf32> to vector<16xf32>
          %add3A_1424 = arith.constant 14 : i32
          %add3A_1425 = arith.addi %add3A_499, %add3A_1424 : i32
          %get3A_1426 = arith.index_cast %add3A_1425 : i32 to index
          %get3A_1427 = arith.constant 80 : index
          %get3A_1428 = tpu.vector_load %arg10[%get3A_1426, %get3A_1427] {strides = array<i32>} : memref<800x128xf32, #tpu.memory_space<vmem>>, vector<1x16xf32>,
          %get3A_1429 = vector.shape_cast %get3A_1428 : vector<1x16xf32> to vector<16xf32>
          %add3A_1430 = arith.constant 15 : i32
          %add3A_1431 = arith.addi %add3A_499, %add3A_1430 : i32
          %get3A_1432 = arith.index_cast %add3A_1431 : i32 to index
          %get3A_1433 = arith.constant 80 : index
          %get3A_1434 = tpu.vector_load %arg10[%get3A_1432, %get3A_1433] {strides = array<i32>} : memref<800x128xf32, #tpu.memory_space<vmem>>, vector<1x16xf32>,
          %get3A_1435 = vector.shape_cast %get3A_1434 : vector<1x16xf32> to vector<16xf32>
          %select_n3A_1436 = arith.select %gt3A_501, %get3A_1345, %broadcast_in_dim3A_19 : vector<16xf32>
          %select_n3A_1437 = arith.select %gt3A_503, %get3A_1351, %broadcast_in_dim3A_19 : vector<16xf32>
          %select_n3A_1438 = arith.select %gt3A_505, %get3A_1357, %broadcast_in_dim3A_19 : vector<16xf32>
          %select_n3A_1439 = arith.select %gt3A_507, %get3A_1363, %broadcast_in_dim3A_19 : vector<16xf32>
          %select_n3A_1440 = arith.select %gt3A_509, %get3A_1369, %broadcast_in_dim3A_19 : vector<16xf32>
          %select_n3A_1441 = arith.select %gt3A_511, %get3A_1375, %broadcast_in_dim3A_19 : vector<16xf32>
          %select_n3A_1442 = arith.select %gt3A_513, %get3A_1381, %broadcast_in_dim3A_19 : vector<16xf32>
          %select_n3A_1443 = arith.select %gt3A_515, %get3A_1387, %broadcast_in_dim3A_19 : vector<16xf32>
          %select_n3A_1444 = arith.select %gt3A_517, %get3A_1393, %broadcast_in_dim3A_19 : vector<16xf32>
          %select_n3A_1445 = arith.select %gt3A_519, %get3A_1399, %broadcast_in_dim3A_19 : vector<16xf32>
          %select_n3A_1446 = arith.select %gt3A_521, %get3A_1405, %broadcast_in_dim3A_19 : vector<16xf32>
          %select_n3A_1447 = arith.select %gt3A_523, %get3A_1411, %broadcast_in_dim3A_19 : vector<16xf32>
          %select_n3A_1448 = arith.select %gt3A_525, %get3A_1417, %broadcast_in_dim3A_19 : vector<16xf32>
          %select_n3A_1449 = arith.select %gt3A_527, %get3A_1423, %broadcast_in_dim3A_19 : vector<16xf32>
          %select_n3A_1450 = arith.select %gt3A_529, %get3A_1429, %broadcast_in_dim3A_19 : vector<16xf32>
          %select_n3A_1451 = arith.select %gt3A_531, %get3A_1435, %broadcast_in_dim3A_19 : vector<16xf32>
          %select_n3A_1452 = arith.select %gt3A_501, %broadcast_in_dim3A_19, %get3A_1345 : vector<16xf32>
          %select_n3A_1453 = arith.select %gt3A_503, %broadcast_in_dim3A_19, %get3A_1351 : vector<16xf32>
          %select_n3A_1454 = arith.select %gt3A_505, %broadcast_in_dim3A_19, %get3A_1357 : vector<16xf32>
          %select_n3A_1455 = arith.select %gt3A_507, %broadcast_in_dim3A_19, %get3A_1363 : vector<16xf32>
          %select_n3A_1456 = arith.select %gt3A_509, %broadcast_in_dim3A_19, %get3A_1369 : vector<16xf32>
          %select_n3A_1457 = arith.select %gt3A_511, %broadcast_in_dim3A_19, %get3A_1375 : vector<16xf32>
          %select_n3A_1458 = arith.select %gt3A_513, %broadcast_in_dim3A_19, %get3A_1381 : vector<16xf32>
          %select_n3A_1459 = arith.select %gt3A_515, %broadcast_in_dim3A_19, %get3A_1387 : vector<16xf32>
          %select_n3A_1460 = arith.select %gt3A_517, %broadcast_in_dim3A_19, %get3A_1393 : vector<16xf32>
          %select_n3A_1461 = arith.select %gt3A_519, %broadcast_in_dim3A_19, %get3A_1399 : vector<16xf32>
          %select_n3A_1462 = arith.select %gt3A_521, %broadcast_in_dim3A_19, %get3A_1405 : vector<16xf32>
          %select_n3A_1463 = arith.select %gt3A_523, %broadcast_in_dim3A_19, %get3A_1411 : vector<16xf32>
          %select_n3A_1464 = arith.select %gt3A_525, %broadcast_in_dim3A_19, %get3A_1417 : vector<16xf32>
          %select_n3A_1465 = arith.select %gt3A_527, %broadcast_in_dim3A_19, %get3A_1423 : vector<16xf32>
          %select_n3A_1466 = arith.select %gt3A_529, %broadcast_in_dim3A_19, %get3A_1429 : vector<16xf32>
          %select_n3A_1467 = arith.select %gt3A_531, %broadcast_in_dim3A_19, %get3A_1435 : vector<16xf32>
          %max3A_1468 = arith.maximumf %select_n3A_1436, %select_n3A_1437 : vector<16xf32>
          %max3A_1469 = arith.maximumf %select_n3A_1438, %select_n3A_1439 : vector<16xf32>
          %max3A_1470 = arith.maximumf %select_n3A_1440, %select_n3A_1441 : vector<16xf32>
          %max3A_1471 = arith.maximumf %select_n3A_1442, %select_n3A_1443 : vector<16xf32>
          %max3A_1472 = arith.maximumf %select_n3A_1444, %select_n3A_1445 : vector<16xf32>
          %max3A_1473 = arith.maximumf %select_n3A_1446, %select_n3A_1447 : vector<16xf32>
          %max3A_1474 = arith.maximumf %select_n3A_1448, %select_n3A_1449 : vector<16xf32>
          %max3A_1475 = arith.maximumf %select_n3A_1450, %select_n3A_1451 : vector<16xf32>
          %max3A_1476 = arith.maximumf %select_n3A_1452, %select_n3A_1453 : vector<16xf32>
          %max3A_1477 = arith.maximumf %select_n3A_1454, %select_n3A_1455 : vector<16xf32>
          %max3A_1478 = arith.maximumf %select_n3A_1456, %select_n3A_1457 : vector<16xf32>
          %max3A_1479 = arith.maximumf %select_n3A_1458, %select_n3A_1459 : vector<16xf32>
          %max3A_1480 = arith.maximumf %select_n3A_1460, %select_n3A_1461 : vector<16xf32>
          %max3A_1481 = arith.maximumf %select_n3A_1462, %select_n3A_1463 : vector<16xf32>
          %max3A_1482 = arith.maximumf %select_n3A_1464, %select_n3A_1465 : vector<16xf32>
          %max3A_1483 = arith.maximumf %select_n3A_1466, %select_n3A_1467 : vector<16xf32>
          %max3A_1484 = arith.maximumf %max3A_1468, %max3A_1469 : vector<16xf32>
          %max3A_1485 = arith.maximumf %max3A_1470, %max3A_1471 : vector<16xf32>
          %max3A_1486 = arith.maximumf %max3A_1472, %max3A_1473 : vector<16xf32>
          %max3A_1487 = arith.maximumf %max3A_1474, %max3A_1475 : vector<16xf32>
          %max3A_1488 = arith.maximumf %max3A_1476, %max3A_1477 : vector<16xf32>
          %max3A_1489 = arith.maximumf %max3A_1478, %max3A_1479 : vector<16xf32>
          %max3A_1490 = arith.maximumf %max3A_1480, %max3A_1481 : vector<16xf32>
          %max3A_1491 = arith.maximumf %max3A_1482, %max3A_1483 : vector<16xf32>
          %max3A_1492 = arith.maximumf %max3A_1484, %max3A_1485 : vector<16xf32>
          %max3A_1493 = arith.maximumf %max3A_1486, %max3A_1487 : vector<16xf32>
          %max3A_1494 = arith.maximumf %max3A_1488, %max3A_1489 : vector<16xf32>
          %max3A_1495 = arith.maximumf %max3A_1490, %max3A_1491 : vector<16xf32>
          %max3A_1496 = arith.maximumf %max3A_1492, %max3A_1493 : vector<16xf32>
          %max3A_1497 = arith.maximumf %max3A_1494, %max3A_1495 : vector<16xf32>
          %get3A_1498 = arith.constant 80 : index
          %get3A_1499 = tpu.vector_load %arg14[%get3A_1498] {strides = array<i32>} : memref<128xf32, #tpu.memory_space<vmem>>, vector<16xf32>,
          %get3A_1500 = vector.shape_cast %get3A_1499 : vector<16xf32> to vector<16xf32>
          %max3A_1501 = arith.maximumf %get3A_1500, %max3A_1496 : vector<16xf32>
          %add3A_1502 = arith.constant 0 : i32
          %add3A_1503 = arith.addi %add3A_499, %add3A_1502 : i32
          %get3A_1504 = arith.index_cast %add3A_1503 : i32 to index
          %get3A_1505 = arith.constant 96 : index
          %get3A_1506 = tpu.vector_load %arg10[%get3A_1504, %get3A_1505] {strides = array<i32>} : memref<800x128xf32, #tpu.memory_space<vmem>>, vector<1x16xf32>,
          %get3A_1507 = vector.shape_cast %get3A_1506 : vector<1x16xf32> to vector<16xf32>
          %add3A_1508 = arith.constant 1 : i32
          %add3A_1509 = arith.addi %add3A_499, %add3A_1508 : i32
          %get3A_1510 = arith.index_cast %add3A_1509 : i32 to index
          %get3A_1511 = arith.constant 96 : index
          %get3A_1512 = tpu.vector_load %arg10[%get3A_1510, %get3A_1511] {strides = array<i32>} : memref<800x128xf32, #tpu.memory_space<vmem>>, vector<1x16xf32>,
          %get3A_1513 = vector.shape_cast %get3A_1512 : vector<1x16xf32> to vector<16xf32>
          %add3A_1514 = arith.constant 2 : i32
          %add3A_1515 = arith.addi %add3A_499, %add3A_1514 : i32
          %get3A_1516 = arith.index_cast %add3A_1515 : i32 to index
          %get3A_1517 = arith.constant 96 : index
          %get3A_1518 = tpu.vector_load %arg10[%get3A_1516, %get3A_1517] {strides = array<i32>} : memref<800x128xf32, #tpu.memory_space<vmem>>, vector<1x16xf32>,
          %get3A_1519 = vector.shape_cast %get3A_1518 : vector<1x16xf32> to vector<16xf32>
          %add3A_1520 = arith.constant 3 : i32
          %add3A_1521 = arith.addi %add3A_499, %add3A_1520 : i32
          %get3A_1522 = arith.index_cast %add3A_1521 : i32 to index
          %get3A_1523 = arith.constant 96 : index
          %get3A_1524 = tpu.vector_load %arg10[%get3A_1522, %get3A_1523] {strides = array<i32>} : memref<800x128xf32, #tpu.memory_space<vmem>>, vector<1x16xf32>,
          %get3A_1525 = vector.shape_cast %get3A_1524 : vector<1x16xf32> to vector<16xf32>
          %add3A_1526 = arith.constant 4 : i32
          %add3A_1527 = arith.addi %add3A_499, %add3A_1526 : i32
          %get3A_1528 = arith.index_cast %add3A_1527 : i32 to index
          %get3A_1529 = arith.constant 96 : index
          %get3A_1530 = tpu.vector_load %arg10[%get3A_1528, %get3A_1529] {strides = array<i32>} : memref<800x128xf32, #tpu.memory_space<vmem>>, vector<1x16xf32>,
          %get3A_1531 = vector.shape_cast %get3A_1530 : vector<1x16xf32> to vector<16xf32>
          %add3A_1532 = arith.constant 5 : i32
          %add3A_1533 = arith.addi %add3A_499, %add3A_1532 : i32
          %get3A_1534 = arith.index_cast %add3A_1533 : i32 to index
          %get3A_1535 = arith.constant 96 : index
          %get3A_1536 = tpu.vector_load %arg10[%get3A_1534, %get3A_1535] {strides = array<i32>} : memref<800x128xf32, #tpu.memory_space<vmem>>, vector<1x16xf32>,
          %get3A_1537 = vector.shape_cast %get3A_1536 : vector<1x16xf32> to vector<16xf32>
          %add3A_1538 = arith.constant 6 : i32
          %add3A_1539 = arith.addi %add3A_499, %add3A_1538 : i32
          %get3A_1540 = arith.index_cast %add3A_1539 : i32 to index
          %get3A_1541 = arith.constant 96 : index
          %get3A_1542 = tpu.vector_load %arg10[%get3A_1540, %get3A_1541] {strides = array<i32>} : memref<800x128xf32, #tpu.memory_space<vmem>>, vector<1x16xf32>,
          %get3A_1543 = vector.shape_cast %get3A_1542 : vector<1x16xf32> to vector<16xf32>
          %add3A_1544 = arith.constant 7 : i32
          %add3A_1545 = arith.addi %add3A_499, %add3A_1544 : i32
          %get3A_1546 = arith.index_cast %add3A_1545 : i32 to index
          %get3A_1547 = arith.constant 96 : index
          %get3A_1548 = tpu.vector_load %arg10[%get3A_1546, %get3A_1547] {strides = array<i32>} : memref<800x128xf32, #tpu.memory_space<vmem>>, vector<1x16xf32>,
          %get3A_1549 = vector.shape_cast %get3A_1548 : vector<1x16xf32> to vector<16xf32>
          %add3A_1550 = arith.constant 8 : i32
          %add3A_1551 = arith.addi %add3A_499, %add3A_1550 : i32
          %get3A_1552 = arith.index_cast %add3A_1551 : i32 to index
          %get3A_1553 = arith.constant 96 : index
          %get3A_1554 = tpu.vector_load %arg10[%get3A_1552, %get3A_1553] {strides = array<i32>} : memref<800x128xf32, #tpu.memory_space<vmem>>, vector<1x16xf32>,
          %get3A_1555 = vector.shape_cast %get3A_1554 : vector<1x16xf32> to vector<16xf32>
          %add3A_1556 = arith.constant 9 : i32
          %add3A_1557 = arith.addi %add3A_499, %add3A_1556 : i32
          %get3A_1558 = arith.index_cast %add3A_1557 : i32 to index
          %get3A_1559 = arith.constant 96 : index
          %get3A_1560 = tpu.vector_load %arg10[%get3A_1558, %get3A_1559] {strides = array<i32>} : memref<800x128xf32, #tpu.memory_space<vmem>>, vector<1x16xf32>,
          %get3A_1561 = vector.shape_cast %get3A_1560 : vector<1x16xf32> to vector<16xf32>
          %add3A_1562 = arith.constant 10 : i32
          %add3A_1563 = arith.addi %add3A_499, %add3A_1562 : i32
          %get3A_1564 = arith.index_cast %add3A_1563 : i32 to index
          %get3A_1565 = arith.constant 96 : index
          %get3A_1566 = tpu.vector_load %arg10[%get3A_1564, %get3A_1565] {strides = array<i32>} : memref<800x128xf32, #tpu.memory_space<vmem>>, vector<1x16xf32>,
          %get3A_1567 = vector.shape_cast %get3A_1566 : vector<1x16xf32> to vector<16xf32>
          %add3A_1568 = arith.constant 11 : i32
          %add3A_1569 = arith.addi %add3A_499, %add3A_1568 : i32
          %get3A_1570 = arith.index_cast %add3A_1569 : i32 to index
          %get3A_1571 = arith.constant 96 : index
          %get3A_1572 = tpu.vector_load %arg10[%get3A_1570, %get3A_1571] {strides = array<i32>} : memref<800x128xf32, #tpu.memory_space<vmem>>, vector<1x16xf32>,
          %get3A_1573 = vector.shape_cast %get3A_1572 : vector<1x16xf32> to vector<16xf32>
          %add3A_1574 = arith.constant 12 : i32
          %add3A_1575 = arith.addi %add3A_499, %add3A_1574 : i32
          %get3A_1576 = arith.index_cast %add3A_1575 : i32 to index
          %get3A_1577 = arith.constant 96 : index
          %get3A_1578 = tpu.vector_load %arg10[%get3A_1576, %get3A_1577] {strides = array<i32>} : memref<800x128xf32, #tpu.memory_space<vmem>>, vector<1x16xf32>,
          %get3A_1579 = vector.shape_cast %get3A_1578 : vector<1x16xf32> to vector<16xf32>
          %add3A_1580 = arith.constant 13 : i32
          %add3A_1581 = arith.addi %add3A_499, %add3A_1580 : i32
          %get3A_1582 = arith.index_cast %add3A_1581 : i32 to index
          %get3A_1583 = arith.constant 96 : index
          %get3A_1584 = tpu.vector_load %arg10[%get3A_1582, %get3A_1583] {strides = array<i32>} : memref<800x128xf32, #tpu.memory_space<vmem>>, vector<1x16xf32>,
          %get3A_1585 = vector.shape_cast %get3A_1584 : vector<1x16xf32> to vector<16xf32>
          %add3A_1586 = arith.constant 14 : i32
          %add3A_1587 = arith.addi %add3A_499, %add3A_1586 : i32
          %get3A_1588 = arith.index_cast %add3A_1587 : i32 to index
          %get3A_1589 = arith.constant 96 : index
          %get3A_1590 = tpu.vector_load %arg10[%get3A_1588, %get3A_1589] {strides = array<i32>} : memref<800x128xf32, #tpu.memory_space<vmem>>, vector<1x16xf32>,
          %get3A_1591 = vector.shape_cast %get3A_1590 : vector<1x16xf32> to vector<16xf32>
          %add3A_1592 = arith.constant 15 : i32
          %add3A_1593 = arith.addi %add3A_499, %add3A_1592 : i32
          %get3A_1594 = arith.index_cast %add3A_1593 : i32 to index
          %get3A_1595 = arith.constant 96 : index
          %get3A_1596 = tpu.vector_load %arg10[%get3A_1594, %get3A_1595] {strides = array<i32>} : memref<800x128xf32, #tpu.memory_space<vmem>>, vector<1x16xf32>,
          %get3A_1597 = vector.shape_cast %get3A_1596 : vector<1x16xf32> to vector<16xf32>
          %select_n3A_1598 = arith.select %gt3A_501, %get3A_1507, %broadcast_in_dim3A_19 : vector<16xf32>
          %select_n3A_1599 = arith.select %gt3A_503, %get3A_1513, %broadcast_in_dim3A_19 : vector<16xf32>
          %select_n3A_1600 = arith.select %gt3A_505, %get3A_1519, %broadcast_in_dim3A_19 : vector<16xf32>
          %select_n3A_1601 = arith.select %gt3A_507, %get3A_1525, %broadcast_in_dim3A_19 : vector<16xf32>
          %select_n3A_1602 = arith.select %gt3A_509, %get3A_1531, %broadcast_in_dim3A_19 : vector<16xf32>
          %select_n3A_1603 = arith.select %gt3A_511, %get3A_1537, %broadcast_in_dim3A_19 : vector<16xf32>
          %select_n3A_1604 = arith.select %gt3A_513, %get3A_1543, %broadcast_in_dim3A_19 : vector<16xf32>
          %select_n3A_1605 = arith.select %gt3A_515, %get3A_1549, %broadcast_in_dim3A_19 : vector<16xf32>
          %select_n3A_1606 = arith.select %gt3A_517, %get3A_1555, %broadcast_in_dim3A_19 : vector<16xf32>
          %select_n3A_1607 = arith.select %gt3A_519, %get3A_1561, %broadcast_in_dim3A_19 : vector<16xf32>
          %select_n3A_1608 = arith.select %gt3A_521, %get3A_1567, %broadcast_in_dim3A_19 : vector<16xf32>
          %select_n3A_1609 = arith.select %gt3A_523, %get3A_1573, %broadcast_in_dim3A_19 : vector<16xf32>
          %select_n3A_1610 = arith.select %gt3A_525, %get3A_1579, %broadcast_in_dim3A_19 : vector<16xf32>
          %select_n3A_1611 = arith.select %gt3A_527, %get3A_1585, %broadcast_in_dim3A_19 : vector<16xf32>
          %select_n3A_1612 = arith.select %gt3A_529, %get3A_1591, %broadcast_in_dim3A_19 : vector<16xf32>
          %select_n3A_1613 = arith.select %gt3A_531, %get3A_1597, %broadcast_in_dim3A_19 : vector<16xf32>
          %select_n3A_1614 = arith.select %gt3A_501, %broadcast_in_dim3A_19, %get3A_1507 : vector<16xf32>
          %select_n3A_1615 = arith.select %gt3A_503, %broadcast_in_dim3A_19, %get3A_1513 : vector<16xf32>
          %select_n3A_1616 = arith.select %gt3A_505, %broadcast_in_dim3A_19, %get3A_1519 : vector<16xf32>
          %select_n3A_1617 = arith.select %gt3A_507, %broadcast_in_dim3A_19, %get3A_1525 : vector<16xf32>
          %select_n3A_1618 = arith.select %gt3A_509, %broadcast_in_dim3A_19, %get3A_1531 : vector<16xf32>
          %select_n3A_1619 = arith.select %gt3A_511, %broadcast_in_dim3A_19, %get3A_1537 : vector<16xf32>
          %select_n3A_1620 = arith.select %gt3A_513, %broadcast_in_dim3A_19, %get3A_1543 : vector<16xf32>
          %select_n3A_1621 = arith.select %gt3A_515, %broadcast_in_dim3A_19, %get3A_1549 : vector<16xf32>
          %select_n3A_1622 = arith.select %gt3A_517, %broadcast_in_dim3A_19, %get3A_1555 : vector<16xf32>
          %select_n3A_1623 = arith.select %gt3A_519, %broadcast_in_dim3A_19, %get3A_1561 : vector<16xf32>
          %select_n3A_1624 = arith.select %gt3A_521, %broadcast_in_dim3A_19, %get3A_1567 : vector<16xf32>
          %select_n3A_1625 = arith.select %gt3A_523, %broadcast_in_dim3A_19, %get3A_1573 : vector<16xf32>
          %select_n3A_1626 = arith.select %gt3A_525, %broadcast_in_dim3A_19, %get3A_1579 : vector<16xf32>
          %select_n3A_1627 = arith.select %gt3A_527, %broadcast_in_dim3A_19, %get3A_1585 : vector<16xf32>
          %select_n3A_1628 = arith.select %gt3A_529, %broadcast_in_dim3A_19, %get3A_1591 : vector<16xf32>
          %select_n3A_1629 = arith.select %gt3A_531, %broadcast_in_dim3A_19, %get3A_1597 : vector<16xf32>
          %max3A_1630 = arith.maximumf %select_n3A_1598, %select_n3A_1599 : vector<16xf32>
          %max3A_1631 = arith.maximumf %select_n3A_1600, %select_n3A_1601 : vector<16xf32>
          %max3A_1632 = arith.maximumf %select_n3A_1602, %select_n3A_1603 : vector<16xf32>
          %max3A_1633 = arith.maximumf %select_n3A_1604, %select_n3A_1605 : vector<16xf32>
          %max3A_1634 = arith.maximumf %select_n3A_1606, %select_n3A_1607 : vector<16xf32>
          %max3A_1635 = arith.maximumf %select_n3A_1608, %select_n3A_1609 : vector<16xf32>
          %max3A_1636 = arith.maximumf %select_n3A_1610, %select_n3A_1611 : vector<16xf32>
          %max3A_1637 = arith.maximumf %select_n3A_1612, %select_n3A_1613 : vector<16xf32>
          %max3A_1638 = arith.maximumf %select_n3A_1614, %select_n3A_1615 : vector<16xf32>
          %max3A_1639 = arith.maximumf %select_n3A_1616, %select_n3A_1617 : vector<16xf32>
          %max3A_1640 = arith.maximumf %select_n3A_1618, %select_n3A_1619 : vector<16xf32>
          %max3A_1641 = arith.maximumf %select_n3A_1620, %select_n3A_1621 : vector<16xf32>
          %max3A_1642 = arith.maximumf %select_n3A_1622, %select_n3A_1623 : vector<16xf32>
          %max3A_1643 = arith.maximumf %select_n3A_1624, %select_n3A_1625 : vector<16xf32>
          %max3A_1644 = arith.maximumf %select_n3A_1626, %select_n3A_1627 : vector<16xf32>
          %max3A_1645 = arith.maximumf %select_n3A_1628, %select_n3A_1629 : vector<16xf32>
          %max3A_1646 = arith.maximumf %max3A_1630, %max3A_1631 : vector<16xf32>
          %max3A_1647 = arith.maximumf %max3A_1632, %max3A_1633 : vector<16xf32>
          %max3A_1648 = arith.maximumf %max3A_1634, %max3A_1635 : vector<16xf32>
          %max3A_1649 = arith.maximumf %max3A_1636, %max3A_1637 : vector<16xf32>
          %max3A_1650 = arith.maximumf %max3A_1638, %max3A_1639 : vector<16xf32>
          %max3A_1651 = arith.maximumf %max3A_1640, %max3A_1641 : vector<16xf32>
          %max3A_1652 = arith.maximumf %max3A_1642, %max3A_1643 : vector<16xf32>
          %max3A_1653 = arith.maximumf %max3A_1644, %max3A_1645 : vector<16xf32>
          %max3A_1654 = arith.maximumf %max3A_1646, %max3A_1647 : vector<16xf32>
          %max3A_1655 = arith.maximumf %max3A_1648, %max3A_1649 : vector<16xf32>
          %max3A_1656 = arith.maximumf %max3A_1650, %max3A_1651 : vector<16xf32>
          %max3A_1657 = arith.maximumf %max3A_1652, %max3A_1653 : vector<16xf32>
          %max3A_1658 = arith.maximumf %max3A_1654, %max3A_1655 : vector<16xf32>
          %max3A_1659 = arith.maximumf %max3A_1656, %max3A_1657 : vector<16xf32>
          %get3A_1660 = arith.constant 96 : index
          %get3A_1661 = tpu.vector_load %arg14[%get3A_1660] {strides = array<i32>} : memref<128xf32, #tpu.memory_space<vmem>>, vector<16xf32>,
          %get3A_1662 = vector.shape_cast %get3A_1661 : vector<16xf32> to vector<16xf32>
          %max3A_1663 = arith.maximumf %get3A_1662, %max3A_1658 : vector<16xf32>
          %add3A_1664 = arith.constant 0 : i32
          %add3A_1665 = arith.addi %add3A_499, %add3A_1664 : i32
          %get3A_1666 = arith.index_cast %add3A_1665 : i32 to index
          %get3A_1667 = arith.constant 112 : index
          %get3A_1668 = tpu.vector_load %arg10[%get3A_1666, %get3A_1667] {strides = array<i32>} : memref<800x128xf32, #tpu.memory_space<vmem>>, vector<1x16xf32>,
          %get3A_1669 = vector.shape_cast %get3A_1668 : vector<1x16xf32> to vector<16xf32>
          %add3A_1670 = arith.constant 1 : i32
          %add3A_1671 = arith.addi %add3A_499, %add3A_1670 : i32
          %get3A_1672 = arith.index_cast %add3A_1671 : i32 to index
          %get3A_1673 = arith.constant 112 : index
          %get3A_1674 = tpu.vector_load %arg10[%get3A_1672, %get3A_1673] {strides = array<i32>} : memref<800x128xf32, #tpu.memory_space<vmem>>, vector<1x16xf32>,
          %get3A_1675 = vector.shape_cast %get3A_1674 : vector<1x16xf32> to vector<16xf32>
          %add3A_1676 = arith.constant 2 : i32
          %add3A_1677 = arith.addi %add3A_499, %add3A_1676 : i32
          %get3A_1678 = arith.index_cast %add3A_1677 : i32 to index
          %get3A_1679 = arith.constant 112 : index
          %get3A_1680 = tpu.vector_load %arg10[%get3A_1678, %get3A_1679] {strides = array<i32>} : memref<800x128xf32, #tpu.memory_space<vmem>>, vector<1x16xf32>,
          %get3A_1681 = vector.shape_cast %get3A_1680 : vector<1x16xf32> to vector<16xf32>
          %add3A_1682 = arith.constant 3 : i32
          %add3A_1683 = arith.addi %add3A_499, %add3A_1682 : i32
          %get3A_1684 = arith.index_cast %add3A_1683 : i32 to index
          %get3A_1685 = arith.constant 112 : index
          %get3A_1686 = tpu.vector_load %arg10[%get3A_1684, %get3A_1685] {strides = array<i32>} : memref<800x128xf32, #tpu.memory_space<vmem>>, vector<1x16xf32>,
          %get3A_1687 = vector.shape_cast %get3A_1686 : vector<1x16xf32> to vector<16xf32>
          %add3A_1688 = arith.constant 4 : i32
          %add3A_1689 = arith.addi %add3A_499, %add3A_1688 : i32
          %get3A_1690 = arith.index_cast %add3A_1689 : i32 to index
          %get3A_1691 = arith.constant 112 : index
          %get3A_1692 = tpu.vector_load %arg10[%get3A_1690, %get3A_1691] {strides = array<i32>} : memref<800x128xf32, #tpu.memory_space<vmem>>, vector<1x16xf32>,
          %get3A_1693 = vector.shape_cast %get3A_1692 : vector<1x16xf32> to vector<16xf32>
          %add3A_1694 = arith.constant 5 : i32
          %add3A_1695 = arith.addi %add3A_499, %add3A_1694 : i32
          %get3A_1696 = arith.index_cast %add3A_1695 : i32 to index
          %get3A_1697 = arith.constant 112 : index
          %get3A_1698 = tpu.vector_load %arg10[%get3A_1696, %get3A_1697] {strides = array<i32>} : memref<800x128xf32, #tpu.memory_space<vmem>>, vector<1x16xf32>,
          %get3A_1699 = vector.shape_cast %get3A_1698 : vector<1x16xf32> to vector<16xf32>
          %add3A_1700 = arith.constant 6 : i32
          %add3A_1701 = arith.addi %add3A_499, %add3A_1700 : i32
          %get3A_1702 = arith.index_cast %add3A_1701 : i32 to index
          %get3A_1703 = arith.constant 112 : index
          %get3A_1704 = tpu.vector_load %arg10[%get3A_1702, %get3A_1703] {strides = array<i32>} : memref<800x128xf32, #tpu.memory_space<vmem>>, vector<1x16xf32>,
          %get3A_1705 = vector.shape_cast %get3A_1704 : vector<1x16xf32> to vector<16xf32>
          %add3A_1706 = arith.constant 7 : i32
          %add3A_1707 = arith.addi %add3A_499, %add3A_1706 : i32
          %get3A_1708 = arith.index_cast %add3A_1707 : i32 to index
          %get3A_1709 = arith.constant 112 : index
          %get3A_1710 = tpu.vector_load %arg10[%get3A_1708, %get3A_1709] {strides = array<i32>} : memref<800x128xf32, #tpu.memory_space<vmem>>, vector<1x16xf32>,
          %get3A_1711 = vector.shape_cast %get3A_1710 : vector<1x16xf32> to vector<16xf32>
          %add3A_1712 = arith.constant 8 : i32
          %add3A_1713 = arith.addi %add3A_499, %add3A_1712 : i32
          %get3A_1714 = arith.index_cast %add3A_1713 : i32 to index
          %get3A_1715 = arith.constant 112 : index
          %get3A_1716 = tpu.vector_load %arg10[%get3A_1714, %get3A_1715] {strides = array<i32>} : memref<800x128xf32, #tpu.memory_space<vmem>>, vector<1x16xf32>,
          %get3A_1717 = vector.shape_cast %get3A_1716 : vector<1x16xf32> to vector<16xf32>
          %add3A_1718 = arith.constant 9 : i32
          %add3A_1719 = arith.addi %add3A_499, %add3A_1718 : i32
          %get3A_1720 = arith.index_cast %add3A_1719 : i32 to index
          %get3A_1721 = arith.constant 112 : index
          %get3A_1722 = tpu.vector_load %arg10[%get3A_1720, %get3A_1721] {strides = array<i32>} : memref<800x128xf32, #tpu.memory_space<vmem>>, vector<1x16xf32>,
          %get3A_1723 = vector.shape_cast %get3A_1722 : vector<1x16xf32> to vector<16xf32>
          %add3A_1724 = arith.constant 10 : i32
          %add3A_1725 = arith.addi %add3A_499, %add3A_1724 : i32
          %get3A_1726 = arith.index_cast %add3A_1725 : i32 to index
          %get3A_1727 = arith.constant 112 : index
          %get3A_1728 = tpu.vector_load %arg10[%get3A_1726, %get3A_1727] {strides = array<i32>} : memref<800x128xf32, #tpu.memory_space<vmem>>, vector<1x16xf32>,
          %get3A_1729 = vector.shape_cast %get3A_1728 : vector<1x16xf32> to vector<16xf32>
          %add3A_1730 = arith.constant 11 : i32
          %add3A_1731 = arith.addi %add3A_499, %add3A_1730 : i32
          %get3A_1732 = arith.index_cast %add3A_1731 : i32 to index
          %get3A_1733 = arith.constant 112 : index
          %get3A_1734 = tpu.vector_load %arg10[%get3A_1732, %get3A_1733] {strides = array<i32>} : memref<800x128xf32, #tpu.memory_space<vmem>>, vector<1x16xf32>,
          %get3A_1735 = vector.shape_cast %get3A_1734 : vector<1x16xf32> to vector<16xf32>
          %add3A_1736 = arith.constant 12 : i32
          %add3A_1737 = arith.addi %add3A_499, %add3A_1736 : i32
          %get3A_1738 = arith.index_cast %add3A_1737 : i32 to index
          %get3A_1739 = arith.constant 112 : index
          %get3A_1740 = tpu.vector_load %arg10[%get3A_1738, %get3A_1739] {strides = array<i32>} : memref<800x128xf32, #tpu.memory_space<vmem>>, vector<1x16xf32>,
          %get3A_1741 = vector.shape_cast %get3A_1740 : vector<1x16xf32> to vector<16xf32>
          %add3A_1742 = arith.constant 13 : i32
          %add3A_1743 = arith.addi %add3A_499, %add3A_1742 : i32
          %get3A_1744 = arith.index_cast %add3A_1743 : i32 to index
          %get3A_1745 = arith.constant 112 : index
          %get3A_1746 = tpu.vector_load %arg10[%get3A_1744, %get3A_1745] {strides = array<i32>} : memref<800x128xf32, #tpu.memory_space<vmem>>, vector<1x16xf32>,
          %get3A_1747 = vector.shape_cast %get3A_1746 : vector<1x16xf32> to vector<16xf32>
          %add3A_1748 = arith.constant 14 : i32
          %add3A_1749 = arith.addi %add3A_499, %add3A_1748 : i32
          %get3A_1750 = arith.index_cast %add3A_1749 : i32 to index
          %get3A_1751 = arith.constant 112 : index
          %get3A_1752 = tpu.vector_load %arg10[%get3A_1750, %get3A_1751] {strides = array<i32>} : memref<800x128xf32, #tpu.memory_space<vmem>>, vector<1x16xf32>,
          %get3A_1753 = vector.shape_cast %get3A_1752 : vector<1x16xf32> to vector<16xf32>
          %add3A_1754 = arith.constant 15 : i32
          %add3A_1755 = arith.addi %add3A_499, %add3A_1754 : i32
          %get3A_1756 = arith.index_cast %add3A_1755 : i32 to index
          %get3A_1757 = arith.constant 112 : index
          %get3A_1758 = tpu.vector_load %arg10[%get3A_1756, %get3A_1757] {strides = array<i32>} : memref<800x128xf32, #tpu.memory_space<vmem>>, vector<1x16xf32>,
          %get3A_1759 = vector.shape_cast %get3A_1758 : vector<1x16xf32> to vector<16xf32>
          %select_n3A_1760 = arith.select %gt3A_501, %get3A_1669, %broadcast_in_dim3A_19 : vector<16xf32>
          %select_n3A_1761 = arith.select %gt3A_503, %get3A_1675, %broadcast_in_dim3A_19 : vector<16xf32>
          %select_n3A_1762 = arith.select %gt3A_505, %get3A_1681, %broadcast_in_dim3A_19 : vector<16xf32>
          %select_n3A_1763 = arith.select %gt3A_507, %get3A_1687, %broadcast_in_dim3A_19 : vector<16xf32>
          %select_n3A_1764 = arith.select %gt3A_509, %get3A_1693, %broadcast_in_dim3A_19 : vector<16xf32>
          %select_n3A_1765 = arith.select %gt3A_511, %get3A_1699, %broadcast_in_dim3A_19 : vector<16xf32>
          %select_n3A_1766 = arith.select %gt3A_513, %get3A_1705, %broadcast_in_dim3A_19 : vector<16xf32>
          %select_n3A_1767 = arith.select %gt3A_515, %get3A_1711, %broadcast_in_dim3A_19 : vector<16xf32>
          %select_n3A_1768 = arith.select %gt3A_517, %get3A_1717, %broadcast_in_dim3A_19 : vector<16xf32>
          %select_n3A_1769 = arith.select %gt3A_519, %get3A_1723, %broadcast_in_dim3A_19 : vector<16xf32>
          %select_n3A_1770 = arith.select %gt3A_521, %get3A_1729, %broadcast_in_dim3A_19 : vector<16xf32>
          %select_n3A_1771 = arith.select %gt3A_523, %get3A_1735, %broadcast_in_dim3A_19 : vector<16xf32>
          %select_n3A_1772 = arith.select %gt3A_525, %get3A_1741, %broadcast_in_dim3A_19 : vector<16xf32>
          %select_n3A_1773 = arith.select %gt3A_527, %get3A_1747, %broadcast_in_dim3A_19 : vector<16xf32>
          %select_n3A_1774 = arith.select %gt3A_529, %get3A_1753, %broadcast_in_dim3A_19 : vector<16xf32>
          %select_n3A_1775 = arith.select %gt3A_531, %get3A_1759, %broadcast_in_dim3A_19 : vector<16xf32>
          %select_n3A_1776 = arith.select %gt3A_501, %broadcast_in_dim3A_19, %get3A_1669 : vector<16xf32>
          %select_n3A_1777 = arith.select %gt3A_503, %broadcast_in_dim3A_19, %get3A_1675 : vector<16xf32>
          %select_n3A_1778 = arith.select %gt3A_505, %broadcast_in_dim3A_19, %get3A_1681 : vector<16xf32>
          %select_n3A_1779 = arith.select %gt3A_507, %broadcast_in_dim3A_19, %get3A_1687 : vector<16xf32>
          %select_n3A_1780 = arith.select %gt3A_509, %broadcast_in_dim3A_19, %get3A_1693 : vector<16xf32>
          %select_n3A_1781 = arith.select %gt3A_511, %broadcast_in_dim3A_19, %get3A_1699 : vector<16xf32>
          %select_n3A_1782 = arith.select %gt3A_513, %broadcast_in_dim3A_19, %get3A_1705 : vector<16xf32>
          %select_n3A_1783 = arith.select %gt3A_515, %broadcast_in_dim3A_19, %get3A_1711 : vector<16xf32>
          %select_n3A_1784 = arith.select %gt3A_517, %broadcast_in_dim3A_19, %get3A_1717 : vector<16xf32>
          %select_n3A_1785 = arith.select %gt3A_519, %broadcast_in_dim3A_19, %get3A_1723 : vector<16xf32>
          %select_n3A_1786 = arith.select %gt3A_521, %broadcast_in_dim3A_19, %get3A_1729 : vector<16xf32>
          %select_n3A_1787 = arith.select %gt3A_523, %broadcast_in_dim3A_19, %get3A_1735 : vector<16xf32>
          %select_n3A_1788 = arith.select %gt3A_525, %broadcast_in_dim3A_19, %get3A_1741 : vector<16xf32>
          %select_n3A_1789 = arith.select %gt3A_527, %broadcast_in_dim3A_19, %get3A_1747 : vector<16xf32>
          %select_n3A_1790 = arith.select %gt3A_529, %broadcast_in_dim3A_19, %get3A_1753 : vector<16xf32>
          %select_n3A_1791 = arith.select %gt3A_531, %broadcast_in_dim3A_19, %get3A_1759 : vector<16xf32>
          %max3A_1792 = arith.maximumf %select_n3A_1760, %select_n3A_1761 : vector<16xf32>
          %max3A_1793 = arith.maximumf %select_n3A_1762, %select_n3A_1763 : vector<16xf32>
          %max3A_1794 = arith.maximumf %select_n3A_1764, %select_n3A_1765 : vector<16xf32>
          %max3A_1795 = arith.maximumf %select_n3A_1766, %select_n3A_1767 : vector<16xf32>
          %max3A_1796 = arith.maximumf %select_n3A_1768, %select_n3A_1769 : vector<16xf32>
          %max3A_1797 = arith.maximumf %select_n3A_1770, %select_n3A_1771 : vector<16xf32>
          %max3A_1798 = arith.maximumf %select_n3A_1772, %select_n3A_1773 : vector<16xf32>
          %max3A_1799 = arith.maximumf %select_n3A_1774, %select_n3A_1775 : vector<16xf32>
          %max3A_1800 = arith.maximumf %select_n3A_1776, %select_n3A_1777 : vector<16xf32>
          %max3A_1801 = arith.maximumf %select_n3A_1778, %select_n3A_1779 : vector<16xf32>
          %max3A_1802 = arith.maximumf %select_n3A_1780, %select_n3A_1781 : vector<16xf32>
          %max3A_1803 = arith.maximumf %select_n3A_1782, %select_n3A_1783 : vector<16xf32>
          %max3A_1804 = arith.maximumf %select_n3A_1784, %select_n3A_1785 : vector<16xf32>
          %max3A_1805 = arith.maximumf %select_n3A_1786, %select_n3A_1787 : vector<16xf32>
          %max3A_1806 = arith.maximumf %select_n3A_1788, %select_n3A_1789 : vector<16xf32>
          %max3A_1807 = arith.maximumf %select_n3A_1790, %select_n3A_1791 : vector<16xf32>
          %max3A_1808 = arith.maximumf %max3A_1792, %max3A_1793 : vector<16xf32>
          %max3A_1809 = arith.maximumf %max3A_1794, %max3A_1795 : vector<16xf32>
          %max3A_1810 = arith.maximumf %max3A_1796, %max3A_1797 : vector<16xf32>
          %max3A_1811 = arith.maximumf %max3A_1798, %max3A_1799 : vector<16xf32>
          %max3A_1812 = arith.maximumf %max3A_1800, %max3A_1801 : vector<16xf32>
          %max3A_1813 = arith.maximumf %max3A_1802, %max3A_1803 : vector<16xf32>
          %max3A_1814 = arith.maximumf %max3A_1804, %max3A_1805 : vector<16xf32>
          %max3A_1815 = arith.maximumf %max3A_1806, %max3A_1807 : vector<16xf32>
          %max3A_1816 = arith.maximumf %max3A_1808, %max3A_1809 : vector<16xf32>
          %max3A_1817 = arith.maximumf %max3A_1810, %max3A_1811 : vector<16xf32>
          %max3A_1818 = arith.maximumf %max3A_1812, %max3A_1813 : vector<16xf32>
          %max3A_1819 = arith.maximumf %max3A_1814, %max3A_1815 : vector<16xf32>
          %max3A_1820 = arith.maximumf %max3A_1816, %max3A_1817 : vector<16xf32>
          %max3A_1821 = arith.maximumf %max3A_1818, %max3A_1819 : vector<16xf32>
          %get3A_1822 = arith.constant 112 : index
          %get3A_1823 = tpu.vector_load %arg14[%get3A_1822] {strides = array<i32>} : memref<128xf32, #tpu.memory_space<vmem>>, vector<16xf32>,
          %get3A_1824 = vector.shape_cast %get3A_1823 : vector<16xf32> to vector<16xf32>
          %max3A_1825 = arith.maximumf %get3A_1824, %max3A_1820 : vector<16xf32>
          %eq3A_1826 = arith.cmpi eq, %get3A_491, %squeeze3A : i32
          %convert_element_type3A_1827 = arith.extui %eq3A_1826 : i1 to i32
          %cond3A_1828 = arith.constant 0 : i32
          %cond3A_1829 = arith.cmpi ne, %convert_element_type3A_1827, %cond3A_1828 : i32
          scf.if %cond3A_1829 {
            %swap3A_1873 = arith.constant 0 : index
            %swap3A_1874 = tpu.vector_load %arg12[%swap3A_1873] {strides = array<i32>} : memref<128xf32, #tpu.memory_space<vmem>>, vector<16xf32>,
            %swap3A_1875 = vector.shape_cast %swap3A_1874 : vector<16xf32> to vector<16xf32>
            %swap3A_1876 = vector.shape_cast %max3A_691 : vector<16xf32> to vector<16xf32>
            tpu.vector_store %arg12[%swap3A_1873], %swap3A_1876 {strides = array<i32>} : memref<128xf32, #tpu.memory_space<vmem>>, vector<16xf32>,
            %swap3A_1877 = arith.constant 16 : index
            %swap3A_1878 = tpu.vector_load %arg12[%swap3A_1877] {strides = array<i32>} : memref<128xf32, #tpu.memory_space<vmem>>, vector<16xf32>,
            %swap3A_1879 = vector.shape_cast %swap3A_1878 : vector<16xf32> to vector<16xf32>
            %swap3A_1880 = vector.shape_cast %max3A_853 : vector<16xf32> to vector<16xf32>
            tpu.vector_store %arg12[%swap3A_1877], %swap3A_1880 {strides = array<i32>} : memref<128xf32, #tpu.memory_space<vmem>>, vector<16xf32>,
            %swap3A_1881 = arith.constant 32 : index
            %swap3A_1882 = tpu.vector_load %arg12[%swap3A_1881] {strides = array<i32>} : memref<128xf32, #tpu.memory_space<vmem>>, vector<16xf32>,
            %swap3A_1883 = vector.shape_cast %swap3A_1882 : vector<16xf32> to vector<16xf32>
            %swap3A_1884 = vector.shape_cast %max3A_1015 : vector<16xf32> to vector<16xf32>
            tpu.vector_store %arg12[%swap3A_1881], %swap3A_1884 {strides = array<i32>} : memref<128xf32, #tpu.memory_space<vmem>>, vector<16xf32>,
            %swap3A_1885 = arith.constant 48 : index
            %swap3A_1886 = tpu.vector_load %arg12[%swap3A_1885] {strides = array<i32>} : memref<128xf32, #tpu.memory_space<vmem>>, vector<16xf32>,
            %swap3A_1887 = vector.shape_cast %swap3A_1886 : vector<16xf32> to vector<16xf32>
            %swap3A_1888 = vector.shape_cast %max3A_1177 : vector<16xf32> to vector<16xf32>
            tpu.vector_store %arg12[%swap3A_1885], %swap3A_1888 {strides = array<i32>} : memref<128xf32, #tpu.memory_space<vmem>>, vector<16xf32>,
            %swap3A_1889 = arith.constant 64 : index
            %swap3A_1890 = tpu.vector_load %arg12[%swap3A_1889] {strides = array<i32>} : memref<128xf32, #tpu.memory_space<vmem>>, vector<16xf32>,
            %swap3A_1891 = vector.shape_cast %swap3A_1890 : vector<16xf32> to vector<16xf32>
            %swap3A_1892 = vector.shape_cast %max3A_1339 : vector<16xf32> to vector<16xf32>
            tpu.vector_store %arg12[%swap3A_1889], %swap3A_1892 {strides = array<i32>} : memref<128xf32, #tpu.memory_space<vmem>>, vector<16xf32>,
            %swap3A_1893 = arith.constant 80 : index
            %swap3A_1894 = tpu.vector_load %arg12[%swap3A_1893] {strides = array<i32>} : memref<128xf32, #tpu.memory_space<vmem>>, vector<16xf32>,
            %swap3A_1895 = vector.shape_cast %swap3A_1894 : vector<16xf32> to vector<16xf32>
            %swap3A_1896 = vector.shape_cast %max3A_1501 : vector<16xf32> to vector<16xf32>
            tpu.vector_store %arg12[%swap3A_1893], %swap3A_1896 {strides = array<i32>} : memref<128xf32, #tpu.memory_space<vmem>>, vector<16xf32>,
            %swap3A_1897 = arith.constant 96 : index
            %swap3A_1898 = tpu.vector_load %arg12[%swap3A_1897] {strides = array<i32>} : memref<128xf32, #tpu.memory_space<vmem>>, vector<16xf32>,
            %swap3A_1899 = vector.shape_cast %swap3A_1898 : vector<16xf32> to vector<16xf32>
            %swap3A_1900 = vector.shape_cast %max3A_1663 : vector<16xf32> to vector<16xf32>
            tpu.vector_store %arg12[%swap3A_1897], %swap3A_1900 {strides = array<i32>} : memref<128xf32, #tpu.memory_space<vmem>>, vector<16xf32>,
            %swap3A_1901 = arith.constant 112 : index
            %swap3A_1902 = tpu.vector_load %arg12[%swap3A_1901] {strides = array<i32>} : memref<128xf32, #tpu.memory_space<vmem>>, vector<16xf32>,
            %swap3A_1903 = vector.shape_cast %swap3A_1902 : vector<16xf32> to vector<16xf32>
            %swap3A_1904 = vector.shape_cast %max3A_1825 : vector<16xf32> to vector<16xf32>
            tpu.vector_store %arg12[%swap3A_1901], %swap3A_1904 {strides = array<i32>} : memref<128xf32, #tpu.memory_space<vmem>>, vector<16xf32>,
            %broadcast_in_dim3A_1905 = vector.broadcast %get3A_491 : i32 to vector<16xi32>
            %swap3A_1906 = arith.constant 0 : index
            %swap3A_1907 = tpu.vector_load %arg13[%swap3A_1906] {strides = array<i32>} : memref<16xi32, #tpu.memory_space<vmem>>, vector<16xi32>,
            %swap3A_1908 = vector.shape_cast %swap3A_1907 : vector<16xi32> to vector<16xi32>
            %swap3A_1909 = vector.shape_cast %broadcast_in_dim3A_1905 : vector<16xi32> to vector<16xi32>
            tpu.vector_store %arg13[%swap3A_1906], %swap3A_1909 {strides = array<i32>} : memref<16xi32, #tpu.memory_space<vmem>>, vector<16xi32>,
            %mul3A_1910 = arith.constant 2 : i32
            %mul3A_1911 = arith.muli %mul3A_1910, %add3A : i32
            %add3A_1912 = arith.constant 0 : i32
            %add3A_1913 = arith.addi %mul3A_1911, %add3A_1912 : i32
            "tpu.region"() ({
              %run_scoped3A = tpu.sem_alloc : memref<!tpu.dma_semaphore, #tpu.memory_space<semaphore_mem>>
              %dma_start3A_1918 = arith.constant 0 : i32
              %dma_start3A_1919 = tpu.memref_slice %arg6[%add3A_1913, %dma_start3A_1918] : memref<64x128xf32, #tpu.memory_space<hbm>> -> memref<1x128xf32, #tpu.memory_space<hbm>>
              %dma_start3A_1920 = tpu.memref_squeeze %dma_start3A_1919 : memref<1x128xf32, #tpu.memory_space<hbm>> -> memref<128xf32, #tpu.memory_space<hbm>>
              %dma_start3A_1921 = arith.constant 0 : i32
              %dma_start3A_1922 = tpu.memref_slice %arg6[%add3A_1913, %dma_start3A_1921] : memref<64x128xf32, #tpu.memory_space<hbm>> -> memref<1x128xf32, #tpu.memory_space<hbm>>
              %dma_start3A_1923 = tpu.memref_squeeze %dma_start3A_1922 : memref<1x128xf32, #tpu.memory_space<hbm>> -> memref<128xf32, #tpu.memory_space<hbm>>
              tpu.enqueue_dma source(%arg12 : memref<128xf32, #tpu.memory_space<vmem>>) target(%dma_start3A_1923 : memref<128xf32, #tpu.memory_space<hbm>>) target_semaphore(%run_scoped3A : memref<!tpu.dma_semaphore, #tpu.memory_space<semaphore_mem>>)
              %dma_wait3A_1924 = arith.constant 0 : i32
              %dma_wait3A_1925 = tpu.memref_slice %arg6[%add3A_1913, %dma_wait3A_1924] : memref<64x128xf32, #tpu.memory_space<hbm>> -> memref<1x128xf32, #tpu.memory_space<hbm>>
              %dma_wait3A_1926 = tpu.memref_squeeze %dma_wait3A_1925 : memref<1x128xf32, #tpu.memory_space<hbm>> -> memref<128xf32, #tpu.memory_space<hbm>>
              %dma_wait3A_1927 = arith.constant 0 : i32
              %dma_wait3A_1928 = tpu.memref_slice %arg6[%add3A_1913, %dma_wait3A_1927] : memref<64x128xf32, #tpu.memory_space<hbm>> -> memref<1x128xf32, #tpu.memory_space<hbm>>
              %dma_wait3A_1929 = tpu.memref_squeeze %dma_wait3A_1928 : memref<1x128xf32, #tpu.memory_space<hbm>> -> memref<128xf32, #tpu.memory_space<hbm>>
              tpu.wait_dma2 semaphore(%run_scoped3A : memref<!tpu.dma_semaphore, #tpu.memory_space<semaphore_mem>>) src(%arg12 : memref<128xf32, #tpu.memory_space<vmem>>) dst(%dma_wait3A_1929 : memref<128xf32, #tpu.memory_space<hbm>>)
              tpu.yield
            }) : () -> ()
            %mul3A_1914 = arith.constant 2 : i32
            %mul3A_1915 = arith.muli %mul3A_1914, %add3A : i32
            %add3A_1916 = arith.constant 0 : i32
            %add3A_1917 = arith.addi %mul3A_1915, %add3A_1916 : i32
            "tpu.region"() ({
              %run_scoped3A = tpu.sem_alloc : memref<!tpu.dma_semaphore, #tpu.memory_space<semaphore_mem>>
              %dma_start3A_1918 = arith.constant 0 : i32
              %dma_start3A_1919 = tpu.memref_slice %arg7[%add3A_1917, %dma_start3A_1918] : memref<64x16xi32, #tpu.memory_space<hbm>> -> memref<1x16xi32, #tpu.memory_space<hbm>>
              %dma_start3A_1920 = tpu.memref_squeeze %dma_start3A_1919 : memref<1x16xi32, #tpu.memory_space<hbm>> -> memref<16xi32, #tpu.memory_space<hbm>>
              %dma_start3A_1921 = arith.constant 0 : i32
              %dma_start3A_1922 = tpu.memref_slice %arg7[%add3A_1917, %dma_start3A_1921] : memref<64x16xi32, #tpu.memory_space<hbm>> -> memref<1x16xi32, #tpu.memory_space<hbm>>
              %dma_start3A_1923 = tpu.memref_squeeze %dma_start3A_1922 : memref<1x16xi32, #tpu.memory_space<hbm>> -> memref<16xi32, #tpu.memory_space<hbm>>
              tpu.enqueue_dma source(%arg13 : memref<16xi32, #tpu.memory_space<vmem>>) target(%dma_start3A_1923 : memref<16xi32, #tpu.memory_space<hbm>>) target_semaphore(%run_scoped3A : memref<!tpu.dma_semaphore, #tpu.memory_space<semaphore_mem>>)
              %dma_wait3A_1924 = arith.constant 0 : i32
              %dma_wait3A_1925 = tpu.memref_slice %arg7[%add3A_1917, %dma_wait3A_1924] : memref<64x16xi32, #tpu.memory_space<hbm>> -> memref<1x16xi32, #tpu.memory_space<hbm>>
              %dma_wait3A_1926 = tpu.memref_squeeze %dma_wait3A_1925 : memref<1x16xi32, #tpu.memory_space<hbm>> -> memref<16xi32, #tpu.memory_space<hbm>>
              %dma_wait3A_1927 = arith.constant 0 : i32
              %dma_wait3A_1928 = tpu.memref_slice %arg7[%add3A_1917, %dma_wait3A_1927] : memref<64x16xi32, #tpu.memory_space<hbm>> -> memref<1x16xi32, #tpu.memory_space<hbm>>
              %dma_wait3A_1929 = tpu.memref_squeeze %dma_wait3A_1928 : memref<1x16xi32, #tpu.memory_space<hbm>> -> memref<16xi32, #tpu.memory_space<hbm>>
              tpu.wait_dma2 semaphore(%run_scoped3A : memref<!tpu.dma_semaphore, #tpu.memory_space<semaphore_mem>>) src(%arg13 : memref<16xi32, #tpu.memory_space<vmem>>) dst(%dma_wait3A_1929 : memref<16xi32, #tpu.memory_space<hbm>>)
              tpu.yield
            }) : () -> ()
          } else {
          }
          %ne3A = arith.cmpi ne, %get3A_491, %squeeze3A : i32
          %convert_element_type3A_1830 = arith.extui %ne3A : i1 to i32
          %cond3A_1831 = arith.constant 0 : i32
          %cond3A_1832 = arith.cmpi ne, %convert_element_type3A_1830, %cond3A_1831 : i32
          scf.if %cond3A_1832 {
            %rem3A_1873 = arith.constant 8 : i32
            %rem3A_1874 = arith.remsi %get3A_494, %rem3A_1873 : i32
            %ge3A = arith.constant 8 : i32
            %ge3A_1875 = arith.cmpi sge, %get3A_494, %ge3A : i32
            %convert_element_type3A_1876 = arith.extui %ge3A_1875 : i1 to i32
            %cond3A_1877 = arith.constant 0 : i32
            %cond3A_1878 = arith.cmpi ne, %convert_element_type3A_1876, %cond3A_1877 : i32
            scf.if %cond3A_1878 {
              %mul3A_1955 = arith.constant 128 : i32
              %mul3A_1956 = arith.muli %rem3A_1874, %mul3A_1955 : i32
              %dma_wait3A_1957 = tpu.memref_slice %arg11[%mul3A_1956] : memref<1024xf32, #tpu.memory_space<vmem>> -> memref<128xf32, #tpu.memory_space<vmem>>
              %dma_wait3A_1958 = arith.constant 0 : i32
              %dma_wait3A_1959 = tpu.memref_slice %arg5[%get3A_491, %dma_wait3A_1958] : memref<10000x128xf32, #tpu.memory_space<hbm>> -> memref<1x128xf32, #tpu.memory_space<hbm>>
              %dma_wait3A_1960 = tpu.memref_squeeze %dma_wait3A_1959 : memref<1x128xf32, #tpu.memory_space<hbm>> -> memref<128xf32, #tpu.memory_space<hbm>>
              %dma_wait3A_1961 = tpu.memref_slice %arg17[%rem3A_1874] : memref<8x!tpu.dma_semaphore, #tpu.memory_space<semaphore_mem>> -> memref<1x!tpu.dma_semaphore, #tpu.memory_space<semaphore_mem>>
              %dma_wait3A_1962 = tpu.memref_squeeze %dma_wait3A_1961 : memref<1x!tpu.dma_semaphore, #tpu.memory_space<semaphore_mem>> -> memref<!tpu.dma_semaphore, #tpu.memory_space<semaphore_mem>>
              %dma_wait3A_1963 = arith.constant 0 : i32
              %dma_wait3A_1964 = tpu.memref_slice %arg5[%get3A_491, %dma_wait3A_1963] : memref<10000x128xf32, #tpu.memory_space<hbm>> -> memref<1x128xf32, #tpu.memory_space<hbm>>
              %dma_wait3A_1965 = tpu.memref_squeeze %dma_wait3A_1964 : memref<1x128xf32, #tpu.memory_space<hbm>> -> memref<128xf32, #tpu.memory_space<hbm>>
              %dma_wait3A_1966 = tpu.memref_slice %arg11[%mul3A_1956] : memref<1024xf32, #tpu.memory_space<vmem>> -> memref<128xf32, #tpu.memory_space<vmem>>
              tpu.wait_dma2 semaphore(%dma_wait3A_1962 : memref<!tpu.dma_semaphore, #tpu.memory_space<semaphore_mem>>) src(%dma_wait3A_1966 : memref<128xf32, #tpu.memory_space<vmem>>) dst(%dma_wait3A_1965 : memref<128xf32, #tpu.memory_space<hbm>>)
            } else {
            }
            %mul3A_1879 = arith.constant 128 : i32
            %mul3A_1880 = arith.muli %rem3A_1874, %mul3A_1879 : i32
            %add3A_1881 = arith.constant 0 : i32
            %add3A_1882 = arith.addi %mul3A_1880, %add3A_1881 : i32
            %swap3A_1883 = arith.index_cast %add3A_1882 : i32 to index
            %swap3A_1884 = tpu.vector_load %arg11[%swap3A_1883] {strides = array<i32>} : memref<1024xf32, #tpu.memory_space<vmem>>, vector<16xf32>,
            %swap3A_1885 = vector.shape_cast %swap3A_1884 : vector<16xf32> to vector<16xf32>
            %swap3A_1886 = vector.shape_cast %max3A_691 : vector<16xf32> to vector<16xf32>
            tpu.vector_store %arg11[%swap3A_1883], %swap3A_1886 {strides = array<i32>} : memref<1024xf32, #tpu.memory_space<vmem>>, vector<16xf32>,
            %mul3A_1887 = arith.constant 128 : i32
            %mul3A_1888 = arith.muli %rem3A_1874, %mul3A_1887 : i32
            %add3A_1889 = arith.constant 16 : i32
            %add3A_1890 = arith.addi %mul3A_1888, %add3A_1889 : i32
            %swap3A_1891 = arith.index_cast %add3A_1890 : i32 to index
            %swap3A_1892 = tpu.vector_load %arg11[%swap3A_1891] {strides = array<i32>} : memref<1024xf32, #tpu.memory_space<vmem>>, vector<16xf32>,
            %swap3A_1893 = vector.shape_cast %swap3A_1892 : vector<16xf32> to vector<16xf32>
            %swap3A_1894 = vector.shape_cast %max3A_853 : vector<16xf32> to vector<16xf32>
            tpu.vector_store %arg11[%swap3A_1891], %swap3A_1894 {strides = array<i32>} : memref<1024xf32, #tpu.memory_space<vmem>>, vector<16xf32>,
            %mul3A_1895 = arith.constant 128 : i32
            %mul3A_1896 = arith.muli %rem3A_1874, %mul3A_1895 : i32
            %add3A_1897 = arith.constant 32 : i32
            %add3A_1898 = arith.addi %mul3A_1896, %add3A_1897 : i32
            %swap3A_1899 = arith.index_cast %add3A_1898 : i32 to index
            %swap3A_1900 = tpu.vector_load %arg11[%swap3A_1899] {strides = array<i32>} : memref<1024xf32, #tpu.memory_space<vmem>>, vector<16xf32>,
            %swap3A_1901 = vector.shape_cast %swap3A_1900 : vector<16xf32> to vector<16xf32>
            %swap3A_1902 = vector.shape_cast %max3A_1015 : vector<16xf32> to vector<16xf32>
            tpu.vector_store %arg11[%swap3A_1899], %swap3A_1902 {strides = array<i32>} : memref<1024xf32, #tpu.memory_space<vmem>>, vector<16xf32>,
            %mul3A_1903 = arith.constant 128 : i32
            %mul3A_1904 = arith.muli %rem3A_1874, %mul3A_1903 : i32
            %add3A_1905 = arith.constant 48 : i32
            %add3A_1906 = arith.addi %mul3A_1904, %add3A_1905 : i32
            %swap3A_1907 = arith.index_cast %add3A_1906 : i32 to index
            %swap3A_1908 = tpu.vector_load %arg11[%swap3A_1907] {strides = array<i32>} : memref<1024xf32, #tpu.memory_space<vmem>>, vector<16xf32>,
            %swap3A_1909 = vector.shape_cast %swap3A_1908 : vector<16xf32> to vector<16xf32>
            %swap3A_1910 = vector.shape_cast %max3A_1177 : vector<16xf32> to vector<16xf32>
            tpu.vector_store %arg11[%swap3A_1907], %swap3A_1910 {strides = array<i32>} : memref<1024xf32, #tpu.memory_space<vmem>>, vector<16xf32>,
            %mul3A_1911 = arith.constant 128 : i32
            %mul3A_1912 = arith.muli %rem3A_1874, %mul3A_1911 : i32
            %add3A_1913 = arith.constant 64 : i32
            %add3A_1914 = arith.addi %mul3A_1912, %add3A_1913 : i32
            %swap3A_1915 = arith.index_cast %add3A_1914 : i32 to index
            %swap3A_1916 = tpu.vector_load %arg11[%swap3A_1915] {strides = array<i32>} : memref<1024xf32, #tpu.memory_space<vmem>>, vector<16xf32>,
            %swap3A_1917 = vector.shape_cast %swap3A_1916 : vector<16xf32> to vector<16xf32>
            %swap3A_1918 = vector.shape_cast %max3A_1339 : vector<16xf32> to vector<16xf32>
            tpu.vector_store %arg11[%swap3A_1915], %swap3A_1918 {strides = array<i32>} : memref<1024xf32, #tpu.memory_space<vmem>>, vector<16xf32>,
            %mul3A_1919 = arith.constant 128 : i32
            %mul3A_1920 = arith.muli %rem3A_1874, %mul3A_1919 : i32
            %add3A_1921 = arith.constant 80 : i32
            %add3A_1922 = arith.addi %mul3A_1920, %add3A_1921 : i32
            %swap3A_1923 = arith.index_cast %add3A_1922 : i32 to index
            %swap3A_1924 = tpu.vector_load %arg11[%swap3A_1923] {strides = array<i32>} : memref<1024xf32, #tpu.memory_space<vmem>>, vector<16xf32>,
            %swap3A_1925 = vector.shape_cast %swap3A_1924 : vector<16xf32> to vector<16xf32>
            %swap3A_1926 = vector.shape_cast %max3A_1501 : vector<16xf32> to vector<16xf32>
            tpu.vector_store %arg11[%swap3A_1923], %swap3A_1926 {strides = array<i32>} : memref<1024xf32, #tpu.memory_space<vmem>>, vector<16xf32>,
            %mul3A_1927 = arith.constant 128 : i32
            %mul3A_1928 = arith.muli %rem3A_1874, %mul3A_1927 : i32
            %add3A_1929 = arith.constant 96 : i32
            %add3A_1930 = arith.addi %mul3A_1928, %add3A_1929 : i32
            %swap3A_1931 = arith.index_cast %add3A_1930 : i32 to index
            %swap3A_1932 = tpu.vector_load %arg11[%swap3A_1931] {strides = array<i32>} : memref<1024xf32, #tpu.memory_space<vmem>>, vector<16xf32>,
            %swap3A_1933 = vector.shape_cast %swap3A_1932 : vector<16xf32> to vector<16xf32>
            %swap3A_1934 = vector.shape_cast %max3A_1663 : vector<16xf32> to vector<16xf32>
            tpu.vector_store %arg11[%swap3A_1931], %swap3A_1934 {strides = array<i32>} : memref<1024xf32, #tpu.memory_space<vmem>>, vector<16xf32>,
            %mul3A_1935 = arith.constant 128 : i32
            %mul3A_1936 = arith.muli %rem3A_1874, %mul3A_1935 : i32
            %add3A_1937 = arith.constant 112 : i32
            %add3A_1938 = arith.addi %mul3A_1936, %add3A_1937 : i32
            %swap3A_1939 = arith.index_cast %add3A_1938 : i32 to index
            %swap3A_1940 = tpu.vector_load %arg11[%swap3A_1939] {strides = array<i32>} : memref<1024xf32, #tpu.memory_space<vmem>>, vector<16xf32>,
            %swap3A_1941 = vector.shape_cast %swap3A_1940 : vector<16xf32> to vector<16xf32>
            %swap3A_1942 = vector.shape_cast %max3A_1825 : vector<16xf32> to vector<16xf32>
            tpu.vector_store %arg11[%swap3A_1939], %swap3A_1942 {strides = array<i32>} : memref<1024xf32, #tpu.memory_space<vmem>>, vector<16xf32>,
            %mul3A_1943 = arith.constant 128 : i32
            %mul3A_1944 = arith.muli %rem3A_1874, %mul3A_1943 : i32
            %dma_start3A_1945 = tpu.memref_slice %arg11[%mul3A_1944] : memref<1024xf32, #tpu.memory_space<vmem>> -> memref<128xf32, #tpu.memory_space<vmem>>
            %dma_start3A_1946 = arith.constant 0 : i32
            %dma_start3A_1947 = tpu.memref_slice %arg5[%get3A_491, %dma_start3A_1946] : memref<10000x128xf32, #tpu.memory_space<hbm>> -> memref<1x128xf32, #tpu.memory_space<hbm>>
            %dma_start3A_1948 = tpu.memref_squeeze %dma_start3A_1947 : memref<1x128xf32, #tpu.memory_space<hbm>> -> memref<128xf32, #tpu.memory_space<hbm>>
            %dma_start3A_1949 = tpu.memref_slice %arg17[%rem3A_1874] : memref<8x!tpu.dma_semaphore, #tpu.memory_space<semaphore_mem>> -> memref<1x!tpu.dma_semaphore, #tpu.memory_space<semaphore_mem>>
            %dma_start3A_1950 = tpu.memref_squeeze %dma_start3A_1949 : memref<1x!tpu.dma_semaphore, #tpu.memory_space<semaphore_mem>> -> memref<!tpu.dma_semaphore, #tpu.memory_space<semaphore_mem>>
            %dma_start3A_1951 = arith.constant 0 : i32
            %dma_start3A_1952 = tpu.memref_slice %arg5[%get3A_491, %dma_start3A_1951] : memref<10000x128xf32, #tpu.memory_space<hbm>> -> memref<1x128xf32, #tpu.memory_space<hbm>>
            %dma_start3A_1953 = tpu.memref_squeeze %dma_start3A_1952 : memref<1x128xf32, #tpu.memory_space<hbm>> -> memref<128xf32, #tpu.memory_space<hbm>>
            %dma_start3A_1954 = tpu.memref_slice %arg11[%mul3A_1944] : memref<1024xf32, #tpu.memory_space<vmem>> -> memref<128xf32, #tpu.memory_space<vmem>>
            tpu.enqueue_dma source(%dma_start3A_1954 : memref<128xf32, #tpu.memory_space<vmem>>) target(%dma_start3A_1953 : memref<128xf32, #tpu.memory_space<hbm>>) target_semaphore(%dma_start3A_1950 : memref<!tpu.dma_semaphore, #tpu.memory_space<semaphore_mem>>)
          } else {
          }
          %swap3A_1833 = arith.constant 0 : i32
          %swap3A_1834 = arith.index_cast %swap3A_1833 : i32 to index
          %swap3A_1835 = memref.load %arg15[%swap3A_1834] : memref<2xi32, #tpu.memory_space<smem>>
          memref.store %squeeze3A_324, %arg15[%swap3A_1834] : memref<2xi32, #tpu.memory_space<smem>>
          %convert_element_type3A_1836 = arith.extui %ne3A : i1 to i32
          %add3A_1837 = arith.addi %get3A_494, %convert_element_type3A_1836 : i32
          %swap3A_1838 = arith.constant 1 : i32
          %swap3A_1839 = arith.index_cast %swap3A_1838 : i32 to index
          %swap3A_1840 = memref.load %arg15[%swap3A_1839] : memref<2xi32, #tpu.memory_space<smem>>
          memref.store %add3A_1837, %arg15[%swap3A_1839] : memref<2xi32, #tpu.memory_space<smem>>
          %swap3A_1841 = arith.constant 0 : index
          %swap3A_1842 = tpu.vector_load %arg14[%swap3A_1841] {strides = array<i32>} : memref<128xf32, #tpu.memory_space<vmem>>, vector<16xf32>,
          %swap3A_1843 = vector.shape_cast %swap3A_1842 : vector<16xf32> to vector<16xf32>
          %swap3A_1844 = vector.shape_cast %max3A_687 : vector<16xf32> to vector<16xf32>
          tpu.vector_store %arg14[%swap3A_1841], %swap3A_1844 {strides = array<i32>} : memref<128xf32, #tpu.memory_space<vmem>>, vector<16xf32>,
          %swap3A_1845 = arith.constant 16 : index
          %swap3A_1846 = tpu.vector_load %arg14[%swap3A_1845] {strides = array<i32>} : memref<128xf32, #tpu.memory_space<vmem>>, vector<16xf32>,
          %swap3A_1847 = vector.shape_cast %swap3A_1846 : vector<16xf32> to vector<16xf32>
          %swap3A_1848 = vector.shape_cast %max3A_849 : vector<16xf32> to vector<16xf32>
          tpu.vector_store %arg14[%swap3A_1845], %swap3A_1848 {strides = array<i32>} : memref<128xf32, #tpu.memory_space<vmem>>, vector<16xf32>,
          %swap3A_1849 = arith.constant 32 : index
          %swap3A_1850 = tpu.vector_load %arg14[%swap3A_1849] {strides = array<i32>} : memref<128xf32, #tpu.memory_space<vmem>>, vector<16xf32>,
          %swap3A_1851 = vector.shape_cast %swap3A_1850 : vector<16xf32> to vector<16xf32>
          %swap3A_1852 = vector.shape_cast %max3A_1011 : vector<16xf32> to vector<16xf32>
          tpu.vector_store %arg14[%swap3A_1849], %swap3A_1852 {strides = array<i32>} : memref<128xf32, #tpu.memory_space<vmem>>, vector<16xf32>,
          %swap3A_1853 = arith.constant 48 : index
          %swap3A_1854 = tpu.vector_load %arg14[%swap3A_1853] {strides = array<i32>} : memref<128xf32, #tpu.memory_space<vmem>>, vector<16xf32>,
          %swap3A_1855 = vector.shape_cast %swap3A_1854 : vector<16xf32> to vector<16xf32>
          %swap3A_1856 = vector.shape_cast %max3A_1173 : vector<16xf32> to vector<16xf32>
          tpu.vector_store %arg14[%swap3A_1853], %swap3A_1856 {strides = array<i32>} : memref<128xf32, #tpu.memory_space<vmem>>, vector<16xf32>,
          %swap3A_1857 = arith.constant 64 : index
          %swap3A_1858 = tpu.vector_load %arg14[%swap3A_1857] {strides = array<i32>} : memref<128xf32, #tpu.memory_space<vmem>>, vector<16xf32>,
          %swap3A_1859 = vector.shape_cast %swap3A_1858 : vector<16xf32> to vector<16xf32>
          %swap3A_1860 = vector.shape_cast %max3A_1335 : vector<16xf32> to vector<16xf32>
          tpu.vector_store %arg14[%swap3A_1857], %swap3A_1860 {strides = array<i32>} : memref<128xf32, #tpu.memory_space<vmem>>, vector<16xf32>,
          %swap3A_1861 = arith.constant 80 : index
          %swap3A_1862 = tpu.vector_load %arg14[%swap3A_1861] {strides = array<i32>} : memref<128xf32, #tpu.memory_space<vmem>>, vector<16xf32>,
          %swap3A_1863 = vector.shape_cast %swap3A_1862 : vector<16xf32> to vector<16xf32>
          %swap3A_1864 = vector.shape_cast %max3A_1497 : vector<16xf32> to vector<16xf32>
          tpu.vector_store %arg14[%swap3A_1861], %swap3A_1864 {strides = array<i32>} : memref<128xf32, #tpu.memory_space<vmem>>, vector<16xf32>,
          %swap3A_1865 = arith.constant 96 : index
          %swap3A_1866 = tpu.vector_load %arg14[%swap3A_1865] {strides = array<i32>} : memref<128xf32, #tpu.memory_space<vmem>>, vector<16xf32>,
          %swap3A_1867 = vector.shape_cast %swap3A_1866 : vector<16xf32> to vector<16xf32>
          %swap3A_1868 = vector.shape_cast %max3A_1659 : vector<16xf32> to vector<16xf32>
          tpu.vector_store %arg14[%swap3A_1865], %swap3A_1868 {strides = array<i32>} : memref<128xf32, #tpu.memory_space<vmem>>, vector<16xf32>,
          %swap3A_1869 = arith.constant 112 : index
          %swap3A_1870 = tpu.vector_load %arg14[%swap3A_1869] {strides = array<i32>} : memref<128xf32, #tpu.memory_space<vmem>>, vector<16xf32>,
          %swap3A_1871 = vector.shape_cast %swap3A_1870 : vector<16xf32> to vector<16xf32>
          %swap3A_1872 = vector.shape_cast %max3A_1821 : vector<16xf32> to vector<16xf32>
          tpu.vector_store %arg14[%swap3A_1869], %swap3A_1872 {strides = array<i32>} : memref<128xf32, #tpu.memory_space<vmem>>, vector<16xf32>,
        } else {
        }
        %or3A_433 = arith.ori %and3A, %and3A_426 : i1
        %not3A_434 = arith.constant true
        %not3A_435 = arith.xori %or3A_433, %not3A_434 : i1
        %convert_element_type3A_436 = arith.extui %not3A_435 : i1 to i32
        %cond3A_437 = arith.constant 0 : i32
        %cond3A_438 = arith.cmpi ne, %convert_element_type3A_436, %cond3A_437 : i32
        scf.if %cond3A_438 {
          %get3A_439 = arith.constant 0 : i32
          %get3A_440 = arith.index_cast %get3A_439 : i32 to index
          %get3A_441 = memref.load %arg15[%get3A_440] : memref<2xi32, #tpu.memory_space<smem>>
          %get3A_442 = arith.constant 1 : i32
          %get3A_443 = arith.index_cast %get3A_442 : i32 to index
          %get3A_444 = memref.load %arg15[%get3A_443] : memref<2xi32, #tpu.memory_space<smem>>
          %get3A_445 = arith.constant 0 : index
          %get3A_446 = tpu.vector_load %arg14[%get3A_445] {strides = array<i32>} : memref<128xf32, #tpu.memory_space<vmem>>, vector<16xf32>,
          %get3A_447 = vector.shape_cast %get3A_446 : vector<16xf32> to vector<16xf32>
          %get3A_448 = arith.constant 16 : index
          %get3A_449 = tpu.vector_load %arg14[%get3A_448] {strides = array<i32>} : memref<128xf32, #tpu.memory_space<vmem>>, vector<16xf32>,
          %get3A_450 = vector.shape_cast %get3A_449 : vector<16xf32> to vector<16xf32>
          %get3A_451 = arith.constant 32 : index
          %get3A_452 = tpu.vector_load %arg14[%get3A_451] {strides = array<i32>} : memref<128xf32, #tpu.memory_space<vmem>>, vector<16xf32>,
          %get3A_453 = vector.shape_cast %get3A_452 : vector<16xf32> to vector<16xf32>
          %get3A_454 = arith.constant 48 : index
          %get3A_455 = tpu.vector_load %arg14[%get3A_454] {strides = array<i32>} : memref<128xf32, #tpu.memory_space<vmem>>, vector<16xf32>,
          %get3A_456 = vector.shape_cast %get3A_455 : vector<16xf32> to vector<16xf32>
          %get3A_457 = arith.constant 64 : index
          %get3A_458 = tpu.vector_load %arg14[%get3A_457] {strides = array<i32>} : memref<128xf32, #tpu.memory_space<vmem>>, vector<16xf32>,
          %get3A_459 = vector.shape_cast %get3A_458 : vector<16xf32> to vector<16xf32>
          %get3A_460 = arith.constant 80 : index
          %get3A_461 = tpu.vector_load %arg14[%get3A_460] {strides = array<i32>} : memref<128xf32, #tpu.memory_space<vmem>>, vector<16xf32>,
          %get3A_462 = vector.shape_cast %get3A_461 : vector<16xf32> to vector<16xf32>
          %get3A_463 = arith.constant 96 : index
          %get3A_464 = tpu.vector_load %arg14[%get3A_463] {strides = array<i32>} : memref<128xf32, #tpu.memory_space<vmem>>, vector<16xf32>,
          %get3A_465 = vector.shape_cast %get3A_464 : vector<16xf32> to vector<16xf32>
          %get3A_466 = arith.constant 112 : index
          %get3A_467 = tpu.vector_load %arg14[%get3A_466] {strides = array<i32>} : memref<128xf32, #tpu.memory_space<vmem>>, vector<16xf32>,
          %get3A_468 = vector.shape_cast %get3A_467 : vector<16xf32> to vector<16xf32>
          %scan3A_469 = arith.constant 0 : i32
          %scan3A_470 = arith.constant 16 : i32
          %scan3A_471 = arith.addi %scan3A_469, %scan3A_470 : i32
          %scan3A_472 = arith.constant 1 : i32
          %scan3A_473:10 = scf.for %scan3A_513 = %scan3A_469 to %scan3A_471 step %scan3A_472 iter_args(%scan3A_514 = %get3A_441, %scan3A_515 = %get3A_444, %scan3A_516 = %get3A_447, %scan3A_517 = %get3A_450, %scan3A_518 = %get3A_453, %scan3A_519 = %get3A_456, %scan3A_520 = %get3A_459, %scan3A_521 = %get3A_462, %scan3A_522 = %get3A_465, %scan3A_523 = %get3A_468) -> (i32, i32, vector<16xf32>, vector<16xf32>, vector<16xf32>, vector<16xf32>, vector<16xf32>, vector<16xf32>, vector<16xf32>, vector<16xf32>)  : i32 {
            %add3A_524 = arith.addi %add3A_319, %scan3A_513 : i32
            %get3A_525 = arith.index_cast %add3A_524 : i32 to index
            %get3A_526 = tpu.vector_load %arg8[%get3A_525] {strides = array<i32>} : memref<10016xi32, #tpu.memory_space<vmem>>, vector<16xi32>,
            %get3A_527 = vector.shape_cast %get3A_526 : vector<16xi32> to vector<16xi32>
            %slice3A_528 = vector.extract_strided_slice %get3A_527 {offsets = [0], sizes = [1], strides = [1]} : vector<16xi32> to vector<1xi32>
            %squeeze3A_529 = vector.extract %slice3A_528[0] : i32 from vector<1xi32>
            %ne3A = arith.cmpi ne, %squeeze3A_529, %scan3A_514 : i32
            %ne3A_530 = arith.cmpi ne, %scan3A_514, %squeeze3A : i32
            %and3A_531 = arith.andi %ne3A, %ne3A_530 : i1
            %eq3A_532 = arith.cmpi eq, %scan3A_514, %squeeze3A : i32
            %and3A_533 = arith.andi %ne3A, %eq3A_532 : i1
            %convert_element_type3A_534 = arith.extui %and3A_533 : i1 to i32
            %cond3A_535 = arith.constant 0 : i32
            %cond3A_536 = arith.cmpi ne, %convert_element_type3A_534, %cond3A_535 : i32
            scf.if %cond3A_536 {
              %swap3A_636 = arith.constant 0 : index
              %swap3A_637 = tpu.vector_load %arg12[%swap3A_636] {strides = array<i32>} : memref<128xf32, #tpu.memory_space<vmem>>, vector<16xf32>,
              %swap3A_638 = vector.shape_cast %swap3A_637 : vector<16xf32> to vector<16xf32>
              %swap3A_639 = vector.shape_cast %scan3A_516 : vector<16xf32> to vector<16xf32>
              tpu.vector_store %arg12[%swap3A_636], %swap3A_639 {strides = array<i32>} : memref<128xf32, #tpu.memory_space<vmem>>, vector<16xf32>,
              %swap3A_640 = arith.constant 16 : index
              %swap3A_641 = tpu.vector_load %arg12[%swap3A_640] {strides = array<i32>} : memref<128xf32, #tpu.memory_space<vmem>>, vector<16xf32>,
              %swap3A_642 = vector.shape_cast %swap3A_641 : vector<16xf32> to vector<16xf32>
              %swap3A_643 = vector.shape_cast %scan3A_517 : vector<16xf32> to vector<16xf32>
              tpu.vector_store %arg12[%swap3A_640], %swap3A_643 {strides = array<i32>} : memref<128xf32, #tpu.memory_space<vmem>>, vector<16xf32>,
              %swap3A_644 = arith.constant 32 : index
              %swap3A_645 = tpu.vector_load %arg12[%swap3A_644] {strides = array<i32>} : memref<128xf32, #tpu.memory_space<vmem>>, vector<16xf32>,
              %swap3A_646 = vector.shape_cast %swap3A_645 : vector<16xf32> to vector<16xf32>
              %swap3A_647 = vector.shape_cast %scan3A_518 : vector<16xf32> to vector<16xf32>
              tpu.vector_store %arg12[%swap3A_644], %swap3A_647 {strides = array<i32>} : memref<128xf32, #tpu.memory_space<vmem>>, vector<16xf32>,
              %swap3A_648 = arith.constant 48 : index
              %swap3A_649 = tpu.vector_load %arg12[%swap3A_648] {strides = array<i32>} : memref<128xf32, #tpu.memory_space<vmem>>, vector<16xf32>,
              %swap3A_650 = vector.shape_cast %swap3A_649 : vector<16xf32> to vector<16xf32>
              %swap3A_651 = vector.shape_cast %scan3A_519 : vector<16xf32> to vector<16xf32>
              tpu.vector_store %arg12[%swap3A_648], %swap3A_651 {strides = array<i32>} : memref<128xf32, #tpu.memory_space<vmem>>, vector<16xf32>,
              %swap3A_652 = arith.constant 64 : index
              %swap3A_653 = tpu.vector_load %arg12[%swap3A_652] {strides = array<i32>} : memref<128xf32, #tpu.memory_space<vmem>>, vector<16xf32>,
              %swap3A_654 = vector.shape_cast %swap3A_653 : vector<16xf32> to vector<16xf32>
              %swap3A_655 = vector.shape_cast %scan3A_520 : vector<16xf32> to vector<16xf32>
              tpu.vector_store %arg12[%swap3A_652], %swap3A_655 {strides = array<i32>} : memref<128xf32, #tpu.memory_space<vmem>>, vector<16xf32>,
              %swap3A_656 = arith.constant 80 : index
              %swap3A_657 = tpu.vector_load %arg12[%swap3A_656] {strides = array<i32>} : memref<128xf32, #tpu.memory_space<vmem>>, vector<16xf32>,
              %swap3A_658 = vector.shape_cast %swap3A_657 : vector<16xf32> to vector<16xf32>
              %swap3A_659 = vector.shape_cast %scan3A_521 : vector<16xf32> to vector<16xf32>
              tpu.vector_store %arg12[%swap3A_656], %swap3A_659 {strides = array<i32>} : memref<128xf32, #tpu.memory_space<vmem>>, vector<16xf32>,
              %swap3A_660 = arith.constant 96 : index
              %swap3A_661 = tpu.vector_load %arg12[%swap3A_660] {strides = array<i32>} : memref<128xf32, #tpu.memory_space<vmem>>, vector<16xf32>,
              %swap3A_662 = vector.shape_cast %swap3A_661 : vector<16xf32> to vector<16xf32>
              %swap3A_663 = vector.shape_cast %scan3A_522 : vector<16xf32> to vector<16xf32>
              tpu.vector_store %arg12[%swap3A_660], %swap3A_663 {strides = array<i32>} : memref<128xf32, #tpu.memory_space<vmem>>, vector<16xf32>,
              %swap3A_664 = arith.constant 112 : index
              %swap3A_665 = tpu.vector_load %arg12[%swap3A_664] {strides = array<i32>} : memref<128xf32, #tpu.memory_space<vmem>>, vector<16xf32>,
              %swap3A_666 = vector.shape_cast %swap3A_665 : vector<16xf32> to vector<16xf32>
              %swap3A_667 = vector.shape_cast %scan3A_523 : vector<16xf32> to vector<16xf32>
              tpu.vector_store %arg12[%swap3A_664], %swap3A_667 {strides = array<i32>} : memref<128xf32, #tpu.memory_space<vmem>>, vector<16xf32>,
              %broadcast_in_dim3A_668 = vector.broadcast %scan3A_514 : i32 to vector<16xi32>
              %swap3A_669 = arith.constant 0 : index
              %swap3A_670 = tpu.vector_load %arg13[%swap3A_669] {strides = array<i32>} : memref<16xi32, #tpu.memory_space<vmem>>, vector<16xi32>,
              %swap3A_671 = vector.shape_cast %swap3A_670 : vector<16xi32> to vector<16xi32>
              %swap3A_672 = vector.shape_cast %broadcast_in_dim3A_668 : vector<16xi32> to vector<16xi32>
              tpu.vector_store %arg13[%swap3A_669], %swap3A_672 {strides = array<i32>} : memref<16xi32, #tpu.memory_space<vmem>>, vector<16xi32>,
              %mul3A_673 = arith.constant 2 : i32
              %mul3A_674 = arith.muli %mul3A_673, %add3A : i32
              %add3A_675 = arith.constant 0 : i32
              %add3A_676 = arith.addi %mul3A_674, %add3A_675 : i32
              "tpu.region"() ({
                %run_scoped3A = tpu.sem_alloc : memref<!tpu.dma_semaphore, #tpu.memory_space<semaphore_mem>>
                %dma_start3A_681 = arith.constant 0 : i32
                %dma_start3A_682 = tpu.memref_slice %arg6[%add3A_676, %dma_start3A_681] : memref<64x128xf32, #tpu.memory_space<hbm>> -> memref<1x128xf32, #tpu.memory_space<hbm>>
                %dma_start3A_683 = tpu.memref_squeeze %dma_start3A_682 : memref<1x128xf32, #tpu.memory_space<hbm>> -> memref<128xf32, #tpu.memory_space<hbm>>
                %dma_start3A_684 = arith.constant 0 : i32
                %dma_start3A_685 = tpu.memref_slice %arg6[%add3A_676, %dma_start3A_684] : memref<64x128xf32, #tpu.memory_space<hbm>> -> memref<1x128xf32, #tpu.memory_space<hbm>>
                %dma_start3A_686 = tpu.memref_squeeze %dma_start3A_685 : memref<1x128xf32, #tpu.memory_space<hbm>> -> memref<128xf32, #tpu.memory_space<hbm>>
                tpu.enqueue_dma source(%arg12 : memref<128xf32, #tpu.memory_space<vmem>>) target(%dma_start3A_686 : memref<128xf32, #tpu.memory_space<hbm>>) target_semaphore(%run_scoped3A : memref<!tpu.dma_semaphore, #tpu.memory_space<semaphore_mem>>)
                %dma_wait3A_687 = arith.constant 0 : i32
                %dma_wait3A_688 = tpu.memref_slice %arg6[%add3A_676, %dma_wait3A_687] : memref<64x128xf32, #tpu.memory_space<hbm>> -> memref<1x128xf32, #tpu.memory_space<hbm>>
                %dma_wait3A_689 = tpu.memref_squeeze %dma_wait3A_688 : memref<1x128xf32, #tpu.memory_space<hbm>> -> memref<128xf32, #tpu.memory_space<hbm>>
                %dma_wait3A_690 = arith.constant 0 : i32
                %dma_wait3A_691 = tpu.memref_slice %arg6[%add3A_676, %dma_wait3A_690] : memref<64x128xf32, #tpu.memory_space<hbm>> -> memref<1x128xf32, #tpu.memory_space<hbm>>
                %dma_wait3A_692 = tpu.memref_squeeze %dma_wait3A_691 : memref<1x128xf32, #tpu.memory_space<hbm>> -> memref<128xf32, #tpu.memory_space<hbm>>
                tpu.wait_dma2 semaphore(%run_scoped3A : memref<!tpu.dma_semaphore, #tpu.memory_space<semaphore_mem>>) src(%arg12 : memref<128xf32, #tpu.memory_space<vmem>>) dst(%dma_wait3A_692 : memref<128xf32, #tpu.memory_space<hbm>>)
                tpu.yield
              }) : () -> ()
              %mul3A_677 = arith.constant 2 : i32
              %mul3A_678 = arith.muli %mul3A_677, %add3A : i32
              %add3A_679 = arith.constant 0 : i32
              %add3A_680 = arith.addi %mul3A_678, %add3A_679 : i32
              "tpu.region"() ({
                %run_scoped3A = tpu.sem_alloc : memref<!tpu.dma_semaphore, #tpu.memory_space<semaphore_mem>>
                %dma_start3A_681 = arith.constant 0 : i32
                %dma_start3A_682 = tpu.memref_slice %arg7[%add3A_680, %dma_start3A_681] : memref<64x16xi32, #tpu.memory_space<hbm>> -> memref<1x16xi32, #tpu.memory_space<hbm>>
                %dma_start3A_683 = tpu.memref_squeeze %dma_start3A_682 : memref<1x16xi32, #tpu.memory_space<hbm>> -> memref<16xi32, #tpu.memory_space<hbm>>
                %dma_start3A_684 = arith.constant 0 : i32
                %dma_start3A_685 = tpu.memref_slice %arg7[%add3A_680, %dma_start3A_684] : memref<64x16xi32, #tpu.memory_space<hbm>> -> memref<1x16xi32, #tpu.memory_space<hbm>>
                %dma_start3A_686 = tpu.memref_squeeze %dma_start3A_685 : memref<1x16xi32, #tpu.memory_space<hbm>> -> memref<16xi32, #tpu.memory_space<hbm>>
                tpu.enqueue_dma source(%arg13 : memref<16xi32, #tpu.memory_space<vmem>>) target(%dma_start3A_686 : memref<16xi32, #tpu.memory_space<hbm>>) target_semaphore(%run_scoped3A : memref<!tpu.dma_semaphore, #tpu.memory_space<semaphore_mem>>)
                %dma_wait3A_687 = arith.constant 0 : i32
                %dma_wait3A_688 = tpu.memref_slice %arg7[%add3A_680, %dma_wait3A_687] : memref<64x16xi32, #tpu.memory_space<hbm>> -> memref<1x16xi32, #tpu.memory_space<hbm>>
                %dma_wait3A_689 = tpu.memref_squeeze %dma_wait3A_688 : memref<1x16xi32, #tpu.memory_space<hbm>> -> memref<16xi32, #tpu.memory_space<hbm>>
                %dma_wait3A_690 = arith.constant 0 : i32
                %dma_wait3A_691 = tpu.memref_slice %arg7[%add3A_680, %dma_wait3A_690] : memref<64x16xi32, #tpu.memory_space<hbm>> -> memref<1x16xi32, #tpu.memory_space<hbm>>
                %dma_wait3A_692 = tpu.memref_squeeze %dma_wait3A_691 : memref<1x16xi32, #tpu.memory_space<hbm>> -> memref<16xi32, #tpu.memory_space<hbm>>
                tpu.wait_dma2 semaphore(%run_scoped3A : memref<!tpu.dma_semaphore, #tpu.memory_space<semaphore_mem>>) src(%arg13 : memref<16xi32, #tpu.memory_space<vmem>>) dst(%dma_wait3A_692 : memref<16xi32, #tpu.memory_space<hbm>>)
                tpu.yield
              }) : () -> ()
            } else {
            }
            %convert_element_type3A_537 = arith.extui %and3A_531 : i1 to i32
            %cond3A_538 = arith.constant 0 : i32
            %cond3A_539 = arith.cmpi ne, %convert_element_type3A_537, %cond3A_538 : i32
            scf.if %cond3A_539 {
              %rem3A_636 = arith.constant 8 : i32
              %rem3A_637 = arith.remsi %scan3A_515, %rem3A_636 : i32
              %ge3A = arith.constant 8 : i32
              %ge3A_638 = arith.cmpi sge, %scan3A_515, %ge3A : i32
              %convert_element_type3A_639 = arith.extui %ge3A_638 : i1 to i32
              %cond3A_640 = arith.constant 0 : i32
              %cond3A_641 = arith.cmpi ne, %convert_element_type3A_639, %cond3A_640 : i32
              scf.if %cond3A_641 {
                %mul3A_718 = arith.constant 128 : i32
                %mul3A_719 = arith.muli %rem3A_637, %mul3A_718 : i32
                %dma_wait3A_720 = tpu.memref_slice %arg11[%mul3A_719] : memref<1024xf32, #tpu.memory_space<vmem>> -> memref<128xf32, #tpu.memory_space<vmem>>
                %dma_wait3A_721 = arith.constant 0 : i32
                %dma_wait3A_722 = tpu.memref_slice %arg5[%scan3A_514, %dma_wait3A_721] : memref<10000x128xf32, #tpu.memory_space<hbm>> -> memref<1x128xf32, #tpu.memory_space<hbm>>
                %dma_wait3A_723 = tpu.memref_squeeze %dma_wait3A_722 : memref<1x128xf32, #tpu.memory_space<hbm>> -> memref<128xf32, #tpu.memory_space<hbm>>
                %dma_wait3A_724 = tpu.memref_slice %arg17[%rem3A_637] : memref<8x!tpu.dma_semaphore, #tpu.memory_space<semaphore_mem>> -> memref<1x!tpu.dma_semaphore, #tpu.memory_space<semaphore_mem>>
                %dma_wait3A_725 = tpu.memref_squeeze %dma_wait3A_724 : memref<1x!tpu.dma_semaphore, #tpu.memory_space<semaphore_mem>> -> memref<!tpu.dma_semaphore, #tpu.memory_space<semaphore_mem>>
                %dma_wait3A_726 = arith.constant 0 : i32
                %dma_wait3A_727 = tpu.memref_slice %arg5[%scan3A_514, %dma_wait3A_726] : memref<10000x128xf32, #tpu.memory_space<hbm>> -> memref<1x128xf32, #tpu.memory_space<hbm>>
                %dma_wait3A_728 = tpu.memref_squeeze %dma_wait3A_727 : memref<1x128xf32, #tpu.memory_space<hbm>> -> memref<128xf32, #tpu.memory_space<hbm>>
                %dma_wait3A_729 = tpu.memref_slice %arg11[%mul3A_719] : memref<1024xf32, #tpu.memory_space<vmem>> -> memref<128xf32, #tpu.memory_space<vmem>>
                tpu.wait_dma2 semaphore(%dma_wait3A_725 : memref<!tpu.dma_semaphore, #tpu.memory_space<semaphore_mem>>) src(%dma_wait3A_729 : memref<128xf32, #tpu.memory_space<vmem>>) dst(%dma_wait3A_728 : memref<128xf32, #tpu.memory_space<hbm>>)
              } else {
              }
              %mul3A_642 = arith.constant 128 : i32
              %mul3A_643 = arith.muli %rem3A_637, %mul3A_642 : i32
              %add3A_644 = arith.constant 0 : i32
              %add3A_645 = arith.addi %mul3A_643, %add3A_644 : i32
              %swap3A_646 = arith.index_cast %add3A_645 : i32 to index
              %swap3A_647 = tpu.vector_load %arg11[%swap3A_646] {strides = array<i32>} : memref<1024xf32, #tpu.memory_space<vmem>>, vector<16xf32>,
              %swap3A_648 = vector.shape_cast %swap3A_647 : vector<16xf32> to vector<16xf32>
              %swap3A_649 = vector.shape_cast %scan3A_516 : vector<16xf32> to vector<16xf32>
              tpu.vector_store %arg11[%swap3A_646], %swap3A_649 {strides = array<i32>} : memref<1024xf32, #tpu.memory_space<vmem>>, vector<16xf32>,
              %mul3A_650 = arith.constant 128 : i32
              %mul3A_651 = arith.muli %rem3A_637, %mul3A_650 : i32
              %add3A_652 = arith.constant 16 : i32
              %add3A_653 = arith.addi %mul3A_651, %add3A_652 : i32
              %swap3A_654 = arith.index_cast %add3A_653 : i32 to index
              %swap3A_655 = tpu.vector_load %arg11[%swap3A_654] {strides = array<i32>} : memref<1024xf32, #tpu.memory_space<vmem>>, vector<16xf32>,
              %swap3A_656 = vector.shape_cast %swap3A_655 : vector<16xf32> to vector<16xf32>
              %swap3A_657 = vector.shape_cast %scan3A_517 : vector<16xf32> to vector<16xf32>
              tpu.vector_store %arg11[%swap3A_654], %swap3A_657 {strides = array<i32>} : memref<1024xf32, #tpu.memory_space<vmem>>, vector<16xf32>,
              %mul3A_658 = arith.constant 128 : i32
              %mul3A_659 = arith.muli %rem3A_637, %mul3A_658 : i32
              %add3A_660 = arith.constant 32 : i32
              %add3A_661 = arith.addi %mul3A_659, %add3A_660 : i32
              %swap3A_662 = arith.index_cast %add3A_661 : i32 to index
              %swap3A_663 = tpu.vector_load %arg11[%swap3A_662] {strides = array<i32>} : memref<1024xf32, #tpu.memory_space<vmem>>, vector<16xf32>,
              %swap3A_664 = vector.shape_cast %swap3A_663 : vector<16xf32> to vector<16xf32>
              %swap3A_665 = vector.shape_cast %scan3A_518 : vector<16xf32> to vector<16xf32>
              tpu.vector_store %arg11[%swap3A_662], %swap3A_665 {strides = array<i32>} : memref<1024xf32, #tpu.memory_space<vmem>>, vector<16xf32>,
              %mul3A_666 = arith.constant 128 : i32
              %mul3A_667 = arith.muli %rem3A_637, %mul3A_666 : i32
              %add3A_668 = arith.constant 48 : i32
              %add3A_669 = arith.addi %mul3A_667, %add3A_668 : i32
              %swap3A_670 = arith.index_cast %add3A_669 : i32 to index
              %swap3A_671 = tpu.vector_load %arg11[%swap3A_670] {strides = array<i32>} : memref<1024xf32, #tpu.memory_space<vmem>>, vector<16xf32>,
              %swap3A_672 = vector.shape_cast %swap3A_671 : vector<16xf32> to vector<16xf32>
              %swap3A_673 = vector.shape_cast %scan3A_519 : vector<16xf32> to vector<16xf32>
              tpu.vector_store %arg11[%swap3A_670], %swap3A_673 {strides = array<i32>} : memref<1024xf32, #tpu.memory_space<vmem>>, vector<16xf32>,
              %mul3A_674 = arith.constant 128 : i32
              %mul3A_675 = arith.muli %rem3A_637, %mul3A_674 : i32
              %add3A_676 = arith.constant 64 : i32
              %add3A_677 = arith.addi %mul3A_675, %add3A_676 : i32
              %swap3A_678 = arith.index_cast %add3A_677 : i32 to index
              %swap3A_679 = tpu.vector_load %arg11[%swap3A_678] {strides = array<i32>} : memref<1024xf32, #tpu.memory_space<vmem>>, vector<16xf32>,
              %swap3A_680 = vector.shape_cast %swap3A_679 : vector<16xf32> to vector<16xf32>
              %swap3A_681 = vector.shape_cast %scan3A_520 : vector<16xf32> to vector<16xf32>
              tpu.vector_store %arg11[%swap3A_678], %swap3A_681 {strides = array<i32>} : memref<1024xf32, #tpu.memory_space<vmem>>, vector<16xf32>,
              %mul3A_682 = arith.constant 128 : i32
              %mul3A_683 = arith.muli %rem3A_637, %mul3A_682 : i32
              %add3A_684 = arith.constant 80 : i32
              %add3A_685 = arith.addi %mul3A_683, %add3A_684 : i32
              %swap3A_686 = arith.index_cast %add3A_685 : i32 to index
              %swap3A_687 = tpu.vector_load %arg11[%swap3A_686] {strides = array<i32>} : memref<1024xf32, #tpu.memory_space<vmem>>, vector<16xf32>,
              %swap3A_688 = vector.shape_cast %swap3A_687 : vector<16xf32> to vector<16xf32>
              %swap3A_689 = vector.shape_cast %scan3A_521 : vector<16xf32> to vector<16xf32>
              tpu.vector_store %arg11[%swap3A_686], %swap3A_689 {strides = array<i32>} : memref<1024xf32, #tpu.memory_space<vmem>>, vector<16xf32>,
              %mul3A_690 = arith.constant 128 : i32
              %mul3A_691 = arith.muli %rem3A_637, %mul3A_690 : i32
              %add3A_692 = arith.constant 96 : i32
              %add3A_693 = arith.addi %mul3A_691, %add3A_692 : i32
              %swap3A_694 = arith.index_cast %add3A_693 : i32 to index
              %swap3A_695 = tpu.vector_load %arg11[%swap3A_694] {strides = array<i32>} : memref<1024xf32, #tpu.memory_space<vmem>>, vector<16xf32>,
              %swap3A_696 = vector.shape_cast %swap3A_695 : vector<16xf32> to vector<16xf32>
              %swap3A_697 = vector.shape_cast %scan3A_522 : vector<16xf32> to vector<16xf32>
              tpu.vector_store %arg11[%swap3A_694], %swap3A_697 {strides = array<i32>} : memref<1024xf32, #tpu.memory_space<vmem>>, vector<16xf32>,
              %mul3A_698 = arith.constant 128 : i32
              %mul3A_699 = arith.muli %rem3A_637, %mul3A_698 : i32
              %add3A_700 = arith.constant 112 : i32
              %add3A_701 = arith.addi %mul3A_699, %add3A_700 : i32
              %swap3A_702 = arith.index_cast %add3A_701 : i32 to index
              %swap3A_703 = tpu.vector_load %arg11[%swap3A_702] {strides = array<i32>} : memref<1024xf32, #tpu.memory_space<vmem>>, vector<16xf32>,
              %swap3A_704 = vector.shape_cast %swap3A_703 : vector<16xf32> to vector<16xf32>
              %swap3A_705 = vector.shape_cast %scan3A_523 : vector<16xf32> to vector<16xf32>
              tpu.vector_store %arg11[%swap3A_702], %swap3A_705 {strides = array<i32>} : memref<1024xf32, #tpu.memory_space<vmem>>, vector<16xf32>,
              %mul3A_706 = arith.constant 128 : i32
              %mul3A_707 = arith.muli %rem3A_637, %mul3A_706 : i32
              %dma_start3A_708 = tpu.memref_slice %arg11[%mul3A_707] : memref<1024xf32, #tpu.memory_space<vmem>> -> memref<128xf32, #tpu.memory_space<vmem>>
              %dma_start3A_709 = arith.constant 0 : i32
              %dma_start3A_710 = tpu.memref_slice %arg5[%scan3A_514, %dma_start3A_709] : memref<10000x128xf32, #tpu.memory_space<hbm>> -> memref<1x128xf32, #tpu.memory_space<hbm>>
              %dma_start3A_711 = tpu.memref_squeeze %dma_start3A_710 : memref<1x128xf32, #tpu.memory_space<hbm>> -> memref<128xf32, #tpu.memory_space<hbm>>
              %dma_start3A_712 = tpu.memref_slice %arg17[%rem3A_637] : memref<8x!tpu.dma_semaphore, #tpu.memory_space<semaphore_mem>> -> memref<1x!tpu.dma_semaphore, #tpu.memory_space<semaphore_mem>>
              %dma_start3A_713 = tpu.memref_squeeze %dma_start3A_712 : memref<1x!tpu.dma_semaphore, #tpu.memory_space<semaphore_mem>> -> memref<!tpu.dma_semaphore, #tpu.memory_space<semaphore_mem>>
              %dma_start3A_714 = arith.constant 0 : i32
              %dma_start3A_715 = tpu.memref_slice %arg5[%scan3A_514, %dma_start3A_714] : memref<10000x128xf32, #tpu.memory_space<hbm>> -> memref<1x128xf32, #tpu.memory_space<hbm>>
              %dma_start3A_716 = tpu.memref_squeeze %dma_start3A_715 : memref<1x128xf32, #tpu.memory_space<hbm>> -> memref<128xf32, #tpu.memory_space<hbm>>
              %dma_start3A_717 = tpu.memref_slice %arg11[%mul3A_707] : memref<1024xf32, #tpu.memory_space<vmem>> -> memref<128xf32, #tpu.memory_space<vmem>>
              tpu.enqueue_dma source(%dma_start3A_717 : memref<128xf32, #tpu.memory_space<vmem>>) target(%dma_start3A_716 : memref<128xf32, #tpu.memory_space<hbm>>) target_semaphore(%dma_start3A_713 : memref<!tpu.dma_semaphore, #tpu.memory_space<semaphore_mem>>)
            } else {
            }
            %convert_element_type3A_540 = arith.extui %and3A_531 : i1 to i32
            %add3A_541 = arith.addi %scan3A_515, %convert_element_type3A_540 : i32
            %mul3A_542 = arith.constant 400 : i32
            %mul3A_543 = arith.muli %rem3A_235, %mul3A_542 : i32
            %add3A_544 = arith.addi %mul3A_543, %add3A_524 : i32
            %mul3A_545 = arith.constant 400 : i32
            %mul3A_546 = arith.muli %scan3A_233, %mul3A_545 : i32
            %sub3A = arith.subi %add3A_544, %mul3A_546 : i32
            %get3A_547 = arith.index_cast %sub3A : i32 to index
            %get3A_548 = arith.constant 0 : index
            %get3A_549 = tpu.vector_load %arg10[%get3A_547, %get3A_548] {strides = array<i32>} : memref<800x128xf32, #tpu.memory_space<vmem>>, vector<1x16xf32>,
            %get3A_550 = vector.shape_cast %get3A_549 : vector<1x16xf32> to vector<16xf32>
            %select_n3A = arith.select %ne3A, %broadcast_in_dim3A_19, %scan3A_516 : vector<16xf32>
            %max3A = arith.maximumf %select_n3A, %get3A_550 : vector<16xf32>
            %mul3A_551 = arith.constant 400 : i32
            %mul3A_552 = arith.muli %rem3A_235, %mul3A_551 : i32
            %add3A_553 = arith.addi %mul3A_552, %add3A_524 : i32
            %mul3A_554 = arith.constant 400 : i32
            %mul3A_555 = arith.muli %scan3A_233, %mul3A_554 : i32
            %sub3A_556 = arith.subi %add3A_553, %mul3A_555 : i32
            %get3A_557 = arith.index_cast %sub3A_556 : i32 to index
            %get3A_558 = arith.constant 16 : index
            %get3A_559 = tpu.vector_load %arg10[%get3A_557, %get3A_558] {strides = array<i32>} : memref<800x128xf32, #tpu.memory_space<vmem>>, vector<1x16xf32>,
            %get3A_560 = vector.shape_cast %get3A_559 : vector<1x16xf32> to vector<16xf32>
            %select_n3A_561 = arith.select %ne3A, %broadcast_in_dim3A_19, %scan3A_517 : vector<16xf32>
            %max3A_562 = arith.maximumf %select_n3A_561, %get3A_560 : vector<16xf32>
            %mul3A_563 = arith.constant 400 : i32
            %mul3A_564 = arith.muli %rem3A_235, %mul3A_563 : i32
            %add3A_565 = arith.addi %mul3A_564, %add3A_524 : i32
            %mul3A_566 = arith.constant 400 : i32
            %mul3A_567 = arith.muli %scan3A_233, %mul3A_566 : i32
            %sub3A_568 = arith.subi %add3A_565, %mul3A_567 : i32
            %get3A_569 = arith.index_cast %sub3A_568 : i32 to index
            %get3A_570 = arith.constant 32 : index
            %get3A_571 = tpu.vector_load %arg10[%get3A_569, %get3A_570] {strides = array<i32>} : memref<800x128xf32, #tpu.memory_space<vmem>>, vector<1x16xf32>,
            %get3A_572 = vector.shape_cast %get3A_571 : vector<1x16xf32> to vector<16xf32>
            %select_n3A_573 = arith.select %ne3A, %broadcast_in_dim3A_19, %scan3A_518 : vector<16xf32>
            %max3A_574 = arith.maximumf %select_n3A_573, %get3A_572 : vector<16xf32>
            %mul3A_575 = arith.constant 400 : i32
            %mul3A_576 = arith.muli %rem3A_235, %mul3A_575 : i32
            %add3A_577 = arith.addi %mul3A_576, %add3A_524 : i32
            %mul3A_578 = arith.constant 400 : i32
            %mul3A_579 = arith.muli %scan3A_233, %mul3A_578 : i32
            %sub3A_580 = arith.subi %add3A_577, %mul3A_579 : i32
            %get3A_581 = arith.index_cast %sub3A_580 : i32 to index
            %get3A_582 = arith.constant 48 : index
            %get3A_583 = tpu.vector_load %arg10[%get3A_581, %get3A_582] {strides = array<i32>} : memref<800x128xf32, #tpu.memory_space<vmem>>, vector<1x16xf32>,
            %get3A_584 = vector.shape_cast %get3A_583 : vector<1x16xf32> to vector<16xf32>
            %select_n3A_585 = arith.select %ne3A, %broadcast_in_dim3A_19, %scan3A_519 : vector<16xf32>
            %max3A_586 = arith.maximumf %select_n3A_585, %get3A_584 : vector<16xf32>
            %mul3A_587 = arith.constant 400 : i32
            %mul3A_588 = arith.muli %rem3A_235, %mul3A_587 : i32
            %add3A_589 = arith.addi %mul3A_588, %add3A_524 : i32
            %mul3A_590 = arith.constant 400 : i32
            %mul3A_591 = arith.muli %scan3A_233, %mul3A_590 : i32
            %sub3A_592 = arith.subi %add3A_589, %mul3A_591 : i32
            %get3A_593 = arith.index_cast %sub3A_592 : i32 to index
            %get3A_594 = arith.constant 64 : index
            %get3A_595 = tpu.vector_load %arg10[%get3A_593, %get3A_594] {strides = array<i32>} : memref<800x128xf32, #tpu.memory_space<vmem>>, vector<1x16xf32>,
            %get3A_596 = vector.shape_cast %get3A_595 : vector<1x16xf32> to vector<16xf32>
            %select_n3A_597 = arith.select %ne3A, %broadcast_in_dim3A_19, %scan3A_520 : vector<16xf32>
            %max3A_598 = arith.maximumf %select_n3A_597, %get3A_596 : vector<16xf32>
            %mul3A_599 = arith.constant 400 : i32
            %mul3A_600 = arith.muli %rem3A_235, %mul3A_599 : i32
            %add3A_601 = arith.addi %mul3A_600, %add3A_524 : i32
            %mul3A_602 = arith.constant 400 : i32
            %mul3A_603 = arith.muli %scan3A_233, %mul3A_602 : i32
            %sub3A_604 = arith.subi %add3A_601, %mul3A_603 : i32
            %get3A_605 = arith.index_cast %sub3A_604 : i32 to index
            %get3A_606 = arith.constant 80 : index
            %get3A_607 = tpu.vector_load %arg10[%get3A_605, %get3A_606] {strides = array<i32>} : memref<800x128xf32, #tpu.memory_space<vmem>>, vector<1x16xf32>,
            %get3A_608 = vector.shape_cast %get3A_607 : vector<1x16xf32> to vector<16xf32>
            %select_n3A_609 = arith.select %ne3A, %broadcast_in_dim3A_19, %scan3A_521 : vector<16xf32>
            %max3A_610 = arith.maximumf %select_n3A_609, %get3A_608 : vector<16xf32>
            %mul3A_611 = arith.constant 400 : i32
            %mul3A_612 = arith.muli %rem3A_235, %mul3A_611 : i32
            %add3A_613 = arith.addi %mul3A_612, %add3A_524 : i32
            %mul3A_614 = arith.constant 400 : i32
            %mul3A_615 = arith.muli %scan3A_233, %mul3A_614 : i32
            %sub3A_616 = arith.subi %add3A_613, %mul3A_615 : i32
            %get3A_617 = arith.index_cast %sub3A_616 : i32 to index
            %get3A_618 = arith.constant 96 : index
            %get3A_619 = tpu.vector_load %arg10[%get3A_617, %get3A_618] {strides = array<i32>} : memref<800x128xf32, #tpu.memory_space<vmem>>, vector<1x16xf32>,
            %get3A_620 = vector.shape_cast %get3A_619 : vector<1x16xf32> to vector<16xf32>
            %select_n3A_621 = arith.select %ne3A, %broadcast_in_dim3A_19, %scan3A_522 : vector<16xf32>
            %max3A_622 = arith.maximumf %select_n3A_621, %get3A_620 : vector<16xf32>
            %mul3A_623 = arith.constant 400 : i32
            %mul3A_624 = arith.muli %rem3A_235, %mul3A_623 : i32
            %add3A_625 = arith.addi %mul3A_624, %add3A_524 : i32
            %mul3A_626 = arith.constant 400 : i32
            %mul3A_627 = arith.muli %scan3A_233, %mul3A_626 : i32
            %sub3A_628 = arith.subi %add3A_625, %mul3A_627 : i32
            %get3A_629 = arith.index_cast %sub3A_628 : i32 to index
            %get3A_630 = arith.constant 112 : index
            %get3A_631 = tpu.vector_load %arg10[%get3A_629, %get3A_630] {strides = array<i32>} : memref<800x128xf32, #tpu.memory_space<vmem>>, vector<1x16xf32>,
            %get3A_632 = vector.shape_cast %get3A_631 : vector<1x16xf32> to vector<16xf32>
            %select_n3A_633 = arith.select %ne3A, %broadcast_in_dim3A_19, %scan3A_523 : vector<16xf32>
            %max3A_634 = arith.maximumf %select_n3A_633, %get3A_632 : vector<16xf32>
            %select_n3A_635 = arith.select %ne3A, %squeeze3A_529, %scan3A_514 : i32
            scf.yield %select_n3A_635, %add3A_541, %max3A, %max3A_562, %max3A_574, %max3A_586, %max3A_598, %max3A_610, %max3A_622, %max3A_634 : i32, i32, vector<16xf32>, vector<16xf32>, vector<16xf32>, vector<16xf32>, vector<16xf32>, vector<16xf32>, vector<16xf32>, vector<16xf32>
          }
          %scan3A_474 = arith.constant 16 : i32
          %swap3A_475 = arith.constant 0 : i32
          %swap3A_476 = arith.index_cast %swap3A_475 : i32 to index
          %swap3A_477 = memref.load %arg15[%swap3A_476] : memref<2xi32, #tpu.memory_space<smem>>
          memref.store %scan3A_473#0, %arg15[%swap3A_476] : memref<2xi32, #tpu.memory_space<smem>>
          %swap3A_478 = arith.constant 1 : i32
          %swap3A_479 = arith.index_cast %swap3A_478 : i32 to index
          %swap3A_480 = memref.load %arg15[%swap3A_479] : memref<2xi32, #tpu.memory_space<smem>>
          memref.store %scan3A_473#1, %arg15[%swap3A_479] : memref<2xi32, #tpu.memory_space<smem>>
          %swap3A_481 = arith.constant 0 : index
          %swap3A_482 = tpu.vector_load %arg14[%swap3A_481] {strides = array<i32>} : memref<128xf32, #tpu.memory_space<vmem>>, vector<16xf32>,
          %swap3A_483 = vector.shape_cast %swap3A_482 : vector<16xf32> to vector<16xf32>
          %swap3A_484 = vector.shape_cast %scan3A_473#2 : vector<16xf32> to vector<16xf32>
          tpu.vector_store %arg14[%swap3A_481], %swap3A_484 {strides = array<i32>} : memref<128xf32, #tpu.memory_space<vmem>>, vector<16xf32>,
          %swap3A_485 = arith.constant 16 : index
          %swap3A_486 = tpu.vector_load %arg14[%swap3A_485] {strides = array<i32>} : memref<128xf32, #tpu.memory_space<vmem>>, vector<16xf32>,
          %swap3A_487 = vector.shape_cast %swap3A_486 : vector<16xf32> to vector<16xf32>
          %swap3A_488 = vector.shape_cast %scan3A_473#3 : vector<16xf32> to vector<16xf32>
          tpu.vector_store %arg14[%swap3A_485], %swap3A_488 {strides = array<i32>} : memref<128xf32, #tpu.memory_space<vmem>>, vector<16xf32>,
          %swap3A_489 = arith.constant 32 : index
          %swap3A_490 = tpu.vector_load %arg14[%swap3A_489] {strides = array<i32>} : memref<128xf32, #tpu.memory_space<vmem>>, vector<16xf32>,
          %swap3A_491 = vector.shape_cast %swap3A_490 : vector<16xf32> to vector<16xf32>
          %swap3A_492 = vector.shape_cast %scan3A_473#4 : vector<16xf32> to vector<16xf32>
          tpu.vector_store %arg14[%swap3A_489], %swap3A_492 {strides = array<i32>} : memref<128xf32, #tpu.memory_space<vmem>>, vector<16xf32>,
          %swap3A_493 = arith.constant 48 : index
          %swap3A_494 = tpu.vector_load %arg14[%swap3A_493] {strides = array<i32>} : memref<128xf32, #tpu.memory_space<vmem>>, vector<16xf32>,
          %swap3A_495 = vector.shape_cast %swap3A_494 : vector<16xf32> to vector<16xf32>
          %swap3A_496 = vector.shape_cast %scan3A_473#5 : vector<16xf32> to vector<16xf32>
          tpu.vector_store %arg14[%swap3A_493], %swap3A_496 {strides = array<i32>} : memref<128xf32, #tpu.memory_space<vmem>>, vector<16xf32>,
          %swap3A_497 = arith.constant 64 : index
          %swap3A_498 = tpu.vector_load %arg14[%swap3A_497] {strides = array<i32>} : memref<128xf32, #tpu.memory_space<vmem>>, vector<16xf32>,
          %swap3A_499 = vector.shape_cast %swap3A_498 : vector<16xf32> to vector<16xf32>
          %swap3A_500 = vector.shape_cast %scan3A_473#6 : vector<16xf32> to vector<16xf32>
          tpu.vector_store %arg14[%swap3A_497], %swap3A_500 {strides = array<i32>} : memref<128xf32, #tpu.memory_space<vmem>>, vector<16xf32>,
          %swap3A_501 = arith.constant 80 : index
          %swap3A_502 = tpu.vector_load %arg14[%swap3A_501] {strides = array<i32>} : memref<128xf32, #tpu.memory_space<vmem>>, vector<16xf32>,
          %swap3A_503 = vector.shape_cast %swap3A_502 : vector<16xf32> to vector<16xf32>
          %swap3A_504 = vector.shape_cast %scan3A_473#7 : vector<16xf32> to vector<16xf32>
          tpu.vector_store %arg14[%swap3A_501], %swap3A_504 {strides = array<i32>} : memref<128xf32, #tpu.memory_space<vmem>>, vector<16xf32>,
          %swap3A_505 = arith.constant 96 : index
          %swap3A_506 = tpu.vector_load %arg14[%swap3A_505] {strides = array<i32>} : memref<128xf32, #tpu.memory_space<vmem>>, vector<16xf32>,
          %swap3A_507 = vector.shape_cast %swap3A_506 : vector<16xf32> to vector<16xf32>
          %swap3A_508 = vector.shape_cast %scan3A_473#8 : vector<16xf32> to vector<16xf32>
          tpu.vector_store %arg14[%swap3A_505], %swap3A_508 {strides = array<i32>} : memref<128xf32, #tpu.memory_space<vmem>>, vector<16xf32>,
          %swap3A_509 = arith.constant 112 : index
          %swap3A_510 = tpu.vector_load %arg14[%swap3A_509] {strides = array<i32>} : memref<128xf32, #tpu.memory_space<vmem>>, vector<16xf32>,
          %swap3A_511 = vector.shape_cast %swap3A_510 : vector<16xf32> to vector<16xf32>
          %swap3A_512 = vector.shape_cast %scan3A_473#9 : vector<16xf32> to vector<16xf32>
          tpu.vector_store %arg14[%swap3A_509], %swap3A_512 {strides = array<i32>} : memref<128xf32, #tpu.memory_space<vmem>>, vector<16xf32>,
        } else {
        }
        scf.yield %squeeze3A_324 : i32
      }
      %scan3A_312 = arith.constant 25 : i32
      scf.yield %scan3A_311 : i32
    }
    %scan3A_117 = arith.constant 25 : i32
    %get3A_118 = arith.constant 0 : i32
    %get3A_119 = arith.index_cast %get3A_118 : i32 to index
    %get3A_120 = memref.load %arg15[%get3A_119] : memref<2xi32, #tpu.memory_space<smem>>
    %get3A_121 = arith.constant 1 : i32
    %get3A_122 = arith.index_cast %get3A_121 : i32 to index
    %get3A_123 = memref.load %arg15[%get3A_122] : memref<2xi32, #tpu.memory_space<smem>>
    %get3A_124 = arith.constant 0 : index
    %get3A_125 = tpu.vector_load %arg14[%get3A_124] {strides = array<i32>} : memref<128xf32, #tpu.memory_space<vmem>>, vector<16xf32>,
    %get3A_126 = vector.shape_cast %get3A_125 : vector<16xf32> to vector<16xf32>
    %get3A_127 = arith.constant 16 : index
    %get3A_128 = tpu.vector_load %arg14[%get3A_127] {strides = array<i32>} : memref<128xf32, #tpu.memory_space<vmem>>, vector<16xf32>,
    %get3A_129 = vector.shape_cast %get3A_128 : vector<16xf32> to vector<16xf32>
    %get3A_130 = arith.constant 32 : index
    %get3A_131 = tpu.vector_load %arg14[%get3A_130] {strides = array<i32>} : memref<128xf32, #tpu.memory_space<vmem>>, vector<16xf32>,
    %get3A_132 = vector.shape_cast %get3A_131 : vector<16xf32> to vector<16xf32>
    %get3A_133 = arith.constant 48 : index
    %get3A_134 = tpu.vector_load %arg14[%get3A_133] {strides = array<i32>} : memref<128xf32, #tpu.memory_space<vmem>>, vector<16xf32>,
    %get3A_135 = vector.shape_cast %get3A_134 : vector<16xf32> to vector<16xf32>
    %get3A_136 = arith.constant 64 : index
    %get3A_137 = tpu.vector_load %arg14[%get3A_136] {strides = array<i32>} : memref<128xf32, #tpu.memory_space<vmem>>, vector<16xf32>,
    %get3A_138 = vector.shape_cast %get3A_137 : vector<16xf32> to vector<16xf32>
    %get3A_139 = arith.constant 80 : index
    %get3A_140 = tpu.vector_load %arg14[%get3A_139] {strides = array<i32>} : memref<128xf32, #tpu.memory_space<vmem>>, vector<16xf32>,
    %get3A_141 = vector.shape_cast %get3A_140 : vector<16xf32> to vector<16xf32>
    %get3A_142 = arith.constant 96 : index
    %get3A_143 = tpu.vector_load %arg14[%get3A_142] {strides = array<i32>} : memref<128xf32, #tpu.memory_space<vmem>>, vector<16xf32>,
    %get3A_144 = vector.shape_cast %get3A_143 : vector<16xf32> to vector<16xf32>
    %get3A_145 = arith.constant 112 : index
    %get3A_146 = tpu.vector_load %arg14[%get3A_145] {strides = array<i32>} : memref<128xf32, #tpu.memory_space<vmem>>, vector<16xf32>,
    %get3A_147 = vector.shape_cast %get3A_146 : vector<16xf32> to vector<16xf32>
    %eq3A = arith.cmpi eq, %get3A_120, %squeeze3A : i32
    %convert_element_type3A = arith.extui %eq3A : i1 to i32
    %cond3A = arith.constant 0 : i32
    %cond3A_148 = arith.cmpi ne, %convert_element_type3A, %cond3A : i32
    scf.if %cond3A_148 {
      %swap3A_233 = arith.constant 0 : index
      %swap3A_234 = tpu.vector_load %arg12[%swap3A_233] {strides = array<i32>} : memref<128xf32, #tpu.memory_space<vmem>>, vector<16xf32>,
      %swap3A_235 = vector.shape_cast %swap3A_234 : vector<16xf32> to vector<16xf32>
      %swap3A_236 = vector.shape_cast %get3A_126 : vector<16xf32> to vector<16xf32>
      tpu.vector_store %arg12[%swap3A_233], %swap3A_236 {strides = array<i32>} : memref<128xf32, #tpu.memory_space<vmem>>, vector<16xf32>,
      %swap3A_237 = arith.constant 16 : index
      %swap3A_238 = tpu.vector_load %arg12[%swap3A_237] {strides = array<i32>} : memref<128xf32, #tpu.memory_space<vmem>>, vector<16xf32>,
      %swap3A_239 = vector.shape_cast %swap3A_238 : vector<16xf32> to vector<16xf32>
      %swap3A_240 = vector.shape_cast %get3A_129 : vector<16xf32> to vector<16xf32>
      tpu.vector_store %arg12[%swap3A_237], %swap3A_240 {strides = array<i32>} : memref<128xf32, #tpu.memory_space<vmem>>, vector<16xf32>,
      %swap3A_241 = arith.constant 32 : index
      %swap3A_242 = tpu.vector_load %arg12[%swap3A_241] {strides = array<i32>} : memref<128xf32, #tpu.memory_space<vmem>>, vector<16xf32>,
      %swap3A_243 = vector.shape_cast %swap3A_242 : vector<16xf32> to vector<16xf32>
      %swap3A_244 = vector.shape_cast %get3A_132 : vector<16xf32> to vector<16xf32>
      tpu.vector_store %arg12[%swap3A_241], %swap3A_244 {strides = array<i32>} : memref<128xf32, #tpu.memory_space<vmem>>, vector<16xf32>,
      %swap3A_245 = arith.constant 48 : index
      %swap3A_246 = tpu.vector_load %arg12[%swap3A_245] {strides = array<i32>} : memref<128xf32, #tpu.memory_space<vmem>>, vector<16xf32>,
      %swap3A_247 = vector.shape_cast %swap3A_246 : vector<16xf32> to vector<16xf32>
      %swap3A_248 = vector.shape_cast %get3A_135 : vector<16xf32> to vector<16xf32>
      tpu.vector_store %arg12[%swap3A_245], %swap3A_248 {strides = array<i32>} : memref<128xf32, #tpu.memory_space<vmem>>, vector<16xf32>,
      %swap3A_249 = arith.constant 64 : index
      %swap3A_250 = tpu.vector_load %arg12[%swap3A_249] {strides = array<i32>} : memref<128xf32, #tpu.memory_space<vmem>>, vector<16xf32>,
      %swap3A_251 = vector.shape_cast %swap3A_250 : vector<16xf32> to vector<16xf32>
      %swap3A_252 = vector.shape_cast %get3A_138 : vector<16xf32> to vector<16xf32>
      tpu.vector_store %arg12[%swap3A_249], %swap3A_252 {strides = array<i32>} : memref<128xf32, #tpu.memory_space<vmem>>, vector<16xf32>,
      %swap3A_253 = arith.constant 80 : index
      %swap3A_254 = tpu.vector_load %arg12[%swap3A_253] {strides = array<i32>} : memref<128xf32, #tpu.memory_space<vmem>>, vector<16xf32>,
      %swap3A_255 = vector.shape_cast %swap3A_254 : vector<16xf32> to vector<16xf32>
      %swap3A_256 = vector.shape_cast %get3A_141 : vector<16xf32> to vector<16xf32>
      tpu.vector_store %arg12[%swap3A_253], %swap3A_256 {strides = array<i32>} : memref<128xf32, #tpu.memory_space<vmem>>, vector<16xf32>,
      %swap3A_257 = arith.constant 96 : index
      %swap3A_258 = tpu.vector_load %arg12[%swap3A_257] {strides = array<i32>} : memref<128xf32, #tpu.memory_space<vmem>>, vector<16xf32>,
      %swap3A_259 = vector.shape_cast %swap3A_258 : vector<16xf32> to vector<16xf32>
      %swap3A_260 = vector.shape_cast %get3A_144 : vector<16xf32> to vector<16xf32>
      tpu.vector_store %arg12[%swap3A_257], %swap3A_260 {strides = array<i32>} : memref<128xf32, #tpu.memory_space<vmem>>, vector<16xf32>,
      %swap3A_261 = arith.constant 112 : index
      %swap3A_262 = tpu.vector_load %arg12[%swap3A_261] {strides = array<i32>} : memref<128xf32, #tpu.memory_space<vmem>>, vector<16xf32>,
      %swap3A_263 = vector.shape_cast %swap3A_262 : vector<16xf32> to vector<16xf32>
      %swap3A_264 = vector.shape_cast %get3A_147 : vector<16xf32> to vector<16xf32>
      tpu.vector_store %arg12[%swap3A_261], %swap3A_264 {strides = array<i32>} : memref<128xf32, #tpu.memory_space<vmem>>, vector<16xf32>,
      %broadcast_in_dim3A_265 = vector.broadcast %get3A_120 : i32 to vector<16xi32>
      %swap3A_266 = arith.constant 0 : index
      %swap3A_267 = tpu.vector_load %arg13[%swap3A_266] {strides = array<i32>} : memref<16xi32, #tpu.memory_space<vmem>>, vector<16xi32>,
      %swap3A_268 = vector.shape_cast %swap3A_267 : vector<16xi32> to vector<16xi32>
      %swap3A_269 = vector.shape_cast %broadcast_in_dim3A_265 : vector<16xi32> to vector<16xi32>
      tpu.vector_store %arg13[%swap3A_266], %swap3A_269 {strides = array<i32>} : memref<16xi32, #tpu.memory_space<vmem>>, vector<16xi32>,
      %mul3A_270 = arith.constant 2 : i32
      %mul3A_271 = arith.muli %mul3A_270, %add3A : i32
      %add3A_272 = arith.constant 0 : i32
      %add3A_273 = arith.addi %mul3A_271, %add3A_272 : i32
      "tpu.region"() ({
        %run_scoped3A = tpu.sem_alloc : memref<!tpu.dma_semaphore, #tpu.memory_space<semaphore_mem>>
        %dma_start3A_278 = arith.constant 0 : i32
        %dma_start3A_279 = tpu.memref_slice %arg6[%add3A_273, %dma_start3A_278] : memref<64x128xf32, #tpu.memory_space<hbm>> -> memref<1x128xf32, #tpu.memory_space<hbm>>
        %dma_start3A_280 = tpu.memref_squeeze %dma_start3A_279 : memref<1x128xf32, #tpu.memory_space<hbm>> -> memref<128xf32, #tpu.memory_space<hbm>>
        %dma_start3A_281 = arith.constant 0 : i32
        %dma_start3A_282 = tpu.memref_slice %arg6[%add3A_273, %dma_start3A_281] : memref<64x128xf32, #tpu.memory_space<hbm>> -> memref<1x128xf32, #tpu.memory_space<hbm>>
        %dma_start3A_283 = tpu.memref_squeeze %dma_start3A_282 : memref<1x128xf32, #tpu.memory_space<hbm>> -> memref<128xf32, #tpu.memory_space<hbm>>
        tpu.enqueue_dma source(%arg12 : memref<128xf32, #tpu.memory_space<vmem>>) target(%dma_start3A_283 : memref<128xf32, #tpu.memory_space<hbm>>) target_semaphore(%run_scoped3A : memref<!tpu.dma_semaphore, #tpu.memory_space<semaphore_mem>>)
        %dma_wait3A_284 = arith.constant 0 : i32
        %dma_wait3A_285 = tpu.memref_slice %arg6[%add3A_273, %dma_wait3A_284] : memref<64x128xf32, #tpu.memory_space<hbm>> -> memref<1x128xf32, #tpu.memory_space<hbm>>
        %dma_wait3A_286 = tpu.memref_squeeze %dma_wait3A_285 : memref<1x128xf32, #tpu.memory_space<hbm>> -> memref<128xf32, #tpu.memory_space<hbm>>
        %dma_wait3A_287 = arith.constant 0 : i32
        %dma_wait3A_288 = tpu.memref_slice %arg6[%add3A_273, %dma_wait3A_287] : memref<64x128xf32, #tpu.memory_space<hbm>> -> memref<1x128xf32, #tpu.memory_space<hbm>>
        %dma_wait3A_289 = tpu.memref_squeeze %dma_wait3A_288 : memref<1x128xf32, #tpu.memory_space<hbm>> -> memref<128xf32, #tpu.memory_space<hbm>>
        tpu.wait_dma2 semaphore(%run_scoped3A : memref<!tpu.dma_semaphore, #tpu.memory_space<semaphore_mem>>) src(%arg12 : memref<128xf32, #tpu.memory_space<vmem>>) dst(%dma_wait3A_289 : memref<128xf32, #tpu.memory_space<hbm>>)
        tpu.yield
      }) : () -> ()
      %mul3A_274 = arith.constant 2 : i32
      %mul3A_275 = arith.muli %mul3A_274, %add3A : i32
      %add3A_276 = arith.constant 0 : i32
      %add3A_277 = arith.addi %mul3A_275, %add3A_276 : i32
      "tpu.region"() ({
        %run_scoped3A = tpu.sem_alloc : memref<!tpu.dma_semaphore, #tpu.memory_space<semaphore_mem>>
        %dma_start3A_278 = arith.constant 0 : i32
        %dma_start3A_279 = tpu.memref_slice %arg7[%add3A_277, %dma_start3A_278] : memref<64x16xi32, #tpu.memory_space<hbm>> -> memref<1x16xi32, #tpu.memory_space<hbm>>
        %dma_start3A_280 = tpu.memref_squeeze %dma_start3A_279 : memref<1x16xi32, #tpu.memory_space<hbm>> -> memref<16xi32, #tpu.memory_space<hbm>>
        %dma_start3A_281 = arith.constant 0 : i32
        %dma_start3A_282 = tpu.memref_slice %arg7[%add3A_277, %dma_start3A_281] : memref<64x16xi32, #tpu.memory_space<hbm>> -> memref<1x16xi32, #tpu.memory_space<hbm>>
        %dma_start3A_283 = tpu.memref_squeeze %dma_start3A_282 : memref<1x16xi32, #tpu.memory_space<hbm>> -> memref<16xi32, #tpu.memory_space<hbm>>
        tpu.enqueue_dma source(%arg13 : memref<16xi32, #tpu.memory_space<vmem>>) target(%dma_start3A_283 : memref<16xi32, #tpu.memory_space<hbm>>) target_semaphore(%run_scoped3A : memref<!tpu.dma_semaphore, #tpu.memory_space<semaphore_mem>>)
        %dma_wait3A_284 = arith.constant 0 : i32
        %dma_wait3A_285 = tpu.memref_slice %arg7[%add3A_277, %dma_wait3A_284] : memref<64x16xi32, #tpu.memory_space<hbm>> -> memref<1x16xi32, #tpu.memory_space<hbm>>
        %dma_wait3A_286 = tpu.memref_squeeze %dma_wait3A_285 : memref<1x16xi32, #tpu.memory_space<hbm>> -> memref<16xi32, #tpu.memory_space<hbm>>
        %dma_wait3A_287 = arith.constant 0 : i32
        %dma_wait3A_288 = tpu.memref_slice %arg7[%add3A_277, %dma_wait3A_287] : memref<64x16xi32, #tpu.memory_space<hbm>> -> memref<1x16xi32, #tpu.memory_space<hbm>>
        %dma_wait3A_289 = tpu.memref_squeeze %dma_wait3A_288 : memref<1x16xi32, #tpu.memory_space<hbm>> -> memref<16xi32, #tpu.memory_space<hbm>>
        tpu.wait_dma2 semaphore(%run_scoped3A : memref<!tpu.dma_semaphore, #tpu.memory_space<semaphore_mem>>) src(%arg13 : memref<16xi32, #tpu.memory_space<vmem>>) dst(%dma_wait3A_289 : memref<16xi32, #tpu.memory_space<hbm>>)
        tpu.yield
      }) : () -> ()
    } else {
    }
    %swap3A_149 = arith.constant 0 : index
    %swap3A_150 = tpu.vector_load %arg12[%swap3A_149] {strides = array<i32>} : memref<128xf32, #tpu.memory_space<vmem>>, vector<16xf32>,
    %swap3A_151 = vector.shape_cast %swap3A_150 : vector<16xf32> to vector<16xf32>
    %swap3A_152 = vector.shape_cast %get3A_126 : vector<16xf32> to vector<16xf32>
    tpu.vector_store %arg12[%swap3A_149], %swap3A_152 {strides = array<i32>} : memref<128xf32, #tpu.memory_space<vmem>>, vector<16xf32>,
    %swap3A_153 = arith.constant 16 : index
    %swap3A_154 = tpu.vector_load %arg12[%swap3A_153] {strides = array<i32>} : memref<128xf32, #tpu.memory_space<vmem>>, vector<16xf32>,
    %swap3A_155 = vector.shape_cast %swap3A_154 : vector<16xf32> to vector<16xf32>
    %swap3A_156 = vector.shape_cast %get3A_129 : vector<16xf32> to vector<16xf32>
    tpu.vector_store %arg12[%swap3A_153], %swap3A_156 {strides = array<i32>} : memref<128xf32, #tpu.memory_space<vmem>>, vector<16xf32>,
    %swap3A_157 = arith.constant 32 : index
    %swap3A_158 = tpu.vector_load %arg12[%swap3A_157] {strides = array<i32>} : memref<128xf32, #tpu.memory_space<vmem>>, vector<16xf32>,
    %swap3A_159 = vector.shape_cast %swap3A_158 : vector<16xf32> to vector<16xf32>
    %swap3A_160 = vector.shape_cast %get3A_132 : vector<16xf32> to vector<16xf32>
    tpu.vector_store %arg12[%swap3A_157], %swap3A_160 {strides = array<i32>} : memref<128xf32, #tpu.memory_space<vmem>>, vector<16xf32>,
    %swap3A_161 = arith.constant 48 : index
    %swap3A_162 = tpu.vector_load %arg12[%swap3A_161] {strides = array<i32>} : memref<128xf32, #tpu.memory_space<vmem>>, vector<16xf32>,
    %swap3A_163 = vector.shape_cast %swap3A_162 : vector<16xf32> to vector<16xf32>
    %swap3A_164 = vector.shape_cast %get3A_135 : vector<16xf32> to vector<16xf32>
    tpu.vector_store %arg12[%swap3A_161], %swap3A_164 {strides = array<i32>} : memref<128xf32, #tpu.memory_space<vmem>>, vector<16xf32>,
    %swap3A_165 = arith.constant 64 : index
    %swap3A_166 = tpu.vector_load %arg12[%swap3A_165] {strides = array<i32>} : memref<128xf32, #tpu.memory_space<vmem>>, vector<16xf32>,
    %swap3A_167 = vector.shape_cast %swap3A_166 : vector<16xf32> to vector<16xf32>
    %swap3A_168 = vector.shape_cast %get3A_138 : vector<16xf32> to vector<16xf32>
    tpu.vector_store %arg12[%swap3A_165], %swap3A_168 {strides = array<i32>} : memref<128xf32, #tpu.memory_space<vmem>>, vector<16xf32>,
    %swap3A_169 = arith.constant 80 : index
    %swap3A_170 = tpu.vector_load %arg12[%swap3A_169] {strides = array<i32>} : memref<128xf32, #tpu.memory_space<vmem>>, vector<16xf32>,
    %swap3A_171 = vector.shape_cast %swap3A_170 : vector<16xf32> to vector<16xf32>
    %swap3A_172 = vector.shape_cast %get3A_141 : vector<16xf32> to vector<16xf32>
    tpu.vector_store %arg12[%swap3A_169], %swap3A_172 {strides = array<i32>} : memref<128xf32, #tpu.memory_space<vmem>>, vector<16xf32>,
    %swap3A_173 = arith.constant 96 : index
    %swap3A_174 = tpu.vector_load %arg12[%swap3A_173] {strides = array<i32>} : memref<128xf32, #tpu.memory_space<vmem>>, vector<16xf32>,
    %swap3A_175 = vector.shape_cast %swap3A_174 : vector<16xf32> to vector<16xf32>
    %swap3A_176 = vector.shape_cast %get3A_144 : vector<16xf32> to vector<16xf32>
    tpu.vector_store %arg12[%swap3A_173], %swap3A_176 {strides = array<i32>} : memref<128xf32, #tpu.memory_space<vmem>>, vector<16xf32>,
    %swap3A_177 = arith.constant 112 : index
    %swap3A_178 = tpu.vector_load %arg12[%swap3A_177] {strides = array<i32>} : memref<128xf32, #tpu.memory_space<vmem>>, vector<16xf32>,
    %swap3A_179 = vector.shape_cast %swap3A_178 : vector<16xf32> to vector<16xf32>
    %swap3A_180 = vector.shape_cast %get3A_147 : vector<16xf32> to vector<16xf32>
    tpu.vector_store %arg12[%swap3A_177], %swap3A_180 {strides = array<i32>} : memref<128xf32, #tpu.memory_space<vmem>>, vector<16xf32>,
    %broadcast_in_dim3A_181 = vector.broadcast %get3A_120 : i32 to vector<16xi32>
    %swap3A_182 = arith.constant 0 : index
    %swap3A_183 = tpu.vector_load %arg13[%swap3A_182] {strides = array<i32>} : memref<16xi32, #tpu.memory_space<vmem>>, vector<16xi32>,
    %swap3A_184 = vector.shape_cast %swap3A_183 : vector<16xi32> to vector<16xi32>
    %swap3A_185 = vector.shape_cast %broadcast_in_dim3A_181 : vector<16xi32> to vector<16xi32>
    tpu.vector_store %arg13[%swap3A_182], %swap3A_185 {strides = array<i32>} : memref<16xi32, #tpu.memory_space<vmem>>, vector<16xi32>,
    %mul3A_186 = arith.constant 2 : i32
    %mul3A_187 = arith.muli %mul3A_186, %add3A : i32
    %add3A_188 = arith.constant 1 : i32
    %add3A_189 = arith.addi %mul3A_187, %add3A_188 : i32
    "tpu.region"() ({
      %run_scoped3A = tpu.sem_alloc : memref<!tpu.dma_semaphore, #tpu.memory_space<semaphore_mem>>
      %dma_start3A_233 = arith.constant 0 : i32
      %dma_start3A_234 = tpu.memref_slice %arg6[%add3A_189, %dma_start3A_233] : memref<64x128xf32, #tpu.memory_space<hbm>> -> memref<1x128xf32, #tpu.memory_space<hbm>>
      %dma_start3A_235 = tpu.memref_squeeze %dma_start3A_234 : memref<1x128xf32, #tpu.memory_space<hbm>> -> memref<128xf32, #tpu.memory_space<hbm>>
      %dma_start3A_236 = arith.constant 0 : i32
      %dma_start3A_237 = tpu.memref_slice %arg6[%add3A_189, %dma_start3A_236] : memref<64x128xf32, #tpu.memory_space<hbm>> -> memref<1x128xf32, #tpu.memory_space<hbm>>
      %dma_start3A_238 = tpu.memref_squeeze %dma_start3A_237 : memref<1x128xf32, #tpu.memory_space<hbm>> -> memref<128xf32, #tpu.memory_space<hbm>>
      tpu.enqueue_dma source(%arg12 : memref<128xf32, #tpu.memory_space<vmem>>) target(%dma_start3A_238 : memref<128xf32, #tpu.memory_space<hbm>>) target_semaphore(%run_scoped3A : memref<!tpu.dma_semaphore, #tpu.memory_space<semaphore_mem>>)
      %dma_wait3A_239 = arith.constant 0 : i32
      %dma_wait3A_240 = tpu.memref_slice %arg6[%add3A_189, %dma_wait3A_239] : memref<64x128xf32, #tpu.memory_space<hbm>> -> memref<1x128xf32, #tpu.memory_space<hbm>>
      %dma_wait3A_241 = tpu.memref_squeeze %dma_wait3A_240 : memref<1x128xf32, #tpu.memory_space<hbm>> -> memref<128xf32, #tpu.memory_space<hbm>>
      %dma_wait3A_242 = arith.constant 0 : i32
      %dma_wait3A_243 = tpu.memref_slice %arg6[%add3A_189, %dma_wait3A_242] : memref<64x128xf32, #tpu.memory_space<hbm>> -> memref<1x128xf32, #tpu.memory_space<hbm>>
      %dma_wait3A_244 = tpu.memref_squeeze %dma_wait3A_243 : memref<1x128xf32, #tpu.memory_space<hbm>> -> memref<128xf32, #tpu.memory_space<hbm>>
      tpu.wait_dma2 semaphore(%run_scoped3A : memref<!tpu.dma_semaphore, #tpu.memory_space<semaphore_mem>>) src(%arg12 : memref<128xf32, #tpu.memory_space<vmem>>) dst(%dma_wait3A_244 : memref<128xf32, #tpu.memory_space<hbm>>)
      tpu.yield
    }) : () -> ()
    %mul3A_190 = arith.constant 2 : i32
    %mul3A_191 = arith.muli %mul3A_190, %add3A : i32
    %add3A_192 = arith.constant 1 : i32
    %add3A_193 = arith.addi %mul3A_191, %add3A_192 : i32
    "tpu.region"() ({
      %run_scoped3A = tpu.sem_alloc : memref<!tpu.dma_semaphore, #tpu.memory_space<semaphore_mem>>
      %dma_start3A_233 = arith.constant 0 : i32
      %dma_start3A_234 = tpu.memref_slice %arg7[%add3A_193, %dma_start3A_233] : memref<64x16xi32, #tpu.memory_space<hbm>> -> memref<1x16xi32, #tpu.memory_space<hbm>>
      %dma_start3A_235 = tpu.memref_squeeze %dma_start3A_234 : memref<1x16xi32, #tpu.memory_space<hbm>> -> memref<16xi32, #tpu.memory_space<hbm>>
      %dma_start3A_236 = arith.constant 0 : i32
      %dma_start3A_237 = tpu.memref_slice %arg7[%add3A_193, %dma_start3A_236] : memref<64x16xi32, #tpu.memory_space<hbm>> -> memref<1x16xi32, #tpu.memory_space<hbm>>
      %dma_start3A_238 = tpu.memref_squeeze %dma_start3A_237 : memref<1x16xi32, #tpu.memory_space<hbm>> -> memref<16xi32, #tpu.memory_space<hbm>>
      tpu.enqueue_dma source(%arg13 : memref<16xi32, #tpu.memory_space<vmem>>) target(%dma_start3A_238 : memref<16xi32, #tpu.memory_space<hbm>>) target_semaphore(%run_scoped3A : memref<!tpu.dma_semaphore, #tpu.memory_space<semaphore_mem>>)
      %dma_wait3A_239 = arith.constant 0 : i32
      %dma_wait3A_240 = tpu.memref_slice %arg7[%add3A_193, %dma_wait3A_239] : memref<64x16xi32, #tpu.memory_space<hbm>> -> memref<1x16xi32, #tpu.memory_space<hbm>>
      %dma_wait3A_241 = tpu.memref_squeeze %dma_wait3A_240 : memref<1x16xi32, #tpu.memory_space<hbm>> -> memref<16xi32, #tpu.memory_space<hbm>>
      %dma_wait3A_242 = arith.constant 0 : i32
      %dma_wait3A_243 = tpu.memref_slice %arg7[%add3A_193, %dma_wait3A_242] : memref<64x16xi32, #tpu.memory_space<hbm>> -> memref<1x16xi32, #tpu.memory_space<hbm>>
      %dma_wait3A_244 = tpu.memref_squeeze %dma_wait3A_243 : memref<1x16xi32, #tpu.memory_space<hbm>> -> memref<16xi32, #tpu.memory_space<hbm>>
      tpu.wait_dma2 semaphore(%run_scoped3A : memref<!tpu.dma_semaphore, #tpu.memory_space<semaphore_mem>>) src(%arg13 : memref<16xi32, #tpu.memory_space<vmem>>) dst(%dma_wait3A_244 : memref<16xi32, #tpu.memory_space<hbm>>)
      tpu.yield
    }) : () -> ()
    %gt3A = arith.constant 0 : i32
    %gt3A_194 = arith.cmpi sgt, %get3A_123, %gt3A : i32
    %convert_element_type3A_195 = arith.extui %gt3A_194 : i1 to i32
    %cond3A_196 = arith.constant 0 : i32
    %cond3A_197 = arith.cmpi ne, %convert_element_type3A_195, %cond3A_196 : i32
    scf.if %cond3A_197 {
      %dma_wait3A_233 = arith.constant 0 : i32
      %dma_wait3A_234 = arith.constant 0 : i32
      %dma_wait3A_235 = arith.constant 0 : i32
      %dma_wait3A_236 = tpu.memref_slice %arg11[%dma_wait3A_235] : memref<1024xf32, #tpu.memory_space<vmem>> -> memref<128xf32, #tpu.memory_space<vmem>>
      %dma_wait3A_237 = arith.constant 0 : i32
      %dma_wait3A_238 = tpu.memref_slice %arg5[%dma_wait3A_233, %dma_wait3A_237] : memref<10000x128xf32, #tpu.memory_space<hbm>> -> memref<1x128xf32, #tpu.memory_space<hbm>>
      %dma_wait3A_239 = tpu.memref_squeeze %dma_wait3A_238 : memref<1x128xf32, #tpu.memory_space<hbm>> -> memref<128xf32, #tpu.memory_space<hbm>>
      %dma_wait3A_240 = tpu.memref_slice %arg17[%dma_wait3A_234] : memref<8x!tpu.dma_semaphore, #tpu.memory_space<semaphore_mem>> -> memref<1x!tpu.dma_semaphore, #tpu.memory_space<semaphore_mem>>
      %dma_wait3A_241 = tpu.memref_squeeze %dma_wait3A_240 : memref<1x!tpu.dma_semaphore, #tpu.memory_space<semaphore_mem>> -> memref<!tpu.dma_semaphore, #tpu.memory_space<semaphore_mem>>
      %dma_wait3A_242 = arith.constant 0 : i32
      %dma_wait3A_243 = tpu.memref_slice %arg5[%dma_wait3A_233, %dma_wait3A_242] : memref<10000x128xf32, #tpu.memory_space<hbm>> -> memref<1x128xf32, #tpu.memory_space<hbm>>
      %dma_wait3A_244 = tpu.memref_squeeze %dma_wait3A_243 : memref<1x128xf32, #tpu.memory_space<hbm>> -> memref<128xf32, #tpu.memory_space<hbm>>
      %dma_wait3A_245 = arith.constant 0 : i32
      %dma_wait3A_246 = tpu.memref_slice %arg11[%dma_wait3A_245] : memref<1024xf32, #tpu.memory_space<vmem>> -> memref<128xf32, #tpu.memory_space<vmem>>
      tpu.wait_dma2 semaphore(%dma_wait3A_241 : memref<!tpu.dma_semaphore, #tpu.memory_space<semaphore_mem>>) src(%dma_wait3A_246 : memref<128xf32, #tpu.memory_space<vmem>>) dst(%dma_wait3A_244 : memref<128xf32, #tpu.memory_space<hbm>>)
    } else {
    }
    %gt3A_198 = arith.constant 1 : i32
    %gt3A_199 = arith.cmpi sgt, %get3A_123, %gt3A_198 : i32
    %convert_element_type3A_200 = arith.extui %gt3A_199 : i1 to i32
    %cond3A_201 = arith.constant 0 : i32
    %cond3A_202 = arith.cmpi ne, %convert_element_type3A_200, %cond3A_201 : i32
    scf.if %cond3A_202 {
      %dma_wait3A_233 = arith.constant 0 : i32
      %dma_wait3A_234 = arith.constant 1 : i32
      %dma_wait3A_235 = arith.constant 128 : i32
      %dma_wait3A_236 = tpu.memref_slice %arg11[%dma_wait3A_235] : memref<1024xf32, #tpu.memory_space<vmem>> -> memref<128xf32, #tpu.memory_space<vmem>>
      %dma_wait3A_237 = arith.constant 0 : i32
      %dma_wait3A_238 = tpu.memref_slice %arg5[%dma_wait3A_233, %dma_wait3A_237] : memref<10000x128xf32, #tpu.memory_space<hbm>> -> memref<1x128xf32, #tpu.memory_space<hbm>>
      %dma_wait3A_239 = tpu.memref_squeeze %dma_wait3A_238 : memref<1x128xf32, #tpu.memory_space<hbm>> -> memref<128xf32, #tpu.memory_space<hbm>>
      %dma_wait3A_240 = tpu.memref_slice %arg17[%dma_wait3A_234] : memref<8x!tpu.dma_semaphore, #tpu.memory_space<semaphore_mem>> -> memref<1x!tpu.dma_semaphore, #tpu.memory_space<semaphore_mem>>
      %dma_wait3A_241 = tpu.memref_squeeze %dma_wait3A_240 : memref<1x!tpu.dma_semaphore, #tpu.memory_space<semaphore_mem>> -> memref<!tpu.dma_semaphore, #tpu.memory_space<semaphore_mem>>
      %dma_wait3A_242 = arith.constant 0 : i32
      %dma_wait3A_243 = tpu.memref_slice %arg5[%dma_wait3A_233, %dma_wait3A_242] : memref<10000x128xf32, #tpu.memory_space<hbm>> -> memref<1x128xf32, #tpu.memory_space<hbm>>
      %dma_wait3A_244 = tpu.memref_squeeze %dma_wait3A_243 : memref<1x128xf32, #tpu.memory_space<hbm>> -> memref<128xf32, #tpu.memory_space<hbm>>
      %dma_wait3A_245 = arith.constant 128 : i32
      %dma_wait3A_246 = tpu.memref_slice %arg11[%dma_wait3A_245] : memref<1024xf32, #tpu.memory_space<vmem>> -> memref<128xf32, #tpu.memory_space<vmem>>
      tpu.wait_dma2 semaphore(%dma_wait3A_241 : memref<!tpu.dma_semaphore, #tpu.memory_space<semaphore_mem>>) src(%dma_wait3A_246 : memref<128xf32, #tpu.memory_space<vmem>>) dst(%dma_wait3A_244 : memref<128xf32, #tpu.memory_space<hbm>>)
    } else {
    }
    %gt3A_203 = arith.constant 2 : i32
    %gt3A_204 = arith.cmpi sgt, %get3A_123, %gt3A_203 : i32
    %convert_element_type3A_205 = arith.extui %gt3A_204 : i1 to i32
    %cond3A_206 = arith.constant 0 : i32
    %cond3A_207 = arith.cmpi ne, %convert_element_type3A_205, %cond3A_206 : i32
    scf.if %cond3A_207 {
      %dma_wait3A_233 = arith.constant 0 : i32
      %dma_wait3A_234 = arith.constant 2 : i32
      %dma_wait3A_235 = arith.constant 256 : i32
      %dma_wait3A_236 = tpu.memref_slice %arg11[%dma_wait3A_235] : memref<1024xf32, #tpu.memory_space<vmem>> -> memref<128xf32, #tpu.memory_space<vmem>>
      %dma_wait3A_237 = arith.constant 0 : i32
      %dma_wait3A_238 = tpu.memref_slice %arg5[%dma_wait3A_233, %dma_wait3A_237] : memref<10000x128xf32, #tpu.memory_space<hbm>> -> memref<1x128xf32, #tpu.memory_space<hbm>>
      %dma_wait3A_239 = tpu.memref_squeeze %dma_wait3A_238 : memref<1x128xf32, #tpu.memory_space<hbm>> -> memref<128xf32, #tpu.memory_space<hbm>>
      %dma_wait3A_240 = tpu.memref_slice %arg17[%dma_wait3A_234] : memref<8x!tpu.dma_semaphore, #tpu.memory_space<semaphore_mem>> -> memref<1x!tpu.dma_semaphore, #tpu.memory_space<semaphore_mem>>
      %dma_wait3A_241 = tpu.memref_squeeze %dma_wait3A_240 : memref<1x!tpu.dma_semaphore, #tpu.memory_space<semaphore_mem>> -> memref<!tpu.dma_semaphore, #tpu.memory_space<semaphore_mem>>
      %dma_wait3A_242 = arith.constant 0 : i32
      %dma_wait3A_243 = tpu.memref_slice %arg5[%dma_wait3A_233, %dma_wait3A_242] : memref<10000x128xf32, #tpu.memory_space<hbm>> -> memref<1x128xf32, #tpu.memory_space<hbm>>
      %dma_wait3A_244 = tpu.memref_squeeze %dma_wait3A_243 : memref<1x128xf32, #tpu.memory_space<hbm>> -> memref<128xf32, #tpu.memory_space<hbm>>
      %dma_wait3A_245 = arith.constant 256 : i32
      %dma_wait3A_246 = tpu.memref_slice %arg11[%dma_wait3A_245] : memref<1024xf32, #tpu.memory_space<vmem>> -> memref<128xf32, #tpu.memory_space<vmem>>
      tpu.wait_dma2 semaphore(%dma_wait3A_241 : memref<!tpu.dma_semaphore, #tpu.memory_space<semaphore_mem>>) src(%dma_wait3A_246 : memref<128xf32, #tpu.memory_space<vmem>>) dst(%dma_wait3A_244 : memref<128xf32, #tpu.memory_space<hbm>>)
    } else {
    }
    %gt3A_208 = arith.constant 3 : i32
    %gt3A_209 = arith.cmpi sgt, %get3A_123, %gt3A_208 : i32
    %convert_element_type3A_210 = arith.extui %gt3A_209 : i1 to i32
    %cond3A_211 = arith.constant 0 : i32
    %cond3A_212 = arith.cmpi ne, %convert_element_type3A_210, %cond3A_211 : i32
    scf.if %cond3A_212 {
      %dma_wait3A_233 = arith.constant 0 : i32
      %dma_wait3A_234 = arith.constant 3 : i32
      %dma_wait3A_235 = arith.constant 384 : i32
      %dma_wait3A_236 = tpu.memref_slice %arg11[%dma_wait3A_235] : memref<1024xf32, #tpu.memory_space<vmem>> -> memref<128xf32, #tpu.memory_space<vmem>>
      %dma_wait3A_237 = arith.constant 0 : i32
      %dma_wait3A_238 = tpu.memref_slice %arg5[%dma_wait3A_233, %dma_wait3A_237] : memref<10000x128xf32, #tpu.memory_space<hbm>> -> memref<1x128xf32, #tpu.memory_space<hbm>>
      %dma_wait3A_239 = tpu.memref_squeeze %dma_wait3A_238 : memref<1x128xf32, #tpu.memory_space<hbm>> -> memref<128xf32, #tpu.memory_space<hbm>>
      %dma_wait3A_240 = tpu.memref_slice %arg17[%dma_wait3A_234] : memref<8x!tpu.dma_semaphore, #tpu.memory_space<semaphore_mem>> -> memref<1x!tpu.dma_semaphore, #tpu.memory_space<semaphore_mem>>
      %dma_wait3A_241 = tpu.memref_squeeze %dma_wait3A_240 : memref<1x!tpu.dma_semaphore, #tpu.memory_space<semaphore_mem>> -> memref<!tpu.dma_semaphore, #tpu.memory_space<semaphore_mem>>
      %dma_wait3A_242 = arith.constant 0 : i32
      %dma_wait3A_243 = tpu.memref_slice %arg5[%dma_wait3A_233, %dma_wait3A_242] : memref<10000x128xf32, #tpu.memory_space<hbm>> -> memref<1x128xf32, #tpu.memory_space<hbm>>
      %dma_wait3A_244 = tpu.memref_squeeze %dma_wait3A_243 : memref<1x128xf32, #tpu.memory_space<hbm>> -> memref<128xf32, #tpu.memory_space<hbm>>
      %dma_wait3A_245 = arith.constant 384 : i32
      %dma_wait3A_246 = tpu.memref_slice %arg11[%dma_wait3A_245] : memref<1024xf32, #tpu.memory_space<vmem>> -> memref<128xf32, #tpu.memory_space<vmem>>
      tpu.wait_dma2 semaphore(%dma_wait3A_241 : memref<!tpu.dma_semaphore, #tpu.memory_space<semaphore_mem>>) src(%dma_wait3A_246 : memref<128xf32, #tpu.memory_space<vmem>>) dst(%dma_wait3A_244 : memref<128xf32, #tpu.memory_space<hbm>>)
    } else {
    }
    %gt3A_213 = arith.constant 4 : i32
    %gt3A_214 = arith.cmpi sgt, %get3A_123, %gt3A_213 : i32
    %convert_element_type3A_215 = arith.extui %gt3A_214 : i1 to i32
    %cond3A_216 = arith.constant 0 : i32
    %cond3A_217 = arith.cmpi ne, %convert_element_type3A_215, %cond3A_216 : i32
    scf.if %cond3A_217 {
      %dma_wait3A_233 = arith.constant 0 : i32
      %dma_wait3A_234 = arith.constant 4 : i32
      %dma_wait3A_235 = arith.constant 512 : i32
      %dma_wait3A_236 = tpu.memref_slice %arg11[%dma_wait3A_235] : memref<1024xf32, #tpu.memory_space<vmem>> -> memref<128xf32, #tpu.memory_space<vmem>>
      %dma_wait3A_237 = arith.constant 0 : i32
      %dma_wait3A_238 = tpu.memref_slice %arg5[%dma_wait3A_233, %dma_wait3A_237] : memref<10000x128xf32, #tpu.memory_space<hbm>> -> memref<1x128xf32, #tpu.memory_space<hbm>>
      %dma_wait3A_239 = tpu.memref_squeeze %dma_wait3A_238 : memref<1x128xf32, #tpu.memory_space<hbm>> -> memref<128xf32, #tpu.memory_space<hbm>>
      %dma_wait3A_240 = tpu.memref_slice %arg17[%dma_wait3A_234] : memref<8x!tpu.dma_semaphore, #tpu.memory_space<semaphore_mem>> -> memref<1x!tpu.dma_semaphore, #tpu.memory_space<semaphore_mem>>
      %dma_wait3A_241 = tpu.memref_squeeze %dma_wait3A_240 : memref<1x!tpu.dma_semaphore, #tpu.memory_space<semaphore_mem>> -> memref<!tpu.dma_semaphore, #tpu.memory_space<semaphore_mem>>
      %dma_wait3A_242 = arith.constant 0 : i32
      %dma_wait3A_243 = tpu.memref_slice %arg5[%dma_wait3A_233, %dma_wait3A_242] : memref<10000x128xf32, #tpu.memory_space<hbm>> -> memref<1x128xf32, #tpu.memory_space<hbm>>
      %dma_wait3A_244 = tpu.memref_squeeze %dma_wait3A_243 : memref<1x128xf32, #tpu.memory_space<hbm>> -> memref<128xf32, #tpu.memory_space<hbm>>
      %dma_wait3A_245 = arith.constant 512 : i32
      %dma_wait3A_246 = tpu.memref_slice %arg11[%dma_wait3A_245] : memref<1024xf32, #tpu.memory_space<vmem>> -> memref<128xf32, #tpu.memory_space<vmem>>
      tpu.wait_dma2 semaphore(%dma_wait3A_241 : memref<!tpu.dma_semaphore, #tpu.memory_space<semaphore_mem>>) src(%dma_wait3A_246 : memref<128xf32, #tpu.memory_space<vmem>>) dst(%dma_wait3A_244 : memref<128xf32, #tpu.memory_space<hbm>>)
    } else {
    }
    %gt3A_218 = arith.constant 5 : i32
    %gt3A_219 = arith.cmpi sgt, %get3A_123, %gt3A_218 : i32
    %convert_element_type3A_220 = arith.extui %gt3A_219 : i1 to i32
    %cond3A_221 = arith.constant 0 : i32
    %cond3A_222 = arith.cmpi ne, %convert_element_type3A_220, %cond3A_221 : i32
    scf.if %cond3A_222 {
      %dma_wait3A_233 = arith.constant 0 : i32
      %dma_wait3A_234 = arith.constant 5 : i32
      %dma_wait3A_235 = arith.constant 640 : i32
      %dma_wait3A_236 = tpu.memref_slice %arg11[%dma_wait3A_235] : memref<1024xf32, #tpu.memory_space<vmem>> -> memref<128xf32, #tpu.memory_space<vmem>>
      %dma_wait3A_237 = arith.constant 0 : i32
      %dma_wait3A_238 = tpu.memref_slice %arg5[%dma_wait3A_233, %dma_wait3A_237] : memref<10000x128xf32, #tpu.memory_space<hbm>> -> memref<1x128xf32, #tpu.memory_space<hbm>>
      %dma_wait3A_239 = tpu.memref_squeeze %dma_wait3A_238 : memref<1x128xf32, #tpu.memory_space<hbm>> -> memref<128xf32, #tpu.memory_space<hbm>>
      %dma_wait3A_240 = tpu.memref_slice %arg17[%dma_wait3A_234] : memref<8x!tpu.dma_semaphore, #tpu.memory_space<semaphore_mem>> -> memref<1x!tpu.dma_semaphore, #tpu.memory_space<semaphore_mem>>
      %dma_wait3A_241 = tpu.memref_squeeze %dma_wait3A_240 : memref<1x!tpu.dma_semaphore, #tpu.memory_space<semaphore_mem>> -> memref<!tpu.dma_semaphore, #tpu.memory_space<semaphore_mem>>
      %dma_wait3A_242 = arith.constant 0 : i32
      %dma_wait3A_243 = tpu.memref_slice %arg5[%dma_wait3A_233, %dma_wait3A_242] : memref<10000x128xf32, #tpu.memory_space<hbm>> -> memref<1x128xf32, #tpu.memory_space<hbm>>
      %dma_wait3A_244 = tpu.memref_squeeze %dma_wait3A_243 : memref<1x128xf32, #tpu.memory_space<hbm>> -> memref<128xf32, #tpu.memory_space<hbm>>
      %dma_wait3A_245 = arith.constant 640 : i32
      %dma_wait3A_246 = tpu.memref_slice %arg11[%dma_wait3A_245] : memref<1024xf32, #tpu.memory_space<vmem>> -> memref<128xf32, #tpu.memory_space<vmem>>
      tpu.wait_dma2 semaphore(%dma_wait3A_241 : memref<!tpu.dma_semaphore, #tpu.memory_space<semaphore_mem>>) src(%dma_wait3A_246 : memref<128xf32, #tpu.memory_space<vmem>>) dst(%dma_wait3A_244 : memref<128xf32, #tpu.memory_space<hbm>>)
    } else {
    }
    %gt3A_223 = arith.constant 6 : i32
    %gt3A_224 = arith.cmpi sgt, %get3A_123, %gt3A_223 : i32
    %convert_element_type3A_225 = arith.extui %gt3A_224 : i1 to i32
    %cond3A_226 = arith.constant 0 : i32
    %cond3A_227 = arith.cmpi ne, %convert_element_type3A_225, %cond3A_226 : i32
    scf.if %cond3A_227 {
      %dma_wait3A_233 = arith.constant 0 : i32
      %dma_wait3A_234 = arith.constant 6 : i32
      %dma_wait3A_235 = arith.constant 768 : i32
      %dma_wait3A_236 = tpu.memref_slice %arg11[%dma_wait3A_235] : memref<1024xf32, #tpu.memory_space<vmem>> -> memref<128xf32, #tpu.memory_space<vmem>>
      %dma_wait3A_237 = arith.constant 0 : i32
      %dma_wait3A_238 = tpu.memref_slice %arg5[%dma_wait3A_233, %dma_wait3A_237] : memref<10000x128xf32, #tpu.memory_space<hbm>> -> memref<1x128xf32, #tpu.memory_space<hbm>>
      %dma_wait3A_239 = tpu.memref_squeeze %dma_wait3A_238 : memref<1x128xf32, #tpu.memory_space<hbm>> -> memref<128xf32, #tpu.memory_space<hbm>>
      %dma_wait3A_240 = tpu.memref_slice %arg17[%dma_wait3A_234] : memref<8x!tpu.dma_semaphore, #tpu.memory_space<semaphore_mem>> -> memref<1x!tpu.dma_semaphore, #tpu.memory_space<semaphore_mem>>
      %dma_wait3A_241 = tpu.memref_squeeze %dma_wait3A_240 : memref<1x!tpu.dma_semaphore, #tpu.memory_space<semaphore_mem>> -> memref<!tpu.dma_semaphore, #tpu.memory_space<semaphore_mem>>
      %dma_wait3A_242 = arith.constant 0 : i32
      %dma_wait3A_243 = tpu.memref_slice %arg5[%dma_wait3A_233, %dma_wait3A_242] : memref<10000x128xf32, #tpu.memory_space<hbm>> -> memref<1x128xf32, #tpu.memory_space<hbm>>
      %dma_wait3A_244 = tpu.memref_squeeze %dma_wait3A_243 : memref<1x128xf32, #tpu.memory_space<hbm>> -> memref<128xf32, #tpu.memory_space<hbm>>
      %dma_wait3A_245 = arith.constant 768 : i32
      %dma_wait3A_246 = tpu.memref_slice %arg11[%dma_wait3A_245] : memref<1024xf32, #tpu.memory_space<vmem>> -> memref<128xf32, #tpu.memory_space<vmem>>
      tpu.wait_dma2 semaphore(%dma_wait3A_241 : memref<!tpu.dma_semaphore, #tpu.memory_space<semaphore_mem>>) src(%dma_wait3A_246 : memref<128xf32, #tpu.memory_space<vmem>>) dst(%dma_wait3A_244 : memref<128xf32, #tpu.memory_space<hbm>>)
    } else {
    }
    %gt3A_228 = arith.constant 7 : i32
    %gt3A_229 = arith.cmpi sgt, %get3A_123, %gt3A_228 : i32
    %convert_element_type3A_230 = arith.extui %gt3A_229 : i1 to i32
    %cond3A_231 = arith.constant 0 : i32
    %cond3A_232 = arith.cmpi ne, %convert_element_type3A_230, %cond3A_231 : i32
    scf.if %cond3A_232 {
      %dma_wait3A_233 = arith.constant 0 : i32
      %dma_wait3A_234 = arith.constant 7 : i32
      %dma_wait3A_235 = arith.constant 896 : i32
      %dma_wait3A_236 = tpu.memref_slice %arg11[%dma_wait3A_235] : memref<1024xf32, #tpu.memory_space<vmem>> -> memref<128xf32, #tpu.memory_space<vmem>>
      %dma_wait3A_237 = arith.constant 0 : i32
      %dma_wait3A_238 = tpu.memref_slice %arg5[%dma_wait3A_233, %dma_wait3A_237] : memref<10000x128xf32, #tpu.memory_space<hbm>> -> memref<1x128xf32, #tpu.memory_space<hbm>>
      %dma_wait3A_239 = tpu.memref_squeeze %dma_wait3A_238 : memref<1x128xf32, #tpu.memory_space<hbm>> -> memref<128xf32, #tpu.memory_space<hbm>>
      %dma_wait3A_240 = tpu.memref_slice %arg17[%dma_wait3A_234] : memref<8x!tpu.dma_semaphore, #tpu.memory_space<semaphore_mem>> -> memref<1x!tpu.dma_semaphore, #tpu.memory_space<semaphore_mem>>
      %dma_wait3A_241 = tpu.memref_squeeze %dma_wait3A_240 : memref<1x!tpu.dma_semaphore, #tpu.memory_space<semaphore_mem>> -> memref<!tpu.dma_semaphore, #tpu.memory_space<semaphore_mem>>
      %dma_wait3A_242 = arith.constant 0 : i32
      %dma_wait3A_243 = tpu.memref_slice %arg5[%dma_wait3A_233, %dma_wait3A_242] : memref<10000x128xf32, #tpu.memory_space<hbm>> -> memref<1x128xf32, #tpu.memory_space<hbm>>
      %dma_wait3A_244 = tpu.memref_squeeze %dma_wait3A_243 : memref<1x128xf32, #tpu.memory_space<hbm>> -> memref<128xf32, #tpu.memory_space<hbm>>
      %dma_wait3A_245 = arith.constant 896 : i32
      %dma_wait3A_246 = tpu.memref_slice %arg11[%dma_wait3A_245] : memref<1024xf32, #tpu.memory_space<vmem>> -> memref<128xf32, #tpu.memory_space<vmem>>
      tpu.wait_dma2 semaphore(%dma_wait3A_241 : memref<!tpu.dma_semaphore, #tpu.memory_space<semaphore_mem>>) src(%dma_wait3A_246 : memref<128xf32, #tpu.memory_space<vmem>>) dst(%dma_wait3A_244 : memref<128xf32, #tpu.memory_space<hbm>>)
    } else {
    }
    return
  }
}

module attributes {stable_mosaic.version = 14 : i64} {
  func.func @_tc_fixup_body(%arg0: memref<64x16xi32, #tpu.memory_space<smem>>, %arg1: memref<10000x128xf32, #tpu.memory_space<any>>, %arg2: memref<64x128xf32, #tpu.memory_space<vmem>>, %arg3: memref<64x16xi32, #tpu.memory_space<vmem>>, %arg4: memref<10000x128xf32, #tpu.memory_space<any>>, %arg5: memref<64x128xf32, #tpu.memory_space<vmem>>, %arg6: memref<64x!tpu.dma_semaphore, #tpu.memory_space<semaphore_mem>>) attributes {dimension_semantics = [], scalar_prefetch = 0 : i64, scratch_operands = 2 : i64, tpu.core_type = #tpu.core_type<tc>} {
    %get3A = arith.constant 0 : index
    %get3A_0 = arith.constant 0 : index
    %get3A_1 = vector.load %arg3[%get3A, %get3A_0] : memref<64x16xi32, #tpu.memory_space<vmem>>, vector<64x1xi32>
    %broadcast_in_dim3A = arith.constant 0xFF800000 : f32
    %broadcast_in_dim3A_2 = vector.broadcast %broadcast_in_dim3A : f32 to vector<64x128xf32>
    %scan3A = arith.constant 0 : i32
    %scan3A_3 = arith.constant 64 : i32
    %scan3A_4 = arith.addi %scan3A, %scan3A_3 : i32
    %scan3A_5 = arith.constant 1 : i32
    %scan3A_6 = scf.for %scan3A_20 = %scan3A to %scan3A_4 step %scan3A_5 iter_args(%scan3A_21 = %broadcast_in_dim3A_2) -> (vector<64x128xf32>)  : i32 {
      %get3A_22 = arith.index_cast %scan3A_20 : i32 to index
      %get3A_23 = arith.constant 0 : index
      %get3A_24 = vector.load %arg3[%get3A_22, %get3A_23] : memref<64x16xi32, #tpu.memory_space<vmem>>, vector<1x1xi32>
      %eq3A = vector.broadcast %get3A_24 : vector<1x1xi32> to vector<64x1xi32>
      %eq3A_25 = arith.cmpi eq, %get3A_1, %eq3A : vector<64x1xi32>
      %get3A_26 = arith.index_cast %scan3A_20 : i32 to index
      %get3A_27 = arith.constant 0 : index
      %get3A_28 = vector.load %arg2[%get3A_26, %get3A_27] : memref<64x128xf32, #tpu.memory_space<vmem>>, vector<1x128xf32>
      %jit3A = arith.constant 0xFF800000 : f32
      %broadcast_in_dim3A_29 = vector.shape_cast %eq3A_25 : vector<64x1xi1> to vector<64x1xi1>
      %broadcast_in_dim3A_30 = vector.broadcast %broadcast_in_dim3A_29 : vector<64x1xi1> to vector<64x128xi1>
      %broadcast_in_dim3A_31 = vector.shape_cast %get3A_28 : vector<1x128xf32> to vector<1x128xf32>
      %broadcast_in_dim3A_32 = vector.broadcast %broadcast_in_dim3A_31 : vector<1x128xf32> to vector<64x128xf32>
      %broadcast_in_dim3A_33 = vector.broadcast %jit3A : f32 to vector<64x128xf32>
      %select_n3A = arith.select %broadcast_in_dim3A_30, %broadcast_in_dim3A_32, %broadcast_in_dim3A_33 : vector<64x128xi1>, vector<64x128xf32>
      %max3A = arith.maximumf %scan3A_21, %select_n3A : vector<64x128xf32>
      scf.yield %max3A : vector<64x128xf32>
    }
    %scan3A_7 = arith.constant 64 : i32
    %swap3A = arith.constant 0 : index
    %swap3A_8 = arith.constant 0 : index
    %swap3A_9 = vector.load %arg5[%swap3A, %swap3A_8] : memref<64x128xf32, #tpu.memory_space<vmem>>, vector<64x128xf32>
    tpu.vector_store %arg5[%swap3A, %swap3A_8], %scan3A_6 {strides = array<i32>} : memref<64x128xf32, #tpu.memory_space<vmem>>, vector<64x128xf32>,
    %scan3A_10 = arith.constant 0 : i32
    %scan3A_11 = arith.constant 64 : i32
    %scan3A_12 = arith.addi %scan3A_10, %scan3A_11 : i32
    %scan3A_13 = arith.constant 1 : i32
    scf.for %scan3A_20 = %scan3A_10 to %scan3A_12 step %scan3A_13  : i32 {
      %get3A_21 = arith.index_cast %scan3A_20 : i32 to index
      %get3A_22 = arith.constant 0 : index
      %get3A_23 = memref.load %arg0[%get3A_21, %get3A_22] : memref<64x16xi32, #tpu.memory_space<smem>>
      %dma_start3A = tpu.memref_slice %arg6[%scan3A_20] : memref<64x!tpu.dma_semaphore, #tpu.memory_space<semaphore_mem>> -> memref<1x!tpu.dma_semaphore, #tpu.memory_space<semaphore_mem>>
      %dma_start3A_24 = tpu.memref_squeeze %dma_start3A : memref<1x!tpu.dma_semaphore, #tpu.memory_space<semaphore_mem>> -> memref<!tpu.dma_semaphore, #tpu.memory_space<semaphore_mem>>
      %dma_start3A_25 = arith.constant 0 : i32
      %dma_start3A_26 = tpu.memref_slice %arg4[%get3A_23, %dma_start3A_25] : memref<10000x128xf32, #tpu.memory_space<any>> -> memref<1x128xf32, #tpu.memory_space<any>>
      %dma_start3A_27 = tpu.memref_squeeze %dma_start3A_26 : memref<1x128xf32, #tpu.memory_space<any>> -> memref<128xf32, #tpu.memory_space<any>>
      %dma_start3A_28 = arith.constant 0 : i32
      %dma_start3A_29 = tpu.memref_slice %arg5[%scan3A_20, %dma_start3A_28] : memref<64x128xf32, #tpu.memory_space<vmem>> -> memref<1x128xf32, #tpu.memory_space<vmem>>
      %dma_start3A_30 = tpu.memref_squeeze %dma_start3A_29 : memref<1x128xf32, #tpu.memory_space<vmem>> -> memref<128xf32, #tpu.memory_space<vmem>>
      tpu.enqueue_dma source(%dma_start3A_30 : memref<128xf32, #tpu.memory_space<vmem>>) target(%dma_start3A_27 : memref<128xf32, #tpu.memory_space<any>>) target_semaphore(%dma_start3A_24 : memref<!tpu.dma_semaphore, #tpu.memory_space<semaphore_mem>>)
    }
    %scan3A_14 = arith.constant 64 : i32
    %scan3A_15 = arith.constant 0 : i32
    %scan3A_16 = arith.constant 64 : i32
    %scan3A_17 = arith.addi %scan3A_15, %scan3A_16 : i32
    %scan3A_18 = arith.constant 1 : i32
    scf.for %scan3A_20 = %scan3A_15 to %scan3A_17 step %scan3A_18  : i32 {
      %get3A_21 = arith.index_cast %scan3A_20 : i32 to index
      %get3A_22 = arith.constant 0 : index
      %get3A_23 = memref.load %arg0[%get3A_21, %get3A_22] : memref<64x16xi32, #tpu.memory_space<smem>>
      %dma_wait3A = tpu.memref_slice %arg6[%scan3A_20] : memref<64x!tpu.dma_semaphore, #tpu.memory_space<semaphore_mem>> -> memref<1x!tpu.dma_semaphore, #tpu.memory_space<semaphore_mem>>
      %dma_wait3A_24 = tpu.memref_squeeze %dma_wait3A : memref<1x!tpu.dma_semaphore, #tpu.memory_space<semaphore_mem>> -> memref<!tpu.dma_semaphore, #tpu.memory_space<semaphore_mem>>
      %dma_wait3A_25 = arith.constant 0 : i32
      %dma_wait3A_26 = tpu.memref_slice %arg4[%get3A_23, %dma_wait3A_25] : memref<10000x128xf32, #tpu.memory_space<any>> -> memref<1x128xf32, #tpu.memory_space<any>>
      %dma_wait3A_27 = tpu.memref_squeeze %dma_wait3A_26 : memref<1x128xf32, #tpu.memory_space<any>> -> memref<128xf32, #tpu.memory_space<any>>
      %dma_wait3A_28 = arith.constant 0 : i32
      %dma_wait3A_29 = tpu.memref_slice %arg5[%scan3A_20, %dma_wait3A_28] : memref<64x128xf32, #tpu.memory_space<vmem>> -> memref<1x128xf32, #tpu.memory_space<vmem>>
      %dma_wait3A_30 = tpu.memref_squeeze %dma_wait3A_29 : memref<1x128xf32, #tpu.memory_space<vmem>> -> memref<128xf32, #tpu.memory_space<vmem>>
      tpu.wait_dma2 semaphore(%dma_wait3A_24 : memref<!tpu.dma_semaphore, #tpu.memory_space<semaphore_mem>>) src(%dma_wait3A_30 : memref<128xf32, #tpu.memory_space<vmem>>) dst(%dma_wait3A_27 : memref<128xf32, #tpu.memory_space<any>>)
    }
    %scan3A_19 = arith.constant 64 : i32
    return
  }
}

</mosaic_0001>

<sc_bundles>
// kernel: _run.4.cloned.1.call-start
scs
__scs_entry_jumppad:
0x0: {  	(pc) =	sbr.rel $0x88, $3  }
0x1: {  	(tag) =	ssettag $0x0;
	lr =	simm.s32 $0x1  }
0x2: {  	[smem:$0x3F9E] =	sst lr;
	_ =	strace $0xD0000000  }
0x3: {  	_ = 	snop  }
0x4: {  	_ = 	snop  }
0x5: {  	_ = 	snop  }
0x6: {  	_ = 	snop  }
0x7: {  	_ = 	snop  }
__scs_overlays_trampoline_lowered:
0x8: {  	[smem:$0x3FAD] =	sst s0  }
0x9: {  	[smem:$0x3FAE] =	sst s1  }
0xa: {  	[smem:$0x3FAF] =	sst s2  }
0xb: {  	[smem:$0x3FB0] =	sst s3  }
0xc: {  	[smem:$0x3FB1] =	sst s4  }
0xd: {  	[smem:$0x3FB2] =	sst s5  }
0xe: {  	[smem:$0x3FB3] =	sst s6  }
0xf: {  	[smem:$0x3FB4] =	sst s7  }
0x10: {  	[smem:$0x3FB5] =	sst s8  }
0x11: {  	[smem:$0x3FB6] =	sst s9;
	s0 =	simm.s32 @!p0 $0x0  }
0x12: {  	s1 =	sld [smem:$0x3F9C];
	s0 =	simm.s32 @p0 $0x1  }
0x13: {  	[smem:$0x3FB7] =	sst s0;
	s0 =	simm.s32 @!p1 $0x0  }
0x14: {  	s2 =	sld [smem:$0x3F9B];
	s0 =	simm.s32 @p1 $0x1  }
0x15: {  	[smem:$0x3FB8] =	sst s0;
	s0 =	simm.s32 @!p2 $0x0  }
0x16: {  	s3 =	sld [smem:$0x3FDB];
	s0 =	simm.s32 @p2 $0x1  }
0x17: {  	s4 =	simm.s32 $0x1BF5;
	[smem:$0x3FBA] =	sst s0  }
0x18: {  	s0 =	sld [smem:$0x3F9D];
	_ =	swait.ge [sflag:s4], $0x0  }
0x19: {  	s7 =	sld [smem:$0x3F9E]  }
0x1a: {  	s8 =	sadd.s32 $0xFFFFE003, lr  }
0x1b: {  	s9 =	sadd.s32 $0xFFFFFEF7, lr;
	s5 =	simm.s32 $0xFFFFFFFF;
	p2 =	slt.u32 s8, $0xFFFFF086  }
0x1c: {  	p1 =	slt.u32 s9, $0xF7A;
	s5 =	simm.s32 @!p2 $0x0  }
0x1d: {  	s5 =	simm.s32 @p1 $0x1;
	p0 =	seq.s32 s7, s2  }
0x1e: {  	s7 =	smul.u32 @!p0 $0xF7A, s2;
	p2 =	seq.s32 @!p0 s5, $0x0  }
0x1f: {  	s9 =	smul.u32 $0xF7A, s1;
	s8 =	simm.s32 @!p0 $0x1BF5;
	p2 =	por !p2, p0  }
0x20: {  	[sflag:s8] =	ssyncset.s32 @!p0 $0xFFFFF086;
	s6 =	sadd.s32 @!p0 s3, s7;
	s7 =	simm.s32 @!p0 $0x108  }
0x21: {  	s3 =	sadd.s32 s3, s9;
	s6 =	sadd.s32 @!p0 $0x88, s6;
	s7 =	simm.s32 @p2 $0x1082  }
0x22: {  	[simem:s7], [sflag:s8] =	dma.local @!p0 [hbm:s6], $0xF7A  }
0x23: {  	s9 =	sor.u32 $0xD0000000, s2;
	s6 =	simm.s32 $0x108;
	_ =	swait.ge @!p0 [sflag:s8], $0x0  }
0x24: {  	s3 =	sadd.s32 $0x88, s3;
	s6 =	simm.s32 @!p1 $0x1082;
	[sflag:s4] =	ssyncset.s32 $0xFFFFF086  }
0x25: {  	[simem:s6], [sflag:s4] =	dma.local [hbm:s3], $0xF7A  }
0x26: {  	[smem:$0x3F9E] =	sst s1;
	(tag) =	ssettag s2;
	_ =	strace s9  }
0x27: {  	s1 =	sld [smem:$0x3FAE]  }
0x28: {  	s2 =	sld [smem:$0x3FAF]  }
0x29: {  	s4 =	sld [smem:$0x3FB1]  }
0x2a: {  	p0 =	seq.s32 s5, $0x0;
	s5 =	sld [smem:$0x3FB2]  }
0x2b: {  	s6 =	sld [smem:$0x3FB3]  }
0x2c: {  	s7 =	sld [smem:$0x3FB4]  }
0x2d: {  	s3 =	simm.s32 $0x108;
	s8 =	sld [smem:$0x3FB5]  }
0x2e: {  	s3 =	simm.s32 @!p0 $0x1082;
	s9 =	sld [smem:$0x3FB6]  }
0x2f: {  	lr =	sadd.s32 s0, s3;
	s0 =	sld [smem:$0x3FAD]  }
0x30: {  	s3 =	sld [smem:$0x3FB0]  }
0x31: {  	[smem:$0x3FB9] =	sst s10  }
0x32: {  	s10 =	sld [smem:$0x3FB7];
	_ =	sdelay $0x3  }
0x33: {  	p0 =	seq.s32 s10, $0x1;
	s10 =	sld [smem:$0x3FB9];
	_ =	sdelay $0x3  }
0x34: {  	[smem:$0x3FB9] =	sst s10  }
0x35: {  	s10 =	sld [smem:$0x3FB8];
	_ =	sdelay $0x3  }
0x36: {  	p1 =	seq.s32 s10, $0x1;
	s10 =	sld [smem:$0x3FB9];
	_ =	sdelay $0x3  }
0x37: {  	[smem:$0x3FB9] =	sst s10  }
0x38: {  	s10 =	sld [smem:$0x3FBA]  }
0x39: {  	_ = 	snop;
	(pc) =	sbr.ind lr, $3  }
0x3a: {  	_ = 	snop  }
0x3b: {  	_ = 	snop  }
0x3c: {  	p2 =	seq.s32 s10, $0x1;
	s10 =	sld [smem:$0x3FB9]  }
0x3d: {  	_ =	shalt  }
0x3e: {  	_ =	shalt  }
0x3f: {  	_ =	shalt  }
0x40: {  	_ =	shalt  }
0x41: {  	_ =	shalt  }
0x42: {  	_ =	shalt  }
0x43: {  	_ =	shalt  }
0x44: {  	_ =	shalt  }
0x45: {  	_ =	shalt  }
0x46: {  	_ =	shalt  }
0x47: {  	_ =	shalt  }
0x48: {  	_ =	shalt  }
0x49: {  	_ =	shalt  }
0x4a: {  	_ =	shalt  }
0x4b: {  	_ =	shalt  }
0x4c: {  	_ =	shalt  }
0x4d: {  	_ =	shalt  }
0x4e: {  	_ =	shalt  }
0x4f: {  	_ =	shalt  }
0x50: {  	_ =	shalt  }
0x51: {  	_ =	shalt  }
0x52: {  	_ =	shalt  }
0x53: {  	_ =	shalt  }
0x54: {  	_ =	shalt  }
0x55: {  	_ =	shalt  }
0x56: {  	_ =	shalt  }
0x57: {  	_ =	shalt  }
0x58: {  	_ =	shalt  }
0x59: {  	_ =	shalt  }
0x5a: {  	_ =	shalt  }
0x5b: {  	_ =	shalt  }
0x5c: {  	_ =	shalt  }
0x5d: {  	_ =	shalt  }
0x5e: {  	_ =	shalt  }
0x5f: {  	_ =	shalt  }
0x60: {  	_ =	shalt  }
0x61: {  	_ =	shalt  }
0x62: {  	_ =	shalt  }
0x63: {  	_ =	shalt  }
0x64: {  	_ =	shalt  }
0x65: {  	_ =	shalt  }
0x66: {  	_ =	shalt  }
0x67: {  	_ =	shalt  }
0x68: {  	_ =	shalt  }
0x69: {  	_ =	shalt  }
0x6a: {  	_ =	shalt  }
0x6b: {  	_ =	shalt  }
0x6c: {  	_ =	shalt  }
0x6d: {  	_ =	shalt  }
0x6e: {  	_ =	shalt  }
0x6f: {  	_ =	shalt  }
0x70: {  	_ =	shalt  }
0x71: {  	_ =	shalt  }
0x72: {  	_ =	shalt  }
0x73: {  	_ =	shalt  }
0x74: {  	_ =	shalt  }
0x75: {  	_ =	shalt  }
0x76: {  	_ =	shalt  }
0x77: {  	_ =	shalt  }
0x78: {  	_ =	shalt  }
0x79: {  	_ =	shalt  }
0x7a: {  	_ =	shalt  }
0x7b: {  	_ =	shalt  }
0x7c: {  	_ =	shalt  }
0x7d: {  	_ =	shalt  }
0x7e: {  	_ =	shalt  }
0x7f: {  	_ =	shalt  }
0x80: {  	_ =	shalt  }
0x81: {  	_ =	shalt  }
0x82: {  	_ =	shalt  }
0x83: {  	_ =	shalt  }
0x84: {  	_ =	shalt  }
0x85: {  	_ =	shalt  }
0x86: {  	_ =	shalt  }
0x87: {  	_ =	shalt  }
.Lfunc_end0:
.L_simem_size_0:
called_computation_lowered:
.L_overlay_start_0:
0x88: {  	s2 =	sld [smem:$0x3FD9]  }
0x89: {  	s3 =	sld [smem:$0x3FFE];
	_ =	sdelay $0x1  }
0x8a: {  	s1 =	srdreg.scid  }
0x8b: {  	s0 =	sand.u32 $0x1, s1  }
0x8c: {  	s17 =	sshll.u32 s0, $0xA;
	s2 =	sadd.s32 s3, s2  }
0x8d: {  	s2 =	sadd.s32 s2, s17  }
0x8e: {  	[smem:$0x3FC5] =	sst s2  }
0x8f: {  	_ = 	snop  }
0x90: {  	s2 =	sld [smem:$0x3FC9]  }
0x91: {  	s18 =	sld [smem:$0x3FC8]  }
0x92: {  	s4 =	sld [smem:$0x3FC7]  }
0x93: {  	s5 =	sld [smem:$0x3FD0];
	(tm) =	ssettm $0x1  }
0x94: {  	s6 =	sld [smem:$0x3FFB];
	_ =	sdelay $0x3  }
0x95: {  	_ =	strace s6  }
0x96: {  	s6 =	sld [smem:$0x3FFC];
	_ =	sdelay $0x3  }
0x97: {  	_ =	strace s6  }
0x98: {  	s6 =	sld [smem:$0x3FFD];
	_ =	sdelay $0x3  }
0x99: {  	_ =	strace s6  }
0x9a: {  	_ =	strace $0x8FFFFFFF  }
0x9b: {  	s19 =	sld [smem:$0x3FDB];
	_ =	sdelay $0x1  }
0x9c: {  	s7 =	simm.s32 $_scs_section_size  }
0x9d: {  	s8 =	simm.s32 $_size__tile_overlayer_lowered;
	s9 =	simm.s32 $_tile_overlayer_lowered  }
0x9e: {  	s22 =	simm.s32 $0x1BFF;
	s21 =	sshll.u32 s9, $0x1;
	s6 =	sadd.s32 s7, s19  }
0x9f: {  	s10 =	simm.s32 $0x0;
	s20 =	sshll.u32 s8, $0x1;
	s8 =	sadd.s32 s21, s6  }
0xa0: {  	[timem:s10], [sflag:s22] =	dma.local [hbm:s8], s20  }
0xa1: {  	_ =	swait.ge [sflag:s22], s20  }
0xa2: {  	s7 =	ssub.s32 $0x0, s20;
	[sflag:s22] =	ssyncset.done $0x0  }
0xa3: {  	[sflag:s22] =	ssyncadd.s32 s7;
	_ =	sdelay $0x1  }
0xa4: {  	s23 =	simm.s32 $0x1B8B  }
0xa5: {  	_ =	swait.ge [sflag:s23], $0x1  }
0xa6: {  	[sflag:s23] =	ssyncset.done $0x0  }
0xa7: {  	s25 =	simm.s32 $0x1B8E;
	s24 =	sld [smem:$0x3FFE];
	[sflag:s23] =	ssyncadd.s32 $0xFFFFFFFF  }
0xa8: {  	s26 =	simm.s32 $execute0_lowered;
	[smem:$0x3FD2] =	sst s25  }
0xa9: {  	s8 =	sshll.u32 s26, $0x1;
	_ =	strace $0x80000046;
	[dreg:$0x1] =	wrdreg $0xFFFFFFFF  }
0xaa: {  	s28 =	simm.s32 $_size_execute0_lowered;
	s6 =	sadd.s32 s6, s8;
	[dreg:$0x0] =	wrdreg $0x0  }
0xab: {  	s8 =	sshll.u32 s28, $0x1;
	[dreg:$0x2] =	wrdreg s6  }
0xac: {  	[dreg:$0x3] =	wrdreg s8  }
0xad: {  	[dreg:$0x4] =	wrdreg $0xC0  }
0xae: {  	_ =	task [dreg:s10], $0x5FFFF  }
0xaf: {  	[dreg:$0x1] =	wrdreg $0xFFFFFFFF  }
0xb0: {  	[dreg:$0x0] =	wrdreg $0x60  }
0xb1: {  	[dreg:$0x2] =	wrdreg s2  }
0xb2: {  	[dreg:$0x3] =	wrdreg s18  }
0xb3: {  	[dreg:$0x4] =	wrdreg s4  }
0xb4: {  	[dreg:$0x5] =	wrdreg s5  }
0xb5: {  	[dreg:$0x6] =	wrdreg s24  }
0xb6: {  	[dreg:$0x7] =	wrdreg $0x9  }
0xb7: {  	_ =	task.clear_ibuf [dreg:s10], $0x8FFFF;
	_ =	strace $0x90000046  }
0xb8: {  	s29 =	simm.s32 $0x9;
	_ =	strace $0x80000048  }
0xb9: {  	_ =	swait.ge [sflag:s29], $0x1  }
0xba: {  	[sflag:s29] =	ssyncadd.s32 $0xFFFFFFFF  }
0xbb: {  	_ =	strace $0x90000048  }
0xbc: {  	_ =	sfence  }
0xbd: {  	s30 =	sld [smem:$0x0];
	_ =	sdelay $0x2  }
0xbe: {  	s31 =	sshll.u32 s1, $0xD;
	s1 =	sshrl.u32 s1, $0x2  }
0xbf: {  	s3 =	sand.u32 $0x4000, s31;
	s1 =	sadd.s32 s1, s30  }
0xc0: {  	s0 =	sor.u32 s3, s0;
	s1 =	sshll.u32 s1, $0x11  }
0xc1: {  	s0 =	sor.u32 s1, s0  }
0xc2: {  	s0 =	sadd.s32 $0x8F2B, s0  }
0xc3: {  	[sflag:s0] =	ssyncadd.remote.s32 $0x1  }
0xc4: {  	_ =	sfence.sel $0xFFFF  }
0xc5: {  	[dreg:$0x0] =	wrdreg $0xFFFFFFFF;
	(pc) =	sbr.abs _section_cstart, $3  }
0xc6: {  	[dreg:$0x1] =	wrdreg $0xFFFFFFFF  }
0xc7: {  	_ =	task.clear_ibuf [dreg:s10], $0x2FFFF;
	_ =	strace $0x9FFFFFFF  }
0xc8: {  	(tm) =	ssettm $0x7FFFFFFF  }
0xc9: {  	_ =	shalt  }
tec
execute0_lowered:
.L_overlay_start_1:
0x0: {  	(tag) =	ssettag $0x1  }
0x1: {  	s1 =	rddreg [dreg:$0x0]  }
0x2: {  	s0 =	rddreg [dreg:$0x1]  }
0x3: {  	s3 =	rddreg [dreg:$0x2]  }
0x4: {  	s2 =	rddreg [dreg:$0x3]  }
0x5: {  	s4 =	rddreg [dreg:$0x4];
	s5 =	srdreg.scid  }
0x6: {  	s11 =	simm.s32 $0x0;
	s9 =	stileid.u32;
	s5 =	sand.u32 $0x1, s5  }
0x7: {  	[smem:$0x7FF] =	sst s11;
	s6 =	sadd.s32 $0x1000, s4;
	s7 =	sshll.u32 s5, $0x4  }
0x8: {  	_ =	strace $0x80000047;
	s5 =	ssub.s32 $0x2, s5;
	s7 =	sor.u32 s9, s7  }
0x9: {  	s9 =	sshll.u32 s9, $0x5;
	s10 =	sshrl.u32 s5, $0x1;
	s8 =	smul.u32 $0x4E2, s7  }
0xa: {  	s7 =	sshll.u32 s7, $0x5;
	s9 =	sand.u32 $0x60, s9;
	s5 =	ssub.s32 s5, s10  }
0xb: {  	s7 =	sand.u32 $0x380, s7;
	s31 =	smax.u32 s5, $0x1;
	s3 =	sadd.s32 s3, s8  }
.Ltmp0:
0xc: {  	s26 =	sor.u32 s9, s7;
	[dreg:$0xa] =	wrdreg s31;
	(pc) =	sbr.rel .LBB2_1-.Ltmp0, $4  }
0xd: {  	s0 =	sadd.s32 s0, s8;
	[dreg:$0x6] =	wrdreg s3;
	s28 =	sor.u32 $0x10, s26  }
0xe: {  	s4 =	sadd.s32 $0xC00, s4;
	[dreg:$0x7] =	wrdreg s0;
	s30 =	sadd.s32 s6, s28  }
0xf: {  	s29 =	simm.s32 $0x0;
	s0 =	sadd.s32 s4, s28;
	[dreg:$0x8] =	wrdreg s30  }
0x10: {  	s7 =	sadd.s32 s6, s26;
	s8 =	sadd.s32 s4, s26;
	[dreg:$0x9] =	wrdreg s0  }
.LBB2_14:
0x11: {  	s29 =	sadd.s32 $0x1, s29;
	s0 =	rddreg [dreg:$0xa]  }
0x12: {  	p0 =	sne.s32 s29, s0  }
.Ltmp1:
0x13: {  	_ = 	snop;
	(pc) =	sbr.rel @!p0 .LBB2_15-.Ltmp1, $1  }
0x14: {  	_ =	sdelay $0x3  }
.LBB2_1:
0x15: {  	s0 =	rddreg [dreg:$0x6]  }
0x16: {  	[tilespmem:s11], [sflag:$0xB] =	stream.linear.gather [hbm4b:s0+s11], $0x2710, $0x38;
	[tilespmem:$0x1E480] =	vst v63  }
0x17: {  	s18 =	rddreg [dreg:$0x7];
	s3 =	simm.s32 $0x2780;
	s19 =	simm.s32 $0xB  }
0x18: {  	[tilespmem:s3], [sflag:$0xB] =	stream.linear.gather [hbm4b:s18+s11], $0x2710, $0x38;
	[tilespmem:$0x1E480] =	vst v63  }
0x19: {  	_ =	swait.ge [sflag:s19], $0x2710  }
0x1a: {  	[sflag:s19] =	ssyncset.done $0x0  }
0x1b: {  	[sflag:s19] =	ssyncadd.s32 $0xFFFFD8F0  }
0x1c: {  	_ =	swait.ge [sflag:s19], $0x2710  }
0x1d: {  	[sflag:s19] =	ssyncset.done $0x0  }
0x1e: {  	[sflag:s19] =	ssyncadd.s32 $0xFFFFD8F0  }
0x1f: {  	v0 =	vld [tilespmem:$0x0];
	_ =	sdelay $0x4  }
0x20: {  	s20 =	simm.s32 $0x50;
	s4 =	simm.s32 $0x4F00;
	(v2sf) =	vpush v0, $0x0  }
0x21: {  	[tilespmem:s4], [sflag:$0x1] =	stream.indirect.gather [hbm4b:s1+s20], $0x80, s3, s20, $0xb8;
	[tilespmem:$0x1E480] =	vst v63  }
0x22: {  	s21 =	simm.s32 $0x27D0;
	s22 =	simm.s32 $0x7700  }
0x23: {  	[tilespmem:s22], [sflag:$0x1] =	stream.indirect.gather [hbm4b:s1+s20], $0x80, s21, s20, $0xb8;
	[tilespmem:$0x1E480] =	vst v63  }
0x24: {  	s23 =	simm.s32 $0x2820;
	s24 =	simm.s32 $0x9F00  }
0x25: {  	[tilespmem:s24], [sflag:$0x1] =	stream.indirect.gather [hbm4b:s1+s20], $0x80, s23, s20, $0xb8;
	[tilespmem:$0x1E480] =	vst v63  }
0x26: {  	s25 =	simm.s32 $0x2870;
	s26 =	simm.s32 $0xC700  }
0x27: {  	[tilespmem:s26], [sflag:$0x1] =	stream.indirect.gather [hbm4b:s1+s20], $0x80, s25, s20, $0xb8;
	[tilespmem:$0x1E480] =	vst v63  }
0x28: {  	s28 =	simm.s32 $0x28C0;
	s31 =	simm.s32 $0xEF00  }
0x29: {  	v1 =	vimm.f32 $-Inf;
	[tilespmem:s31], [sflag:$0x1] =	stream.indirect.gather [hbm4b:s1+s20], $0x80, s28, s20, $0xb8;
	[tilespmem:$0x1E480] =	vst v63  }
0x2a: {  	[tilespmem:$0x1E400] =	vst v1  }
0x2b: {  	[tilespmem:$0x1E410] =	vst v1  }
0x2c: {  	[tilespmem:$0x1E420] =	vst v1  }
.Ltmp2:
0x2d: {  	[tilespmem:$0x1E430] =	vst v1;
	(pc) =	sbr.rel .LBB2_3-.Ltmp2, $4  }
0x2e: {  	[tilespmem:$0x1E440] =	vst v1  }
0x2f: {  	[tilespmem:$0x1E450] =	vst v1;
	s30 =	spop (v2sf)  }
0x30: {  	p1 =	por $0x0, $0x0;
	s19 =	simm.s32 $0x0;
	[tilespmem:$0x1E460] =	vst v1;
	[smem:$0x0] =	sst s30  }
0x31: {  	s4 =	simm.s32 $0x0;
	[tilespmem:$0x1E470] =	vst v1;
	v1 =	vbroadcast v0, $0x0;
	s0 =	smov.u32 s30;
	[smem:$0x1] =	sst s11  }
.LBB2_2:
0x32: {  	p0 =	seq.s32 s4, $0x19  }
.Ltmp3:
0x33: {  	s3 =	sld [smem:$0x7FD];
	(pc) =	sbr.rel @p0 .LBB2_12-.Ltmp3, $3  }
0x34: {  	_ =	sdelay $0x1  }
0x35: {  	p1 =	seq.s32 s3, $0x1  }
0x36: {  	s19 =	sadd.s32 $0x190, s19;
	p1 =	por !p1, !p1  }
.LBB2_3:
0x37: {  	s5 =	sand.u32 $0x1, s4  }
0x38: {  	s6 =	sadd.s32 $0x1, s5  }
0x39: {  	_ =	swait.ge [sflag:s6], $0x2800  }
0x3a: {  	[sflag:s6] =	ssyncset.done $0x0  }
0x3b: {  	[sflag:s6] =	ssyncadd.s32 $0xFFFFD800  }
0x3c: {  	_ =	swait.ge [sflag:s6], $0x2800  }
0x3d: {  	[sflag:s6] =	ssyncset.done $0x0  }
0x3e: {  	[sflag:s6] =	ssyncadd.s32 $0xFFFFD800  }
0x3f: {  	_ =	swait.ge [sflag:s6], $0x2800  }
0x40: {  	[sflag:s6] =	ssyncset.done $0x0  }
0x41: {  	s3 =	smov.u32 s4;
	[sflag:s6] =	ssyncadd.s32 $0xFFFFD800  }
0x42: {  	p0 =	seq.s32 s4, $0x18;
	s4 =	sadd.s32 $0x1, s4;
	_ =	swait.ge [sflag:s6], $0x2800  }
0x43: {  	s9 =	sxor.u32 @!p0 $0x1, s5;
	s11 =	smul.u32 @!p0 $0x640, s4;
	[sflag:s6] =	ssyncset.done $0x0  }
0x44: {  	s10 =	smul.u32 @!p0 $0x32000, s9;
	[sflag:s6] =	ssyncadd.s32 $0xFFFFD800  }
0x45: {  	s13 =	simm.s32 @!p0 $0x50;
	s9 =	sadd.s32 @!p0 $0x1, s9;
	_ =	swait.ge [sflag:s6], $0x2800  }
0x46: {  	s11 =	sshra.s32 @!p0 s11, $0x2;
	s10 =	sshrl.u32 @!p0 s10, $0x2;
	[sflag:s6] =	ssyncset.done $0x0  }
0x47: {  	s12 =	sadd.s32 @!p0 $0x2780, s11;
	[sflag:s6] =	ssyncadd.s32 $0xFFFFD800;
	s6 =	sadd.s32 @!p0 $0x4F00, s10  }
0x48: {  	[tilespmem:s6], [sflag:s9] =	stream.indirect.gather @!p0 [hbm4b:s1+s13], $0x80, s12, s13, $0xb8;
	[tilespmem:$0x1E480] =	vst v63  }
0x49: {  	s15 =	smul.u32 $0x190, s3;
	s6 =	sadd.s32 @!p0 $0x7700, s10;
	s12 =	sadd.s32 @!p0 $0x27D0, s11  }
0x4a: {  	[tilespmem:s6], [sflag:s9] =	stream.indirect.gather @!p0 [hbm4b:s1+s13], $0x80, s12, s13, $0xb8;
	[tilespmem:$0x1E480] =	vst v63  }
0x4b: {  	s18 =	simm.s32 $0x0;
	s17 =	smul.u32 $0x190, s5;
	s6 =	simm.s32 $0x1  }
0x4c: {  	s14 =	sadd.s32 @!p0 $0x2820, s11;
	s12 =	sadd.s32 @!p0 $0x9F00, s10;
	s6 =	simm.s32 @!p1 $0x0  }
0x4d: {  	[tilespmem:s12], [sflag:s9] =	stream.indirect.gather @!p0 [hbm4b:s1+s13], $0x80, s14, s13, $0xb8;
	[tilespmem:$0x1E480] =	vst v63  }
0x4e: {  	s31 =	smov.u32 s19;
	s12 =	simm.s32 @!p1 $0x0;
	s6 =	smul.u32 $0x32000, s6  }
.Ltmp4:
0x4f: {  	s14 =	sadd.s32 @!p0 $0x2870, s11;
	s12 =	simm.s32 @p1 $0x1;
	(pc) =	sbr.rel .LBB2_4-.Ltmp4, $4  }
0x50: {  	[smem:$0x7FD] =	sst s12;
	s12 =	sadd.s32 @!p0 $0xC700, s10;
	s28 =	sshrl.u32 s6, $0x2  }
0x51: {  	v18 =	vmov s15;
	[tilespmem:s12], [sflag:s9] =	stream.indirect.gather @!p0 [hbm4b:s1+s13], $0x80, s14, s13, $0xb8;
	[tilespmem:$0x1E480] =	vst v63  }
0x52: {  	[tilespmem:$0x1FFF0] =	vst v18;
	s11 =	sadd.s32 @!p0 $0x28C0, s11;
	s10 =	sadd.s32 @!p0 $0xEF00, s10;
	s26 =	sadd.s32 $0x4F40, s28  }
0x53: {  	[tilespmem:s10], [sflag:s9] =	stream.indirect.gather @!p0 [hbm4b:s1+s13], $0x80, s11, s13, $0xb8;
	[tilespmem:$0x1E480] =	vst v63  }
.LBB2_7:
0x54: {  	s3 =	sadd.s32 s17, s16  }
0x55: {  	s3 =	sshll.u32 s3, $0x7  }
0x56: {  	s20 =	sand.u32 $0x3FFFFF80, s3  }
0x57: {  	v0 =	vld [tilespmem:s20+$0x4F00]  }
0x58: {  	v2 =	vld [tilespmem:s20+$0x4F80]  }
0x59: {  	v3 =	vld [tilespmem:s20+$0x5000]  }
0x5a: {  	v4 =	vld [tilespmem:s20+$0x5080]  }
0x5b: {  	v5 =	vld [tilespmem:s20+$0x5100]  }
0x5c: {  	v6 =	vld [tilespmem:s20+$0x5180]  }
0x5d: {  	v7 =	vld [tilespmem:s20+$0x5200]  }
0x5e: {  	v8 =	vld [tilespmem:s20+$0x5280]  }
0x5f: {  	v9 =	vld [tilespmem:s20+$0x5300]  }
0x60: {  	v10 =	vld [tilespmem:s20+$0x5380]  }
0x61: {  	v11 =	vld [tilespmem:s20+$0x5400]  }
0x62: {  	v12 =	vld [tilespmem:s20+$0x5480]  }
0x63: {  	v13 =	vld [tilespmem:s20+$0x5500]  }
0x64: {  	v14 =	vld [tilespmem:s20+$0x5580]  }
0x65: {  	v15 =	vld [tilespmem:s20+$0x5600]  }
0x66: {  	v16 =	vld [tilespmem:s20+$0x5680];
	_ =	sdelay $0x2  }
0x67: {  	v0 =	vmax.f32 v0, v2;
	v2 =	vmax.f32 v3, v4;
	v3 =	vmax.f32 v5, v6  }
0x68: {  	v56 =	vld [tilespmem:$0x1E400];
	v53 =	vmax.f32 v7, v8;
	v54 =	vmax.f32 v9, v10;
	v55 =	vmax.f32 v11, v12  }
0x69: {  	v57 =	vmax.f32 v13, v14;
	v58 =	vmax.f32 v15, v16;
	v0 =	vmax.f32 v0, v2  }
0x6a: {  	v2 =	vmax.f32 v3, v53;
	v3 =	vmax.f32 v54, v55;
	v59 =	vmax.f32 v57, v58  }
0x6b: {  	v0 =	vmax.f32 v0, v2;
	v2 =	vmax.f32 v3, v59  }
0x6c: {  	v0 =	vmax.f32 v0, v2  }
0x6d: {  	v0 =	vmax.f32 v56, v0  }
0x6e: {  	[tilespmem:$0x1E400] =	vst v0  }
0x6f: {  	v0 =	vld [tilespmem:s20+$0x4F10]  }
0x70: {  	v2 =	vld [tilespmem:s20+$0x4F90]  }
0x71: {  	v3 =	vld [tilespmem:s20+$0x5010]  }
0x72: {  	v60 =	vld [tilespmem:s20+$0x5090]  }
0x73: {  	v61 =	vld [tilespmem:s20+$0x5110]  }
0x74: {  	v62 =	vld [tilespmem:s20+$0x5190]  }
0x75: {  	v63 =	vld [tilespmem:s20+$0x5210]  }
0x76: {  	v21 =	vld [tilespmem:s20+$0x5290]  }
0x77: {  	v22 =	vld [tilespmem:s20+$0x5310]  }
0x78: {  	v23 =	vld [tilespmem:s20+$0x5390]  }
0x79: {  	v24 =	vld [tilespmem:s20+$0x5410]  }
0x7a: {  	v25 =	vld [tilespmem:s20+$0x5490]  }
0x7b: {  	v26 =	vld [tilespmem:s20+$0x5510]  }
0x7c: {  	v27 =	vld [tilespmem:s20+$0x5590]  }
0x7d: {  	v28 =	vld [tilespmem:s20+$0x5610]  }
0x7e: {  	v16 =	vld [tilespmem:s20+$0x5690];
	_ =	sdelay $0x2  }
0x7f: {  	v0 =	vmax.f32 v0, v2;
	v2 =	vmax.f32 v3, v60;
	v3 =	vmax.f32 v61, v62  }
0x80: {  	v32 =	vld [tilespmem:$0x1E410];
	v29 =	vmax.f32 v63, v21;
	v30 =	vmax.f32 v22, v23;
	v31 =	vmax.f32 v24, v25  }
0x81: {  	v33 =	vmax.f32 v26, v27;
	v34 =	vmax.f32 v28, v16;
	v0 =	vmax.f32 v0, v2  }
0x82: {  	v2 =	vmax.f32 v3, v29;
	v3 =	vmax.f32 v30, v31;
	v35 =	vmax.f32 v33, v34  }
0x83: {  	v0 =	vmax.f32 v0, v2;
	v2 =	vmax.f32 v3, v35  }
0x84: {  	v0 =	vmax.f32 v0, v2  }
0x85: {  	v0 =	vmax.f32 v32, v0  }
0x86: {  	[tilespmem:$0x1E410] =	vst v0  }
0x87: {  	v0 =	vld [tilespmem:s20+$0x4F20]  }
0x88: {  	v2 =	vld [tilespmem:s20+$0x4FA0]  }
0x89: {  	v3 =	vld [tilespmem:s20+$0x5020]  }
0x8a: {  	v36 =	vld [tilespmem:s20+$0x50A0]  }
0x8b: {  	v37 =	vld [tilespmem:s20+$0x5120]  }
0x8c: {  	v38 =	vld [tilespmem:s20+$0x51A0]  }
0x8d: {  	v39 =	vld [tilespmem:s20+$0x5220]  }
0x8e: {  	v40 =	vld [tilespmem:s20+$0x52A0]  }
0x8f: {  	v41 =	vld [tilespmem:s20+$0x5320]  }
0x90: {  	v42 =	vld [tilespmem:s20+$0x53A0]  }
0x91: {  	v43 =	vld [tilespmem:s20+$0x5420]  }
0x92: {  	v44 =	vld [tilespmem:s20+$0x54A0]  }
0x93: {  	v45 =	vld [tilespmem:s20+$0x5520]  }
0x94: {  	v46 =	vld [tilespmem:s20+$0x55A0]  }
0x95: {  	v47 =	vld [tilespmem:s20+$0x5620]  }
0x96: {  	v16 =	vld [tilespmem:s20+$0x56A0];
	_ =	sdelay $0x2  }
0x97: {  	v0 =	vmax.f32 v0, v2;
	v2 =	vmax.f32 v3, v36;
	v3 =	vmax.f32 v37, v38  }
0x98: {  	v51 =	vld [tilespmem:$0x1E420];
	v48 =	vmax.f32 v39, v40;
	v49 =	vmax.f32 v41, v42;
	v50 =	vmax.f32 v43, v44  }
0x99: {  	v52 =	vmax.f32 v45, v46;
	v53 =	vmax.f32 v47, v16;
	v0 =	vmax.f32 v0, v2  }
0x9a: {  	v2 =	vmax.f32 v3, v48;
	v3 =	vmax.f32 v49, v50;
	v54 =	vmax.f32 v52, v53  }
0x9b: {  	v0 =	vmax.f32 v0, v2;
	v2 =	vmax.f32 v3, v54  }
0x9c: {  	v0 =	vmax.f32 v0, v2  }
0x9d: {  	v0 =	vmax.f32 v51, v0  }
0x9e: {  	[tilespmem:$0x1E420] =	vst v0  }
0x9f: {  	v0 =	vld [tilespmem:s20+$0x4F30]  }
0xa0: {  	v2 =	vld [tilespmem:s20+$0x4FB0]  }
0xa1: {  	v3 =	vld [tilespmem:s20+$0x5030]  }
0xa2: {  	v55 =	vld [tilespmem:s20+$0x50B0]  }
0xa3: {  	v56 =	vld [tilespmem:s20+$0x5130]  }
0xa4: {  	v57 =	vld [tilespmem:s20+$0x51B0]  }
0xa5: {  	v58 =	vld [tilespmem:s20+$0x5230]  }
0xa6: {  	v59 =	vld [tilespmem:s20+$0x52B0]  }
0xa7: {  	v60 =	vld [tilespmem:s20+$0x5330]  }
0xa8: {  	v61 =	vld [tilespmem:s20+$0x53B0]  }
0xa9: {  	v62 =	vld [tilespmem:s20+$0x5430]  }
0xaa: {  	v63 =	vld [tilespmem:s20+$0x54B0]  }
0xab: {  	v21 =	vld [tilespmem:s20+$0x5530]  }
0xac: {  	v22 =	vld [tilespmem:s20+$0x55B0]  }
0xad: {  	v23 =	vld [tilespmem:s20+$0x5630]  }
0xae: {  	v16 =	vld [tilespmem:s20+$0x56B0];
	_ =	sdelay $0x2  }
0xaf: {  	v0 =	vmax.f32 v0, v2;
	v2 =	vmax.f32 v3, v55;
	v3 =	vmax.f32 v56, v57  }
0xb0: {  	v27 =	vld [tilespmem:$0x1E430];
	v24 =	vmax.f32 v58, v59;
	v25 =	vmax.f32 v60, v61;
	v26 =	vmax.f32 v62, v63  }
0xb1: {  	v28 =	vmax.f32 v21, v22;
	v29 =	vmax.f32 v23, v16;
	v0 =	vmax.f32 v0, v2  }
0xb2: {  	v2 =	vmax.f32 v3, v24;
	v3 =	vmax.f32 v25, v26;
	v30 =	vmax.f32 v28, v29  }
0xb3: {  	v0 =	vmax.f32 v0, v2;
	v2 =	vmax.f32 v3, v30  }
0xb4: {  	v0 =	vmax.f32 v0, v2  }
0xb5: {  	v0 =	vmax.f32 v27, v0  }
0xb6: {  	[tilespmem:$0x1E430] =	vst v0  }
0xb7: {  	v0 =	vld [tilespmem:s20+$0x4F40]  }
0xb8: {  	v2 =	vld [tilespmem:s20+$0x4FC0]  }
0xb9: {  	v3 =	vld [tilespmem:s20+$0x5040]  }
0xba: {  	v31 =	vld [tilespmem:s20+$0x50C0]  }
0xbb: {  	v32 =	vld [tilespmem:s20+$0x5140]  }
0xbc: {  	v33 =	vld [tilespmem:s20+$0x51C0]  }
0xbd: {  	v34 =	vld [tilespmem:s20+$0x5240]  }
0xbe: {  	v35 =	vld [tilespmem:s20+$0x52C0]  }
0xbf: {  	v36 =	vld [tilespmem:s20+$0x5340]  }
0xc0: {  	v37 =	vld [tilespmem:s20+$0x53C0]  }
0xc1: {  	v38 =	vld [tilespmem:s20+$0x5440]  }
0xc2: {  	v39 =	vld [tilespmem:s20+$0x54C0]  }
0xc3: {  	v40 =	vld [tilespmem:s20+$0x5540]  }
0xc4: {  	v41 =	vld [tilespmem:s20+$0x55C0]  }
0xc5: {  	v42 =	vld [tilespmem:s20+$0x5640]  }
0xc6: {  	v16 =	vld [tilespmem:s20+$0x56C0];
	_ =	sdelay $0x2  }
0xc7: {  	v0 =	vmax.f32 v0, v2;
	v2 =	vmax.f32 v3, v31;
	v3 =	vmax.f32 v32, v33  }
0xc8: {  	v46 =	vld [tilespmem:$0x1E440];
	v43 =	vmax.f32 v34, v35;
	v44 =	vmax.f32 v36, v37;
	v45 =	vmax.f32 v38, v39  }
0xc9: {  	v47 =	vmax.f32 v40, v41;
	v48 =	vmax.f32 v42, v16;
	v0 =	vmax.f32 v0, v2  }
0xca: {  	v2 =	vmax.f32 v3, v43;
	v3 =	vmax.f32 v44, v45;
	v49 =	vmax.f32 v47, v48  }
0xcb: {  	v0 =	vmax.f32 v0, v2;
	v2 =	vmax.f32 v3, v49  }
0xcc: {  	v0 =	vmax.f32 v0, v2  }
0xcd: {  	v0 =	vmax.f32 v46, v0  }
0xce: {  	[tilespmem:$0x1E440] =	vst v0  }
0xcf: {  	v0 =	vld [tilespmem:s20+$0x4F50]  }
0xd0: {  	v2 =	vld [tilespmem:s20+$0x4FD0]  }
0xd1: {  	v3 =	vld [tilespmem:s20+$0x5050]  }
0xd2: {  	v50 =	vld [tilespmem:s20+$0x50D0]  }
0xd3: {  	v51 =	vld [tilespmem:s20+$0x5150]  }
0xd4: {  	v52 =	vld [tilespmem:s20+$0x51D0]  }
0xd5: {  	v53 =	vld [tilespmem:s20+$0x5250]  }
0xd6: {  	v54 =	vld [tilespmem:s20+$0x52D0]  }
0xd7: {  	v55 =	vld [tilespmem:s20+$0x5350]  }
0xd8: {  	v56 =	vld [tilespmem:s20+$0x53D0]  }
0xd9: {  	v57 =	vld [tilespmem:s20+$0x5450]  }
0xda: {  	v58 =	vld [tilespmem:s20+$0x54D0]  }
0xdb: {  	v59 =	vld [tilespmem:s20+$0x5550]  }
0xdc: {  	v60 =	vld [tilespmem:s20+$0x55D0]  }
0xdd: {  	v61 =	vld [tilespmem:s20+$0x5650]  }
0xde: {  	v16 =	vld [tilespmem:s20+$0x56D0];
	_ =	sdelay $0x2  }
0xdf: {  	v0 =	vmax.f32 v0, v2;
	v2 =	vmax.f32 v3, v50;
	v3 =	vmax.f32 v51, v52  }
0xe0: {  	v22 =	vld [tilespmem:$0x1E450];
	v62 =	vmax.f32 v53, v54;
	v63 =	vmax.f32 v55, v56;
	v21 =	vmax.f32 v57, v58  }
0xe1: {  	v23 =	vmax.f32 v59, v60;
	v24 =	vmax.f32 v61, v16;
	v0 =	vmax.f32 v0, v2  }
0xe2: {  	v2 =	vmax.f32 v3, v62;
	v3 =	vmax.f32 v63, v21;
	v25 =	vmax.f32 v23, v24  }
0xe3: {  	v0 =	vmax.f32 v0, v2;
	v2 =	vmax.f32 v3, v25  }
0xe4: {  	v0 =	vmax.f32 v0, v2  }
0xe5: {  	v0 =	vmax.f32 v22, v0  }
0xe6: {  	[tilespmem:$0x1E450] =	vst v0  }
0xe7: {  	v0 =	vld [tilespmem:s20+$0x4F60]  }
0xe8: {  	v2 =	vld [tilespmem:s20+$0x4FE0]  }
0xe9: {  	v3 =	vld [tilespmem:s20+$0x5060]  }
0xea: {  	v26 =	vld [tilespmem:s20+$0x50E0]  }
0xeb: {  	v27 =	vld [tilespmem:s20+$0x5160]  }
0xec: {  	v28 =	vld [tilespmem:s20+$0x51E0]  }
0xed: {  	v29 =	vld [tilespmem:s20+$0x5260]  }
0xee: {  	v30 =	vld [tilespmem:s20+$0x52E0]  }
0xef: {  	v31 =	vld [tilespmem:s20+$0x5360]  }
0xf0: {  	v32 =	vld [tilespmem:s20+$0x53E0]  }
0xf1: {  	v33 =	vld [tilespmem:s20+$0x5460]  }
0xf2: {  	v34 =	vld [tilespmem:s20+$0x54E0]  }
0xf3: {  	v35 =	vld [tilespmem:s20+$0x5560]  }
0xf4: {  	v36 =	vld [tilespmem:s20+$0x55E0]  }
0xf5: {  	v37 =	vld [tilespmem:s20+$0x5660]  }
0xf6: {  	v16 =	vld [tilespmem:s20+$0x56E0];
	_ =	sdelay $0x2  }
0xf7: {  	v0 =	vmax.f32 v0, v2;
	v2 =	vmax.f32 v3, v26;
	v3 =	vmax.f32 v27, v28  }
0xf8: {  	v41 =	vld [tilespmem:$0x1E460];
	v38 =	vmax.f32 v29, v30;
	v39 =	vmax.f32 v31, v32;
	v40 =	vmax.f32 v33, v34  }
0xf9: {  	v42 =	vmax.f32 v35, v36;
	v43 =	vmax.f32 v37, v16;
	v0 =	vmax.f32 v0, v2  }
0xfa: {  	v2 =	vmax.f32 v3, v38;
	v3 =	vmax.f32 v39, v40;
	v44 =	vmax.f32 v42, v43  }
0xfb: {  	v0 =	vmax.f32 v0, v2;
	v2 =	vmax.f32 v3, v44  }
0xfc: {  	v0 =	vmax.f32 v0, v2  }
0xfd: {  	v0 =	vmax.f32 v41, v0  }
0xfe: {  	[tilespmem:$0x1E460] =	vst v0  }
0xff: {  	v0 =	vld [tilespmem:s20+$0x4F70]  }
0x100: {  	v2 =	vld [tilespmem:s20+$0x4FF0]  }
0x101: {  	v3 =	vld [tilespmem:s20+$0x5070]  }
0x102: {  	v45 =	vld [tilespmem:s20+$0x50F0]  }
0x103: {  	v46 =	vld [tilespmem:s20+$0x5170]  }
0x104: {  	v47 =	vld [tilespmem:s20+$0x51F0]  }
0x105: {  	v48 =	vld [tilespmem:s20+$0x5270]  }
0x106: {  	v49 =	vld [tilespmem:s20+$0x52F0]  }
0x107: {  	v50 =	vld [tilespmem:s20+$0x5370]  }
0x108: {  	v51 =	vld [tilespmem:s20+$0x53F0]  }
0x109: {  	v52 =	vld [tilespmem:s20+$0x5470]  }
0x10a: {  	v53 =	vld [tilespmem:s20+$0x54F0]  }
0x10b: {  	v54 =	vld [tilespmem:s20+$0x5570]  }
0x10c: {  	v55 =	vld [tilespmem:s20+$0x55F0]  }
0x10d: {  	v56 =	vld [tilespmem:s20+$0x5670]  }
0x10e: {  	v16 =	vld [tilespmem:s20+$0x56F0];
	_ =	sdelay $0x2  }
0x10f: {  	v0 =	vmax.f32 v0, v2;
	v2 =	vmax.f32 v3, v45;
	v3 =	vmax.f32 v46, v47  }
0x110: {  	v60 =	vld [tilespmem:$0x1E470];
	v57 =	vmax.f32 v48, v49;
	v58 =	vmax.f32 v50, v51;
	v59 =	vmax.f32 v52, v53  }
0x111: {  	v61 =	vmax.f32 v54, v55;
	v62 =	vmax.f32 v56, v16;
	v0 =	vmax.f32 v0, v2  }
0x112: {  	v2 =	vmax.f32 v3, v57;
	v3 =	vmax.f32 v58, v59;
	v63 =	vmax.f32 v61, v62  }
0x113: {  	v0 =	vmax.f32 v0, v2;
	v2 =	vmax.f32 v3, v63  }
0x114: {  	v0 =	vmax.f32 v0, v2  }
0x115: {  	v0 =	vmax.f32 v60, v0  }
.LBB2_11:
0x116: {  	s18 =	sadd.s32 $0x1, s18  }
0x117: {  	p0 =	seq.s32 s18, $0x19  }
.Ltmp5:
0x118: {  	_ = 	snop;
	(pc) =	sbr.rel @p0 .LBB2_2-.Ltmp5, $2  }
0x119: {  	_ =	sdelay $0x2  }
0x11a: {  	[tilespmem:$0x1E470] =	vst v0;
	s31 =	sadd.s32 $0x10, s31;
	s26 =	sadd.s32 $0x800, s26  }
.LBB2_4:
0x11b: {  	_ =	sdelay $0x2  }
0x11c: {  	s16 =	sshll.u32 s18, $0x4  }
0x11d: {  	v0 =	vld.idx.msk [tilespmem:v18+s16+$0x0 ss:$0x1], $0xffff;
	_ =	sdelay $0x4  }
0x11e: {  	(v2sf) =	vpush v0, $0xF  }
0x11f: {  	(v2sf) =	vpush v0, $0x0  }
0x120: {  	(v2sf) =	vpush v0, $0x1  }
0x121: {  	(v2sf) =	vpush v0, $0x2  }
0x122: {  	(v2sf) =	vpush v0, $0x3  }
0x123: {  	(v2sf) =	vpush v0, $0x4  }
0x124: {  	(v2sf) =	vpush v0, $0x5  }
0x125: {  	(v2sf) =	vpush v0, $0x6  }
0x126: {  	(v2sf) =	vpush v0, $0x7  }
0x127: {  	(v2sf) =	vpush v0, $0x8  }
0x128: {  	(v2sf) =	vpush v0, $0x9  }
0x129: {  	(v2sf) =	vpush v0, $0xA  }
0x12a: {  	(v2sf) =	vpush v0, $0xB  }
0x12b: {  	(v2sf) =	vpush v0, $0xC  }
0x12c: {  	(v2sf) =	vpush v0, $0xD  }
0x12d: {  	s12 =	smov.u32 s0;
	s0 =	spop (v2sf);
	(v2sf) =	vpush v0, $0xE  }
0x12e: {  	s21 =	spop (v2sf)  }
0x12f: {  	s20 =	spop (v2sf)  }
0x130: {  	s22 =	spop (v2sf)  }
0x131: {  	s5 =	spop (v2sf)  }
0x132: {  	s23 =	spop (v2sf)  }
0x133: {  	s24 =	spop (v2sf)  }
0x134: {  	s13 =	sadd.s32 s15, s16;
	s28 =	spop (v2sf)  }
0x135: {  	p0 =	seq.s32 s13, $0x0;
	s6 =	spop (v2sf)  }
0x136: {  	p1 =	seq.s32 @!p0 s12, s0;
	s9 =	spop (v2sf)  }
0x137: {  	p1 =	por p0, !p1;
	s10 =	spop (v2sf)  }
.Ltmp6:
0x138: {  	s11 =	spop (v2sf);
	(pc) =	sbr.rel @!p1 .LBB2_7-.Ltmp6, $4  }
0x139: {  	s3 =	spop (v2sf)  }
0x13a: {  	s14 =	spop (v2sf)  }
0x13b: {  	s13 =	spop (v2sf)  }
0x13c: {  	s25 =	spop (v2sf)  }
0x13d: {  	p2 =	seq.s32 s25, s12;
	p3 =	seq.s32 s13, s12;
	p1 =	seq.s32 s25, s0  }
0x13e: {  	p4 =	seq.s32 s14, s12;
	p5 =	seq.s32 s13, s0;
	p6 =	seq.s32 s14, s0  }
0x13f: {  	s25 =	simm.s32 @!p2 $0x0;
	p1 =	por p2, p1;
	s13 =	simm.s32 @!p3 $0x0  }
0x140: {  	s25 =	simm.s32 @p2 $0x1;
	s13 =	simm.s32 @p3 $0x1;
	p2 =	por p3, p5  }
0x141: {  	p0 =	por p0, !p1;
	p5 =	por p4, p6;
	p3 =	seq.s32 s3, s12  }
0x142: {  	p6 =	seq.s32 s3, s0;
	[smem:$0x7F3] =	sst s13;
	s13 =	simm.s32 @!p4 $0x0  }
0x143: {  	p0 =	por p0, !p2;
	s3 =	simm.s32 @!p3 $0x0;
	p2 =	por p3, p6  }
0x144: {  	p6 =	seq.s32 s9, s0;
	s13 =	simm.s32 @p4 $0x1;
	p0 =	por p0, !p5  }
0x145: {  	p4 =	seq.s32 s11, s12;
	s3 =	simm.s32 @p3 $0x1;
	p3 =	seq.s32 s11, s0  }
0x146: {  	p5 =	seq.s32 s10, s0;
	[smem:$0x7F5] =	sst s3;
	s3 =	simm.s32 @!p4 $0x0  }
0x147: {  	p0 =	por p0, !p2;
	p2 =	seq.s32 s10, s12;
	s3 =	simm.s32 @p4 $0x1  }
0x148: {  	p4 =	por p4, p3;
	p1 =	por p2, p5;
	p3 =	seq.s32 s9, s12  }
0x149: {  	p5 =	seq.s32 s6, s0;
	[smem:$0x7F6] =	sst s3;
	p0 =	por p0, !p4  }
0x14a: {  	s3 =	simm.s32 @!p2 $0x0;
	p4 =	por p3, p6;
	p6 =	seq.s32 s28, s0  }
0x14b: {  	s3 =	simm.s32 @p2 $0x1;
	p0 =	por p0, !p1;
	p2 =	seq.s32 s6, s12  }
0x14c: {  	p1 =	seq.s32 s28, s12;
	[smem:$0x7F7] =	sst s3;
	s3 =	simm.s32 @!p3 $0x0  }
0x14d: {  	p0 =	por p0, !p4;
	p4 =	por p1, p6;
	s3 =	simm.s32 @p3 $0x1  }
0x14e: {  	p3 =	seq.s32 s22, s0;
	[smem:$0x7F8] =	sst s3;
	s3 =	simm.s32 @!p2 $0x0  }
0x14f: {  	s3 =	simm.s32 @p2 $0x1;
	p2 =	por p2, p5;
	p5 =	seq.s32 s24, s0  }
0x150: {  	[smem:$0x7F9] =	sst s3;
	p0 =	por p0, !p2;
	s3 =	simm.s32 @!p1 $0x0  }
0x151: {  	p2 =	seq.s32 s5, s0;
	s3 =	simm.s32 @p1 $0x1;
	p0 =	por p0, !p4  }
0x152: {  	p1 =	seq.s32 s24, s12;
	p4 =	seq.s32 s5, s12;
	[smem:$0x7FA] =	sst s3  }
0x153: {  	s3 =	simm.s32 @!p1 $0x0;
	p6 =	por p1, p5;
	p5 =	seq.s32 s23, s0  }
0x154: {  	s3 =	simm.s32 @p1 $0x1;
	p1 =	seq.s32 s23, s12;
	p0 =	por p0, !p6  }
0x155: {  	p6 =	por p4, p2;
	[smem:$0x7FB] =	sst s3;
	s3 =	simm.s32 @!p1 $0x0  }
0x156: {  	s3 =	simm.s32 @p1 $0x1;
	p1 =	por p1, p5;
	p5 =	seq.s32 s22, s12  }
0x157: {  	p2 =	seq.s32 s21, s0;
	p0 =	por p0, !p1;
	p1 =	por p5, p3  }
0x158: {  	p3 =	seq.s32 s20, s0;
	p0 =	por p0, !p6;
	p6 =	seq.s32 s21, s12  }
0x159: {  	p1 =	por p0, !p1;
	p2 =	por p6, p2;
	p0 =	seq.s32 s20, s12  }
0x15a: {  	p1 =	por p1, !p2;
	p3 =	por p0, p3  }
0x15b: {  	p1 =	por p1, !p3  }
0x15c: {  	p2 =	seq.s32 @!p1 s12, s0  }
0x15d: {  	p1 =	por p1, p2  }
.Ltmp7:
0x15e: {  	_ = 	snop;
	(pc) =	sbr.rel @p1 .LBB2_8-.Ltmp7, $4  }
0x15f: {  	_ = 	snop  }
0x160: {  	[smem:$0x7F2] =	sst s25  }
0x161: {  	[smem:$0x7F4] =	sst s13  }
0x162: {  	[smem:$0x7FC] =	sst s3  }
0x163: {  	s9 =	sld [smem:$0x7FC]  }
0x164: {  	s3 =	sadd.s32 s17, s16;
	s5 =	simm.s32 $0x1;
	s12 =	sld [smem:$0x7FB]  }
0x165: {  	s6 =	simm.s32 $0x1;
	s13 =	sld [smem:$0x7FA];
	s3 =	sshll.u32 s3, $0x7  }
0x166: {  	s14 =	sld [smem:$0x7F9];
	s20 =	sand.u32 $0x3FFFFF80, s3;
	s3 =	simm.s32 $0x1  }
0x167: {  	s16 =	sld [smem:$0x7F8];
	s5 =	simm.s32 @!p0 $0x0;
	v0 =	vld [tilespmem:s20+$0x4F00];
	s3 =	simm.s32 @!p6 $0x0  }
0x168: {  	s6 =	simm.s32 @!p5 $0x0;
	v2 =	vld [tilespmem:s20+$0x4F80];
	p0 =	seq.s32 s9, $0x1;
	s3 =	sadd.s32 s5, s3  }
0x169: {  	v3 =	vld [tilespmem:s20+$0x5000];
	s5 =	simm.s32 $0x1;
	s3 =	sadd.s32 s6, s3;
	s6 =	simm.s32 $0x1  }
0x16a: {  	s21 =	sld [smem:$0x7F7];
	v4 =	vld [tilespmem:s20+$0x5080];
	s5 =	simm.s32 @!p4 $0x0;
	s6 =	simm.s32 @!p0 $0x0  }
0x16b: {  	v5 =	vld [tilespmem:s20+$0x5100];
	s3 =	sadd.s32 s5, s3;
	s5 =	simm.s32 $0x1;
	p0 =	seq.s32 s12, $0x1  }
0x16c: {  	s22 =	sld [smem:$0x7F6];
	v6 =	vld [tilespmem:s20+$0x5180];
	s5 =	simm.s32 @!p0 $0x0  }
0x16d: {  	v8 =	vld [tilespmem:s20+$0x5200];
	s3 =	sadd.s32 s6, s3;
	s6 =	simm.s32 $0x1;
	p0 =	seq.s32 s13, $0x1  }
0x16e: {  	s23 =	sld [smem:$0x7F5];
	v25 =	vld [tilespmem:s20+$0x4F10];
	s6 =	simm.s32 @!p0 $0x0  }
0x16f: {  	v61 =	vld [tilespmem:s20+$0x4F90];
	s3 =	sadd.s32 s5, s3;
	s5 =	simm.s32 $0x1;
	p0 =	seq.s32 s14, $0x1  }
0x170: {  	s24 =	sld [smem:$0x7F4];
	v13 =	vld [tilespmem:s20+$0x5210];
	s5 =	simm.s32 @!p0 $0x0  }
0x171: {  	v16 =	vld [tilespmem:s20+$0x5290];
	s3 =	sadd.s32 s6, s3;
	s6 =	simm.s32 $0x1;
	p0 =	seq.s32 s16, $0x1  }
0x172: {  	s25 =	sld [smem:$0x7F3];
	v18 =	vld [tilespmem:s20+$0x5030];
	s3 =	sadd.s32 s5, s3;
	s6 =	simm.s32 @!p0 $0x0  }
0x173: {  	v19 =	vld [tilespmem:s20+$0x50B0];
	s5 =	simm.s32 $0x1;
	p0 =	seq.s32 s21, $0x1;
	s3 =	sadd.s32 s6, s3  }
0x174: {  	v15 =	vld [tilespmem:s20+$0x5040];
	s5 =	simm.s32 @!p0 $0x0;
	s6 =	simm.s32 $0x1;
	p0 =	seq.s32 s22, $0x1  }
0x175: {  	s28 =	sld [smem:$0x7F2];
	v26 =	vld [tilespmem:s20+$0x50C0];
	s3 =	sadd.s32 s5, s3;
	s6 =	simm.s32 @!p0 $0x0  }
0x176: {  	v10 =	vld [tilespmem:s20+$0x5060];
	s5 =	simm.s32 $0x1;
	p0 =	seq.s32 s23, $0x1;
	s3 =	sadd.s32 s6, s3  }
0x177: {  	v32 =	vld [tilespmem:s20+$0x50E0];
	s5 =	simm.s32 @!p0 $0x0;
	s6 =	simm.s32 $0x1;
	p0 =	seq.s32 s24, $0x1  }
0x178: {  	v53 =	vld [tilespmem:s20+$0x4F20];
	s3 =	sadd.s32 s5, s3;
	s6 =	simm.s32 @!p0 $0x0  }
0x179: {  	v59 =	vld [tilespmem:s20+$0x4FA0];
	s5 =	simm.s32 $0x1;
	p0 =	seq.s32 s25, $0x1;
	s3 =	sadd.s32 s6, s3  }
0x17a: {  	v7 =	vld [tilespmem:s20+$0x5280];
	s5 =	simm.s32 @!p0 $0x0;
	s6 =	simm.s32 $0x1;
	p0 =	seq.s32 s28, $0x1  }
0x17b: {  	v14 =	vld [tilespmem:s20+$0x50A0];
	s3 =	sadd.s32 s5, s3;
	s6 =	simm.s32 @!p0 $0x0  }
0x17c: {  	v11 =	vld [tilespmem:s20+$0x5050];
	v31 =	vmax.f32 v18, v19;
	v35 =	vmax.f32 v15, v26;
	s21 =	sadd.s32 s6, s3  }
0x17d: {  	v29 =	vld [tilespmem:s20+$0x50D0];
	v36 =	vmax.f32 v10, v32;
	v48 =	vmax.f32 v25, v61;
	v49 =	vmax.f32 v13, v16;
	p4 =	sgt.u32 s21, $0x1;
	p6 =	sgt.u32 s21, $0x3  }
0x17e: {  	v42 =	vld [tilespmem:s20+$0x52A0];
	v54 =	vmax.f32 v53, v59;
	p1 =	sgt.u32 s21, $0x5;
	p2 =	sgt.u32 s21, $0x7;
	v20 =	vpsel p4, $0xFF800000, v2;
	v24 =	vpsel p6, $0xFF800000, v4  }
0x17f: {  	v51 =	vld [tilespmem:s20+$0x52B0];
	v27 =	vpsel p1, $0xFF800000, v6;
	v28 =	vpsel p2, $0xFF800000, v7;
	v2 =	vmax.f32 v0, v2  }
0x180: {  	v4 =	vmax.f32 v3, v4;
	v6 =	vmax.f32 v5, v6;
	v7 =	vmax.f32 v8, v7  }
0x181: {  	v33 =	vpsel p6, $0xFF800000, v14;
	v37 =	vpsel p6, $0xFF800000, v19;
	v38 =	vpsel p6, v31, v18  }
0x182: {  	v9 =	vld [tilespmem:s20+$0x5010];
	v39 =	vpsel p6, $0xFF800000, v26;
	v19 =	vmax.f32 v11, v29;
	v26 =	vpsel p6, v35, v15  }
0x183: {  	v12 =	vld [tilespmem:s20+$0x5090];
	v29 =	vpsel p6, $0xFF800000, v29;
	v41 =	vpsel p6, $0xFF800000, v32;
	v43 =	vpsel p6, v36, v10  }
0x184: {  	v22 =	vld [tilespmem:s20+$0x5110];
	v47 =	vpsel p2, $0xFF800000, v16;
	v52 =	vpsel p2, $0xFF800000, v42;
	v63 =	vpsel p2, $0xFF800000, v51  }
0x185: {  	v17 =	vld [tilespmem:s20+$0x5020];
	v2 =	vpsel p4, v2, v0;
	v4 =	vpsel p6, v4, v3;
	v6 =	vpsel p1, v6, v5  }
0x186: {  	v23 =	vld [tilespmem:s20+$0x5190];
	v30 =	vpsel p2, v7, v8;
	v0 =	vmax.f32 v0, v20;
	v3 =	vmax.f32 v3, v24  }
0x187: {  	p5 =	seq.s32 s21, $0x0;
	v35 =	vld [tilespmem:s20+$0x5220];
	v5 =	vmax.f32 v5, v27;
	v40 =	vpsel p6, v19, v11;
	v46 =	vmax.f32 v8, v28  }
0x188: {  	s3 =	simm.s32 @!p5 $0x0;
	v31 =	vld [tilespmem:s20+$0x4F30];
	v8 =	vpsel p4, v48, v25;
	v50 =	vmax.f32 v13, v47;
	v11 =	vmax.f32 v11, v29  }
0x189: {  	p3 =	sgt.u32 s21, $0x2;
	v16 =	vld [tilespmem:s20+$0x51B0];
	s3 =	simm.s32 @p5 $0x1;
	v10 =	vmax.f32 v10, v41;
	v0 =	vpsel p5, v0, v20;
	p5 =	sgt.u32 s21, $0x4;
	v4 =	vmax.f32 v2, v4  }
0x18a: {  	v7 =	vld [tilespmem:s20+$0x5070];
	[tilespmem:$0x1FDE0] =	vst v0;
	v0 =	vpsel p3, v24, v3;
	v3 =	vmax.f32 v17, v14;
	v5 =	vpsel p5, v27, v5  }
0x18b: {  	v20 =	vld [tilespmem:s20+$0x50F0];
	v4 =	vpsel p3, v4, v2;
	v2 =	vmax.f32 v6, v30;
	v27 =	vpsel p2, v49, v13  }
0x18c: {  	p0 =	sgt.u32 s21, $0x6;
	v24 =	vld [tilespmem:s20+$0x5120];
	[tilespmem:$0x1FDF0] =	vst v0;
	v0 =	vmax.f32 v9, v12;
	v12 =	vpsel p6, $0xFF800000, v12;
	v34 =	vpsel p6, v3, v17  }
0x18d: {  	v3 =	vld [tilespmem:s20+$0x51A0];
	[tilespmem:$0x1FE00] =	vst v5;
	v5 =	vpsel p0, v28, v46;
	v6 =	vpsel p0, v2, v6;
	v17 =	vmax.f32 v17, v33  }
0x18e: {  	v46 =	vld [tilespmem:s20+$0x4FB0];
	v0 =	vpsel p6, v0, v9;
	[tilespmem:$0x1FE10] =	vst v5;
	v9 =	vmax.f32 v9, v12;
	v5 =	vpsel p0, v47, v50  }
0x18f: {  	v2 =	vld [tilespmem:s20+$0x5130];
	v56 =	vmax.f32 v35, v42;
	v47 =	vmax.f32 v18, v37;
	v6 =	vmax.f32 v4, v6  }
0x190: {  	v28 =	vld [tilespmem:s20+$0x5230];
	v9 =	vpsel p3, v12, v9;
	v0 =	vmax.f32 v8, v0;
	v30 =	vpsel p2, v56, v35  }
0x191: {  	v21 =	vld [tilespmem:s20+$0x5300];
	v4 =	vpsel p5, v6, v4;
	v45 =	vmax.f32 v7, v20;
	v19 =	vpsel p6, $0xFF800000, v20  }
0x192: {  	v60 =	vld [tilespmem:s20+$0x4FC0];
	v20 =	vmax.f32 v22, v23;
	[tilespmem:$0x1FE30] =	vst v9;
	v9 =	vpsel p3, v0, v8;
	v23 =	vpsel p1, $0xFF800000, v23  }
0x193: {  	v44 =	vld [tilespmem:s20+$0x5240];
	v14 =	vpsel p6, v45, v7;
	v20 =	vpsel p1, v20, v22;
	v7 =	vmax.f32 v7, v19  }
0x194: {  	v36 =	vld [tilespmem:s20+$0x4F40];
	v22 =	vmax.f32 v22, v23;
	v0 =	vmax.f32 v20, v27;
	v55 =	vmax.f32 v24, v3  }
0x195: {  	v62 =	vld [tilespmem:s20+$0x52C0];
	v48 =	vmax.f32 v31, v46;
	v50 =	vmax.f32 v2, v16;
	v13 =	vmax.f32 v28, v51  }
0x196: {  	v42 =	vld [tilespmem:s20+$0x51C0];
	v3 =	vpsel p1, $0xFF800000, v3;
	v16 =	vpsel p1, $0xFF800000, v16;
	v46 =	vpsel p4, $0xFF800000, v46  }
0x197: {  	v18 =	vld [tilespmem:s20+$0x5150];
	v12 =	vpsel p0, v0, v20;
	v20 =	vpsel p4, v54, v53;
	v27 =	vpsel p1, v55, v24  }
0x198: {  	[tilespmem:$0x1FE50] =	vst v5;
	v5 =	vld [tilespmem:s20+$0x4FD0];
	v0 =	vpsel p3, v33, v17;
	v17 =	vmax.f32 v35, v52;
	v49 =	vpsel p4, v48, v31  }
0x199: {  	v8 =	vld [tilespmem:s20+$0x5140];
	v13 =	vpsel p2, v13, v28;
	v28 =	vmax.f32 v28, v63;
	v54 =	vmax.f32 v36, v60  }
0x19a: {  	v35 =	vld [tilespmem:s20+$0x4F50];
	[tilespmem:$0x1FE80] =	vst v0;
	v57 =	vmax.f32 v20, v34;
	v0 =	vpsel p0, v52, v17;
	v58 =	vmax.f32 v27, v30  }
0x19b: {  	v55 =	vld [tilespmem:s20+$0x52D0];
	v34 =	vpsel p1, v50, v2;
	v51 =	vmax.f32 v49, v38;
	v52 =	vpsel p2, $0xFF800000, v62  }
0x19c: {  	v56 =	vpsel p4, v54, v36;
	v30 =	vmax.f32 v44, v62;
	v50 =	vld [tilespmem:s20+$0x52E0];
	v12 =	vmax.f32 v9, v12  }
0x19d: {  	v2 =	vmax.f32 v2, v16;
	[tilespmem:$0x1FEA0] =	vst v0;
	v17 =	vpsel p3, v57, v20;
	v0 =	vpsel p3, v37, v47;
	v47 =	vld [tilespmem:s20+$0x51D0]  }
0x19e: {  	v20 =	vpsel p0, v58, v27;
	v27 =	vpsel p3, v51, v49;
	v49 =	vmax.f32 v15, v39;
	v15 =	vld [tilespmem:s20+$0x4FE0]  }
0x19f: {  	v13 =	vmax.f32 v34, v13;
	v30 =	vpsel p2, v30, v44;
	v57 =	vmax.f32 v44, v52;
	v44 =	vld [tilespmem:s20+$0x51E0]  }
0x1a0: {  	v48 =	vmax.f32 v8, v42;
	v26 =	vmax.f32 v56, v26;
	[tilespmem:$0x1FED0] =	vst v0;
	v0 =	vpsel p0, v63, v28;
	v28 =	vld [tilespmem:s20+$0x5250]  }
0x1a1: {  	v13 =	vpsel p0, v13, v34;
	v34 =	vld [tilespmem:s20+$0x4F60];
	v48 =	vpsel p1, v48, v8;
	[tilespmem:$0x1FEF0] =	vst v0;
	v0 =	vpsel p3, v39, v49  }
0x1a2: {  	v26 =	vpsel p3, v26, v56;
	v49 =	vld [tilespmem:s20+$0x5160];
	v30 =	vmax.f32 v48, v30;
	[tilespmem:$0x1FF10] =	vst v0;
	v0 =	vpsel p0, v52, v57  }
0x1a3: {  	[tilespmem:$0x1FD70] =	vst v25;
	v39 =	vld [tilespmem:s20+$0x5260];
	v30 =	vpsel p0, v30, v48;
	v58 =	vpsel p2, $0xFF800000, v55;
	v62 =	vmax.f32 v35, v5  }
0x1a4: {  	v25 =	vld [tilespmem:s20+$0x4F70];
	[tilespmem:$0x1FF30] =	vst v0;
	v63 =	vpsel p4, v62, v35;
	v0 =	vpsel p3, v29, v11;
	v45 =	vmax.f32 v18, v47  }
0x1a5: {  	v38 =	vld [tilespmem:s20+$0x5580];
	v54 =	vmax.f32 v63, v40;
	v47 =	vpsel p1, $0xFF800000, v47;
	v37 =	vmax.f32 v28, v55  }
0x1a6: {  	v48 =	vld [tilespmem:s20+$0x5170];
	v51 =	vpsel p1, v45, v18;
	v52 =	vmax.f32 v28, v58;
	v11 =	vpsel p3, v54, v63  }
0x1a7: {  	v29 =	vld [tilespmem:s20+$0x4FF0];
	[tilespmem:$0x1FF60] =	vst v0;
	v56 =	vmax.f32 v34, v15;
	v37 =	vpsel p2, v37, v28;
	v0 =	vpsel p0, v58, v52  }
0x1a8: {  	v40 =	vld [tilespmem:s20+$0x5270];
	v57 =	vmax.f32 v49, v44;
	v58 =	vpsel p2, $0xFF800000, v50;
	v62 =	vmax.f32 v39, v50  }
0x1a9: {  	v63 =	vld [tilespmem:s20+$0x52F0];
	[tilespmem:$0x1FF70] =	vst v0;
	v55 =	vmax.f32 v51, v37;
	v37 =	vpsel p4, v56, v34;
	v0 =	vpsel p3, v41, v10  }
0x1aa: {  	v41 =	vpsel p2, v62, v39;
	v39 =	vmax.f32 v39, v58;
	v28 =	vpsel p0, v55, v51;
	v51 =	vld [tilespmem:s20+$0x51F0]  }
0x1ab: {  	v52 =	vld [tilespmem:s20+$0x5380];
	v10 =	vpsel p1, v57, v49;
	[tilespmem:$0x1FF90] =	vst v0;
	v43 =	vmax.f32 v37, v43;
	v0 =	vpsel p0, v58, v39  }
0x1ac: {  	v56 =	vld [tilespmem:s20+$0x5480];
	v45 =	vmax.f32 v10, v41;
	v57 =	vmax.f32 v25, v29;
	v39 =	vpsel p1, $0xFF800000, v42  }
0x1ad: {  	v55 =	vld [tilespmem:s20+$0x5400];
	[tilespmem:$0x1FFA0] =	vst v0;
	v54 =	vpsel p3, v43, v37;
	v10 =	vpsel p0, v45, v10;
	v0 =	vpsel p3, v19, v7  }
0x1ae: {  	v42 =	vld [tilespmem:s20+$0x5410];
	v58 =	vpsel p4, v57, v25;
	v45 =	vpsel p5, v12, v9;
	v62 =	vpsel p2, $0xFF800000, v63  }
0x1af: {  	v57 =	vld [tilespmem:$0x1E400];
	v63 =	vmax.f32 v40, v63;
	v14 =	vmax.f32 v58, v14;
	v19 =	vmax.f32 v48, v51  }
0x1b0: {  	[tilespmem:$0x1FD90] =	vst v25;
	v9 =	vld [tilespmem:s20+$0x53A0];
	v41 =	vpsel p2, v63, v40;
	v40 =	vmax.f32 v40, v62;
	v19 =	vpsel p1, v19, v48  }
0x1b1: {  	[tilespmem:$0x1FFC0] =	vst v0;
	v7 =	vpsel p3, v14, v58;
	v63 =	vld [tilespmem:s20+$0x5310];
	v0 =	vpsel p0, v62, v40;
	v25 =	vmax.f32 v19, v41  }
0x1b2: {  	p2 =	sgt.u32 s21, $0xB;
	[tilespmem:$0x1FDA0] =	vst v56;
	v40 =	vld [tilespmem:s20+$0x53E0];
	v33 =	vmax.f32 v55, v56;
	v56 =	vpsel p1, $0xFF800000, v51;
	v14 =	vpsel p0, v25, v19;
	p0 =	sgt.u32 s21, $0x9  }
0x1b3: {  	v51 =	vld [tilespmem:s20+$0x5330];
	v37 =	vpsel p2, v33, v55;
	v19 =	vmax.f32 v21, v52;
	v43 =	vpsel p0, $0xFF800000, v52  }
0x1b4: {  	p6 =	sgt.u32 s21, $0x8;
	[tilespmem:$0x1FDC0] =	vst v55;
	v55 =	vpsel p1, $0xFF800000, v44;
	v44 =	vld [tilespmem:s20+$0x5490];
	v19 =	vpsel p0, v19, v21;
	v21 =	vmax.f32 v21, v43  }
0x1b5: {  	p3 =	sgt.u32 s21, $0xA;
	[tilespmem:$0x1FFD0] =	vst v0;
	v41 =	vld [tilespmem:s20+$0x5500];
	v33 =	vmax.f32 v7, v14;
	v58 =	vmax.f32 v19, v37;
	v0 =	vpsel p6, v43, v21  }
0x1b6: {  	v25 =	vld [tilespmem:s20+$0x5600];
	v62 =	vpsel p3, v58, v19;
	[tilespmem:$0x1FE20] =	vst v0;
	v0 =	vpsel p5, v23, v22;
	v23 =	vmax.f32 v24, v3  }
0x1b7: {  	v37 =	vld [tilespmem:s20+$0x53C0];
	v24 =	vmax.f32 v26, v30;
	[tilespmem:$0x1FE60] =	vst v0;
	v0 =	vpsel p5, v3, v23;
	v3 =	vmax.f32 v17, v20  }
0x1b8: {  	v52 =	vld [tilespmem:s20+$0x5610];
	v50 =	vpsel p5, v24, v26;
	v23 =	vpsel p4, $0xFF800000, v5;
	v12 =	vpsel p5, v3, v17  }
0x1b9: {  	v19 =	vld [tilespmem:s20+$0x5390];
	[tilespmem:$0x1FEB0] =	vst v0;
	v0 =	vpsel p5, v16, v2;
	v2 =	vmax.f32 v27, v13;
	v13 =	vpsel p4, $0xFF800000, v60  }
0x1ba: {  	v20 =	vld [tilespmem:s20+$0x53D0];
	v35 =	vmax.f32 v35, v23;
	v3 =	vpsel p5, v2, v27;
	v2 =	vmax.f32 v8, v39  }
0x1bb: {  	v16 =	vld [tilespmem:s20+$0x5320];
	v27 =	vmax.f32 v49, v55;
	v49 =	vpsel p5, v33, v7;
	v8 =	vpsel p4, $0xFF800000, v61  }
0x1bc: {  	v17 =	vld [tilespmem:s20+$0x53B0];
	[tilespmem:$0x1FF00] =	vst v0;
	v6 =	vpsel p0, $0xFF800000, v37;
	v0 =	vpsel p5, v39, v2;
	v2 =	vmax.f32 v18, v47  }
0x1bd: {  	v43 =	vld [tilespmem:s20+$0x5510];
	v18 =	vpsel p4, $0xFF800000, v59;
	v59 =	vpsel p4, $0xFF800000, v29;
	[tilespmem:$0x1FF40] =	vst v0;
	v0 =	vpsel p5, v47, v2  }
0x1be: {  	[tilespmem:$0x1FD80] =	vst v31;
	v22 =	vld [tilespmem:s20+$0x5360];
	v2 =	vmax.f32 v11, v28;
	v28 =	vpsel p4, $0xFF800000, v15;
	v47 =	vpsel p0, $0xFF800000, v9  }
0x1bf: {  	v30 =	vld [tilespmem:s20+$0x5370];
	[tilespmem:$0x1FF80] =	vst v0;
	v31 =	vpsel p5, v2, v11;
	v0 =	vpsel p5, v55, v27;
	v2 =	vmax.f32 v54, v10  }
0x1c0: {  	v11 =	vld [tilespmem:s20+$0x5340];
	v27 =	vpsel p0, $0xFF800000, v19;
	v10 =	vpsel p0, $0xFF800000, v20;
	v58 =	vpsel p5, v2, v54  }
0x1c1: {  	v61 =	vld [tilespmem:s20+$0x53F0];
	v2 =	vmax.f32 v48, v56;
	v60 =	vmax.f32 v16, v9;
	v32 =	vmax.f32 v51, v17  }
0x1c2: {  	[tilespmem:$0x1FFB0] =	vst v0;
	v54 =	vld [tilespmem:s20+$0x5350];
	v0 =	vpsel p5, v56, v2;
	p5 =	sgt.u32 s21, $0xD;
	v2 =	vmax.f32 v41, v38;
	v56 =	vmax.f32 v63, v19  }
0x1c3: {  	[tilespmem:$0x1FDB0] =	vst v38;
	v55 =	vld [tilespmem:s20+$0x5420];
	v29 =	vpsel p0, v60, v16;
	v21 =	vpsel p0, v32, v51;
	v38 =	vpsel p5, v2, v41  }
0x1c4: {  	p4 =	sgt.u32 s21, $0xE;
	v32 =	vpsel p0, $0xFF800000, v40;
	v24 =	vpsel p0, v56, v63;
	v56 =	vld [tilespmem:s20+$0x5590];
	v39 =	vmax.f32 v38, v25  }
0x1c5: {  	v48 =	vld [tilespmem:$0x1E410];
	v7 =	vpsel p4, v39, v38;
	v33 =	vmax.f32 v11, v37;
	v38 =	vmax.f32 v22, v40  }
0x1c6: {  	v39 =	vmax.f32 v30, v61;
	v2 =	vpsel p0, v33, v11;
	v33 =	vpsel p0, $0xFF800000, v61;
	v61 =	vld [tilespmem:s20+$0x5520]  }
0x1c7: {  	v40 =	vmax.f32 v42, v44;
	v37 =	vmax.f32 v54, v20;
	v20 =	vpsel p0, v39, v30;
	v39 =	vld [tilespmem:s20+$0x55A0]  }
0x1c8: {  	[tilespmem:$0x1FDD0] =	vst v25;
	v25 =	vpsel p0, $0xFF800000, v17;
	v9 =	vpsel p0, v38, v22;
	v14 =	vpsel p2, v40, v42;
	v40 =	vld [tilespmem:$0x1FD70]  }
0x1c9: {  	[smem:$0x7F1] =	sst s3;
	v60 =	vld [tilespmem:s20+$0x54A0];
	v7 =	vmax.f32 v62, v7;
	v5 =	vpsel p0, v37, v54;
	p0 =	sgt.u32 s21, $0xC;
	v26 =	vmax.f32 v43, v56  }
0x1ca: {  	s3 =	sld [smem:$0x7F1];
	v19 =	vld [tilespmem:s20+$0x5430];
	v11 =	vmax.f32 v11, v6;
	v7 =	vpsel p0, v7, v62;
	v15 =	vpsel p5, v26, v43  }
0x1cb: {  	[tilespmem:$0x1FFE0] =	vst v0;
	v0 =	vld [tilespmem:$0x1E420];
	v14 =	vmax.f32 v24, v14;
	v7 =	vmax.f32 v4, v7;
	v38 =	vmax.f32 v15, v52  }
0x1cc: {  	v62 =	vld [tilespmem:s20+$0x5620];
	v37 =	vpsel p3, v14, v24;
	v4 =	vpsel p6, v7, v4;
	v15 =	vpsel p4, v38, v15  }
0x1cd: {  	p1 =	seq.s32 s3, $0x1;
	v17 =	vld [tilespmem:s20+$0x5530];
	v4 =	vmax.f32 v57, v4;
	v14 =	vmax.f32 v40, v8;
	v38 =	vmax.f32 v61, v39  }
0x1ce: {  	v40 =	vpsel p1, v57, v4;
	v24 =	vpsel p1, v14, v8;
	v26 =	vmax.f32 v37, v15;
	v57 =	vld [tilespmem:s20+$0x54B0]  }
0x1cf: {  	v15 =	vpsel p5, v38, v61;
	v38 =	vld [tilespmem:s20+$0x5630];
	v4 =	vpsel p0, v26, v37;
	v37 =	vmax.f32 v55, v60  }
0x1d0: {  	v8 =	vmax.f32 v63, v27;
	v14 =	vld [tilespmem:s20+$0x5440];
	v4 =	vmax.f32 v45, v4;
	v7 =	vpsel p2, v37, v55  }
0x1d1: {  	v26 =	vld [tilespmem:s20+$0x54C0];
	v4 =	vpsel p6, v4, v45;
	v7 =	vmax.f32 v29, v7;
	v45 =	vmax.f32 v15, v62  }
0x1d2: {  	[tilespmem:$0x1FE40] =	vst v24;
	v24 =	vmax.f32 v16, v47;
	v37 =	vld [tilespmem:s20+$0x55B0];
	v29 =	vpsel p3, v7, v29;
	v15 =	vpsel p4, v45, v15  }
0x1d3: {  	v63 =	vld [tilespmem:s20+$0x5540];
	v45 =	vpsel p6, v27, v8;
	v4 =	vmax.f32 v48, v4;
	v15 =	vmax.f32 v29, v15  }
0x1d4: {  	v8 =	vmax.f32 v53, v18;
	v27 =	vld [tilespmem:s20+$0x5640];
	[tilespmem:$0x1FE70] =	vst v45;
	v45 =	vpsel p1, v48, v4;
	v48 =	vpsel p0, v15, v29  }
0x1d5: {  	v53 =	vmax.f32 v19, v57;
	v15 =	vpsel p1, v8, v18;
	v29 =	vld [tilespmem:s20+$0x55C0];
	v4 =	vmax.f32 v12, v48  }
0x1d6: {  	v16 =	vmax.f32 v14, v26;
	v48 =	vpsel p6, v47, v24;
	v47 =	vld [tilespmem:$0x1E440];
	v4 =	vpsel p6, v4, v12  }
0x1d7: {  	v7 =	vmax.f32 v17, v37;
	v24 =	vld [tilespmem:$0x1FD80];
	v12 =	vpsel p2, v53, v19;
	v4 =	vmax.f32 v0, v4  }
0x1d8: {  	[tilespmem:$0x1FEC0] =	vst v48;
	v53 =	vld [tilespmem:s20+$0x5450];
	v8 =	vmax.f32 v21, v12;
	v48 =	vpsel p1, v0, v4;
	v0 =	vpsel p5, v7, v17  }
0x1d9: {  	[tilespmem:$0x1FE90] =	vst v15;
	v12 =	vld [tilespmem:$0x1E430];
	v4 =	vpsel p3, v8, v21;
	v21 =	vpsel p2, v16, v14;
	v15 =	vmax.f32 v0, v38  }
0x1da: {  	v8 =	vld [tilespmem:s20+$0x5550];
	v16 =	vmax.f32 v63, v29;
	v18 =	vmax.f32 v2, v21;
	v0 =	vpsel p4, v15, v0  }
0x1db: {  	v21 =	vld [tilespmem:s20+$0x5650];
	v16 =	vpsel p5, v16, v63;
	v2 =	vpsel p3, v18, v2;
	v0 =	vmax.f32 v4, v0  }
0x1dc: {  	v15 =	vld [tilespmem:s20+$0x54D0];
	v7 =	vmax.f32 v24, v46;
	v18 =	vmax.f32 v16, v27;
	v0 =	vpsel p0, v0, v4  }
0x1dd: {  	v24 =	vmax.f32 v36, v13;
	v16 =	vpsel p4, v18, v16;
	v18 =	vld [tilespmem:s20+$0x55D0];
	v0 =	vmax.f32 v3, v0  }
0x1de: {  	v36 =	vld [tilespmem:s20+$0x54E0];
	v4 =	vpsel p1, v7, v46;
	v16 =	vmax.f32 v2, v16;
	v0 =	vpsel p6, v0, v3  }
0x1df: {  	v7 =	vld [tilespmem:s20+$0x5560];
	v2 =	vpsel p0, v16, v2;
	v16 =	vmax.f32 v51, v25;
	v0 =	vmax.f32 v12, v0  }
0x1e0: {  	[tilespmem:$0x1FEE0] =	vst v4;
	v4 =	vld [tilespmem:s20+$0x5460];
	v46 =	vpsel p6, v25, v16;
	v2 =	vmax.f32 v50, v2;
	v51 =	vpsel p1, v12, v0  }
0x1e1: {  	v16 =	vld [tilespmem:s20+$0x5660];
	v2 =	vpsel p6, v2, v50;
	v0 =	vpsel p1, v24, v13;
	v50 =	vmax.f32 v53, v15  }
0x1e2: {  	[tilespmem:$0x1FF20] =	vst v0;
	v0 =	vpsel p6, v6, v11;
	v25 =	vmax.f32 v47, v2;
	v6 =	vmax.f32 v8, v18;
	v11 =	vld [tilespmem:s20+$0x55E0]  }
0x1e3: {  	v12 =	vpsel p2, v50, v53;
	v50 =	vpsel p1, v35, v23;
	v23 =	vld [tilespmem:s20+$0x54F0];
	v13 =	vpsel p5, v6, v8  }
0x1e4: {  	v25 =	vpsel p1, v47, v25;
	v12 =	vmax.f32 v5, v12;
	v47 =	vld [tilespmem:s20+$0x5470];
	v24 =	vmax.f32 v13, v21  }
0x1e5: {  	v6 =	vmax.f32 v54, v10;
	v5 =	vpsel p3, v12, v5;
	v12 =	vld [tilespmem:s20+$0x5570];
	v35 =	vpsel p4, v24, v13  }
0x1e6: {  	v54 =	vpsel p6, v10, v6;
	v6 =	vld [tilespmem:s20+$0x55F0];
	v24 =	vmax.f32 v5, v35;
	v35 =	vmax.f32 v4, v36  }
0x1e7: {  	v3 =	vld [tilespmem:$0x1E450];
	v5 =	vpsel p0, v24, v5;
	v24 =	vpsel p2, v35, v4  }
0x1e8: {  	v34 =	vmax.f32 v34, v28;
	v35 =	vmax.f32 v7, v11;
	v10 =	vmax.f32 v9, v24  }
0x1e9: {  	v5 =	vmax.f32 v31, v5;
	v13 =	vpsel p5, v35, v7;
	v10 =	vpsel p3, v10, v9;
	v9 =	vld [tilespmem:s20+$0x5670]  }
0x1ea: {  	v35 =	vpsel p1, v34, v28;
	v34 =	vmax.f32 v47, v23;
	v24 =	vmax.f32 v13, v16  }
0x1eb: {  	[tilespmem:$0x1FF50] =	vst v0;
	v5 =	vpsel p6, v5, v31;
	v0 =	vmax.f32 v12, v6;
	v13 =	vpsel p4, v24, v13  }
0x1ec: {  	v5 =	vmax.f32 v3, v5;
	v0 =	vpsel p5, v0, v12;
	v28 =	vmax.f32 v10, v13  }
0x1ed: {  	v31 =	vld [tilespmem:s20+$0x5680];
	v24 =	vpsel p1, v3, v5;
	v5 =	vpsel p0, v28, v10;
	v10 =	vpsel p2, v34, v47  }
0x1ee: {  	v13 =	vld [tilespmem:$0x1E460];
	v10 =	vmax.f32 v20, v10;
	v2 =	vmax.f32 v0, v9  }
0x1ef: {  	v3 =	vld [tilespmem:s20+$0x56A0];
	v20 =	vpsel p3, v10, v20;
	v2 =	vpsel p4, v2, v0;
	v0 =	vmax.f32 v22, v32  }
0x1f0: {  	v34 =	vpsel p6, v32, v0;
	v2 =	vmax.f32 v20, v2;
	v0 =	vld [tilespmem:$0x1FD90]  }
0x1f1: {  	v28 =	vld [tilespmem:s20+$0x5690];
	v5 =	vmax.f32 v58, v5;
	v2 =	vpsel p0, v2, v20  }
0x1f2: {  	v5 =	vpsel p6, v5, v58;
	v58 =	vld [tilespmem:s20+$0x56B0];
	v2 =	vmax.f32 v49, v2  }
0x1f3: {  	v2 =	vpsel p6, v2, v49;
	v49 =	vld [tilespmem:$0x1FDA0]  }
0x1f4: {  	s16 =	sld [smem:$0x0];
	v22 =	vld [tilespmem:$0x1E470];
	v5 =	vmax.f32 v13, v5  }
0x1f5: {  	v32 =	vld [tilespmem:s20+$0x56C0];
	v10 =	vpsel p1, v13, v5;
	v13 =	vmax.f32 v0, v59  }
0x1f6: {  	v0 =	vld [tilespmem:s20+$0x56D0];
	v20 =	vpsel p1, v13, v59;
	v13 =	vmax.f32 v30, v33  }
0x1f7: {  	v30 =	vld [tilespmem:s20+$0x56E0];
	v5 =	vpsel p6, v33, v13;
	p6 =	sne.s32 s16, s30  }
0x1f8: {  	v33 =	vpsel p2, $0xFF800000, v49;
	v49 =	vld [tilespmem:s20+$0x56F0];
	[tilespmem:$0x1E300] =	vst @!p6 v40  }
0x1f9: {  	[tilespmem:$0x1E310] =	vst @!p6 v45  }
0x1fa: {  	[tilespmem:$0x1E320] =	vst @!p6 v48  }
0x1fb: {  	[tilespmem:$0x1E330] =	vst @!p6 v51  }
0x1fc: {  	v59 =	vld [tilespmem:$0x1FDB0];
	[tilespmem:$0x1E340] =	vst @!p6 v25  }
0x1fd: {  	v2 =	vmax.f32 v22, v2;
	[tilespmem:$0x1E350] =	vst @!p6 v24  }
0x1fe: {  	v2 =	vpsel p1, v22, v2;
	[tilespmem:$0x1E360] =	vst @!p6 v10  }
0x1ff: {  	[tilespmem:$0x1E370] =	vst @!p6 v2  }
0x200: {  	[tilespmem:$0x1E380] =	vst @!p6 v1;
	s3 =	simm.s32 @!p6 $0x0;
	s5 =	simm.s32 @!p6 $0x1E300  }
0x201: {  	[hbm4b:s7+s3] =	stream.linear.scatter @!p6 [tilespmem:s5], [sflag:$0xC], $0x80, $0x38;
	v59 =	vpsel p5, $0xFF800000, v59;
	[tilespmem:$0x1E480] =	vst v63  }
0x202: {  	v13 =	vld [tilespmem:$0x1FDC0];
	s5 =	simm.s32 @!p6 $0xC;
	v41 =	vmax.f32 v41, v59  }
0x203: {  	s20 =	sld [smem:$0x1];
	v22 =	vpsel p0, v59, v41;
	v59 =	vpsel p5, $0xFF800000, v56;
	v56 =	vld [tilespmem:$0x1FDD0];
	_ =	swait.ge @!p6 [sflag:s5], $0x80  }
0x204: {  	v39 =	vpsel p5, $0xFF800000, v39;
	v11 =	vpsel p5, $0xFF800000, v11;
	[sflag:s5] =	ssyncset.done @!p6 $0x0  }
0x205: {  	v60 =	vpsel p2, $0xFF800000, v60;
	v7 =	vmax.f32 v7, v11;
	s6 =	simm.s32 @!p6 $0x1E380;
	v43 =	vmax.f32 v43, v59;
	[sflag:s5] =	ssyncadd.s32 @!p6 $0xFFFFFF80  }
0x206: {  	v41 =	vpsel p0, v59, v43;
	v59 =	vmax.f32 v52, v28;
	v52 =	vmax.f32 v55, v60;
	[hbm4b:s8+s3] =	stream.linear.scatter @!p6 [tilespmem:s6], [sflag:$0xC], $0x80, $0x38;
	[tilespmem:$0x1E480] =	vst v63  }
0x207: {  	v55 =	vmax.f32 v61, v39;
	v61 =	vpsel p5, $0xFF800000, v29;
	v29 =	vmax.f32 v16, v30;
	_ =	swait.ge @!p6 [sflag:s5], $0x80  }
0x208: {  	v7 =	vpsel p0, v11, v7;
	v11 =	vpsel p4, v30, v29;
	v30 =	vld [tilespmem:$0x1FDE0]  }
0x209: {  	v16 =	vld [tilespmem:$0x1FDF0];
	_ =	sdelay $0x1  }
0x20a: {  	v18 =	vpsel p5, $0xFF800000, v18  }
0x20b: {  	v8 =	vmax.f32 v8, v18;
	v6 =	vpsel p5, $0xFF800000, v6  }
0x20c: {  	v8 =	vpsel p0, v18, v8;
	v12 =	vmax.f32 v12, v6;
	v18 =	vld [tilespmem:$0x1FE10]  }
0x20d: {  	v6 =	vpsel p0, v6, v12;
	v12 =	vmax.f32 v30, v16;
	v16 =	vld [tilespmem:$0x1FE00];
	_ =	sdelay $0x1  }
0x20e: {  	p1 =	seq.s32 s16, s30  }
0x20f: {  	v26 =	vpsel p2, $0xFF800000, v26;
	v37 =	vpsel p5, $0xFF800000, v37;
	s3 =	sshra.s32 @!p1 s20, $0x1F  }
0x210: {  	v17 =	vmax.f32 v17, v37;
	v14 =	vmax.f32 v14, v26;
	s3 =	sshrl.u32 @!p1 s3, $0x1D  }
0x211: {  	v17 =	vpsel p0, v37, v17;
	v63 =	vmax.f32 v63, v61;
	s3 =	sadd.s32 @!p1 s3, s20;
	v16 =	vmax.f32 v16, v18;
	v18 =	vld [tilespmem:$0x1FE20]  }
0x212: {  	v14 =	vpsel p3, v26, v14;
	v39 =	vpsel p0, v39, v55;
	v26 =	vpsel p0, v61, v63;
	p0 =	slt.s32 @!p1 s20, $0x8;
	s3 =	sand.u32 @!p1 $0xFFFFFFF8, s3  }
0x213: {  	v13 =	vmax.f32 v13, v33;
	[sflag:s5] =	ssyncset.done @!p6 $0x0;
	p0 =	por p0, p1;
	s3 =	ssub.s32 @!p1 s20, s3  }
0x214: {  	v13 =	vpsel p3, v33, v13;
	v33 =	vpsel p2, $0xFF800000, v44;
	v44 =	vmax.f32 v56, v31;
	[sflag:s5] =	ssyncadd.s32 @!p6 $0xFFFFFF80;
	s5 =	sadd.s32 @!p0 $0x3, s3  }
0x215: {  	v31 =	vpsel p4, v31, v44;
	_ =	swait.ge @!p0 [sflag:s5], $0x80  }
0x216: {  	v12 =	vmax.f32 v12, v16;
	v16 =	vld [tilespmem:$0x1FE30];
	v13 =	vmax.f32 v18, v13;
	v18 =	vmax.f32 v22, v31  }
0x217: {  	v36 =	vpsel p2, $0xFF800000, v36;
	v27 =	vmax.f32 v27, v32;
	v13 =	vmax.f32 v13, v18;
	v18 =	vld [tilespmem:$0x1FE40]  }
0x218: {  	v4 =	vmax.f32 v4, v36;
	v27 =	vpsel p4, v32, v27;
	v28 =	vpsel p4, v28, v59;
	v32 =	vld [tilespmem:$0x1FE70]  }
0x219: {  	v4 =	vpsel p3, v36, v4;
	v36 =	vmax.f32 v41, v28;
	v41 =	vld [tilespmem:$0x1FE90]  }
0x21a: {  	v43 =	vld [tilespmem:$0x1FEA0]  }
0x21b: {  	v31 =	vld [tilespmem:$0x1FE60]  }
0x21c: {  	v16 =	vmax.f32 v18, v16;
	v18 =	vld [tilespmem:$0x1FE50]  }
0x21d: {  	v23 =	vpsel p2, $0xFF800000, v23;
	v9 =	vmax.f32 v9, v49;
	v44 =	vld [tilespmem:$0x1FEB0]  }
0x21e: {  	v56 =	vpsel p2, $0xFF800000, v57;
	v57 =	vmax.f32 v62, v3;
	v62 =	vmax.f32 v47, v23;
	v47 =	vld [tilespmem:$0x1FEC0]  }
0x21f: {  	v15 =	vpsel p2, $0xFF800000, v15;
	v42 =	vmax.f32 v42, v33;
	v9 =	vpsel p4, v49, v9;
	v49 =	vld [tilespmem:$0x1FED0]  }
0x220: {  	v33 =	vpsel p3, v33, v42;
	v42 =	vpsel p3, v60, v52;
	v60 =	vmax.f32 v53, v15;
	v53 =	vld [tilespmem:$0x1FEF0]  }
0x221: {  	v55 =	vld [tilespmem:$0x1FF00];
	v18 =	vmax.f32 v31, v18  }
0x222: {  	v21 =	vmax.f32 v21, v0;
	v59 =	vmax.f32 v38, v58;
	v38 =	vmax.f32 v16, v18;
	v18 =	vld [tilespmem:$0x1FE80]  }
0x223: {  	v0 =	vpsel p4, v0, v21;
	v19 =	vmax.f32 v19, v56;
	v52 =	vld [tilespmem:$0x1FEE0]  }
0x224: {  	v37 =	vpsel p4, v58, v59;
	v3 =	vpsel p4, v3, v57;
	v19 =	vpsel p3, v56, v19  }
0x225: {  	v17 =	vmax.f32 v17, v37;
	v3 =	vmax.f32 v39, v3;
	v19 =	vmax.f32 v46, v19  }
0x226: {  	v21 =	vmax.f32 v32, v33;
	v22 =	vmax.f32 v47, v42;
	v28 =	vmax.f32 v55, v53  }
0x227: {  	v16 =	vmax.f32 v21, v36;
	v21 =	vmax.f32 v44, v43;
	v18 =	vmax.f32 v41, v18  }
0x228: {  	v3 =	vmax.f32 v22, v3;
	v18 =	vmax.f32 v18, v21;
	v21 =	vmax.f32 v52, v49  }
0x229: {  	v17 =	vmax.f32 v19, v17;
	v21 =	vmax.f32 v21, v28;
	v3 =	vmax.f32 v18, v3;
	v18 =	vld [tilespmem:$0x1FF20]  }
0x22a: {  	v12 =	vmax.f32 v12, v13;
	v13 =	vmax.f32 v38, v16;
	v16 =	vmax.f32 v21, v17;
	v17 =	vld [tilespmem:$0x1FF10];
	_ =	sdelay $0x3  }
0x22b: {  	v19 =	vld [tilespmem:$0x1FF40]  }
0x22c: {  	v17 =	vmax.f32 v18, v17;
	v18 =	vld [tilespmem:$0x1FF30];
	_ =	sdelay $0x4  }
0x22d: {  	v18 =	vmax.f32 v19, v18;
	v19 =	vld [tilespmem:$0x1FF50]  }
0x22e: {  	s6 =	sshll.u32 @!p1 s3, $0x9;
	[sflag:s5] =	ssyncset.done @!p0 $0x0  }
0x22f: {  	[sflag:s5] =	ssyncadd.s32 @!p0 $0xFFFFFF80;
	s5 =	sshra.s32 @!p1 s6, $0x2  }
0x230: {  	[tilespmem:s5+$0x1DF70] =	vst @!p1 v2;
	v2 =	vld [tilespmem:$0x1FF70]  }
0x231: {  	v17 =	vmax.f32 v17, v18;
	v18 =	vld [tilespmem:$0x1FF60]  }
0x232: {  	v14 =	vmax.f32 v19, v14;
	v19 =	vld [tilespmem:$0x1FF80]  }
0x233: {  	[tilespmem:s5+$0x1DF00] =	vst @!p1 v40  }
0x234: {  	[tilespmem:s5+$0x1DF10] =	vst @!p1 v45  }
0x235: {  	v58 =	vld [tilespmem:$0x1FFA0];
	[tilespmem:s5+$0x1DF20] =	vst @!p1 v48  }
0x236: {  	v0 =	vmax.f32 v8, v0;
	v15 =	vpsel p3, v15, v60;
	v59 =	vld [tilespmem:$0x1FFB0];
	[tilespmem:s5+$0x1DF30] =	vst @!p1 v51  }
0x237: {  	v15 =	vmax.f32 v54, v15;
	v60 =	vld [tilespmem:$0x1FFC0];
	s6 =	sshll.u32 @!p1 s16, $0x4;
	[tilespmem:s5+$0x1DF40] =	vst @!p1 v25;
	v18 =	vmax.f32 v50, v18;
	v2 =	vmax.f32 v19, v2  }
0x238: {  	v0 =	vmax.f32 v15, v0;
	s3 =	sadd.s32 @!p1 $0x3, s3;
	v61 =	vld [tilespmem:$0x1FFD0];
	[tilespmem:s5+$0x1DF50] =	vst @!p1 v24;
	s6 =	sand.u32 @!p1 $0x1FFFFFF0, s6;
	v2 =	vmax.f32 v18, v2  }
0x239: {  	s9 =	sadd.s32 @!p1 $0x1DF00, s5;
	[tilespmem:s5+$0x1DF60] =	vst @!p1 v10;
	s5 =	sadd.s32 @!p1 s2, s6;
	s6 =	simm.s32 @!p1 $0x0;
	v0 =	vmax.f32 v2, v0;
	v2 =	vld [tilespmem:$0x1FF90]  }
0x23a: {  	v23 =	vpsel p3, v23, v62;
	v62 =	vld [tilespmem:$0x1FFE0];
	[hbm4b:s5+s6] =	stream.linear.scatter @!p1 [tilespmem:s9], [sflag:s3], $0x80, $0x38  }
0x23b: {  	v4 =	vmax.f32 v34, v4;
	[tilespmem:$0x1E400] =	vst v12  }
0x23c: {  	v6 =	vmax.f32 v6, v9;
	v7 =	vmax.f32 v7, v11;
	v56 =	vmax.f32 v26, v27;
	[tilespmem:$0x1E410] =	vst v13  }
.Ltmp8:
0x23d: {  	v5 =	vmax.f32 v5, v23;
	v10 =	vmax.f32 v59, v58;
	[tilespmem:$0x1E420] =	vst v3;
	v57 =	vmax.f32 v14, v56;
	(pc) =	sbr.rel .LBB2_11-.Ltmp8, $4  }
0x23e: {  	s3 =	simm.s32 $0x1;
	v3 =	vmax.f32 v4, v7;
	[tilespmem:$0x1E430] =	vst v16;
	v8 =	vmax.f32 v17, v57;
	v2 =	vmax.f32 v35, v2  }
0x23f: {  	s3 =	simm.s32 @!p6 $0x0;
	v4 =	vmax.f32 v20, v60;
	v7 =	vmax.f32 v62, v61;
	[tilespmem:$0x1E440] =	vst v8;
	v2 =	vmax.f32 v2, v10  }
0x240: {  	v63 =	vmax.f32 v5, v6;
	[smem:$0x0] =	sst s0;
	s3 =	sadd.s32 s3, s20;
	[tilespmem:$0x1E450] =	vst v0;
	v2 =	vmax.f32 v2, v3;
	v3 =	vmax.f32 v4, v7  }
0x241: {  	[smem:$0x1] =	sst s3;
	v18 =	vld [tilespmem:$0x1FFF0];
	v0 =	vmax.f32 v3, v63;
	[tilespmem:$0x1E460] =	vst v2  }
.LBB2_8:
0x242: {  	v10 =	vmov s31;
	_ =	sdelay $0x3  }
0x243: {  	s3 =	simm.s32 $0x0  }
0x244: {  	v0 =	vld.idx.msk [tilespmem:v10+s3+$0x0 ss:$0x1], $0xffff;
	_ =	sdelay $0x4  }
0x245: {  	(v2sf) =	vpush v0, $0x0;
	_ =	sdelay $0xb  }
0x246: {  	s3 =	sld [smem:$0x0];
	_ =	sdelay $0x1  }
0x247: {  	v11 =	vld [tilespmem:$0x1E460]  }
0x248: {  	v9 =	vld [tilespmem:$0x1E470];
	p1 =	sne.s32 s3, s30;
	s20 =	spop (v2sf)  }
0x249: {  	v7 =	vld [tilespmem:$0x1E450];
	p0 =	seq.s32 @!p1 s20, s3  }
0x24a: {  	v6 =	vld [tilespmem:$0x1E440];
	p2 =	por p0, p1  }
0x24b: {  	v4 =	vld [tilespmem:$0x1E430];
	[tilespmem:$0x1E380] =	vst @!p2 v1  }
0x24c: {  	v8 =	vld [tilespmem:$0x1E420];
	[tilespmem:$0x1E360] =	vst @!p2 v11  }
0x24d: {  	v5 =	vld [tilespmem:$0x1E400];
	[tilespmem:$0x1E370] =	vst @!p2 v9  }
0x24e: {  	v3 =	vld [tilespmem:$0x1E410];
	[tilespmem:$0x1E350] =	vst @!p2 v7  }
0x24f: {  	[tilespmem:$0x1E340] =	vst @!p2 v6  }
0x250: {  	[tilespmem:$0x1E330] =	vst @!p2 v4  }
0x251: {  	[tilespmem:$0x1E320] =	vst @!p2 v8  }
0x252: {  	s5 =	sld [smem:$0x1];
	p0 =	sne.s32 s20, s3;
	[tilespmem:$0x1E300] =	vst @!p2 v5  }
0x253: {  	s6 =	simm.s32 @!p2 $0x0;
	s9 =	simm.s32 @!p2 $0x1E300;
	[tilespmem:$0x1E310] =	vst @!p2 v3;
	s10 =	simm.s32 @!p2 $0xC  }
0x254: {  	[hbm4b:s7+s6] =	stream.linear.scatter @!p2 [tilespmem:s9], [sflag:$0xC], $0x80, $0x38;
	[tilespmem:$0x1E480] =	vst v63  }
0x255: {  	p1 =	por !p1, !p0;
	_ =	swait.ge @!p2 [sflag:s10], $0x80  }
0x256: {  	p1 =	por !p1, !p1;
	[sflag:s10] =	ssyncset.done @!p2 $0x0  }
0x257: {  	s9 =	simm.s32 @!p2 $0x1E380;
	s11 =	sshra.s32 @p1 s5, $0x1F;
	[sflag:s10] =	ssyncadd.s32 @!p2 $0xFFFFFF80  }
0x258: {  	[hbm4b:s8+s6] =	stream.linear.scatter @!p2 [tilespmem:s9], [sflag:$0xC], $0x80, $0x38;
	[tilespmem:$0x1E480] =	vst v63  }
0x259: {  	s6 =	sshrl.u32 @p1 s11, $0x1D  }
0x25a: {  	s6 =	sadd.s32 @p1 s6, s5  }
0x25b: {  	p3 =	slt.s32 @p1 s5, $0x8;
	_ =	swait.ge @!p2 [sflag:s10], $0x80;
	s6 =	sand.u32 @p1 $0xFFFFFFF8, s6  }
0x25c: {  	p3 =	por p3, !p1;
	[sflag:s10] =	ssyncset.done @!p2 $0x0;
	s6 =	ssub.s32 @p1 s5, s6  }
0x25d: {  	[sflag:s10] =	ssyncadd.s32 @!p2 $0xFFFFFF80;
	s9 =	sadd.s32 @!p3 $0x3, s6  }
0x25e: {  	_ =	swait.ge @!p3 [sflag:s9], $0x80  }
0x25f: {  	s10 =	sshll.u32 @p1 s6, $0x9;
	[sflag:s9] =	ssyncset.done @!p3 $0x0  }
0x260: {  	[sflag:s9] =	ssyncadd.s32 @!p3 $0xFFFFFF80;
	s9 =	sshra.s32 @p1 s10, $0x2  }
0x261: {  	[tilespmem:s9+$0x1DF50] =	vst @p1 v7  }
0x262: {  	[tilespmem:s9+$0x1DF70] =	vst @p1 v9  }
0x263: {  	[tilespmem:s9+$0x1DF60] =	vst @p1 v11  }
0x264: {  	[tilespmem:s9+$0x1DF40] =	vst @p1 v6  }
0x265: {  	[tilespmem:s9+$0x1DF00] =	vst @p1 v5  }
0x266: {  	s3 =	sshll.u32 @p1 s3, $0x4;
	[tilespmem:s9+$0x1DF30] =	vst @p1 v4  }
0x267: {  	s25 =	simm.s32 $0x1;
	s12 =	simm.s32 @p1 $0x0;
	s3 =	sand.u32 @p1 $0x1FFFFFF0, s3;
	[tilespmem:s9+$0x1DF10] =	vst @p1 v3  }
0x268: {  	s3 =	sadd.s32 @p1 s2, s3;
	s6 =	sadd.s32 @p1 $0x3, s6;
	s11 =	sadd.s32 @p1 $0x1DF00, s9;
	[tilespmem:s9+$0x1DF20] =	vst @p1 v8  }
0x269: {  	[hbm4b:s3+s12] =	stream.linear.scatter @p1 [tilespmem:s11], [sflag:s6], $0x80, $0x38;
	[tilespmem:$0x1E480] =	vst v63  }
0x26a: {  	v16 =	vld.idx.msk [tilespmem:v10+s25+$0x0 ss:$0x1], $0xffff  }
0x26b: {  	v0 =	vld [tilespmem:s26+$0xFFFFFFC0]  }
0x26c: {  	v12 =	vld [tilespmem:s26+$0xFFFFFFE0]  }
0x26d: {  	s3 =	simm.s32 $0x1;
	v13 =	vld [tilespmem:s26+$0xFFFFFFF0]  }
0x26e: {  	s3 =	simm.s32 @!p1 $0x0;
	v15 =	vld [tilespmem:s26+$0x30]  }
0x26f: {  	s22 =	sadd.s32 $0x80, s26;
	s28 =	simm.s32 $0x8;
	v14 =	vld [tilespmem:s26+$0x0];
	s21 =	sadd.s32 s3, s5  }
0x270: {  	s16 =	smov.u32 s26;
	s24 =	smov.u32 s22;
	v2 =	vld [tilespmem:s26+$0xFFFFFFD0];
	s23 =	smov.u32 s21  }
.LBB2_9:
0x271: {  	s22 =	sadd.s32 $0x80, s22;
	(v2sf) =	vpush v16, $0x0;
	v16 =	vld [tilespmem:s16+$0x20];
	s3 =	smov.u32 s28;
	s28 =	sadd.s32 $0x4, s28  }
0x272: {  	v5 =	vmax.f32 v5, v0;
	v8 =	vmax.f32 v8, v12;
	p1 =	sne.s32 s28, $0x40;
	v17 =	vld [tilespmem:s16+$0x10];
	s16 =	smov.u32 s24;
	s24 =	smov.u32 s22  }
0x273: {  	v5 =	vpsel p0, v0, v5;
	v8 =	vpsel p0, v12, v8;
	v0 =	vmax.f32 v4, v13  }
0x274: {  	v4 =	vpsel p0, v13, v0;
	v9 =	vmax.f32 v9, v15;
	v0 =	vmax.f32 v6, v14  }
0x275: {  	v9 =	vpsel p0, v15, v9;
	v6 =	vpsel p0, v14, v0  }
0x276: {  	v0 =	vmax.f32 v3, v2;
	v11 =	vmax.f32 v11, v16  }
0x277: {  	v3 =	vpsel p0, v2, v0;
	v0 =	vmax.f32 v7, v17;
	v11 =	vpsel p0, v16, v11  }
0x278: {  	v7 =	vpsel p0, v17, v0;
	_ =	sdelay $0x3  }
0x279: {  	s12 =	sshra.s32 s3, $0x2;
	_ =	sdelay $0x3  }
0x27a: {  	p2 =	sne.s32 s20, s30;
	s5 =	spop (v2sf)  }
0x27b: {  	p0 =	seq.s32 @!p2 s5, s20  }
0x27c: {  	p3 =	por p0, p2  }
0x27d: {  	[tilespmem:$0x1E380] =	vst @!p3 v1;
	s3 =	simm.s32 @!p3 $0x0;
	s6 =	simm.s32 @!p3 $0x1E300  }
0x27e: {  	[tilespmem:$0x1E360] =	vst @!p3 v11  }
0x27f: {  	[tilespmem:$0x1E370] =	vst @!p3 v9  }
0x280: {  	[tilespmem:$0x1E350] =	vst @!p3 v7  }
0x281: {  	[tilespmem:$0x1E340] =	vst @!p3 v6  }
0x282: {  	[tilespmem:$0x1E330] =	vst @!p3 v4  }
0x283: {  	[tilespmem:$0x1E320] =	vst @!p3 v8  }
0x284: {  	[tilespmem:$0x1E300] =	vst @!p3 v5  }
0x285: {  	p0 =	sne.s32 s5, s20;
	s9 =	simm.s32 @!p3 $0xC;
	[tilespmem:$0x1E310] =	vst @!p3 v3  }
0x286: {  	[hbm4b:s7+s3] =	stream.linear.scatter @!p3 [tilespmem:s6], [sflag:$0xC], $0x80, $0x38;
	[tilespmem:$0x1E480] =	vst v63  }
0x287: {  	p2 =	por !p2, !p0;
	_ =	swait.ge @!p3 [sflag:s9], $0x80  }
0x288: {  	p2 =	por !p2, !p2;
	s6 =	simm.s32 @!p3 $0x1E380;
	[sflag:s9] =	ssyncset.done @!p3 $0x0  }
0x289: {  	s10 =	sshra.s32 @p2 s21, $0x1F;
	p4 =	slt.s32 @p2 s21, $0x8;
	[sflag:s9] =	ssyncadd.s32 @!p3 $0xFFFFFF80  }
0x28a: {  	[hbm4b:s8+s3] =	stream.linear.scatter @!p3 [tilespmem:s6], [sflag:$0xC], $0x80, $0x38;
	[tilespmem:$0x1E480] =	vst v63  }
0x28b: {  	s6 =	simm.s32 $0x1  }
0x28c: {  	s3 =	sshrl.u32 @p2 s10, $0x1D;
	_ =	swait.ge @!p3 [sflag:s9], $0x80;
	s6 =	simm.s32 @!p2 $0x0  }
0x28d: {  	s3 =	sadd.s32 @p2 s3, s23;
	[sflag:s9] =	ssyncset.done @!p3 $0x0;
	s21 =	sadd.s32 s6, s21  }
0x28e: {  	s3 =	sand.u32 @p2 $0xFFFFFFF8, s3;
	s6 =	sshll.u32 @p2 s20, $0x4;
	[sflag:s9] =	ssyncadd.s32 @!p3 $0xFFFFFF80  }
0x28f: {  	s3 =	ssub.s32 @p2 s23, s3;
	p3 =	por p4, !p2;
	s6 =	sand.u32 @p2 $0x1FFFFFF0, s6  }
0x290: {  	s9 =	sadd.s32 @!p3 $0x3, s3;
	s10 =	sshll.u32 @p2 s3, $0x9;
	s3 =	sadd.s32 @p2 $0x3, s3  }
0x291: {  	s20 =	smov.u32 s5;
	s6 =	sadd.s32 @p2 s2, s6;
	_ =	swait.ge @!p3 [sflag:s9], $0x80  }
0x292: {  	s23 =	smov.u32 s21;
	[sflag:s9] =	ssyncset.done @!p3 $0x0  }
0x293: {  	s5 =	sshra.s32 @p2 s10, $0x2;
	[sflag:s9] =	ssyncadd.s32 @!p3 $0xFFFFFF80  }
0x294: {  	s9 =	sadd.s32 @p2 $0x1DF00, s5;
	[tilespmem:s5+$0x1DF50] =	vst @p2 v7  }
0x295: {  	[tilespmem:s5+$0x1DF70] =	vst @p2 v9  }
0x296: {  	[tilespmem:s5+$0x1DF60] =	vst @p2 v11  }
0x297: {  	[tilespmem:s5+$0x1DF40] =	vst @p2 v6  }
0x298: {  	[tilespmem:s5+$0x1DF00] =	vst @p2 v5  }
0x299: {  	[tilespmem:s5+$0x1DF30] =	vst @p2 v4  }
0x29a: {  	s10 =	simm.s32 @p2 $0x0;
	[tilespmem:s5+$0x1DF10] =	vst @p2 v3  }
0x29b: {  	[tilespmem:s5+$0x1DF20] =	vst @p2 v8  }
0x29c: {  	[hbm4b:s6+s10] =	stream.linear.scatter @p2 [tilespmem:s9], [sflag:s3], $0x80, $0x38;
	[tilespmem:$0x1E480] =	vst v63  }
0x29d: {  	v16 =	vld.idx.msk [tilespmem:v10+s12+$0x0 ss:$0x1], $0xffff  }
0x29e: {  	v0 =	vld [tilespmem:s16+$0xFFFFFFC0]  }
.Ltmp9:
0x29f: {  	v12 =	vld [tilespmem:s16+$0xFFFFFFE0];
	(pc) =	sbr.rel @p1 .LBB2_9-.Ltmp9, $4  }
0x2a0: {  	v13 =	vld [tilespmem:s16+$0xFFFFFFF0]  }
0x2a1: {  	v15 =	vld [tilespmem:s16+$0x30]  }
0x2a2: {  	v14 =	vld [tilespmem:s16+$0x0]  }
0x2a3: {  	v2 =	vld [tilespmem:s16+$0xFFFFFFD0]  }
0x2a4: {  	(v2sf) =	vpush v16, $0x0;
	_ =	sdelay $0xb  }
0x2a5: {  	v10 =	vld [tilespmem:s16+$0x20];
	_ =	sdelay $0x1  }
0x2a6: {  	v16 =	vld [tilespmem:s16+$0x10]  }
0x2a7: {  	p1 =	sne.s32 s20, s30;
	s16 =	spop (v2sf)  }
0x2a8: {  	p2 =	seq.s32 @!p1 s16, s20  }
0x2a9: {  	v11 =	vmax.f32 v11, v10;
	p2 =	por p2, p1  }
0x2aa: {  	v9 =	vmax.f32 v9, v15;
	v10 =	vpsel p0, v10, v11;
	[tilespmem:$0x1E380] =	vst @!p2 v1  }
0x2ab: {  	v9 =	vpsel p0, v15, v9;
	v7 =	vmax.f32 v7, v16;
	[tilespmem:$0x1E360] =	vst @!p2 v10  }
0x2ac: {  	v6 =	vmax.f32 v6, v14;
	v7 =	vpsel p0, v16, v7;
	[tilespmem:$0x1E370] =	vst @!p2 v9  }
0x2ad: {  	v4 =	vmax.f32 v4, v13;
	v6 =	vpsel p0, v14, v6;
	[tilespmem:$0x1E350] =	vst @!p2 v7  }
0x2ae: {  	v8 =	vmax.f32 v8, v12;
	v4 =	vpsel p0, v13, v4;
	[tilespmem:$0x1E340] =	vst @!p2 v6  }
0x2af: {  	v5 =	vmax.f32 v5, v0;
	v8 =	vpsel p0, v12, v8;
	[tilespmem:$0x1E330] =	vst @!p2 v4  }
0x2b0: {  	v0 =	vpsel p0, v0, v5;
	v3 =	vmax.f32 v3, v2;
	[tilespmem:$0x1E320] =	vst @!p2 v8  }
0x2b1: {  	v2 =	vpsel p0, v2, v3;
	p6 =	sne.s32 s16, s20;
	[tilespmem:$0x1E300] =	vst @!p2 v0  }
0x2b2: {  	s3 =	simm.s32 @!p2 $0x0;
	s5 =	simm.s32 @!p2 $0x1E300;
	[tilespmem:$0x1E310] =	vst @!p2 v2;
	s6 =	simm.s32 @!p2 $0xC  }
0x2b3: {  	[hbm4b:s7+s3] =	stream.linear.scatter @!p2 [tilespmem:s5], [sflag:$0xC], $0x80, $0x38;
	[tilespmem:$0x1E480] =	vst v63  }
0x2b4: {  	p1 =	por !p1, !p6;
	_ =	swait.ge @!p2 [sflag:s6], $0x80  }
0x2b5: {  	p1 =	por !p1, !p1;
	[sflag:s6] =	ssyncset.done @!p2 $0x0  }
0x2b6: {  	s5 =	simm.s32 @!p2 $0x1E380;
	s9 =	sshra.s32 @p1 s21, $0x1F;
	[sflag:s6] =	ssyncadd.s32 @!p2 $0xFFFFFF80  }
0x2b7: {  	[hbm4b:s8+s3] =	stream.linear.scatter @!p2 [tilespmem:s5], [sflag:$0xC], $0x80, $0x38;
	[tilespmem:$0x1E480] =	vst v63  }
0x2b8: {  	s3 =	sshrl.u32 @p1 s9, $0x1D  }
0x2b9: {  	s3 =	sadd.s32 @p1 s3, s23  }
0x2ba: {  	p3 =	slt.s32 @p1 s21, $0x8;
	_ =	swait.ge @!p2 [sflag:s6], $0x80;
	s3 =	sand.u32 @p1 $0xFFFFFFF8, s3  }
0x2bb: {  	p3 =	por p3, !p1;
	[sflag:s6] =	ssyncset.done @!p2 $0x0;
	s3 =	ssub.s32 @p1 s23, s3  }
0x2bc: {  	[sflag:s6] =	ssyncadd.s32 @!p2 $0xFFFFFF80;
	s5 =	sadd.s32 @!p3 $0x3, s3  }
0x2bd: {  	_ =	swait.ge @!p3 [sflag:s5], $0x80  }
0x2be: {  	s6 =	sshll.u32 @p1 s3, $0x9;
	[sflag:s5] =	ssyncset.done @!p3 $0x0  }
0x2bf: {  	[sflag:s5] =	ssyncadd.s32 @!p3 $0xFFFFFF80;
	s5 =	sshra.s32 @p1 s6, $0x2  }
0x2c0: {  	[tilespmem:s5+$0x1DF50] =	vst @p1 v7  }
0x2c1: {  	[tilespmem:s5+$0x1DF70] =	vst @p1 v9  }
0x2c2: {  	[tilespmem:s5+$0x1DF60] =	vst @p1 v10  }
0x2c3: {  	[tilespmem:s5+$0x1DF40] =	vst @p1 v6  }
0x2c4: {  	[tilespmem:s5+$0x1DF00] =	vst @p1 v0  }
0x2c5: {  	s6 =	sshll.u32 @p1 s20, $0x4;
	[tilespmem:s5+$0x1DF30] =	vst @p1 v4  }
0x2c6: {  	s10 =	simm.s32 @p1 $0x0;
	s6 =	sand.u32 @p1 $0x1FFFFFF0, s6;
	[tilespmem:s5+$0x1DF10] =	vst @p1 v2  }
0x2c7: {  	s3 =	sadd.s32 @p1 $0x3, s3;
	s9 =	sadd.s32 @p1 $0x1DF00, s5;
	[tilespmem:s5+$0x1DF20] =	vst @p1 v8;
	s6 =	sadd.s32 @p1 s2, s6  }
0x2c8: {  	[hbm4b:s6+s10] =	stream.linear.scatter @p1 [tilespmem:s9], [sflag:s3], $0x80, $0x38;
	[tilespmem:$0x1E480] =	vst v63  }
0x2c9: {  	v3 =	vld [tilespmem:s24+$0xFFFFFFC0]  }
0x2ca: {  	v59 =	vld [tilespmem:s24+$0xFFFFFFD0]  }
0x2cb: {  	v58 =	vld [tilespmem:s24+$0xFFFFFFE0]  }
0x2cc: {  	v60 =	vld [tilespmem:s24+$0xFFFFFFF0]  }
0x2cd: {  	v62 =	vld [tilespmem:s24+$0x0]  }
0x2ce: {  	v63 =	vld [tilespmem:s24+$0x10];
	v0 =	vmax.f32 v0, v3  }
0x2cf: {  	v16 =	vld [tilespmem:s24+$0x20];
	v2 =	vmax.f32 v2, v59;
	v0 =	vpsel p6, v3, v0  }
0x2d0: {  	v61 =	vld [tilespmem:s24+$0x30];
	v3 =	vmax.f32 v8, v58;
	v2 =	vpsel p6, v59, v2;
	[tilespmem:$0x1E400] =	vst v0  }
0x2d1: {  	v0 =	vpsel p6, v58, v3;
	v3 =	vmax.f32 v4, v60;
	[tilespmem:$0x1E410] =	vst v2  }
.Ltmp10:
0x2d2: {  	v2 =	vpsel p6, v60, v3;
	v3 =	vmax.f32 v6, v62;
	[tilespmem:$0x1E420] =	vst v0;
	(pc) =	sbr.rel .LBB2_11-.Ltmp10, $4  }
0x2d3: {  	s3 =	simm.s32 $0x1;
	v0 =	vpsel p6, v62, v3;
	v3 =	vmax.f32 v7, v63;
	[tilespmem:$0x1E430] =	vst v2  }
0x2d4: {  	s3 =	simm.s32 @!p1 $0x0;
	v2 =	vmax.f32 v10, v16;
	v3 =	vpsel p6, v63, v3;
	[tilespmem:$0x1E440] =	vst v0  }
0x2d5: {  	[smem:$0x0] =	sst s16;
	s3 =	sadd.s32 s3, s21;
	v0 =	vmax.f32 v9, v61;
	v2 =	vpsel p6, v16, v2;
	[tilespmem:$0x1E450] =	vst v3  }
0x2d6: {  	[smem:$0x1] =	sst s3;
	v0 =	vpsel p6, v61, v0;
	[tilespmem:$0x1E460] =	vst v2  }
.LBB2_12:
0x2d7: {  	s3 =	sld [smem:$0x0]  }
0x2d8: {  	v2 =	vld [tilespmem:$0x1E400]  }
0x2d9: {  	v3 =	vld [tilespmem:$0x1E410]  }
0x2da: {  	v4 =	vld [tilespmem:$0x1E420];
	p0 =	sne.s32 s3, s30  }
0x2db: {  	v5 =	vld [tilespmem:$0x1E430];
	[tilespmem:$0x1E370] =	vst @!p0 v0  }
0x2dc: {  	v6 =	vld [tilespmem:$0x1E440];
	[tilespmem:$0x1E380] =	vst @!p0 v1  }
0x2dd: {  	v7 =	vld [tilespmem:$0x1E450];
	[tilespmem:$0x1E300] =	vst @!p0 v2  }
0x2de: {  	v8 =	vld [tilespmem:$0x1E460];
	[tilespmem:$0x1E310] =	vst @!p0 v3  }
0x2df: {  	[tilespmem:$0x1E320] =	vst @!p0 v4  }
0x2e0: {  	[tilespmem:$0x1E330] =	vst @!p0 v5  }
0x2e1: {  	[tilespmem:$0x1E340] =	vst @!p0 v6  }
0x2e2: {  	[tilespmem:$0x1E350] =	vst @!p0 v7  }
0x2e3: {  	s4 =	simm.s32 @!p0 $0x0;
	s0 =	simm.s32 @!p0 $0x1E300;
	s5 =	simm.s32 @!p0 $0xC;
	[tilespmem:$0x1E360] =	vst @!p0 v8  }
0x2e4: {  	[hbm4b:s7+s4] =	stream.linear.scatter @!p0 [tilespmem:s0], [sflag:$0xC], $0x80, $0x38;
	[tilespmem:$0x1E480] =	vst v63  }
0x2e5: {  	s0 =	sld [smem:$0x1];
	_ =	swait.ge @!p0 [sflag:s5], $0x80  }
0x2e6: {  	[sflag:s5] =	ssyncset.done @!p0 $0x0  }
0x2e7: {  	s6 =	simm.s32 @!p0 $0x1E380;
	[sflag:s5] =	ssyncadd.s32 @!p0 $0xFFFFFF80  }
0x2e8: {  	[hbm4b:s8+s4] =	stream.linear.scatter @!p0 [tilespmem:s6], [sflag:$0xC], $0x80, $0x38;
	[tilespmem:$0x1E480] =	vst v63  }
0x2e9: {  	_ =	swait.ge @!p0 [sflag:s5], $0x80  }
0x2ea: {  	[sflag:s5] =	ssyncset.done @!p0 $0x0  }
0x2eb: {  	[sflag:s5] =	ssyncadd.s32 @!p0 $0xFFFFFF80  }
0x2ec: {  	[tilespmem:$0x1E300] =	vst v2  }
0x2ed: {  	[tilespmem:$0x1E310] =	vst v3  }
0x2ee: {  	[tilespmem:$0x1E320] =	vst v4  }
0x2ef: {  	[tilespmem:$0x1E330] =	vst v5  }
0x2f0: {  	[tilespmem:$0x1E340] =	vst v6  }
0x2f1: {  	[tilespmem:$0x1E350] =	vst v7  }
0x2f2: {  	[tilespmem:$0x1E360] =	vst v8  }
0x2f3: {  	s11 =	simm.s32 $0x0;
	v63 =	vmov s3;
	[tilespmem:$0x1E370] =	vst v0  }
0x2f4: {  	s26 =	simm.s32 $0x1E300;
	s28 =	simm.s32 $0xC;
	s25 =	rddreg [dreg:$0x8];
	[tilespmem:$0x1E380] =	vst v63  }
0x2f5: {  	[hbm4b:s25+s11] =	stream.linear.scatter [tilespmem:s26], [sflag:$0xC], $0x80, $0x38;
	[tilespmem:$0x1E480] =	vst v63  }
0x2f6: {  	_ =	swait.ge [sflag:s28], $0x80  }
0x2f7: {  	[sflag:s28] =	ssyncset.done $0x0  }
0x2f8: {  	s31 =	simm.s32 $0x1E380;
	s30 =	rddreg [dreg:$0x9];
	[sflag:s28] =	ssyncadd.s32 $0xFFFFFF80  }
0x2f9: {  	[hbm4b:s30+s11] =	stream.linear.scatter [tilespmem:s31], [sflag:$0xC], $0x80, $0x38;
	[tilespmem:$0x1E480] =	vst v63  }
0x2fa: {  	_ =	swait.ge [sflag:s28], $0x80  }
0x2fb: {  	p0 =	slt.s32 s0, $0x1;
	[sflag:s28] =	ssyncset.done $0x0  }
0x2fc: {  	s3 =	simm.s32 @!p0 $0x3;
	[sflag:s28] =	ssyncadd.s32 $0xFFFFFF80  }
0x2fd: {  	p1 =	seq.s32 @!p0 s0, $0x1;
	_ =	swait.ge @!p0 [sflag:s3], $0x80  }
0x2fe: {  	p1 =	por p0, p1;
	[sflag:s3] =	ssyncset.done @!p0 $0x0  }
0x2ff: {  	[sflag:s3] =	ssyncadd.s32 @!p0 $0xFFFFFF80;
	p0 =	slt.u32 @!p1 s0, $0x3  }
0x300: {  	p0 =	por p1, p0  }
.Ltmp11:
0x301: {  	_ = 	snop;
	(pc) =	sbr.rel @p0 .LBB2_14-.Ltmp11, $4  }
0x302: {  	s3 =	simm.s32 @!p1 $0x4  }
0x303: {  	_ =	swait.ge @!p1 [sflag:s3], $0x80  }
0x304: {  	[sflag:s3] =	ssyncset.done @!p1 $0x0  }
0x305: {  	[sflag:s3] =	ssyncadd.s32 @!p1 $0xFFFFFF80  }
0x306: {  	p0 =	seq.s32 s0, $0x3  }
0x307: {  	p1 =	slt.u32 @!p0 s0, $0x5  }
0x308: {  	s3 =	simm.s32 $0x5;
	p2 =	por p1, p0  }
0x309: {  	_ =	swait.ge [sflag:s3], $0x80;
	p3 =	seq.s32 @!p2 s0, $0x5  }
0x30a: {  	[sflag:s3] =	ssyncset.done $0x0;
	s4 =	simm.s32 @!p3 $0x0;
	p4 =	por @!p0 p3, p1  }
0x30b: {  	[sflag:s3] =	ssyncadd.s32 $0xFFFFFF80;
	s4 =	simm.s32 @p3 $0x1;
	p4 =	por p4, p0  }
0x30c: {  	s3 =	simm.s32 @!p0 $0x6;
	[smem:$0x7F0] =	sst s4;
	p5 =	slt.u32 @!p4 s0, $0x7  }
0x30d: {  	_ =	swait.ge @!p0 [sflag:s3], $0x80;
	s4 =	simm.s32 @!p5 $0x0  }
0x30e: {  	[sflag:s3] =	ssyncset.done @!p0 $0x0;
	s4 =	simm.s32 @p5 $0x1  }
0x30f: {  	[sflag:s3] =	ssyncadd.s32 @!p0 $0xFFFFFF80;
	s3 =	simm.s32 @!p2 $0x7;
	[smem:$0x7EF] =	sst s4  }
0x310: {  	_ =	swait.ge @!p2 [sflag:s3], $0x80  }
0x311: {  	[sflag:s3] =	ssyncset.done @!p2 $0x0  }
0x312: {  	[sflag:s3] =	ssyncadd.s32 @!p2 $0xFFFFFF80;
	s3 =	simm.s32 @!p4 $0x8  }
0x313: {  	_ =	swait.ge @!p4 [sflag:s3], $0x80  }
0x314: {  	p6 =	por @!p2 p5, p3;
	s30 =	sld [smem:$0x7EF]  }
0x315: {  	p6 =	por @!p0 p6, p1;
	s31 =	sld [smem:$0x7F0]  }
0x316: {  	p6 =	por p6, p0  }
0x317: {  	p5 =	seq.s32 @!p6 s0, $0x7;
	p3 =	seq.s32 s30, $0x1  }
0x318: {  	[sflag:s3] =	ssyncset.done @!p4 $0x0;
	p5 =	por @!p4 p5, p3;
	p3 =	seq.s32 s31, $0x1  }
0x319: {  	s0 =	simm.s32 @!p6 $0x9;
	[sflag:s3] =	ssyncadd.s32 @!p4 $0xFFFFFF80;
	p2 =	por @!p2 p5, p3  }
0x31a: {  	_ =	swait.ge @!p6 [sflag:s0], $0x80;
	p1 =	por @!p0 p2, p1  }
.Ltmp12:
0x31b: {  	[sflag:s0] =	ssyncset.done @!p6 $0x0;
	p0 =	por p1, p0;
	(pc) =	sbr.rel .LBB2_14-.Ltmp12, $4  }
0x31c: {  	[sflag:s0] =	ssyncadd.s32 @!p6 $0xFFFFFF80;
	s0 =	simm.s32 @!p0 $0xA  }
0x31d: {  	_ =	swait.ge @!p0 [sflag:s0], $0x80  }
0x31e: {  	[sflag:s0] =	ssyncset.done @!p0 $0x0  }
0x31f: {  	[sflag:s0] =	ssyncadd.s32 @!p0 $0xFFFFFF80  }
.LBB2_15:
0x320: {  	_ =	sfence.sel $0x180000  }
0x321: {  	[bflag:$0x0] =	sbarrier.arrive $0xFFFF  }
0x322: {  	_ =	strace $0x90000047  }
0x323: {  	s0 =	stileid.u32;
	[bflag:$0x2] =	sbarrier.arrive $0xFFFF  }
0x324: {  	p0 =	sne.s32 s0, $0x0;
	s0 =	rddreg [dreg:$0x5]  }
0x325: {  	s0 =	sadd.s32 @!p0 $0x100000, s0  }
0x326: {  	[sflag:s0] =	ssyncadd.tile.s32 @!p0 $0x1;
	_ =	shalt  }
.Lfunc_end2:
_tile_overlayer_lowered:
.L_overlay_start_2:
0x327: {  	(tag) =	ssettag $0x2  }
0x328: {  	s0 =	rddreg [dreg:$0x0];
	s2 =	stileid.u32  }
0x329: {  	s1 =	rddreg [dreg:$0x1];
	p0 =	sne.s32 s2, $0x0  }
0x32a: {  	s3 =	rddreg [dreg:$0x2];
	[bflag:$0x3] =	sbarrier.arrive $0xFFFF;
	s2 =	simm.s32 @!p0 $0x1C0C  }
0x32b: {  	[timem:s3], [sflag:s2] =	dma.local @!p0 [hbm:s0], s1  }
0x32c: {  	s0 =	simm.s32 @!p0 $0xC  }
0x32d: {  	_ =	swait.ge @!p0 [sflag:s0], s1  }
0x32e: {  	s1 =	ssub.s32 @!p0 $0x0, s1;
	[sflag:s0] =	ssyncset.done @!p0 $0x0  }
0x32f: {  	[sflag:s0] =	ssyncadd.s32 @!p0 s1  }
0x330: {  	[bflag:$0x3] =	sbarrier.arrive $0xFFFF  }
0x331: {  	_ =	shalt  }

</sc_bundles>
